<compile_context>
chip_gen: v7x
topology: tpu7x:2x2x1
jax: 0.10.2.dev20260603
libtpu: 0.0.44.dev20260713+nightly
codegen_flags: <defaults>
</compile_context>

<pallas_src>
import functools

import jax
import jax.numpy as jnp
from jax import lax
from jax.experimental import pallas as pl
from jax.experimental.pallas import tpu as pltpu
from jax.experimental.pallas import tpu_sc as plsc

_N = 10000
_NPAD = 10240
_E = 320000
_EPW = 79 * 128
_EPAD = 32 * _EPW
_AGGPAD = _NPAD + 128

def _sortable(f):
    f = jnp.where(f == 0.0, 0.0, f)
    b = lax.bitcast_convert_type(f, jnp.int32)
    return jnp.where(b >= 0, b, (~b) ^ (-2147483648))


_JBLK = 2048


def _rank_body(kcol_ref, krow_ref, rank_ref):
    j = pl.program_id(0)
    sj = _sortable(-kcol_ref[...])
    sjb = jnp.broadcast_to(sj, (_JBLK, 128))
    jg = j * _JBLK + lax.broadcasted_iota(jnp.int32, (_JBLK, 1), 0)
    ones = jnp.ones((128, 1), jnp.float32)
    nss = _NPAD // _JBLK
    tpb = _JBLK // 128

    def super_le(ss, acc):
        part = jnp.zeros((_JBLK, 128), jnp.float32)
        for t in range(tpb):
            sk = _sortable(-krow_ref[ss * tpb + t])
            part = part + jnp.where(sk <= sjb, 1.0, 0.0)
        return acc + jnp.dot(part, ones, preferred_element_type=jnp.float32)

    def super_lt(ss, acc):
        part = jnp.zeros((_JBLK, 128), jnp.float32)
        for t in range(tpb):
            sk = _sortable(-krow_ref[ss * tpb + t])
            part = part + jnp.where(sk < sjb, 1.0, 0.0)
        return acc + jnp.dot(part, ones, preferred_element_type=jnp.float32)

    def super_diag(ss, acc):
        part = jnp.zeros((_JBLK, 128), jnp.float32)
        for t in range(tpb):
            kt = ss * tpb + t
            sk = _sortable(-krow_ref[kt])
            kg = kt * 128 + lax.broadcasted_iota(jnp.int32, (1, 128), 1)
            cond = (sk < sjb) | ((sk == sjb) & (kg < jg))
            part = part + jnp.where(cond, 1.0, 0.0)
        return acc + jnp.dot(part, ones, preferred_element_type=jnp.float32)

    acc = jnp.zeros((_JBLK, 1), jnp.float32)
    acc = lax.fori_loop(0, j, super_le, acc)
    acc = super_diag(j, acc)
    acc = lax.fori_loop(j + 1, nss, super_lt, acc)
    rank_ref[...] = acc.astype(jnp.int32)


def _rank_call(keys_col, keys_row):
    return pl.pallas_call(
        _rank_body,
        grid=(_NPAD // _JBLK,),
        in_specs=[
            pl.BlockSpec((_JBLK, 1), lambda j: (j, 0)),
            pl.BlockSpec((_NPAD // 128, 1, 128), lambda j: (0, 0, 0)),
        ],
        out_specs=pl.BlockSpec((_JBLK, 1), lambda j: (j, 0)),
        out_shape=jax.ShapeDtypeStruct((_NPAD, 1), jnp.int32),
    )(keys_col, keys_row)


@functools.cache
def _sc_scatter_fn():
    mesh = plsc.VectorSubcoreMesh(core_axis_name="c", subcore_axis_name="s")

    @functools.partial(
        pl.kernel,
        out_type=(
            jax.ShapeDtypeStruct((_NPAD,), jnp.float32),
            jax.ShapeDtypeStruct((2, _AGGPAD), jnp.float32),
            jax.ShapeDtypeStruct((2, _AGGPAD), jnp.float32),
        ),
        mesh=mesh,
        scratch_types=[
            pltpu.VMEM((5, 128), jnp.int32),
            pltpu.VMEM((5, 128), jnp.float32),
            pltpu.VMEM((79, 128), jnp.int32),
            pltpu.VMEM((79, 128), jnp.int32),
            pltpu.VMEM((79, 128), jnp.float32),
            pltpu.VMEM((128,), jnp.float32),
            pltpu.VMEM_SHARED((_NPAD,), jnp.float32),
            pltpu.VMEM_SHARED((_AGGPAD,), jnp.float32),
            pltpu.VMEM_SHARED((_AGGPAD,), jnp.float32),
            pltpu.SemaphoreType.DMA,
        ],
    )
    def _sc_scatter(rank_in, x0_in, src_in, dst_in, zeros_in,
                    h_out, agg_out, cnt_out,
                    rank_v, x0_v, src_v, dst_v, hv_v, ones_v,
                    h_sh, agg_sh, cnt_sh, sem):
        _sc_body(rank_in, x0_in, src_in, dst_in, zeros_in,
                 h_out, agg_out, cnt_out,
                 rank_v, x0_v, src_v, dst_v, hv_v, ones_v,
                 h_sh, agg_sh, cnt_sh, sem)

    return _sc_scatter


def _sc_body(rank_in, x0_in, src_in, dst_in, zeros_in,
             h_out, agg_out, cnt_out,
             rank_v, x0_v, src_v, dst_v, hv_v, ones_v,
             h_sh, agg_sh, cnt_sh, sem):
    c = lax.axis_index("c")
    s = lax.axis_index("s")
    wid = c * 16 + s

    edge_in_a = pltpu.async_copy(src_in.at[wid], src_v, sem)
    edge_in_b = pltpu.async_copy(dst_in.at[wid], dst_v, sem)

    pltpu.sync_copy(rank_in.at[s], rank_v)
    pltpu.sync_copy(x0_in.at[s], x0_v)
    for r in range(5):
        pltpu.async_copy(x0_v.at[r], h_sh.at[rank_v.at[r]], sem)

    @pl.when(s == 0)
    def _zero():
        pltpu.sync_copy(zeros_in, agg_sh)
        pltpu.sync_copy(zeros_in, cnt_sh)

    for i in range(8):
        ones_v[pl.ds(i * 16, 16)] = jnp.full((16,), 1.0, jnp.float32)

    for r in range(5):
        pltpu.make_async_copy(x0_v.at[r], h_sh.at[rank_v.at[r]], sem).wait()
    edge_in_a.wait()
    edge_in_b.wait()

    plsc.subcore_barrier()

    def gfire(r, carry):
        pltpu.async_copy(h_sh.at[src_v.at[r]], hv_v.at[r], sem)
        pltpu.async_copy(ones_v, cnt_sh.at[dst_v.at[r]], sem, add=True)
        return carry

    lax.fori_loop(0, 79, gfire, 0)

    def gdrain(r, carry):
        pltpu.make_async_copy(h_sh.at[src_v.at[r]], hv_v.at[r], sem).wait()
        pltpu.make_async_copy(ones_v, cnt_sh.at[dst_v.at[r]], sem).wait()
        return carry

    lax.fori_loop(0, 79, gdrain, 0)

    def sfire(r, carry):
        pltpu.async_copy(hv_v.at[r], agg_sh.at[dst_v.at[r]], sem, add=True)
        return carry

    lax.fori_loop(0, 79, sfire, 0)

    def sdrain(r, carry):
        pltpu.make_async_copy(hv_v.at[r], agg_sh.at[dst_v.at[r]], sem).wait()
        return carry

    lax.fori_loop(0, 79, sdrain, 0)

    plsc.subcore_barrier()

    @pl.when(s == 0)
    def _emit():
        pltpu.sync_copy(agg_sh, agg_out.at[c])
        pltpu.sync_copy(cnt_sh, cnt_out.at[c])

    @pl.when((s == 0) & (c == 0))
    def _emit_h():
        pltpu.sync_copy(h_sh, h_out)


def _dense_body(h_ref, agg_ref, cnt_ref, wlt_ref, blt_ref, wrt_ref,
                wfc1t_ref, bfc1t_ref, wfc2t_ref, bfc2t_ref, o_ref):
    h = h_ref[...]
    agg = agg_ref[0:1, :_NPAD] + agg_ref[1:2, :_NPAD]
    cnt = cnt_ref[0:1, :_NPAD] + cnt_ref[1:2, :_NPAD]
    m = agg / jnp.maximum(cnt, 1.0)
    wl = wlt_ref[...]
    bl = blt_ref[...]
    wr = wrt_ref[...]
    u = jnp.dot(wfc1t_ref[...], wl, preferred_element_type=jnp.float32)
    v = jnp.dot(wfc1t_ref[...], wr, preferred_element_type=jnp.float32)
    w = jnp.dot(wfc1t_ref[...], bl, preferred_element_type=jnp.float32)
    qll = jnp.sum(wl * wl)
    qlr = jnp.sum(wl * wr)
    qrr = jnp.sum(wr * wr)
    qlb = jnp.sum(wl * bl)
    qrb = jnp.sum(wr * bl)
    qbb = jnp.sum(bl * bl)
    n2 = (qll * m * m + qrr * h * h + qbb
          + 2.0 * (qlr * m * h + qlb * m + qrb * h))
    nrm = jnp.maximum(jnp.sqrt(jnp.maximum(n2, 0.0)), 1e-12)
    z = (u * m + v * h + w) / nrm + bfc1t_ref[...]
    z = jnp.maximum(z, 0.0)
    y = jnp.dot(wfc2t_ref[...], z, preferred_element_type=jnp.float32)
    y = (y + bfc2t_ref[...])[:, :_N]
    mx = jnp.max(y, axis=1, keepdims=True)
    lse = mx + jnp.log(jnp.sum(jnp.exp(y - mx), axis=1, keepdims=True))
    o_ref[...] = y - lse


def _dense_call(h_row, agg, cnt, W_l, b_l, W_r, W_fc1, b_fc1, W_fc2, b_fc2):
    return pl.pallas_call(
        _dense_body,
        out_shape=jax.ShapeDtypeStruct((6, _N), jnp.float32),
    )(h_row, agg, cnt,
      W_l.reshape(-1, 1), b_l.reshape(-1, 1), W_r.reshape(-1, 1),
      W_fc1.T, b_fc1.reshape(-1, 1), W_fc2.T, b_fc2.reshape(-1, 1))


def kernel(x, edge_index, batch, W_l, b_l, W_r, W_fc1, b_fc1, W_fc2, b_fc2):
    npad = _NPAD - _N
    key = x[:, x.shape[1] - 1]
    kp = jnp.concatenate([key, jnp.full((npad,), -jnp.inf, jnp.float32)])
    rank = _rank_call(kp[:, None], kp.reshape(_NPAD // 128, 1, 128))

    x0p = jnp.concatenate([x[:, 0], jnp.zeros((npad,), jnp.float32)])
    srcp = jnp.concatenate(
        [edge_index[0], jnp.zeros((_EPAD - _E,), jnp.int32)])
    dead = _NPAD + (jnp.arange(_EPAD - _E, dtype=jnp.int32) % 128)
    dstp = jnp.concatenate([edge_index[1], dead])

    h_srt, agg, cnt = _sc_scatter_fn()(
        rank.reshape(16, 5, 128),
        x0p.reshape(16, 5, 128),
        srcp.reshape(32, 79, 128),
        dstp.reshape(32, 79, 128),
        jnp.zeros((_AGGPAD,), jnp.float32),
    )

    out_t = _dense_call(h_srt[None, :], agg, cnt, W_l, b_l, W_r,
                        W_fc1, b_fc1, W_fc2, b_fc2)
    return out_t.T

# --- scband reference (transcript-rebuilt; emitter-appended) ---
"""Pipeline reference for scband-sage01-sort01-88699664597117 (READ-ONLY COPY).

The authoritative reference and input builder live on the scoring server;
editing this copy changes nothing except your own understanding.
"""

import jax, jax.numpy as jnp
import numpy as np

N = 10000
E = 320000
F = 128
K1 = 10000
D1 = 50
D2 = 20
NUM_CLASSES = 6


def global_sort_pool(x, batch, k):
    # single-graph variant (batch is all zeros): sort nodes by last feature
    # channel in descending order, keep top-k nodes (zero-pad if fewer), flatten.
    order = jnp.argsort(-x[:, -1])
    x_sorted = jnp.take(x, order, axis=0)
    n = x_sorted.shape[0]
    if n >= k:
        x_top = x_sorted[:k]
    else:
        x_top = jnp.concatenate([x_sorted, jnp.zeros((k - n, x.shape[1]), x.dtype)], axis=0)
    return x_top.reshape(1, -1)


def sage_conv(x, edge_index, W_l, b_l, W_r):
    # PyG SAGEConv, aggr='mean', normalize=True; lin_l has bias, lin_r has none.
    src = edge_index[0]
    dst = edge_index[1]
    n = x.shape[0]
    msgs = jnp.take(x, src, axis=0)
    agg = jax.ops.segment_sum(msgs, dst, num_segments=n)
    cnt = jax.ops.segment_sum(jnp.ones((src.shape[0], 1), x.dtype), dst, num_segments=n)
    mean = agg / jnp.clip(cnt, 1.0, None)
    out = mean @ W_l + b_l + x @ W_r
    norm = jnp.clip(jnp.linalg.norm(out, ord=2, axis=-1, keepdims=True), 1e-12, None)
    return out / norm


def setup_inputs(seed: int = 0):
    key = jax.random.key(seed)
    ks = jax.random.split(key, 8)
    x = jax.random.normal(ks[0], (N, F), dtype=jnp.float32)
    edge_index = jax.random.randint(ks[1], (2, E), 0, N, dtype=jnp.int32)
    batch = jnp.zeros((N,), dtype=jnp.int32)
    W_l = jax.random.normal(ks[2], (1, D1), dtype=jnp.float32) * 0.1
    b_l = jnp.zeros((D1,), dtype=jnp.float32)
    W_r = jax.random.normal(ks[3], (1, D1), dtype=jnp.float32) * 0.1
    W_fc1 = jax.random.normal(ks[4], (D1, D2), dtype=jnp.float32) * (1.0 / np.sqrt(D1))
    b_fc1 = jnp.zeros((D2,), dtype=jnp.float32)
    W_fc2 = jax.random.normal(ks[5], (D2, NUM_CLASSES), dtype=jnp.float32) * (1.0 / np.sqrt(D2))
    b_fc2 = jnp.zeros((NUM_CLASSES,), dtype=jnp.float32)
    return {"x": x, "edge_index": edge_index, "batch": batch, "W_l": W_l, "b_l": b_l, "W_r": W_r, "W_fc1": W_fc1, "b_fc1": b_fc1, "W_fc2": W_fc2, "b_fc2": b_fc2}


def reference(x, edge_index, batch, W_l, b_l, W_r, W_fc1, b_fc1, W_fc2, b_fc2):
    h = global_sort_pool(x, batch, K1)          # [1, K1*F]
    h = h.reshape(K1, -1)                        # [K1, F]
    h = h[:, 0]                                  # [K1]  (column slice as in torch code)
    h = h[:, None]                               # nodes with scalar features (d0=1)
    h = sage_conv(h, edge_index, W_l, b_l, W_r)  # [K1, D1]
    h = h @ W_fc1 + b_fc1
    h = jax.nn.relu(h)
    h = h @ W_fc2 + b_fc2
    return jax.nn.log_softmax(h, axis=0)

if __name__ == "__main__":
    import jax
    _d = setup_inputs()
    print(jax.jit(kernel)(*tuple(_d.values())))

</pallas_src>

<mosaic_0001>
#map = affine_map<(d0, d1) -> (0, 0, 0)>
#map1 = affine_map<(d0, d1) -> (0)>
#map2 = affine_map<(d0, d1) -> (0, 0)>
module attributes {stable_mosaic.version = 14 : i64} {
  func.func @_sc_scatter(%arg0: i32, %arg1: i32, %arg2: memref<16x5x128xi32, #tpu.memory_space<hbm>>, %arg3: memref<16x5x128xf32, #tpu.memory_space<hbm>>, %arg4: memref<32x79x128xi32, #tpu.memory_space<hbm>>, %arg5: memref<32x79x128xi32, #tpu.memory_space<hbm>>, %arg6: memref<10368xf32, #tpu.memory_space<hbm>>, %arg7: memref<10240xf32, #tpu.memory_space<hbm>>, %arg8: memref<2x10368xf32, #tpu.memory_space<hbm>>, %arg9: memref<2x10368xf32, #tpu.memory_space<hbm>>, %arg10: memref<5x128xi32, #tpu.memory_space<vmem>>, %arg11: memref<5x128xf32, #tpu.memory_space<vmem>>, %arg12: memref<79x128xi32, #tpu.memory_space<vmem>>, %arg13: memref<79x128xi32, #tpu.memory_space<vmem>>, %arg14: memref<79x128xf32, #tpu.memory_space<vmem>>, %arg15: memref<128xf32, #tpu.memory_space<vmem>>, %arg16: memref<10240xf32, #tpu.memory_space<vmem_shared>>, %arg17: memref<10368xf32, #tpu.memory_space<vmem_shared>>, %arg18: memref<10368xf32, #tpu.memory_space<vmem_shared>>, %arg19: memref<!tpu.dma_semaphore, #tpu.memory_space<semaphore_mem>>) attributes {dimension_semantics = [#tpu.dimension_semantics<core_parallel>, #tpu.dimension_semantics<subcore_parallel>], iteration_bounds = array<i64: 2, 16>, scalar_prefetch = 0 : i64, scratch_operands = 10 : i64, tpu.core_type = #tpu.core_type<sc_vector_subcore>, window_params = [{transform_indices = #map}, {transform_indices = #map}, {transform_indices = #map}, {transform_indices = #map}, {transform_indices = #map1}, {transform_indices = #map1}, {transform_indices = #map2}, {transform_indices = #map2}]} {
    %mul3A = arith.constant 16 : i32
    %mul3A_0 = arith.muli %arg0, %mul3A : i32
    %add3A = arith.addi %mul3A_0, %arg1 : i32
    %dma_start3A = arith.constant 0 : i32
    %dma_start3A_1 = arith.constant 0 : i32
    %dma_start3A_2 = tpu.memref_slice %arg4[%add3A, %dma_start3A, %dma_start3A_1] : memref<32x79x128xi32, #tpu.memory_space<hbm>> -> memref<1x79x128xi32, #tpu.memory_space<hbm>>
    %dma_start3A_3 = tpu.memref_squeeze %dma_start3A_2 : memref<1x79x128xi32, #tpu.memory_space<hbm>> -> memref<79x128xi32, #tpu.memory_space<hbm>>
    %dma_start3A_4 = arith.constant 0 : i32
    %dma_start3A_5 = arith.constant 0 : i32
    %dma_start3A_6 = tpu.memref_slice %arg4[%add3A, %dma_start3A_4, %dma_start3A_5] : memref<32x79x128xi32, #tpu.memory_space<hbm>> -> memref<1x79x128xi32, #tpu.memory_space<hbm>>
    %dma_start3A_7 = tpu.memref_squeeze %dma_start3A_6 : memref<1x79x128xi32, #tpu.memory_space<hbm>> -> memref<79x128xi32, #tpu.memory_space<hbm>>
    tpu.enqueue_dma source(%dma_start3A_7 : memref<79x128xi32, #tpu.memory_space<hbm>>) target(%arg12 : memref<79x128xi32, #tpu.memory_space<vmem>>) target_semaphore(%arg19 : memref<!tpu.dma_semaphore, #tpu.memory_space<semaphore_mem>>)
    %dma_start3A_8 = arith.constant 0 : i32
    %dma_start3A_9 = arith.constant 0 : i32
    %dma_start3A_10 = tpu.memref_slice %arg5[%add3A, %dma_start3A_8, %dma_start3A_9] : memref<32x79x128xi32, #tpu.memory_space<hbm>> -> memref<1x79x128xi32, #tpu.memory_space<hbm>>
    %dma_start3A_11 = tpu.memref_squeeze %dma_start3A_10 : memref<1x79x128xi32, #tpu.memory_space<hbm>> -> memref<79x128xi32, #tpu.memory_space<hbm>>
    %dma_start3A_12 = arith.constant 0 : i32
    %dma_start3A_13 = arith.constant 0 : i32
    %dma_start3A_14 = tpu.memref_slice %arg5[%add3A, %dma_start3A_12, %dma_start3A_13] : memref<32x79x128xi32, #tpu.memory_space<hbm>> -> memref<1x79x128xi32, #tpu.memory_space<hbm>>
    %dma_start3A_15 = tpu.memref_squeeze %dma_start3A_14 : memref<1x79x128xi32, #tpu.memory_space<hbm>> -> memref<79x128xi32, #tpu.memory_space<hbm>>
    tpu.enqueue_dma source(%dma_start3A_15 : memref<79x128xi32, #tpu.memory_space<hbm>>) target(%arg13 : memref<79x128xi32, #tpu.memory_space<vmem>>) target_semaphore(%arg19 : memref<!tpu.dma_semaphore, #tpu.memory_space<semaphore_mem>>)
    "tpu.region"() ({
      %run_scoped3A = tpu.sem_alloc : memref<!tpu.dma_semaphore, #tpu.memory_space<semaphore_mem>>
      %dma_start3A_215 = arith.constant 0 : i32
      %dma_start3A_216 = arith.constant 0 : i32
      %dma_start3A_217 = tpu.memref_slice %arg2[%arg1, %dma_start3A_215, %dma_start3A_216] : memref<16x5x128xi32, #tpu.memory_space<hbm>> -> memref<1x5x128xi32, #tpu.memory_space<hbm>>
      %dma_start3A_218 = tpu.memref_squeeze %dma_start3A_217 : memref<1x5x128xi32, #tpu.memory_space<hbm>> -> memref<5x128xi32, #tpu.memory_space<hbm>>
      %dma_start3A_219 = arith.constant 0 : i32
      %dma_start3A_220 = arith.constant 0 : i32
      %dma_start3A_221 = tpu.memref_slice %arg2[%arg1, %dma_start3A_219, %dma_start3A_220] : memref<16x5x128xi32, #tpu.memory_space<hbm>> -> memref<1x5x128xi32, #tpu.memory_space<hbm>>
      %dma_start3A_222 = tpu.memref_squeeze %dma_start3A_221 : memref<1x5x128xi32, #tpu.memory_space<hbm>> -> memref<5x128xi32, #tpu.memory_space<hbm>>
      tpu.enqueue_dma source(%dma_start3A_222 : memref<5x128xi32, #tpu.memory_space<hbm>>) target(%arg10 : memref<5x128xi32, #tpu.memory_space<vmem>>) target_semaphore(%run_scoped3A : memref<!tpu.dma_semaphore, #tpu.memory_space<semaphore_mem>>)
      %dma_wait3A_223 = arith.constant 0 : i32
      %dma_wait3A_224 = arith.constant 0 : i32
      %dma_wait3A_225 = tpu.memref_slice %arg2[%arg1, %dma_wait3A_223, %dma_wait3A_224] : memref<16x5x128xi32, #tpu.memory_space<hbm>> -> memref<1x5x128xi32, #tpu.memory_space<hbm>>
      %dma_wait3A_226 = tpu.memref_squeeze %dma_wait3A_225 : memref<1x5x128xi32, #tpu.memory_space<hbm>> -> memref<5x128xi32, #tpu.memory_space<hbm>>
      %dma_wait3A_227 = arith.constant 0 : i32
      %dma_wait3A_228 = arith.constant 0 : i32
      %dma_wait3A_229 = tpu.memref_slice %arg2[%arg1, %dma_wait3A_227, %dma_wait3A_228] : memref<16x5x128xi32, #tpu.memory_space<hbm>> -> memref<1x5x128xi32, #tpu.memory_space<hbm>>
      %dma_wait3A_230 = tpu.memref_squeeze %dma_wait3A_229 : memref<1x5x128xi32, #tpu.memory_space<hbm>> -> memref<5x128xi32, #tpu.memory_space<hbm>>
      tpu.wait_dma2 semaphore(%run_scoped3A : memref<!tpu.dma_semaphore, #tpu.memory_space<semaphore_mem>>) src(%dma_wait3A_230 : memref<5x128xi32, #tpu.memory_space<hbm>>) dst(%arg10 : memref<5x128xi32, #tpu.memory_space<vmem>>)
      tpu.yield
    }) : () -> ()
    "tpu.region"() ({
      %run_scoped3A = tpu.sem_alloc : memref<!tpu.dma_semaphore, #tpu.memory_space<semaphore_mem>>
      %dma_start3A_215 = arith.constant 0 : i32
      %dma_start3A_216 = arith.constant 0 : i32
      %dma_start3A_217 = tpu.memref_slice %arg3[%arg1, %dma_start3A_215, %dma_start3A_216] : memref<16x5x128xf32, #tpu.memory_space<hbm>> -> memref<1x5x128xf32, #tpu.memory_space<hbm>>
      %dma_start3A_218 = tpu.memref_squeeze %dma_start3A_217 : memref<1x5x128xf32, #tpu.memory_space<hbm>> -> memref<5x128xf32, #tpu.memory_space<hbm>>
      %dma_start3A_219 = arith.constant 0 : i32
      %dma_start3A_220 = arith.constant 0 : i32
      %dma_start3A_221 = tpu.memref_slice %arg3[%arg1, %dma_start3A_219, %dma_start3A_220] : memref<16x5x128xf32, #tpu.memory_space<hbm>> -> memref<1x5x128xf32, #tpu.memory_space<hbm>>
      %dma_start3A_222 = tpu.memref_squeeze %dma_start3A_221 : memref<1x5x128xf32, #tpu.memory_space<hbm>> -> memref<5x128xf32, #tpu.memory_space<hbm>>
      tpu.enqueue_dma source(%dma_start3A_222 : memref<5x128xf32, #tpu.memory_space<hbm>>) target(%arg11 : memref<5x128xf32, #tpu.memory_space<vmem>>) target_semaphore(%run_scoped3A : memref<!tpu.dma_semaphore, #tpu.memory_space<semaphore_mem>>)
      %dma_wait3A_223 = arith.constant 0 : i32
      %dma_wait3A_224 = arith.constant 0 : i32
      %dma_wait3A_225 = tpu.memref_slice %arg3[%arg1, %dma_wait3A_223, %dma_wait3A_224] : memref<16x5x128xf32, #tpu.memory_space<hbm>> -> memref<1x5x128xf32, #tpu.memory_space<hbm>>
      %dma_wait3A_226 = tpu.memref_squeeze %dma_wait3A_225 : memref<1x5x128xf32, #tpu.memory_space<hbm>> -> memref<5x128xf32, #tpu.memory_space<hbm>>
      %dma_wait3A_227 = arith.constant 0 : i32
      %dma_wait3A_228 = arith.constant 0 : i32
      %dma_wait3A_229 = tpu.memref_slice %arg3[%arg1, %dma_wait3A_227, %dma_wait3A_228] : memref<16x5x128xf32, #tpu.memory_space<hbm>> -> memref<1x5x128xf32, #tpu.memory_space<hbm>>
      %dma_wait3A_230 = tpu.memref_squeeze %dma_wait3A_229 : memref<1x5x128xf32, #tpu.memory_space<hbm>> -> memref<5x128xf32, #tpu.memory_space<hbm>>
      tpu.wait_dma2 semaphore(%run_scoped3A : memref<!tpu.dma_semaphore, #tpu.memory_space<semaphore_mem>>) src(%dma_wait3A_230 : memref<5x128xf32, #tpu.memory_space<hbm>>) dst(%arg11 : memref<5x128xf32, #tpu.memory_space<vmem>>)
      tpu.yield
    }) : () -> ()
    %dma_start3A_16 = arith.constant 0 : i32
    %dma_start3A_17 = arith.constant 0 : i32
    %dma_start3A_18 = arith.constant 0 : i32
    %dma_start3A_19 = tpu.memref_slice %arg11[%dma_start3A_16, %dma_start3A_18] : memref<5x128xf32, #tpu.memory_space<vmem>> -> memref<1x128xf32, #tpu.memory_space<vmem>>
    %dma_start3A_20 = tpu.memref_squeeze %dma_start3A_19 : memref<1x128xf32, #tpu.memory_space<vmem>> -> memref<128xf32, #tpu.memory_space<vmem>>
    %dma_start3A_21 = arith.constant 0 : i32
    %dma_start3A_22 = tpu.memref_slice %arg10[%dma_start3A_17, %dma_start3A_21] : memref<5x128xi32, #tpu.memory_space<vmem>> -> memref<1x128xi32, #tpu.memory_space<vmem>>
    %dma_start3A_23 = tpu.memref_squeeze %dma_start3A_22 : memref<1x128xi32, #tpu.memory_space<vmem>> -> memref<128xi32, #tpu.memory_space<vmem>>
    %dma_start3A_24 = arith.constant 0 : i32
    %dma_start3A_25 = tpu.memref_slice %arg16[%dma_start3A_24] : memref<10240xf32, #tpu.memory_space<vmem_shared>> -> memref<10240xf32, #tpu.memory_space<vmem_shared>>
    tpu.enqueue_indirect_dma source(%dma_start3A_20 : memref<128xf32, #tpu.memory_space<vmem>>) target(%dma_start3A_25 : memref<10240xf32, #tpu.memory_space<vmem_shared>>) offsets(%dma_start3A_23 : memref<128xi32, #tpu.memory_space<vmem>>) semaphore(%arg19 : memref<!tpu.dma_semaphore, #tpu.memory_space<semaphore_mem>>)
    %dma_start3A_26 = arith.constant 1 : i32
    %dma_start3A_27 = arith.constant 1 : i32
    %dma_start3A_28 = arith.constant 0 : i32
    %dma_start3A_29 = tpu.memref_slice %arg11[%dma_start3A_26, %dma_start3A_28] : memref<5x128xf32, #tpu.memory_space<vmem>> -> memref<1x128xf32, #tpu.memory_space<vmem>>
    %dma_start3A_30 = tpu.memref_squeeze %dma_start3A_29 : memref<1x128xf32, #tpu.memory_space<vmem>> -> memref<128xf32, #tpu.memory_space<vmem>>
    %dma_start3A_31 = arith.constant 0 : i32
    %dma_start3A_32 = tpu.memref_slice %arg10[%dma_start3A_27, %dma_start3A_31] : memref<5x128xi32, #tpu.memory_space<vmem>> -> memref<1x128xi32, #tpu.memory_space<vmem>>
    %dma_start3A_33 = tpu.memref_squeeze %dma_start3A_32 : memref<1x128xi32, #tpu.memory_space<vmem>> -> memref<128xi32, #tpu.memory_space<vmem>>
    %dma_start3A_34 = arith.constant 0 : i32
    %dma_start3A_35 = tpu.memref_slice %arg16[%dma_start3A_34] : memref<10240xf32, #tpu.memory_space<vmem_shared>> -> memref<10240xf32, #tpu.memory_space<vmem_shared>>
    tpu.enqueue_indirect_dma source(%dma_start3A_30 : memref<128xf32, #tpu.memory_space<vmem>>) target(%dma_start3A_35 : memref<10240xf32, #tpu.memory_space<vmem_shared>>) offsets(%dma_start3A_33 : memref<128xi32, #tpu.memory_space<vmem>>) semaphore(%arg19 : memref<!tpu.dma_semaphore, #tpu.memory_space<semaphore_mem>>)
    %dma_start3A_36 = arith.constant 2 : i32
    %dma_start3A_37 = arith.constant 2 : i32
    %dma_start3A_38 = arith.constant 0 : i32
    %dma_start3A_39 = tpu.memref_slice %arg11[%dma_start3A_36, %dma_start3A_38] : memref<5x128xf32, #tpu.memory_space<vmem>> -> memref<1x128xf32, #tpu.memory_space<vmem>>
    %dma_start3A_40 = tpu.memref_squeeze %dma_start3A_39 : memref<1x128xf32, #tpu.memory_space<vmem>> -> memref<128xf32, #tpu.memory_space<vmem>>
    %dma_start3A_41 = arith.constant 0 : i32
    %dma_start3A_42 = tpu.memref_slice %arg10[%dma_start3A_37, %dma_start3A_41] : memref<5x128xi32, #tpu.memory_space<vmem>> -> memref<1x128xi32, #tpu.memory_space<vmem>>
    %dma_start3A_43 = tpu.memref_squeeze %dma_start3A_42 : memref<1x128xi32, #tpu.memory_space<vmem>> -> memref<128xi32, #tpu.memory_space<vmem>>
    %dma_start3A_44 = arith.constant 0 : i32
    %dma_start3A_45 = tpu.memref_slice %arg16[%dma_start3A_44] : memref<10240xf32, #tpu.memory_space<vmem_shared>> -> memref<10240xf32, #tpu.memory_space<vmem_shared>>
    tpu.enqueue_indirect_dma source(%dma_start3A_40 : memref<128xf32, #tpu.memory_space<vmem>>) target(%dma_start3A_45 : memref<10240xf32, #tpu.memory_space<vmem_shared>>) offsets(%dma_start3A_43 : memref<128xi32, #tpu.memory_space<vmem>>) semaphore(%arg19 : memref<!tpu.dma_semaphore, #tpu.memory_space<semaphore_mem>>)
    %dma_start3A_46 = arith.constant 3 : i32
    %dma_start3A_47 = arith.constant 3 : i32
    %dma_start3A_48 = arith.constant 0 : i32
    %dma_start3A_49 = tpu.memref_slice %arg11[%dma_start3A_46, %dma_start3A_48] : memref<5x128xf32, #tpu.memory_space<vmem>> -> memref<1x128xf32, #tpu.memory_space<vmem>>
    %dma_start3A_50 = tpu.memref_squeeze %dma_start3A_49 : memref<1x128xf32, #tpu.memory_space<vmem>> -> memref<128xf32, #tpu.memory_space<vmem>>
    %dma_start3A_51 = arith.constant 0 : i32
    %dma_start3A_52 = tpu.memref_slice %arg10[%dma_start3A_47, %dma_start3A_51] : memref<5x128xi32, #tpu.memory_space<vmem>> -> memref<1x128xi32, #tpu.memory_space<vmem>>
    %dma_start3A_53 = tpu.memref_squeeze %dma_start3A_52 : memref<1x128xi32, #tpu.memory_space<vmem>> -> memref<128xi32, #tpu.memory_space<vmem>>
    %dma_start3A_54 = arith.constant 0 : i32
    %dma_start3A_55 = tpu.memref_slice %arg16[%dma_start3A_54] : memref<10240xf32, #tpu.memory_space<vmem_shared>> -> memref<10240xf32, #tpu.memory_space<vmem_shared>>
    tpu.enqueue_indirect_dma source(%dma_start3A_50 : memref<128xf32, #tpu.memory_space<vmem>>) target(%dma_start3A_55 : memref<10240xf32, #tpu.memory_space<vmem_shared>>) offsets(%dma_start3A_53 : memref<128xi32, #tpu.memory_space<vmem>>) semaphore(%arg19 : memref<!tpu.dma_semaphore, #tpu.memory_space<semaphore_mem>>)
    %dma_start3A_56 = arith.constant 4 : i32
    %dma_start3A_57 = arith.constant 4 : i32
    %dma_start3A_58 = arith.constant 0 : i32
    %dma_start3A_59 = tpu.memref_slice %arg11[%dma_start3A_56, %dma_start3A_58] : memref<5x128xf32, #tpu.memory_space<vmem>> -> memref<1x128xf32, #tpu.memory_space<vmem>>
    %dma_start3A_60 = tpu.memref_squeeze %dma_start3A_59 : memref<1x128xf32, #tpu.memory_space<vmem>> -> memref<128xf32, #tpu.memory_space<vmem>>
    %dma_start3A_61 = arith.constant 0 : i32
    %dma_start3A_62 = tpu.memref_slice %arg10[%dma_start3A_57, %dma_start3A_61] : memref<5x128xi32, #tpu.memory_space<vmem>> -> memref<1x128xi32, #tpu.memory_space<vmem>>
    %dma_start3A_63 = tpu.memref_squeeze %dma_start3A_62 : memref<1x128xi32, #tpu.memory_space<vmem>> -> memref<128xi32, #tpu.memory_space<vmem>>
    %dma_start3A_64 = arith.constant 0 : i32
    %dma_start3A_65 = tpu.memref_slice %arg16[%dma_start3A_64] : memref<10240xf32, #tpu.memory_space<vmem_shared>> -> memref<10240xf32, #tpu.memory_space<vmem_shared>>
    tpu.enqueue_indirect_dma source(%dma_start3A_60 : memref<128xf32, #tpu.memory_space<vmem>>) target(%dma_start3A_65 : memref<10240xf32, #tpu.memory_space<vmem_shared>>) offsets(%dma_start3A_63 : memref<128xi32, #tpu.memory_space<vmem>>) semaphore(%arg19 : memref<!tpu.dma_semaphore, #tpu.memory_space<semaphore_mem>>)
    %eq3A = arith.constant 0 : i32
    %eq3A_66 = arith.cmpi eq, %arg1, %eq3A : i32
    %convert_element_type3A = arith.extui %eq3A_66 : i1 to i32
    %cond3A = arith.constant 0 : i32
    %cond3A_67 = arith.cmpi ne, %convert_element_type3A, %cond3A : i32
    scf.if %cond3A_67 {
      "tpu.region"() ({
        %run_scoped3A = tpu.sem_alloc : memref<!tpu.dma_semaphore, #tpu.memory_space<semaphore_mem>>
        tpu.enqueue_dma source(%arg6 : memref<10368xf32, #tpu.memory_space<hbm>>) target(%arg17 : memref<10368xf32, #tpu.memory_space<vmem_shared>>) target_semaphore(%run_scoped3A : memref<!tpu.dma_semaphore, #tpu.memory_space<semaphore_mem>>)
        tpu.wait_dma2 semaphore(%run_scoped3A : memref<!tpu.dma_semaphore, #tpu.memory_space<semaphore_mem>>) src(%arg6 : memref<10368xf32, #tpu.memory_space<hbm>>) dst(%arg17 : memref<10368xf32, #tpu.memory_space<vmem_shared>>)
        tpu.yield
      }) : () -> ()
      "tpu.region"() ({
        %run_scoped3A = tpu.sem_alloc : memref<!tpu.dma_semaphore, #tpu.memory_space<semaphore_mem>>
        tpu.enqueue_dma source(%arg6 : memref<10368xf32, #tpu.memory_space<hbm>>) target(%arg18 : memref<10368xf32, #tpu.memory_space<vmem_shared>>) target_semaphore(%run_scoped3A : memref<!tpu.dma_semaphore, #tpu.memory_space<semaphore_mem>>)
        tpu.wait_dma2 semaphore(%run_scoped3A : memref<!tpu.dma_semaphore, #tpu.memory_space<semaphore_mem>>) src(%arg6 : memref<10368xf32, #tpu.memory_space<hbm>>) dst(%arg18 : memref<10368xf32, #tpu.memory_space<vmem_shared>>)
        tpu.yield
      }) : () -> ()
    } else {
    }
    %broadcast_in_dim3A = arith.constant 1.000000e+00 : f32
    %broadcast_in_dim3A_68 = vector.broadcast %broadcast_in_dim3A : f32 to vector<16xf32>
    %swap3A = arith.constant 0 : index
    %swap3A_69 = tpu.vector_load %arg15[%swap3A] {strides = array<i32>} : memref<128xf32, #tpu.memory_space<vmem>>, vector<16xf32>,
    %swap3A_70 = vector.shape_cast %swap3A_69 : vector<16xf32> to vector<16xf32>
    %swap3A_71 = vector.shape_cast %broadcast_in_dim3A_68 : vector<16xf32> to vector<16xf32>
    tpu.vector_store %arg15[%swap3A], %swap3A_71 {strides = array<i32>} : memref<128xf32, #tpu.memory_space<vmem>>, vector<16xf32>,
    %broadcast_in_dim3A_72 = arith.constant 1.000000e+00 : f32
    %broadcast_in_dim3A_73 = vector.broadcast %broadcast_in_dim3A_72 : f32 to vector<16xf32>
    %swap3A_74 = arith.constant 16 : index
    %swap3A_75 = tpu.vector_load %arg15[%swap3A_74] {strides = array<i32>} : memref<128xf32, #tpu.memory_space<vmem>>, vector<16xf32>,
    %swap3A_76 = vector.shape_cast %swap3A_75 : vector<16xf32> to vector<16xf32>
    %swap3A_77 = vector.shape_cast %broadcast_in_dim3A_73 : vector<16xf32> to vector<16xf32>
    tpu.vector_store %arg15[%swap3A_74], %swap3A_77 {strides = array<i32>} : memref<128xf32, #tpu.memory_space<vmem>>, vector<16xf32>,
    %broadcast_in_dim3A_78 = arith.constant 1.000000e+00 : f32
    %broadcast_in_dim3A_79 = vector.broadcast %broadcast_in_dim3A_78 : f32 to vector<16xf32>
    %swap3A_80 = arith.constant 32 : index
    %swap3A_81 = tpu.vector_load %arg15[%swap3A_80] {strides = array<i32>} : memref<128xf32, #tpu.memory_space<vmem>>, vector<16xf32>,
    %swap3A_82 = vector.shape_cast %swap3A_81 : vector<16xf32> to vector<16xf32>
    %swap3A_83 = vector.shape_cast %broadcast_in_dim3A_79 : vector<16xf32> to vector<16xf32>
    tpu.vector_store %arg15[%swap3A_80], %swap3A_83 {strides = array<i32>} : memref<128xf32, #tpu.memory_space<vmem>>, vector<16xf32>,
    %broadcast_in_dim3A_84 = arith.constant 1.000000e+00 : f32
    %broadcast_in_dim3A_85 = vector.broadcast %broadcast_in_dim3A_84 : f32 to vector<16xf32>
    %swap3A_86 = arith.constant 48 : index
    %swap3A_87 = tpu.vector_load %arg15[%swap3A_86] {strides = array<i32>} : memref<128xf32, #tpu.memory_space<vmem>>, vector<16xf32>,
    %swap3A_88 = vector.shape_cast %swap3A_87 : vector<16xf32> to vector<16xf32>
    %swap3A_89 = vector.shape_cast %broadcast_in_dim3A_85 : vector<16xf32> to vector<16xf32>
    tpu.vector_store %arg15[%swap3A_86], %swap3A_89 {strides = array<i32>} : memref<128xf32, #tpu.memory_space<vmem>>, vector<16xf32>,
    %broadcast_in_dim3A_90 = arith.constant 1.000000e+00 : f32
    %broadcast_in_dim3A_91 = vector.broadcast %broadcast_in_dim3A_90 : f32 to vector<16xf32>
    %swap3A_92 = arith.constant 64 : index
    %swap3A_93 = tpu.vector_load %arg15[%swap3A_92] {strides = array<i32>} : memref<128xf32, #tpu.memory_space<vmem>>, vector<16xf32>,
    %swap3A_94 = vector.shape_cast %swap3A_93 : vector<16xf32> to vector<16xf32>
    %swap3A_95 = vector.shape_cast %broadcast_in_dim3A_91 : vector<16xf32> to vector<16xf32>
    tpu.vector_store %arg15[%swap3A_92], %swap3A_95 {strides = array<i32>} : memref<128xf32, #tpu.memory_space<vmem>>, vector<16xf32>,
    %broadcast_in_dim3A_96 = arith.constant 1.000000e+00 : f32
    %broadcast_in_dim3A_97 = vector.broadcast %broadcast_in_dim3A_96 : f32 to vector<16xf32>
    %swap3A_98 = arith.constant 80 : index
    %swap3A_99 = tpu.vector_load %arg15[%swap3A_98] {strides = array<i32>} : memref<128xf32, #tpu.memory_space<vmem>>, vector<16xf32>,
    %swap3A_100 = vector.shape_cast %swap3A_99 : vector<16xf32> to vector<16xf32>
    %swap3A_101 = vector.shape_cast %broadcast_in_dim3A_97 : vector<16xf32> to vector<16xf32>
    tpu.vector_store %arg15[%swap3A_98], %swap3A_101 {strides = array<i32>} : memref<128xf32, #tpu.memory_space<vmem>>, vector<16xf32>,
    %broadcast_in_dim3A_102 = arith.constant 1.000000e+00 : f32
    %broadcast_in_dim3A_103 = vector.broadcast %broadcast_in_dim3A_102 : f32 to vector<16xf32>
    %swap3A_104 = arith.constant 96 : index
    %swap3A_105 = tpu.vector_load %arg15[%swap3A_104] {strides = array<i32>} : memref<128xf32, #tpu.memory_space<vmem>>, vector<16xf32>,
    %swap3A_106 = vector.shape_cast %swap3A_105 : vector<16xf32> to vector<16xf32>
    %swap3A_107 = vector.shape_cast %broadcast_in_dim3A_103 : vector<16xf32> to vector<16xf32>
    tpu.vector_store %arg15[%swap3A_104], %swap3A_107 {strides = array<i32>} : memref<128xf32, #tpu.memory_space<vmem>>, vector<16xf32>,
    %broadcast_in_dim3A_108 = arith.constant 1.000000e+00 : f32
    %broadcast_in_dim3A_109 = vector.broadcast %broadcast_in_dim3A_108 : f32 to vector<16xf32>
    %swap3A_110 = arith.constant 112 : index
    %swap3A_111 = tpu.vector_load %arg15[%swap3A_110] {strides = array<i32>} : memref<128xf32, #tpu.memory_space<vmem>>, vector<16xf32>,
    %swap3A_112 = vector.shape_cast %swap3A_111 : vector<16xf32> to vector<16xf32>
    %swap3A_113 = vector.shape_cast %broadcast_in_dim3A_109 : vector<16xf32> to vector<16xf32>
    tpu.vector_store %arg15[%swap3A_110], %swap3A_113 {strides = array<i32>} : memref<128xf32, #tpu.memory_space<vmem>>, vector<16xf32>,
    %dma_wait3A = arith.constant 0 : i32
    %dma_wait3A_114 = arith.constant 0 : i32
    %dma_wait3A_115 = arith.constant 0 : i32
    %dma_wait3A_116 = tpu.memref_slice %arg11[%dma_wait3A, %dma_wait3A_115] : memref<5x128xf32, #tpu.memory_space<vmem>> -> memref<1x128xf32, #tpu.memory_space<vmem>>
    %dma_wait3A_117 = tpu.memref_squeeze %dma_wait3A_116 : memref<1x128xf32, #tpu.memory_space<vmem>> -> memref<128xf32, #tpu.memory_space<vmem>>
    %dma_wait3A_118 = arith.constant 0 : i32
    %dma_wait3A_119 = tpu.memref_slice %arg10[%dma_wait3A_114, %dma_wait3A_118] : memref<5x128xi32, #tpu.memory_space<vmem>> -> memref<1x128xi32, #tpu.memory_space<vmem>>
    %dma_wait3A_120 = tpu.memref_squeeze %dma_wait3A_119 : memref<1x128xi32, #tpu.memory_space<vmem>> -> memref<128xi32, #tpu.memory_space<vmem>>
    %dma_wait3A_121 = arith.constant 0 : i32
    %dma_wait3A_122 = tpu.memref_slice %arg16[%dma_wait3A_121] : memref<10240xf32, #tpu.memory_space<vmem_shared>> -> memref<10240xf32, #tpu.memory_space<vmem_shared>>
    tpu.wait_indirect_dma semaphore(%arg19 : memref<!tpu.dma_semaphore, #tpu.memory_space<semaphore_mem>>) src(%dma_wait3A_117 : memref<128xf32, #tpu.memory_space<vmem>>) dst(%dma_wait3A_122 : memref<10240xf32, #tpu.memory_space<vmem_shared>>)
    %dma_wait3A_123 = arith.constant 1 : i32
    %dma_wait3A_124 = arith.constant 1 : i32
    %dma_wait3A_125 = arith.constant 0 : i32
    %dma_wait3A_126 = tpu.memref_slice %arg11[%dma_wait3A_123, %dma_wait3A_125] : memref<5x128xf32, #tpu.memory_space<vmem>> -> memref<1x128xf32, #tpu.memory_space<vmem>>
    %dma_wait3A_127 = tpu.memref_squeeze %dma_wait3A_126 : memref<1x128xf32, #tpu.memory_space<vmem>> -> memref<128xf32, #tpu.memory_space<vmem>>
    %dma_wait3A_128 = arith.constant 0 : i32
    %dma_wait3A_129 = tpu.memref_slice %arg10[%dma_wait3A_124, %dma_wait3A_128] : memref<5x128xi32, #tpu.memory_space<vmem>> -> memref<1x128xi32, #tpu.memory_space<vmem>>
    %dma_wait3A_130 = tpu.memref_squeeze %dma_wait3A_129 : memref<1x128xi32, #tpu.memory_space<vmem>> -> memref<128xi32, #tpu.memory_space<vmem>>
    %dma_wait3A_131 = arith.constant 0 : i32
    %dma_wait3A_132 = tpu.memref_slice %arg16[%dma_wait3A_131] : memref<10240xf32, #tpu.memory_space<vmem_shared>> -> memref<10240xf32, #tpu.memory_space<vmem_shared>>
    tpu.wait_indirect_dma semaphore(%arg19 : memref<!tpu.dma_semaphore, #tpu.memory_space<semaphore_mem>>) src(%dma_wait3A_127 : memref<128xf32, #tpu.memory_space<vmem>>) dst(%dma_wait3A_132 : memref<10240xf32, #tpu.memory_space<vmem_shared>>)
    %dma_wait3A_133 = arith.constant 2 : i32
    %dma_wait3A_134 = arith.constant 2 : i32
    %dma_wait3A_135 = arith.constant 0 : i32
    %dma_wait3A_136 = tpu.memref_slice %arg11[%dma_wait3A_133, %dma_wait3A_135] : memref<5x128xf32, #tpu.memory_space<vmem>> -> memref<1x128xf32, #tpu.memory_space<vmem>>
    %dma_wait3A_137 = tpu.memref_squeeze %dma_wait3A_136 : memref<1x128xf32, #tpu.memory_space<vmem>> -> memref<128xf32, #tpu.memory_space<vmem>>
    %dma_wait3A_138 = arith.constant 0 : i32
    %dma_wait3A_139 = tpu.memref_slice %arg10[%dma_wait3A_134, %dma_wait3A_138] : memref<5x128xi32, #tpu.memory_space<vmem>> -> memref<1x128xi32, #tpu.memory_space<vmem>>
    %dma_wait3A_140 = tpu.memref_squeeze %dma_wait3A_139 : memref<1x128xi32, #tpu.memory_space<vmem>> -> memref<128xi32, #tpu.memory_space<vmem>>
    %dma_wait3A_141 = arith.constant 0 : i32
    %dma_wait3A_142 = tpu.memref_slice %arg16[%dma_wait3A_141] : memref<10240xf32, #tpu.memory_space<vmem_shared>> -> memref<10240xf32, #tpu.memory_space<vmem_shared>>
    tpu.wait_indirect_dma semaphore(%arg19 : memref<!tpu.dma_semaphore, #tpu.memory_space<semaphore_mem>>) src(%dma_wait3A_137 : memref<128xf32, #tpu.memory_space<vmem>>) dst(%dma_wait3A_142 : memref<10240xf32, #tpu.memory_space<vmem_shared>>)
    %dma_wait3A_143 = arith.constant 3 : i32
    %dma_wait3A_144 = arith.constant 3 : i32
    %dma_wait3A_145 = arith.constant 0 : i32
    %dma_wait3A_146 = tpu.memref_slice %arg11[%dma_wait3A_143, %dma_wait3A_145] : memref<5x128xf32, #tpu.memory_space<vmem>> -> memref<1x128xf32, #tpu.memory_space<vmem>>
    %dma_wait3A_147 = tpu.memref_squeeze %dma_wait3A_146 : memref<1x128xf32, #tpu.memory_space<vmem>> -> memref<128xf32, #tpu.memory_space<vmem>>
    %dma_wait3A_148 = arith.constant 0 : i32
    %dma_wait3A_149 = tpu.memref_slice %arg10[%dma_wait3A_144, %dma_wait3A_148] : memref<5x128xi32, #tpu.memory_space<vmem>> -> memref<1x128xi32, #tpu.memory_space<vmem>>
    %dma_wait3A_150 = tpu.memref_squeeze %dma_wait3A_149 : memref<1x128xi32, #tpu.memory_space<vmem>> -> memref<128xi32, #tpu.memory_space<vmem>>
    %dma_wait3A_151 = arith.constant 0 : i32
    %dma_wait3A_152 = tpu.memref_slice %arg16[%dma_wait3A_151] : memref<10240xf32, #tpu.memory_space<vmem_shared>> -> memref<10240xf32, #tpu.memory_space<vmem_shared>>
    tpu.wait_indirect_dma semaphore(%arg19 : memref<!tpu.dma_semaphore, #tpu.memory_space<semaphore_mem>>) src(%dma_wait3A_147 : memref<128xf32, #tpu.memory_space<vmem>>) dst(%dma_wait3A_152 : memref<10240xf32, #tpu.memory_space<vmem_shared>>)
    %dma_wait3A_153 = arith.constant 4 : i32
    %dma_wait3A_154 = arith.constant 4 : i32
    %dma_wait3A_155 = arith.constant 0 : i32
    %dma_wait3A_156 = tpu.memref_slice %arg11[%dma_wait3A_153, %dma_wait3A_155] : memref<5x128xf32, #tpu.memory_space<vmem>> -> memref<1x128xf32, #tpu.memory_space<vmem>>
    %dma_wait3A_157 = tpu.memref_squeeze %dma_wait3A_156 : memref<1x128xf32, #tpu.memory_space<vmem>> -> memref<128xf32, #tpu.memory_space<vmem>>
    %dma_wait3A_158 = arith.constant 0 : i32
    %dma_wait3A_159 = tpu.memref_slice %arg10[%dma_wait3A_154, %dma_wait3A_158] : memref<5x128xi32, #tpu.memory_space<vmem>> -> memref<1x128xi32, #tpu.memory_space<vmem>>
    %dma_wait3A_160 = tpu.memref_squeeze %dma_wait3A_159 : memref<1x128xi32, #tpu.memory_space<vmem>> -> memref<128xi32, #tpu.memory_space<vmem>>
    %dma_wait3A_161 = arith.constant 0 : i32
    %dma_wait3A_162 = tpu.memref_slice %arg16[%dma_wait3A_161] : memref<10240xf32, #tpu.memory_space<vmem_shared>> -> memref<10240xf32, #tpu.memory_space<vmem_shared>>
    tpu.wait_indirect_dma semaphore(%arg19 : memref<!tpu.dma_semaphore, #tpu.memory_space<semaphore_mem>>) src(%dma_wait3A_157 : memref<128xf32, #tpu.memory_space<vmem>>) dst(%dma_wait3A_162 : memref<10240xf32, #tpu.memory_space<vmem_shared>>)
    %dma_wait3A_163 = arith.constant 0 : i32
    %dma_wait3A_164 = arith.constant 0 : i32
    %dma_wait3A_165 = tpu.memref_slice %arg4[%add3A, %dma_wait3A_163, %dma_wait3A_164] : memref<32x79x128xi32, #tpu.memory_space<hbm>> -> memref<1x79x128xi32, #tpu.memory_space<hbm>>
    %dma_wait3A_166 = tpu.memref_squeeze %dma_wait3A_165 : memref<1x79x128xi32, #tpu.memory_space<hbm>> -> memref<79x128xi32, #tpu.memory_space<hbm>>
    %dma_wait3A_167 = arith.constant 0 : i32
    %dma_wait3A_168 = arith.constant 0 : i32
    %dma_wait3A_169 = tpu.memref_slice %arg4[%add3A, %dma_wait3A_167, %dma_wait3A_168] : memref<32x79x128xi32, #tpu.memory_space<hbm>> -> memref<1x79x128xi32, #tpu.memory_space<hbm>>
    %dma_wait3A_170 = tpu.memref_squeeze %dma_wait3A_169 : memref<1x79x128xi32, #tpu.memory_space<hbm>> -> memref<79x128xi32, #tpu.memory_space<hbm>>
    tpu.wait_dma2 semaphore(%arg19 : memref<!tpu.dma_semaphore, #tpu.memory_space<semaphore_mem>>) src(%dma_wait3A_170 : memref<79x128xi32, #tpu.memory_space<hbm>>) dst(%arg12 : memref<79x128xi32, #tpu.memory_space<vmem>>)
    %dma_wait3A_171 = arith.constant 0 : i32
    %dma_wait3A_172 = arith.constant 0 : i32
    %dma_wait3A_173 = tpu.memref_slice %arg5[%add3A, %dma_wait3A_171, %dma_wait3A_172] : memref<32x79x128xi32, #tpu.memory_space<hbm>> -> memref<1x79x128xi32, #tpu.memory_space<hbm>>
    %dma_wait3A_174 = tpu.memref_squeeze %dma_wait3A_173 : memref<1x79x128xi32, #tpu.memory_space<hbm>> -> memref<79x128xi32, #tpu.memory_space<hbm>>
    %dma_wait3A_175 = arith.constant 0 : i32
    %dma_wait3A_176 = arith.constant 0 : i32
    %dma_wait3A_177 = tpu.memref_slice %arg5[%add3A, %dma_wait3A_175, %dma_wait3A_176] : memref<32x79x128xi32, #tpu.memory_space<hbm>> -> memref<1x79x128xi32, #tpu.memory_space<hbm>>
    %dma_wait3A_178 = tpu.memref_squeeze %dma_wait3A_177 : memref<1x79x128xi32, #tpu.memory_space<hbm>> -> memref<79x128xi32, #tpu.memory_space<hbm>>
    tpu.wait_dma2 semaphore(%arg19 : memref<!tpu.dma_semaphore, #tpu.memory_space<semaphore_mem>>) src(%dma_wait3A_178 : memref<79x128xi32, #tpu.memory_space<hbm>>) dst(%arg13 : memref<79x128xi32, #tpu.memory_space<vmem>>)
    %barrier3A = arith.constant 0 : index
    tpu.barrier barrier_id(%barrier3A)
    %scan3A = arith.constant 0 : i32
    %scan3A_179 = arith.constant 0 : i32
    %scan3A_180 = arith.constant 79 : i32
    %scan3A_181 = arith.addi %scan3A_179, %scan3A_180 : i32
    %scan3A_182 = arith.constant 1 : i32
    scf.for %scan3A_215 = %scan3A_179 to %scan3A_181 step %scan3A_182  : i32 {
      %dma_start3A_216 = arith.constant 0 : i32
      %dma_start3A_217 = tpu.memref_slice %arg14[%scan3A_215, %dma_start3A_216] : memref<79x128xf32, #tpu.memory_space<vmem>> -> memref<1x128xf32, #tpu.memory_space<vmem>>
      %dma_start3A_218 = tpu.memref_squeeze %dma_start3A_217 : memref<1x128xf32, #tpu.memory_space<vmem>> -> memref<128xf32, #tpu.memory_space<vmem>>
      %dma_start3A_219 = arith.constant 0 : i32
      %dma_start3A_220 = tpu.memref_slice %arg12[%scan3A_215, %dma_start3A_219] : memref<79x128xi32, #tpu.memory_space<vmem>> -> memref<1x128xi32, #tpu.memory_space<vmem>>
      %dma_start3A_221 = tpu.memref_squeeze %dma_start3A_220 : memref<1x128xi32, #tpu.memory_space<vmem>> -> memref<128xi32, #tpu.memory_space<vmem>>
      %dma_start3A_222 = arith.constant 0 : i32
      %dma_start3A_223 = tpu.memref_slice %arg16[%dma_start3A_222] : memref<10240xf32, #tpu.memory_space<vmem_shared>> -> memref<10240xf32, #tpu.memory_space<vmem_shared>>
      tpu.enqueue_indirect_dma source(%dma_start3A_223 : memref<10240xf32, #tpu.memory_space<vmem_shared>>) target(%dma_start3A_218 : memref<128xf32, #tpu.memory_space<vmem>>) offsets(%dma_start3A_221 : memref<128xi32, #tpu.memory_space<vmem>>) semaphore(%arg19 : memref<!tpu.dma_semaphore, #tpu.memory_space<semaphore_mem>>)
      %dma_start3A_224 = arith.constant 0 : i32
      %dma_start3A_225 = tpu.memref_slice %arg13[%scan3A_215, %dma_start3A_224] : memref<79x128xi32, #tpu.memory_space<vmem>> -> memref<1x128xi32, #tpu.memory_space<vmem>>
      %dma_start3A_226 = tpu.memref_squeeze %dma_start3A_225 : memref<1x128xi32, #tpu.memory_space<vmem>> -> memref<128xi32, #tpu.memory_space<vmem>>
      %dma_start3A_227 = arith.constant 0 : i32
      %dma_start3A_228 = tpu.memref_slice %arg18[%dma_start3A_227] : memref<10368xf32, #tpu.memory_space<vmem_shared>> -> memref<10368xf32, #tpu.memory_space<vmem_shared>>
      tpu.enqueue_indirect_dma source(%arg15 : memref<128xf32, #tpu.memory_space<vmem>>) target(%dma_start3A_228 : memref<10368xf32, #tpu.memory_space<vmem_shared>>) offsets(%dma_start3A_226 : memref<128xi32, #tpu.memory_space<vmem>>) semaphore(%arg19 : memref<!tpu.dma_semaphore, #tpu.memory_space<semaphore_mem>>) {add = true}
    }
    %scan3A_183 = arith.constant 79 : i32
    %scan3A_184 = arith.constant 0 : i32
    %scan3A_185 = arith.constant 0 : i32
    %scan3A_186 = arith.constant 79 : i32
    %scan3A_187 = arith.addi %scan3A_185, %scan3A_186 : i32
    %scan3A_188 = arith.constant 1 : i32
    scf.for %scan3A_215 = %scan3A_185 to %scan3A_187 step %scan3A_188  : i32 {
      %dma_wait3A_216 = arith.constant 0 : i32
      %dma_wait3A_217 = tpu.memref_slice %arg14[%scan3A_215, %dma_wait3A_216] : memref<79x128xf32, #tpu.memory_space<vmem>> -> memref<1x128xf32, #tpu.memory_space<vmem>>
      %dma_wait3A_218 = tpu.memref_squeeze %dma_wait3A_217 : memref<1x128xf32, #tpu.memory_space<vmem>> -> memref<128xf32, #tpu.memory_space<vmem>>
      %dma_wait3A_219 = arith.constant 0 : i32
      %dma_wait3A_220 = tpu.memref_slice %arg12[%scan3A_215, %dma_wait3A_219] : memref<79x128xi32, #tpu.memory_space<vmem>> -> memref<1x128xi32, #tpu.memory_space<vmem>>
      %dma_wait3A_221 = tpu.memref_squeeze %dma_wait3A_220 : memref<1x128xi32, #tpu.memory_space<vmem>> -> memref<128xi32, #tpu.memory_space<vmem>>
      %dma_wait3A_222 = arith.constant 0 : i32
      %dma_wait3A_223 = tpu.memref_slice %arg16[%dma_wait3A_222] : memref<10240xf32, #tpu.memory_space<vmem_shared>> -> memref<10240xf32, #tpu.memory_space<vmem_shared>>
      tpu.wait_indirect_dma semaphore(%arg19 : memref<!tpu.dma_semaphore, #tpu.memory_space<semaphore_mem>>) src(%dma_wait3A_223 : memref<10240xf32, #tpu.memory_space<vmem_shared>>) dst(%dma_wait3A_218 : memref<128xf32, #tpu.memory_space<vmem>>)
      %dma_wait3A_224 = arith.constant 0 : i32
      %dma_wait3A_225 = tpu.memref_slice %arg13[%scan3A_215, %dma_wait3A_224] : memref<79x128xi32, #tpu.memory_space<vmem>> -> memref<1x128xi32, #tpu.memory_space<vmem>>
      %dma_wait3A_226 = tpu.memref_squeeze %dma_wait3A_225 : memref<1x128xi32, #tpu.memory_space<vmem>> -> memref<128xi32, #tpu.memory_space<vmem>>
      %dma_wait3A_227 = arith.constant 0 : i32
      %dma_wait3A_228 = tpu.memref_slice %arg18[%dma_wait3A_227] : memref<10368xf32, #tpu.memory_space<vmem_shared>> -> memref<10368xf32, #tpu.memory_space<vmem_shared>>
      tpu.wait_indirect_dma semaphore(%arg19 : memref<!tpu.dma_semaphore, #tpu.memory_space<semaphore_mem>>) src(%arg15 : memref<128xf32, #tpu.memory_space<vmem>>) dst(%dma_wait3A_228 : memref<10368xf32, #tpu.memory_space<vmem_shared>>)
    }
    %scan3A_189 = arith.constant 79 : i32
    %scan3A_190 = arith.constant 0 : i32
    %scan3A_191 = arith.constant 0 : i32
    %scan3A_192 = arith.constant 79 : i32
    %scan3A_193 = arith.addi %scan3A_191, %scan3A_192 : i32
    %scan3A_194 = arith.constant 1 : i32
    scf.for %scan3A_215 = %scan3A_191 to %scan3A_193 step %scan3A_194  : i32 {
      %dma_start3A_216 = arith.constant 0 : i32
      %dma_start3A_217 = tpu.memref_slice %arg14[%scan3A_215, %dma_start3A_216] : memref<79x128xf32, #tpu.memory_space<vmem>> -> memref<1x128xf32, #tpu.memory_space<vmem>>
      %dma_start3A_218 = tpu.memref_squeeze %dma_start3A_217 : memref<1x128xf32, #tpu.memory_space<vmem>> -> memref<128xf32, #tpu.memory_space<vmem>>
      %dma_start3A_219 = arith.constant 0 : i32
      %dma_start3A_220 = tpu.memref_slice %arg13[%scan3A_215, %dma_start3A_219] : memref<79x128xi32, #tpu.memory_space<vmem>> -> memref<1x128xi32, #tpu.memory_space<vmem>>
      %dma_start3A_221 = tpu.memref_squeeze %dma_start3A_220 : memref<1x128xi32, #tpu.memory_space<vmem>> -> memref<128xi32, #tpu.memory_space<vmem>>
      %dma_start3A_222 = arith.constant 0 : i32
      %dma_start3A_223 = tpu.memref_slice %arg17[%dma_start3A_222] : memref<10368xf32, #tpu.memory_space<vmem_shared>> -> memref<10368xf32, #tpu.memory_space<vmem_shared>>
      tpu.enqueue_indirect_dma source(%dma_start3A_218 : memref<128xf32, #tpu.memory_space<vmem>>) target(%dma_start3A_223 : memref<10368xf32, #tpu.memory_space<vmem_shared>>) offsets(%dma_start3A_221 : memref<128xi32, #tpu.memory_space<vmem>>) semaphore(%arg19 : memref<!tpu.dma_semaphore, #tpu.memory_space<semaphore_mem>>) {add = true}
    }
    %scan3A_195 = arith.constant 79 : i32
    %scan3A_196 = arith.constant 0 : i32
    %scan3A_197 = arith.constant 0 : i32
    %scan3A_198 = arith.constant 79 : i32
    %scan3A_199 = arith.addi %scan3A_197, %scan3A_198 : i32
    %scan3A_200 = arith.constant 1 : i32
    scf.for %scan3A_215 = %scan3A_197 to %scan3A_199 step %scan3A_200  : i32 {
      %dma_wait3A_216 = arith.constant 0 : i32
      %dma_wait3A_217 = tpu.memref_slice %arg14[%scan3A_215, %dma_wait3A_216] : memref<79x128xf32, #tpu.memory_space<vmem>> -> memref<1x128xf32, #tpu.memory_space<vmem>>
      %dma_wait3A_218 = tpu.memref_squeeze %dma_wait3A_217 : memref<1x128xf32, #tpu.memory_space<vmem>> -> memref<128xf32, #tpu.memory_space<vmem>>
      %dma_wait3A_219 = arith.constant 0 : i32
      %dma_wait3A_220 = tpu.memref_slice %arg13[%scan3A_215, %dma_wait3A_219] : memref<79x128xi32, #tpu.memory_space<vmem>> -> memref<1x128xi32, #tpu.memory_space<vmem>>
      %dma_wait3A_221 = tpu.memref_squeeze %dma_wait3A_220 : memref<1x128xi32, #tpu.memory_space<vmem>> -> memref<128xi32, #tpu.memory_space<vmem>>
      %dma_wait3A_222 = arith.constant 0 : i32
      %dma_wait3A_223 = tpu.memref_slice %arg17[%dma_wait3A_222] : memref<10368xf32, #tpu.memory_space<vmem_shared>> -> memref<10368xf32, #tpu.memory_space<vmem_shared>>
      tpu.wait_indirect_dma semaphore(%arg19 : memref<!tpu.dma_semaphore, #tpu.memory_space<semaphore_mem>>) src(%dma_wait3A_218 : memref<128xf32, #tpu.memory_space<vmem>>) dst(%dma_wait3A_223 : memref<10368xf32, #tpu.memory_space<vmem_shared>>)
    }
    %scan3A_201 = arith.constant 79 : i32
    %barrier3A_202 = arith.constant 0 : index
    tpu.barrier barrier_id(%barrier3A_202)
    %eq3A_203 = arith.constant 0 : i32
    %eq3A_204 = arith.cmpi eq, %arg1, %eq3A_203 : i32
    %convert_element_type3A_205 = arith.extui %eq3A_204 : i1 to i32
    %cond3A_206 = arith.constant 0 : i32
    %cond3A_207 = arith.cmpi ne, %convert_element_type3A_205, %cond3A_206 : i32
    scf.if %cond3A_207 {
      "tpu.region"() ({
        %run_scoped3A = tpu.sem_alloc : memref<!tpu.dma_semaphore, #tpu.memory_space<semaphore_mem>>
        %dma_start3A_215 = arith.constant 0 : i32
        %dma_start3A_216 = tpu.memref_slice %arg8[%arg0, %dma_start3A_215] : memref<2x10368xf32, #tpu.memory_space<hbm>> -> memref<1x10368xf32, #tpu.memory_space<hbm>>
        %dma_start3A_217 = tpu.memref_squeeze %dma_start3A_216 : memref<1x10368xf32, #tpu.memory_space<hbm>> -> memref<10368xf32, #tpu.memory_space<hbm>>
        tpu.enqueue_dma source(%arg17 : memref<10368xf32, #tpu.memory_space<vmem_shared>>) target(%dma_start3A_217 : memref<10368xf32, #tpu.memory_space<hbm>>) target_semaphore(%run_scoped3A : memref<!tpu.dma_semaphore, #tpu.memory_space<semaphore_mem>>)
        %dma_wait3A_218 = arith.constant 0 : i32
        %dma_wait3A_219 = tpu.memref_slice %arg8[%arg0, %dma_wait3A_218] : memref<2x10368xf32, #tpu.memory_space<hbm>> -> memref<1x10368xf32, #tpu.memory_space<hbm>>
        %dma_wait3A_220 = tpu.memref_squeeze %dma_wait3A_219 : memref<1x10368xf32, #tpu.memory_space<hbm>> -> memref<10368xf32, #tpu.memory_space<hbm>>
        tpu.wait_dma2 semaphore(%run_scoped3A : memref<!tpu.dma_semaphore, #tpu.memory_space<semaphore_mem>>) src(%arg17 : memref<10368xf32, #tpu.memory_space<vmem_shared>>) dst(%dma_wait3A_220 : memref<10368xf32, #tpu.memory_space<hbm>>)
        tpu.yield
      }) : () -> ()
      "tpu.region"() ({
        %run_scoped3A = tpu.sem_alloc : memref<!tpu.dma_semaphore, #tpu.memory_space<semaphore_mem>>
        %dma_start3A_215 = arith.constant 0 : i32
        %dma_start3A_216 = tpu.memref_slice %arg9[%arg0, %dma_start3A_215] : memref<2x10368xf32, #tpu.memory_space<hbm>> -> memref<1x10368xf32, #tpu.memory_space<hbm>>
        %dma_start3A_217 = tpu.memref_squeeze %dma_start3A_216 : memref<1x10368xf32, #tpu.memory_space<hbm>> -> memref<10368xf32, #tpu.memory_space<hbm>>
        tpu.enqueue_dma source(%arg18 : memref<10368xf32, #tpu.memory_space<vmem_shared>>) target(%dma_start3A_217 : memref<10368xf32, #tpu.memory_space<hbm>>) target_semaphore(%run_scoped3A : memref<!tpu.dma_semaphore, #tpu.memory_space<semaphore_mem>>)
        %dma_wait3A_218 = arith.constant 0 : i32
        %dma_wait3A_219 = tpu.memref_slice %arg9[%arg0, %dma_wait3A_218] : memref<2x10368xf32, #tpu.memory_space<hbm>> -> memref<1x10368xf32, #tpu.memory_space<hbm>>
        %dma_wait3A_220 = tpu.memref_squeeze %dma_wait3A_219 : memref<1x10368xf32, #tpu.memory_space<hbm>> -> memref<10368xf32, #tpu.memory_space<hbm>>
        tpu.wait_dma2 semaphore(%run_scoped3A : memref<!tpu.dma_semaphore, #tpu.memory_space<semaphore_mem>>) src(%arg18 : memref<10368xf32, #tpu.memory_space<vmem_shared>>) dst(%dma_wait3A_220 : memref<10368xf32, #tpu.memory_space<hbm>>)
        tpu.yield
      }) : () -> ()
    } else {
    }
    %eq3A_208 = arith.constant 0 : i32
    %eq3A_209 = arith.cmpi eq, %arg1, %eq3A_208 : i32
    %eq3A_210 = arith.constant 0 : i32
    %eq3A_211 = arith.cmpi eq, %arg0, %eq3A_210 : i32
    %and3A = arith.andi %eq3A_209, %eq3A_211 : i1
    %convert_element_type3A_212 = arith.extui %and3A : i1 to i32
    %cond3A_213 = arith.constant 0 : i32
    %cond3A_214 = arith.cmpi ne, %convert_element_type3A_212, %cond3A_213 : i32
    scf.if %cond3A_214 {
      "tpu.region"() ({
        %run_scoped3A = tpu.sem_alloc : memref<!tpu.dma_semaphore, #tpu.memory_space<semaphore_mem>>
        tpu.enqueue_dma source(%arg16 : memref<10240xf32, #tpu.memory_space<vmem_shared>>) target(%arg7 : memref<10240xf32, #tpu.memory_space<hbm>>) target_semaphore(%run_scoped3A : memref<!tpu.dma_semaphore, #tpu.memory_space<semaphore_mem>>)
        tpu.wait_dma2 semaphore(%run_scoped3A : memref<!tpu.dma_semaphore, #tpu.memory_space<semaphore_mem>>) src(%arg16 : memref<10240xf32, #tpu.memory_space<vmem_shared>>) dst(%arg7 : memref<10240xf32, #tpu.memory_space<hbm>>)
        tpu.yield
      }) : () -> ()
    } else {
    }
    return
  }
}

module attributes {stable_mosaic.version = 14 : i64} {
  func.func @_rank_body(%arg0: i32, %arg1: memref<2048x1xf32, #tpu.memory_space<vmem>>, %arg2: memref<80x1x128xf32, #tpu.memory_space<vmem>>, %arg3: memref<2048x1xi32, #tpu.memory_space<vmem>>) attributes {dimension_semantics = [#tpu.dimension_semantics<arbitrary>], iteration_bounds = array<i64: 5>, scalar_prefetch = 0 : i64, scratch_operands = 0 : i64, tpu.core_type = #tpu.core_type<tc>, window_params = [{transform_indices = @transform_0, window_bounds = array<i64: 2048, 1>}, {pipeline_mode = #tpu.pipeline_mode<synchronous>, transform_indices = @transform_1, window_bounds = array<i64: 80, 1, 128>}, {transform_indices = @transform_2, window_bounds = array<i64: 2048, 1>}]} {
    %get3A = arith.constant 0 : index
    %get3A_0 = arith.constant 0 : index
    %get3A_1 = vector.load %arg1[%get3A, %get3A_0] : memref<2048x1xf32, #tpu.memory_space<vmem>>, vector<2048x1xf32>
    %neg3A = arith.constant 0.000000e+00 : f32
    %neg3A_2 = vector.broadcast %neg3A : f32 to vector<2048x1xf32>
    %neg3A_3 = arith.subf %neg3A_2, %get3A_1 : vector<2048x1xf32>
    %eq3A = arith.constant 0.000000e+00 : f32
    %eq3A_4 = vector.broadcast %eq3A : f32 to vector<2048x1xf32>
    %eq3A_5 = arith.cmpf oeq, %neg3A_3, %eq3A_4 : vector<2048x1xf32>
    %jit3A = arith.constant 0.000000e+00 : f32
    %broadcast_in_dim3A = vector.broadcast %jit3A : f32 to vector<2048x1xf32>
    %select_n3A = arith.select %eq3A_5, %broadcast_in_dim3A, %neg3A_3 : vector<2048x1xi1>, vector<2048x1xf32>
    %bitcast_convert_type3A = tpu.bitcast %select_n3A : vector<2048x1xf32> -> vector<2048x1xi32>
    %ge3A = arith.constant 0 : i32
    %ge3A_6 = vector.broadcast %ge3A : i32 to vector<2048x1xi32>
    %ge3A_7 = arith.cmpi sge, %bitcast_convert_type3A, %ge3A_6 : vector<2048x1xi32>
    %not3A = arith.constant dense<-1> : vector<2048x1xi32>
    %not3A_8 = arith.xori %bitcast_convert_type3A, %not3A : vector<2048x1xi32>
    %xor3A = arith.constant -2147483648 : i32
    %xor3A_9 = vector.broadcast %xor3A : i32 to vector<2048x1xi32>
    %xor3A_10 = arith.xori %not3A_8, %xor3A_9 : vector<2048x1xi32>
    %select_n3A_11 = arith.select %ge3A_7, %bitcast_convert_type3A, %xor3A_10 : vector<2048x1xi1>, vector<2048x1xi32>
    %broadcast_in_dim3A_12 = vector.shape_cast %select_n3A_11 : vector<2048x1xi32> to vector<2048x1xi32>
    %broadcast_in_dim3A_13 = vector.broadcast %broadcast_in_dim3A_12 : vector<2048x1xi32> to vector<2048x128xi32>
    %mul3A = arith.constant 2048 : i32
    %mul3A_14 = arith.muli %arg0, %mul3A : i32
    %iota3A = tpu.iota {dimensions = array<i32: 0>} : vector<2048x1xi32>
    %add3A = vector.broadcast %mul3A_14 : i32 to vector<2048x1xi32>
    %add3A_15 = arith.addi %add3A, %iota3A : vector<2048x1xi32>
    %broadcast_in_dim3A_16 = arith.constant 1.000000e+00 : f32
    %broadcast_in_dim3A_17 = vector.broadcast %broadcast_in_dim3A_16 : f32 to vector<128x1xf32>
    %broadcast_in_dim3A_18 = arith.constant 0.000000e+00 : f32
    %broadcast_in_dim3A_19 = vector.broadcast %broadcast_in_dim3A_18 : f32 to vector<2048x1xf32>
    %while3A = arith.constant 0 : i32
    %while3A_20 = arith.subi %arg0, %while3A : i32
    %while3A_21 = arith.addi %while3A, %while3A_20 : i32
    %while3A_22 = arith.constant 1 : i32
    %while3A_23 = arith.divsi %while3A_20, %while3A_22 : i32
    %while3A_24 = arith.muli %while3A_23, %while3A_22 : i32
    %while3A_25 = arith.addi %while3A, %while3A_24 : i32
    %while3A_26 = arith.constant 1 : i32
    %while3A_27 = scf.for %while3A_814 = %while3A to %while3A_25 step %while3A_26 iter_args(%while3A_815 = %broadcast_in_dim3A_19) -> (vector<2048x1xf32>)  : i32 {
      %broadcast_in_dim3A_816 = arith.constant 0.000000e+00 : f32
      %broadcast_in_dim3A_817 = vector.broadcast %broadcast_in_dim3A_816 : f32 to vector<2048x128xf32>
      %mul3A_818 = arith.constant 16 : i32
      %mul3A_819 = arith.muli %while3A_814, %mul3A_818 : i32
      %add3A_820 = arith.constant 0 : i32
      %add3A_821 = arith.addi %mul3A_819, %add3A_820 : i32
      %get3A_822 = arith.index_cast %add3A_821 : i32 to index
      %get3A_823 = arith.constant 0 : index
      %get3A_824 = arith.constant 0 : index
      %get3A_825 = vector.load %arg2[%get3A_822, %get3A_823, %get3A_824] : memref<80x1x128xf32, #tpu.memory_space<vmem>>, vector<1x1x128xf32>
      %get3A_826 = vector.shape_cast %get3A_825 : vector<1x1x128xf32> to vector<1x128xf32>
      %neg3A_827 = arith.constant 0.000000e+00 : f32
      %neg3A_828 = vector.broadcast %neg3A_827 : f32 to vector<1x128xf32>
      %neg3A_829 = arith.subf %neg3A_828, %get3A_826 : vector<1x128xf32>
      %eq3A_830 = arith.constant 0.000000e+00 : f32
      %eq3A_831 = vector.broadcast %eq3A_830 : f32 to vector<1x128xf32>
      %eq3A_832 = arith.cmpf oeq, %neg3A_829, %eq3A_831 : vector<1x128xf32>
      %jit3A_833 = arith.constant 0.000000e+00 : f32
      %broadcast_in_dim3A_834 = vector.broadcast %jit3A_833 : f32 to vector<1x128xf32>
      %select_n3A_835 = arith.select %eq3A_832, %broadcast_in_dim3A_834, %neg3A_829 : vector<1x128xi1>, vector<1x128xf32>
      %bitcast_convert_type3A_836 = tpu.bitcast %select_n3A_835 : vector<1x128xf32> -> vector<1x128xi32>
      %ge3A_837 = arith.constant 0 : i32
      %ge3A_838 = vector.broadcast %ge3A_837 : i32 to vector<1x128xi32>
      %ge3A_839 = arith.cmpi sge, %bitcast_convert_type3A_836, %ge3A_838 : vector<1x128xi32>
      %not3A_840 = arith.constant dense<-1> : vector<1x128xi32>
      %not3A_841 = arith.xori %bitcast_convert_type3A_836, %not3A_840 : vector<1x128xi32>
      %xor3A_842 = arith.constant -2147483648 : i32
      %xor3A_843 = vector.broadcast %xor3A_842 : i32 to vector<1x128xi32>
      %xor3A_844 = arith.xori %not3A_841, %xor3A_843 : vector<1x128xi32>
      %select_n3A_845 = arith.select %ge3A_839, %bitcast_convert_type3A_836, %xor3A_844 : vector<1x128xi1>, vector<1x128xi32>
      %le3A = vector.broadcast %select_n3A_845 : vector<1x128xi32> to vector<2048x128xi32>
      %le3A_846 = arith.cmpi sle, %le3A, %broadcast_in_dim3A_13 : vector<2048x128xi32>
      %jit3A_847 = arith.constant 1.000000e+00 : f32
      %jit3A_848 = arith.constant 0.000000e+00 : f32
      %broadcast_in_dim3A_849 = vector.broadcast %jit3A_847 : f32 to vector<2048x128xf32>
      %broadcast_in_dim3A_850 = vector.broadcast %jit3A_848 : f32 to vector<2048x128xf32>
      %select_n3A_851 = arith.select %le3A_846, %broadcast_in_dim3A_849, %broadcast_in_dim3A_850 : vector<2048x128xi1>, vector<2048x128xf32>
      %add3A_852 = arith.addf %broadcast_in_dim3A_817, %select_n3A_851 : vector<2048x128xf32>
      %mul3A_853 = arith.constant 16 : i32
      %mul3A_854 = arith.muli %while3A_814, %mul3A_853 : i32
      %add3A_855 = arith.constant 1 : i32
      %add3A_856 = arith.addi %mul3A_854, %add3A_855 : i32
      %get3A_857 = arith.index_cast %add3A_856 : i32 to index
      %get3A_858 = arith.constant 0 : index
      %get3A_859 = arith.constant 0 : index
      %get3A_860 = vector.load %arg2[%get3A_857, %get3A_858, %get3A_859] : memref<80x1x128xf32, #tpu.memory_space<vmem>>, vector<1x1x128xf32>
      %get3A_861 = vector.shape_cast %get3A_860 : vector<1x1x128xf32> to vector<1x128xf32>
      %neg3A_862 = arith.constant 0.000000e+00 : f32
      %neg3A_863 = vector.broadcast %neg3A_862 : f32 to vector<1x128xf32>
      %neg3A_864 = arith.subf %neg3A_863, %get3A_861 : vector<1x128xf32>
      %eq3A_865 = arith.constant 0.000000e+00 : f32
      %eq3A_866 = vector.broadcast %eq3A_865 : f32 to vector<1x128xf32>
      %eq3A_867 = arith.cmpf oeq, %neg3A_864, %eq3A_866 : vector<1x128xf32>
      %jit3A_868 = arith.constant 0.000000e+00 : f32
      %broadcast_in_dim3A_869 = vector.broadcast %jit3A_868 : f32 to vector<1x128xf32>
      %select_n3A_870 = arith.select %eq3A_867, %broadcast_in_dim3A_869, %neg3A_864 : vector<1x128xi1>, vector<1x128xf32>
      %bitcast_convert_type3A_871 = tpu.bitcast %select_n3A_870 : vector<1x128xf32> -> vector<1x128xi32>
      %ge3A_872 = arith.constant 0 : i32
      %ge3A_873 = vector.broadcast %ge3A_872 : i32 to vector<1x128xi32>
      %ge3A_874 = arith.cmpi sge, %bitcast_convert_type3A_871, %ge3A_873 : vector<1x128xi32>
      %not3A_875 = arith.constant dense<-1> : vector<1x128xi32>
      %not3A_876 = arith.xori %bitcast_convert_type3A_871, %not3A_875 : vector<1x128xi32>
      %xor3A_877 = arith.constant -2147483648 : i32
      %xor3A_878 = vector.broadcast %xor3A_877 : i32 to vector<1x128xi32>
      %xor3A_879 = arith.xori %not3A_876, %xor3A_878 : vector<1x128xi32>
      %select_n3A_880 = arith.select %ge3A_874, %bitcast_convert_type3A_871, %xor3A_879 : vector<1x128xi1>, vector<1x128xi32>
      %le3A_881 = vector.broadcast %select_n3A_880 : vector<1x128xi32> to vector<2048x128xi32>
      %le3A_882 = arith.cmpi sle, %le3A_881, %broadcast_in_dim3A_13 : vector<2048x128xi32>
      %jit3A_883 = arith.constant 1.000000e+00 : f32
      %jit3A_884 = arith.constant 0.000000e+00 : f32
      %broadcast_in_dim3A_885 = vector.broadcast %jit3A_883 : f32 to vector<2048x128xf32>
      %broadcast_in_dim3A_886 = vector.broadcast %jit3A_884 : f32 to vector<2048x128xf32>
      %select_n3A_887 = arith.select %le3A_882, %broadcast_in_dim3A_885, %broadcast_in_dim3A_886 : vector<2048x128xi1>, vector<2048x128xf32>
      %add3A_888 = arith.addf %add3A_852, %select_n3A_887 : vector<2048x128xf32>
      %mul3A_889 = arith.constant 16 : i32
      %mul3A_890 = arith.muli %while3A_814, %mul3A_889 : i32
      %add3A_891 = arith.constant 2 : i32
      %add3A_892 = arith.addi %mul3A_890, %add3A_891 : i32
      %get3A_893 = arith.index_cast %add3A_892 : i32 to index
      %get3A_894 = arith.constant 0 : index
      %get3A_895 = arith.constant 0 : index
      %get3A_896 = vector.load %arg2[%get3A_893, %get3A_894, %get3A_895] : memref<80x1x128xf32, #tpu.memory_space<vmem>>, vector<1x1x128xf32>
      %get3A_897 = vector.shape_cast %get3A_896 : vector<1x1x128xf32> to vector<1x128xf32>
      %neg3A_898 = arith.constant 0.000000e+00 : f32
      %neg3A_899 = vector.broadcast %neg3A_898 : f32 to vector<1x128xf32>
      %neg3A_900 = arith.subf %neg3A_899, %get3A_897 : vector<1x128xf32>
      %eq3A_901 = arith.constant 0.000000e+00 : f32
      %eq3A_902 = vector.broadcast %eq3A_901 : f32 to vector<1x128xf32>
      %eq3A_903 = arith.cmpf oeq, %neg3A_900, %eq3A_902 : vector<1x128xf32>
      %jit3A_904 = arith.constant 0.000000e+00 : f32
      %broadcast_in_dim3A_905 = vector.broadcast %jit3A_904 : f32 to vector<1x128xf32>
      %select_n3A_906 = arith.select %eq3A_903, %broadcast_in_dim3A_905, %neg3A_900 : vector<1x128xi1>, vector<1x128xf32>
      %bitcast_convert_type3A_907 = tpu.bitcast %select_n3A_906 : vector<1x128xf32> -> vector<1x128xi32>
      %ge3A_908 = arith.constant 0 : i32
      %ge3A_909 = vector.broadcast %ge3A_908 : i32 to vector<1x128xi32>
      %ge3A_910 = arith.cmpi sge, %bitcast_convert_type3A_907, %ge3A_909 : vector<1x128xi32>
      %not3A_911 = arith.constant dense<-1> : vector<1x128xi32>
      %not3A_912 = arith.xori %bitcast_convert_type3A_907, %not3A_911 : vector<1x128xi32>
      %xor3A_913 = arith.constant -2147483648 : i32
      %xor3A_914 = vector.broadcast %xor3A_913 : i32 to vector<1x128xi32>
      %xor3A_915 = arith.xori %not3A_912, %xor3A_914 : vector<1x128xi32>
      %select_n3A_916 = arith.select %ge3A_910, %bitcast_convert_type3A_907, %xor3A_915 : vector<1x128xi1>, vector<1x128xi32>
      %le3A_917 = vector.broadcast %select_n3A_916 : vector<1x128xi32> to vector<2048x128xi32>
      %le3A_918 = arith.cmpi sle, %le3A_917, %broadcast_in_dim3A_13 : vector<2048x128xi32>
      %jit3A_919 = arith.constant 1.000000e+00 : f32
      %jit3A_920 = arith.constant 0.000000e+00 : f32
      %broadcast_in_dim3A_921 = vector.broadcast %jit3A_919 : f32 to vector<2048x128xf32>
      %broadcast_in_dim3A_922 = vector.broadcast %jit3A_920 : f32 to vector<2048x128xf32>
      %select_n3A_923 = arith.select %le3A_918, %broadcast_in_dim3A_921, %broadcast_in_dim3A_922 : vector<2048x128xi1>, vector<2048x128xf32>
      %add3A_924 = arith.addf %add3A_888, %select_n3A_923 : vector<2048x128xf32>
      %mul3A_925 = arith.constant 16 : i32
      %mul3A_926 = arith.muli %while3A_814, %mul3A_925 : i32
      %add3A_927 = arith.constant 3 : i32
      %add3A_928 = arith.addi %mul3A_926, %add3A_927 : i32
      %get3A_929 = arith.index_cast %add3A_928 : i32 to index
      %get3A_930 = arith.constant 0 : index
      %get3A_931 = arith.constant 0 : index
      %get3A_932 = vector.load %arg2[%get3A_929, %get3A_930, %get3A_931] : memref<80x1x128xf32, #tpu.memory_space<vmem>>, vector<1x1x128xf32>
      %get3A_933 = vector.shape_cast %get3A_932 : vector<1x1x128xf32> to vector<1x128xf32>
      %neg3A_934 = arith.constant 0.000000e+00 : f32
      %neg3A_935 = vector.broadcast %neg3A_934 : f32 to vector<1x128xf32>
      %neg3A_936 = arith.subf %neg3A_935, %get3A_933 : vector<1x128xf32>
      %eq3A_937 = arith.constant 0.000000e+00 : f32
      %eq3A_938 = vector.broadcast %eq3A_937 : f32 to vector<1x128xf32>
      %eq3A_939 = arith.cmpf oeq, %neg3A_936, %eq3A_938 : vector<1x128xf32>
      %jit3A_940 = arith.constant 0.000000e+00 : f32
      %broadcast_in_dim3A_941 = vector.broadcast %jit3A_940 : f32 to vector<1x128xf32>
      %select_n3A_942 = arith.select %eq3A_939, %broadcast_in_dim3A_941, %neg3A_936 : vector<1x128xi1>, vector<1x128xf32>
      %bitcast_convert_type3A_943 = tpu.bitcast %select_n3A_942 : vector<1x128xf32> -> vector<1x128xi32>
      %ge3A_944 = arith.constant 0 : i32
      %ge3A_945 = vector.broadcast %ge3A_944 : i32 to vector<1x128xi32>
      %ge3A_946 = arith.cmpi sge, %bitcast_convert_type3A_943, %ge3A_945 : vector<1x128xi32>
      %not3A_947 = arith.constant dense<-1> : vector<1x128xi32>
      %not3A_948 = arith.xori %bitcast_convert_type3A_943, %not3A_947 : vector<1x128xi32>
      %xor3A_949 = arith.constant -2147483648 : i32
      %xor3A_950 = vector.broadcast %xor3A_949 : i32 to vector<1x128xi32>
      %xor3A_951 = arith.xori %not3A_948, %xor3A_950 : vector<1x128xi32>
      %select_n3A_952 = arith.select %ge3A_946, %bitcast_convert_type3A_943, %xor3A_951 : vector<1x128xi1>, vector<1x128xi32>
      %le3A_953 = vector.broadcast %select_n3A_952 : vector<1x128xi32> to vector<2048x128xi32>
      %le3A_954 = arith.cmpi sle, %le3A_953, %broadcast_in_dim3A_13 : vector<2048x128xi32>
      %jit3A_955 = arith.constant 1.000000e+00 : f32
      %jit3A_956 = arith.constant 0.000000e+00 : f32
      %broadcast_in_dim3A_957 = vector.broadcast %jit3A_955 : f32 to vector<2048x128xf32>
      %broadcast_in_dim3A_958 = vector.broadcast %jit3A_956 : f32 to vector<2048x128xf32>
      %select_n3A_959 = arith.select %le3A_954, %broadcast_in_dim3A_957, %broadcast_in_dim3A_958 : vector<2048x128xi1>, vector<2048x128xf32>
      %add3A_960 = arith.addf %add3A_924, %select_n3A_959 : vector<2048x128xf32>
      %mul3A_961 = arith.constant 16 : i32
      %mul3A_962 = arith.muli %while3A_814, %mul3A_961 : i32
      %add3A_963 = arith.constant 4 : i32
      %add3A_964 = arith.addi %mul3A_962, %add3A_963 : i32
      %get3A_965 = arith.index_cast %add3A_964 : i32 to index
      %get3A_966 = arith.constant 0 : index
      %get3A_967 = arith.constant 0 : index
      %get3A_968 = vector.load %arg2[%get3A_965, %get3A_966, %get3A_967] : memref<80x1x128xf32, #tpu.memory_space<vmem>>, vector<1x1x128xf32>
      %get3A_969 = vector.shape_cast %get3A_968 : vector<1x1x128xf32> to vector<1x128xf32>
      %neg3A_970 = arith.constant 0.000000e+00 : f32
      %neg3A_971 = vector.broadcast %neg3A_970 : f32 to vector<1x128xf32>
      %neg3A_972 = arith.subf %neg3A_971, %get3A_969 : vector<1x128xf32>
      %eq3A_973 = arith.constant 0.000000e+00 : f32
      %eq3A_974 = vector.broadcast %eq3A_973 : f32 to vector<1x128xf32>
      %eq3A_975 = arith.cmpf oeq, %neg3A_972, %eq3A_974 : vector<1x128xf32>
      %jit3A_976 = arith.constant 0.000000e+00 : f32
      %broadcast_in_dim3A_977 = vector.broadcast %jit3A_976 : f32 to vector<1x128xf32>
      %select_n3A_978 = arith.select %eq3A_975, %broadcast_in_dim3A_977, %neg3A_972 : vector<1x128xi1>, vector<1x128xf32>
      %bitcast_convert_type3A_979 = tpu.bitcast %select_n3A_978 : vector<1x128xf32> -> vector<1x128xi32>
      %ge3A_980 = arith.constant 0 : i32
      %ge3A_981 = vector.broadcast %ge3A_980 : i32 to vector<1x128xi32>
      %ge3A_982 = arith.cmpi sge, %bitcast_convert_type3A_979, %ge3A_981 : vector<1x128xi32>
      %not3A_983 = arith.constant dense<-1> : vector<1x128xi32>
      %not3A_984 = arith.xori %bitcast_convert_type3A_979, %not3A_983 : vector<1x128xi32>
      %xor3A_985 = arith.constant -2147483648 : i32
      %xor3A_986 = vector.broadcast %xor3A_985 : i32 to vector<1x128xi32>
      %xor3A_987 = arith.xori %not3A_984, %xor3A_986 : vector<1x128xi32>
      %select_n3A_988 = arith.select %ge3A_982, %bitcast_convert_type3A_979, %xor3A_987 : vector<1x128xi1>, vector<1x128xi32>
      %le3A_989 = vector.broadcast %select_n3A_988 : vector<1x128xi32> to vector<2048x128xi32>
      %le3A_990 = arith.cmpi sle, %le3A_989, %broadcast_in_dim3A_13 : vector<2048x128xi32>
      %jit3A_991 = arith.constant 1.000000e+00 : f32
      %jit3A_992 = arith.constant 0.000000e+00 : f32
      %broadcast_in_dim3A_993 = vector.broadcast %jit3A_991 : f32 to vector<2048x128xf32>
      %broadcast_in_dim3A_994 = vector.broadcast %jit3A_992 : f32 to vector<2048x128xf32>
      %select_n3A_995 = arith.select %le3A_990, %broadcast_in_dim3A_993, %broadcast_in_dim3A_994 : vector<2048x128xi1>, vector<2048x128xf32>
      %add3A_996 = arith.addf %add3A_960, %select_n3A_995 : vector<2048x128xf32>
      %mul3A_997 = arith.constant 16 : i32
      %mul3A_998 = arith.muli %while3A_814, %mul3A_997 : i32
      %add3A_999 = arith.constant 5 : i32
      %add3A_1000 = arith.addi %mul3A_998, %add3A_999 : i32
      %get3A_1001 = arith.index_cast %add3A_1000 : i32 to index
      %get3A_1002 = arith.constant 0 : index
      %get3A_1003 = arith.constant 0 : index
      %get3A_1004 = vector.load %arg2[%get3A_1001, %get3A_1002, %get3A_1003] : memref<80x1x128xf32, #tpu.memory_space<vmem>>, vector<1x1x128xf32>
      %get3A_1005 = vector.shape_cast %get3A_1004 : vector<1x1x128xf32> to vector<1x128xf32>
      %neg3A_1006 = arith.constant 0.000000e+00 : f32
      %neg3A_1007 = vector.broadcast %neg3A_1006 : f32 to vector<1x128xf32>
      %neg3A_1008 = arith.subf %neg3A_1007, %get3A_1005 : vector<1x128xf32>
      %eq3A_1009 = arith.constant 0.000000e+00 : f32
      %eq3A_1010 = vector.broadcast %eq3A_1009 : f32 to vector<1x128xf32>
      %eq3A_1011 = arith.cmpf oeq, %neg3A_1008, %eq3A_1010 : vector<1x128xf32>
      %jit3A_1012 = arith.constant 0.000000e+00 : f32
      %broadcast_in_dim3A_1013 = vector.broadcast %jit3A_1012 : f32 to vector<1x128xf32>
      %select_n3A_1014 = arith.select %eq3A_1011, %broadcast_in_dim3A_1013, %neg3A_1008 : vector<1x128xi1>, vector<1x128xf32>
      %bitcast_convert_type3A_1015 = tpu.bitcast %select_n3A_1014 : vector<1x128xf32> -> vector<1x128xi32>
      %ge3A_1016 = arith.constant 0 : i32
      %ge3A_1017 = vector.broadcast %ge3A_1016 : i32 to vector<1x128xi32>
      %ge3A_1018 = arith.cmpi sge, %bitcast_convert_type3A_1015, %ge3A_1017 : vector<1x128xi32>
      %not3A_1019 = arith.constant dense<-1> : vector<1x128xi32>
      %not3A_1020 = arith.xori %bitcast_convert_type3A_1015, %not3A_1019 : vector<1x128xi32>
      %xor3A_1021 = arith.constant -2147483648 : i32
      %xor3A_1022 = vector.broadcast %xor3A_1021 : i32 to vector<1x128xi32>
      %xor3A_1023 = arith.xori %not3A_1020, %xor3A_1022 : vector<1x128xi32>
      %select_n3A_1024 = arith.select %ge3A_1018, %bitcast_convert_type3A_1015, %xor3A_1023 : vector<1x128xi1>, vector<1x128xi32>
      %le3A_1025 = vector.broadcast %select_n3A_1024 : vector<1x128xi32> to vector<2048x128xi32>
      %le3A_1026 = arith.cmpi sle, %le3A_1025, %broadcast_in_dim3A_13 : vector<2048x128xi32>
      %jit3A_1027 = arith.constant 1.000000e+00 : f32
      %jit3A_1028 = arith.constant 0.000000e+00 : f32
      %broadcast_in_dim3A_1029 = vector.broadcast %jit3A_1027 : f32 to vector<2048x128xf32>
      %broadcast_in_dim3A_1030 = vector.broadcast %jit3A_1028 : f32 to vector<2048x128xf32>
      %select_n3A_1031 = arith.select %le3A_1026, %broadcast_in_dim3A_1029, %broadcast_in_dim3A_1030 : vector<2048x128xi1>, vector<2048x128xf32>
      %add3A_1032 = arith.addf %add3A_996, %select_n3A_1031 : vector<2048x128xf32>
      %mul3A_1033 = arith.constant 16 : i32
      %mul3A_1034 = arith.muli %while3A_814, %mul3A_1033 : i32
      %add3A_1035 = arith.constant 6 : i32
      %add3A_1036 = arith.addi %mul3A_1034, %add3A_1035 : i32
      %get3A_1037 = arith.index_cast %add3A_1036 : i32 to index
      %get3A_1038 = arith.constant 0 : index
      %get3A_1039 = arith.constant 0 : index
      %get3A_1040 = vector.load %arg2[%get3A_1037, %get3A_1038, %get3A_1039] : memref<80x1x128xf32, #tpu.memory_space<vmem>>, vector<1x1x128xf32>
      %get3A_1041 = vector.shape_cast %get3A_1040 : vector<1x1x128xf32> to vector<1x128xf32>
      %neg3A_1042 = arith.constant 0.000000e+00 : f32
      %neg3A_1043 = vector.broadcast %neg3A_1042 : f32 to vector<1x128xf32>
      %neg3A_1044 = arith.subf %neg3A_1043, %get3A_1041 : vector<1x128xf32>
      %eq3A_1045 = arith.constant 0.000000e+00 : f32
      %eq3A_1046 = vector.broadcast %eq3A_1045 : f32 to vector<1x128xf32>
      %eq3A_1047 = arith.cmpf oeq, %neg3A_1044, %eq3A_1046 : vector<1x128xf32>
      %jit3A_1048 = arith.constant 0.000000e+00 : f32
      %broadcast_in_dim3A_1049 = vector.broadcast %jit3A_1048 : f32 to vector<1x128xf32>
      %select_n3A_1050 = arith.select %eq3A_1047, %broadcast_in_dim3A_1049, %neg3A_1044 : vector<1x128xi1>, vector<1x128xf32>
      %bitcast_convert_type3A_1051 = tpu.bitcast %select_n3A_1050 : vector<1x128xf32> -> vector<1x128xi32>
      %ge3A_1052 = arith.constant 0 : i32
      %ge3A_1053 = vector.broadcast %ge3A_1052 : i32 to vector<1x128xi32>
      %ge3A_1054 = arith.cmpi sge, %bitcast_convert_type3A_1051, %ge3A_1053 : vector<1x128xi32>
      %not3A_1055 = arith.constant dense<-1> : vector<1x128xi32>
      %not3A_1056 = arith.xori %bitcast_convert_type3A_1051, %not3A_1055 : vector<1x128xi32>
      %xor3A_1057 = arith.constant -2147483648 : i32
      %xor3A_1058 = vector.broadcast %xor3A_1057 : i32 to vector<1x128xi32>
      %xor3A_1059 = arith.xori %not3A_1056, %xor3A_1058 : vector<1x128xi32>
      %select_n3A_1060 = arith.select %ge3A_1054, %bitcast_convert_type3A_1051, %xor3A_1059 : vector<1x128xi1>, vector<1x128xi32>
      %le3A_1061 = vector.broadcast %select_n3A_1060 : vector<1x128xi32> to vector<2048x128xi32>
      %le3A_1062 = arith.cmpi sle, %le3A_1061, %broadcast_in_dim3A_13 : vector<2048x128xi32>
      %jit3A_1063 = arith.constant 1.000000e+00 : f32
      %jit3A_1064 = arith.constant 0.000000e+00 : f32
      %broadcast_in_dim3A_1065 = vector.broadcast %jit3A_1063 : f32 to vector<2048x128xf32>
      %broadcast_in_dim3A_1066 = vector.broadcast %jit3A_1064 : f32 to vector<2048x128xf32>
      %select_n3A_1067 = arith.select %le3A_1062, %broadcast_in_dim3A_1065, %broadcast_in_dim3A_1066 : vector<2048x128xi1>, vector<2048x128xf32>
      %add3A_1068 = arith.addf %add3A_1032, %select_n3A_1067 : vector<2048x128xf32>
      %mul3A_1069 = arith.constant 16 : i32
      %mul3A_1070 = arith.muli %while3A_814, %mul3A_1069 : i32
      %add3A_1071 = arith.constant 7 : i32
      %add3A_1072 = arith.addi %mul3A_1070, %add3A_1071 : i32
      %get3A_1073 = arith.index_cast %add3A_1072 : i32 to index
      %get3A_1074 = arith.constant 0 : index
      %get3A_1075 = arith.constant 0 : index
      %get3A_1076 = vector.load %arg2[%get3A_1073, %get3A_1074, %get3A_1075] : memref<80x1x128xf32, #tpu.memory_space<vmem>>, vector<1x1x128xf32>
      %get3A_1077 = vector.shape_cast %get3A_1076 : vector<1x1x128xf32> to vector<1x128xf32>
      %neg3A_1078 = arith.constant 0.000000e+00 : f32
      %neg3A_1079 = vector.broadcast %neg3A_1078 : f32 to vector<1x128xf32>
      %neg3A_1080 = arith.subf %neg3A_1079, %get3A_1077 : vector<1x128xf32>
      %eq3A_1081 = arith.constant 0.000000e+00 : f32
      %eq3A_1082 = vector.broadcast %eq3A_1081 : f32 to vector<1x128xf32>
      %eq3A_1083 = arith.cmpf oeq, %neg3A_1080, %eq3A_1082 : vector<1x128xf32>
      %jit3A_1084 = arith.constant 0.000000e+00 : f32
      %broadcast_in_dim3A_1085 = vector.broadcast %jit3A_1084 : f32 to vector<1x128xf32>
      %select_n3A_1086 = arith.select %eq3A_1083, %broadcast_in_dim3A_1085, %neg3A_1080 : vector<1x128xi1>, vector<1x128xf32>
      %bitcast_convert_type3A_1087 = tpu.bitcast %select_n3A_1086 : vector<1x128xf32> -> vector<1x128xi32>
      %ge3A_1088 = arith.constant 0 : i32
      %ge3A_1089 = vector.broadcast %ge3A_1088 : i32 to vector<1x128xi32>
      %ge3A_1090 = arith.cmpi sge, %bitcast_convert_type3A_1087, %ge3A_1089 : vector<1x128xi32>
      %not3A_1091 = arith.constant dense<-1> : vector<1x128xi32>
      %not3A_1092 = arith.xori %bitcast_convert_type3A_1087, %not3A_1091 : vector<1x128xi32>
      %xor3A_1093 = arith.constant -2147483648 : i32
      %xor3A_1094 = vector.broadcast %xor3A_1093 : i32 to vector<1x128xi32>
      %xor3A_1095 = arith.xori %not3A_1092, %xor3A_1094 : vector<1x128xi32>
      %select_n3A_1096 = arith.select %ge3A_1090, %bitcast_convert_type3A_1087, %xor3A_1095 : vector<1x128xi1>, vector<1x128xi32>
      %le3A_1097 = vector.broadcast %select_n3A_1096 : vector<1x128xi32> to vector<2048x128xi32>
      %le3A_1098 = arith.cmpi sle, %le3A_1097, %broadcast_in_dim3A_13 : vector<2048x128xi32>
      %jit3A_1099 = arith.constant 1.000000e+00 : f32
      %jit3A_1100 = arith.constant 0.000000e+00 : f32
      %broadcast_in_dim3A_1101 = vector.broadcast %jit3A_1099 : f32 to vector<2048x128xf32>
      %broadcast_in_dim3A_1102 = vector.broadcast %jit3A_1100 : f32 to vector<2048x128xf32>
      %select_n3A_1103 = arith.select %le3A_1098, %broadcast_in_dim3A_1101, %broadcast_in_dim3A_1102 : vector<2048x128xi1>, vector<2048x128xf32>
      %add3A_1104 = arith.addf %add3A_1068, %select_n3A_1103 : vector<2048x128xf32>
      %mul3A_1105 = arith.constant 16 : i32
      %mul3A_1106 = arith.muli %while3A_814, %mul3A_1105 : i32
      %add3A_1107 = arith.constant 8 : i32
      %add3A_1108 = arith.addi %mul3A_1106, %add3A_1107 : i32
      %get3A_1109 = arith.index_cast %add3A_1108 : i32 to index
      %get3A_1110 = arith.constant 0 : index
      %get3A_1111 = arith.constant 0 : index
      %get3A_1112 = vector.load %arg2[%get3A_1109, %get3A_1110, %get3A_1111] : memref<80x1x128xf32, #tpu.memory_space<vmem>>, vector<1x1x128xf32>
      %get3A_1113 = vector.shape_cast %get3A_1112 : vector<1x1x128xf32> to vector<1x128xf32>
      %neg3A_1114 = arith.constant 0.000000e+00 : f32
      %neg3A_1115 = vector.broadcast %neg3A_1114 : f32 to vector<1x128xf32>
      %neg3A_1116 = arith.subf %neg3A_1115, %get3A_1113 : vector<1x128xf32>
      %eq3A_1117 = arith.constant 0.000000e+00 : f32
      %eq3A_1118 = vector.broadcast %eq3A_1117 : f32 to vector<1x128xf32>
      %eq3A_1119 = arith.cmpf oeq, %neg3A_1116, %eq3A_1118 : vector<1x128xf32>
      %jit3A_1120 = arith.constant 0.000000e+00 : f32
      %broadcast_in_dim3A_1121 = vector.broadcast %jit3A_1120 : f32 to vector<1x128xf32>
      %select_n3A_1122 = arith.select %eq3A_1119, %broadcast_in_dim3A_1121, %neg3A_1116 : vector<1x128xi1>, vector<1x128xf32>
      %bitcast_convert_type3A_1123 = tpu.bitcast %select_n3A_1122 : vector<1x128xf32> -> vector<1x128xi32>
      %ge3A_1124 = arith.constant 0 : i32
      %ge3A_1125 = vector.broadcast %ge3A_1124 : i32 to vector<1x128xi32>
      %ge3A_1126 = arith.cmpi sge, %bitcast_convert_type3A_1123, %ge3A_1125 : vector<1x128xi32>
      %not3A_1127 = arith.constant dense<-1> : vector<1x128xi32>
      %not3A_1128 = arith.xori %bitcast_convert_type3A_1123, %not3A_1127 : vector<1x128xi32>
      %xor3A_1129 = arith.constant -2147483648 : i32
      %xor3A_1130 = vector.broadcast %xor3A_1129 : i32 to vector<1x128xi32>
      %xor3A_1131 = arith.xori %not3A_1128, %xor3A_1130 : vector<1x128xi32>
      %select_n3A_1132 = arith.select %ge3A_1126, %bitcast_convert_type3A_1123, %xor3A_1131 : vector<1x128xi1>, vector<1x128xi32>
      %le3A_1133 = vector.broadcast %select_n3A_1132 : vector<1x128xi32> to vector<2048x128xi32>
      %le3A_1134 = arith.cmpi sle, %le3A_1133, %broadcast_in_dim3A_13 : vector<2048x128xi32>
      %jit3A_1135 = arith.constant 1.000000e+00 : f32
      %jit3A_1136 = arith.constant 0.000000e+00 : f32
      %broadcast_in_dim3A_1137 = vector.broadcast %jit3A_1135 : f32 to vector<2048x128xf32>
      %broadcast_in_dim3A_1138 = vector.broadcast %jit3A_1136 : f32 to vector<2048x128xf32>
      %select_n3A_1139 = arith.select %le3A_1134, %broadcast_in_dim3A_1137, %broadcast_in_dim3A_1138 : vector<2048x128xi1>, vector<2048x128xf32>
      %add3A_1140 = arith.addf %add3A_1104, %select_n3A_1139 : vector<2048x128xf32>
      %mul3A_1141 = arith.constant 16 : i32
      %mul3A_1142 = arith.muli %while3A_814, %mul3A_1141 : i32
      %add3A_1143 = arith.constant 9 : i32
      %add3A_1144 = arith.addi %mul3A_1142, %add3A_1143 : i32
      %get3A_1145 = arith.index_cast %add3A_1144 : i32 to index
      %get3A_1146 = arith.constant 0 : index
      %get3A_1147 = arith.constant 0 : index
      %get3A_1148 = vector.load %arg2[%get3A_1145, %get3A_1146, %get3A_1147] : memref<80x1x128xf32, #tpu.memory_space<vmem>>, vector<1x1x128xf32>
      %get3A_1149 = vector.shape_cast %get3A_1148 : vector<1x1x128xf32> to vector<1x128xf32>
      %neg3A_1150 = arith.constant 0.000000e+00 : f32
      %neg3A_1151 = vector.broadcast %neg3A_1150 : f32 to vector<1x128xf32>
      %neg3A_1152 = arith.subf %neg3A_1151, %get3A_1149 : vector<1x128xf32>
      %eq3A_1153 = arith.constant 0.000000e+00 : f32
      %eq3A_1154 = vector.broadcast %eq3A_1153 : f32 to vector<1x128xf32>
      %eq3A_1155 = arith.cmpf oeq, %neg3A_1152, %eq3A_1154 : vector<1x128xf32>
      %jit3A_1156 = arith.constant 0.000000e+00 : f32
      %broadcast_in_dim3A_1157 = vector.broadcast %jit3A_1156 : f32 to vector<1x128xf32>
      %select_n3A_1158 = arith.select %eq3A_1155, %broadcast_in_dim3A_1157, %neg3A_1152 : vector<1x128xi1>, vector<1x128xf32>
      %bitcast_convert_type3A_1159 = tpu.bitcast %select_n3A_1158 : vector<1x128xf32> -> vector<1x128xi32>
      %ge3A_1160 = arith.constant 0 : i32
      %ge3A_1161 = vector.broadcast %ge3A_1160 : i32 to vector<1x128xi32>
      %ge3A_1162 = arith.cmpi sge, %bitcast_convert_type3A_1159, %ge3A_1161 : vector<1x128xi32>
      %not3A_1163 = arith.constant dense<-1> : vector<1x128xi32>
      %not3A_1164 = arith.xori %bitcast_convert_type3A_1159, %not3A_1163 : vector<1x128xi32>
      %xor3A_1165 = arith.constant -2147483648 : i32
      %xor3A_1166 = vector.broadcast %xor3A_1165 : i32 to vector<1x128xi32>
      %xor3A_1167 = arith.xori %not3A_1164, %xor3A_1166 : vector<1x128xi32>
      %select_n3A_1168 = arith.select %ge3A_1162, %bitcast_convert_type3A_1159, %xor3A_1167 : vector<1x128xi1>, vector<1x128xi32>
      %le3A_1169 = vector.broadcast %select_n3A_1168 : vector<1x128xi32> to vector<2048x128xi32>
      %le3A_1170 = arith.cmpi sle, %le3A_1169, %broadcast_in_dim3A_13 : vector<2048x128xi32>
      %jit3A_1171 = arith.constant 1.000000e+00 : f32
      %jit3A_1172 = arith.constant 0.000000e+00 : f32
      %broadcast_in_dim3A_1173 = vector.broadcast %jit3A_1171 : f32 to vector<2048x128xf32>
      %broadcast_in_dim3A_1174 = vector.broadcast %jit3A_1172 : f32 to vector<2048x128xf32>
      %select_n3A_1175 = arith.select %le3A_1170, %broadcast_in_dim3A_1173, %broadcast_in_dim3A_1174 : vector<2048x128xi1>, vector<2048x128xf32>
      %add3A_1176 = arith.addf %add3A_1140, %select_n3A_1175 : vector<2048x128xf32>
      %mul3A_1177 = arith.constant 16 : i32
      %mul3A_1178 = arith.muli %while3A_814, %mul3A_1177 : i32
      %add3A_1179 = arith.constant 10 : i32
      %add3A_1180 = arith.addi %mul3A_1178, %add3A_1179 : i32
      %get3A_1181 = arith.index_cast %add3A_1180 : i32 to index
      %get3A_1182 = arith.constant 0 : index
      %get3A_1183 = arith.constant 0 : index
      %get3A_1184 = vector.load %arg2[%get3A_1181, %get3A_1182, %get3A_1183] : memref<80x1x128xf32, #tpu.memory_space<vmem>>, vector<1x1x128xf32>
      %get3A_1185 = vector.shape_cast %get3A_1184 : vector<1x1x128xf32> to vector<1x128xf32>
      %neg3A_1186 = arith.constant 0.000000e+00 : f32
      %neg3A_1187 = vector.broadcast %neg3A_1186 : f32 to vector<1x128xf32>
      %neg3A_1188 = arith.subf %neg3A_1187, %get3A_1185 : vector<1x128xf32>
      %eq3A_1189 = arith.constant 0.000000e+00 : f32
      %eq3A_1190 = vector.broadcast %eq3A_1189 : f32 to vector<1x128xf32>
      %eq3A_1191 = arith.cmpf oeq, %neg3A_1188, %eq3A_1190 : vector<1x128xf32>
      %jit3A_1192 = arith.constant 0.000000e+00 : f32
      %broadcast_in_dim3A_1193 = vector.broadcast %jit3A_1192 : f32 to vector<1x128xf32>
      %select_n3A_1194 = arith.select %eq3A_1191, %broadcast_in_dim3A_1193, %neg3A_1188 : vector<1x128xi1>, vector<1x128xf32>
      %bitcast_convert_type3A_1195 = tpu.bitcast %select_n3A_1194 : vector<1x128xf32> -> vector<1x128xi32>
      %ge3A_1196 = arith.constant 0 : i32
      %ge3A_1197 = vector.broadcast %ge3A_1196 : i32 to vector<1x128xi32>
      %ge3A_1198 = arith.cmpi sge, %bitcast_convert_type3A_1195, %ge3A_1197 : vector<1x128xi32>
      %not3A_1199 = arith.constant dense<-1> : vector<1x128xi32>
      %not3A_1200 = arith.xori %bitcast_convert_type3A_1195, %not3A_1199 : vector<1x128xi32>
      %xor3A_1201 = arith.constant -2147483648 : i32
      %xor3A_1202 = vector.broadcast %xor3A_1201 : i32 to vector<1x128xi32>
      %xor3A_1203 = arith.xori %not3A_1200, %xor3A_1202 : vector<1x128xi32>
      %select_n3A_1204 = arith.select %ge3A_1198, %bitcast_convert_type3A_1195, %xor3A_1203 : vector<1x128xi1>, vector<1x128xi32>
      %le3A_1205 = vector.broadcast %select_n3A_1204 : vector<1x128xi32> to vector<2048x128xi32>
      %le3A_1206 = arith.cmpi sle, %le3A_1205, %broadcast_in_dim3A_13 : vector<2048x128xi32>
      %jit3A_1207 = arith.constant 1.000000e+00 : f32
      %jit3A_1208 = arith.constant 0.000000e+00 : f32
      %broadcast_in_dim3A_1209 = vector.broadcast %jit3A_1207 : f32 to vector<2048x128xf32>
      %broadcast_in_dim3A_1210 = vector.broadcast %jit3A_1208 : f32 to vector<2048x128xf32>
      %select_n3A_1211 = arith.select %le3A_1206, %broadcast_in_dim3A_1209, %broadcast_in_dim3A_1210 : vector<2048x128xi1>, vector<2048x128xf32>
      %add3A_1212 = arith.addf %add3A_1176, %select_n3A_1211 : vector<2048x128xf32>
      %mul3A_1213 = arith.constant 16 : i32
      %mul3A_1214 = arith.muli %while3A_814, %mul3A_1213 : i32
      %add3A_1215 = arith.constant 11 : i32
      %add3A_1216 = arith.addi %mul3A_1214, %add3A_1215 : i32
      %get3A_1217 = arith.index_cast %add3A_1216 : i32 to index
      %get3A_1218 = arith.constant 0 : index
      %get3A_1219 = arith.constant 0 : index
      %get3A_1220 = vector.load %arg2[%get3A_1217, %get3A_1218, %get3A_1219] : memref<80x1x128xf32, #tpu.memory_space<vmem>>, vector<1x1x128xf32>
      %get3A_1221 = vector.shape_cast %get3A_1220 : vector<1x1x128xf32> to vector<1x128xf32>
      %neg3A_1222 = arith.constant 0.000000e+00 : f32
      %neg3A_1223 = vector.broadcast %neg3A_1222 : f32 to vector<1x128xf32>
      %neg3A_1224 = arith.subf %neg3A_1223, %get3A_1221 : vector<1x128xf32>
      %eq3A_1225 = arith.constant 0.000000e+00 : f32
      %eq3A_1226 = vector.broadcast %eq3A_1225 : f32 to vector<1x128xf32>
      %eq3A_1227 = arith.cmpf oeq, %neg3A_1224, %eq3A_1226 : vector<1x128xf32>
      %jit3A_1228 = arith.constant 0.000000e+00 : f32
      %broadcast_in_dim3A_1229 = vector.broadcast %jit3A_1228 : f32 to vector<1x128xf32>
      %select_n3A_1230 = arith.select %eq3A_1227, %broadcast_in_dim3A_1229, %neg3A_1224 : vector<1x128xi1>, vector<1x128xf32>
      %bitcast_convert_type3A_1231 = tpu.bitcast %select_n3A_1230 : vector<1x128xf32> -> vector<1x128xi32>
      %ge3A_1232 = arith.constant 0 : i32
      %ge3A_1233 = vector.broadcast %ge3A_1232 : i32 to vector<1x128xi32>
      %ge3A_1234 = arith.cmpi sge, %bitcast_convert_type3A_1231, %ge3A_1233 : vector<1x128xi32>
      %not3A_1235 = arith.constant dense<-1> : vector<1x128xi32>
      %not3A_1236 = arith.xori %bitcast_convert_type3A_1231, %not3A_1235 : vector<1x128xi32>
      %xor3A_1237 = arith.constant -2147483648 : i32
      %xor3A_1238 = vector.broadcast %xor3A_1237 : i32 to vector<1x128xi32>
      %xor3A_1239 = arith.xori %not3A_1236, %xor3A_1238 : vector<1x128xi32>
      %select_n3A_1240 = arith.select %ge3A_1234, %bitcast_convert_type3A_1231, %xor3A_1239 : vector<1x128xi1>, vector<1x128xi32>
      %le3A_1241 = vector.broadcast %select_n3A_1240 : vector<1x128xi32> to vector<2048x128xi32>
      %le3A_1242 = arith.cmpi sle, %le3A_1241, %broadcast_in_dim3A_13 : vector<2048x128xi32>
      %jit3A_1243 = arith.constant 1.000000e+00 : f32
      %jit3A_1244 = arith.constant 0.000000e+00 : f32
      %broadcast_in_dim3A_1245 = vector.broadcast %jit3A_1243 : f32 to vector<2048x128xf32>
      %broadcast_in_dim3A_1246 = vector.broadcast %jit3A_1244 : f32 to vector<2048x128xf32>
      %select_n3A_1247 = arith.select %le3A_1242, %broadcast_in_dim3A_1245, %broadcast_in_dim3A_1246 : vector<2048x128xi1>, vector<2048x128xf32>
      %add3A_1248 = arith.addf %add3A_1212, %select_n3A_1247 : vector<2048x128xf32>
      %mul3A_1249 = arith.constant 16 : i32
      %mul3A_1250 = arith.muli %while3A_814, %mul3A_1249 : i32
      %add3A_1251 = arith.constant 12 : i32
      %add3A_1252 = arith.addi %mul3A_1250, %add3A_1251 : i32
      %get3A_1253 = arith.index_cast %add3A_1252 : i32 to index
      %get3A_1254 = arith.constant 0 : index
      %get3A_1255 = arith.constant 0 : index
      %get3A_1256 = vector.load %arg2[%get3A_1253, %get3A_1254, %get3A_1255] : memref<80x1x128xf32, #tpu.memory_space<vmem>>, vector<1x1x128xf32>
      %get3A_1257 = vector.shape_cast %get3A_1256 : vector<1x1x128xf32> to vector<1x128xf32>
      %neg3A_1258 = arith.constant 0.000000e+00 : f32
      %neg3A_1259 = vector.broadcast %neg3A_1258 : f32 to vector<1x128xf32>
      %neg3A_1260 = arith.subf %neg3A_1259, %get3A_1257 : vector<1x128xf32>
      %eq3A_1261 = arith.constant 0.000000e+00 : f32
      %eq3A_1262 = vector.broadcast %eq3A_1261 : f32 to vector<1x128xf32>
      %eq3A_1263 = arith.cmpf oeq, %neg3A_1260, %eq3A_1262 : vector<1x128xf32>
      %jit3A_1264 = arith.constant 0.000000e+00 : f32
      %broadcast_in_dim3A_1265 = vector.broadcast %jit3A_1264 : f32 to vector<1x128xf32>
      %select_n3A_1266 = arith.select %eq3A_1263, %broadcast_in_dim3A_1265, %neg3A_1260 : vector<1x128xi1>, vector<1x128xf32>
      %bitcast_convert_type3A_1267 = tpu.bitcast %select_n3A_1266 : vector<1x128xf32> -> vector<1x128xi32>
      %ge3A_1268 = arith.constant 0 : i32
      %ge3A_1269 = vector.broadcast %ge3A_1268 : i32 to vector<1x128xi32>
      %ge3A_1270 = arith.cmpi sge, %bitcast_convert_type3A_1267, %ge3A_1269 : vector<1x128xi32>
      %not3A_1271 = arith.constant dense<-1> : vector<1x128xi32>
      %not3A_1272 = arith.xori %bitcast_convert_type3A_1267, %not3A_1271 : vector<1x128xi32>
      %xor3A_1273 = arith.constant -2147483648 : i32
      %xor3A_1274 = vector.broadcast %xor3A_1273 : i32 to vector<1x128xi32>
      %xor3A_1275 = arith.xori %not3A_1272, %xor3A_1274 : vector<1x128xi32>
      %select_n3A_1276 = arith.select %ge3A_1270, %bitcast_convert_type3A_1267, %xor3A_1275 : vector<1x128xi1>, vector<1x128xi32>
      %le3A_1277 = vector.broadcast %select_n3A_1276 : vector<1x128xi32> to vector<2048x128xi32>
      %le3A_1278 = arith.cmpi sle, %le3A_1277, %broadcast_in_dim3A_13 : vector<2048x128xi32>
      %jit3A_1279 = arith.constant 1.000000e+00 : f32
      %jit3A_1280 = arith.constant 0.000000e+00 : f32
      %broadcast_in_dim3A_1281 = vector.broadcast %jit3A_1279 : f32 to vector<2048x128xf32>
      %broadcast_in_dim3A_1282 = vector.broadcast %jit3A_1280 : f32 to vector<2048x128xf32>
      %select_n3A_1283 = arith.select %le3A_1278, %broadcast_in_dim3A_1281, %broadcast_in_dim3A_1282 : vector<2048x128xi1>, vector<2048x128xf32>
      %add3A_1284 = arith.addf %add3A_1248, %select_n3A_1283 : vector<2048x128xf32>
      %mul3A_1285 = arith.constant 16 : i32
      %mul3A_1286 = arith.muli %while3A_814, %mul3A_1285 : i32
      %add3A_1287 = arith.constant 13 : i32
      %add3A_1288 = arith.addi %mul3A_1286, %add3A_1287 : i32
      %get3A_1289 = arith.index_cast %add3A_1288 : i32 to index
      %get3A_1290 = arith.constant 0 : index
      %get3A_1291 = arith.constant 0 : index
      %get3A_1292 = vector.load %arg2[%get3A_1289, %get3A_1290, %get3A_1291] : memref<80x1x128xf32, #tpu.memory_space<vmem>>, vector<1x1x128xf32>
      %get3A_1293 = vector.shape_cast %get3A_1292 : vector<1x1x128xf32> to vector<1x128xf32>
      %neg3A_1294 = arith.constant 0.000000e+00 : f32
      %neg3A_1295 = vector.broadcast %neg3A_1294 : f32 to vector<1x128xf32>
      %neg3A_1296 = arith.subf %neg3A_1295, %get3A_1293 : vector<1x128xf32>
      %eq3A_1297 = arith.constant 0.000000e+00 : f32
      %eq3A_1298 = vector.broadcast %eq3A_1297 : f32 to vector<1x128xf32>
      %eq3A_1299 = arith.cmpf oeq, %neg3A_1296, %eq3A_1298 : vector<1x128xf32>
      %jit3A_1300 = arith.constant 0.000000e+00 : f32
      %broadcast_in_dim3A_1301 = vector.broadcast %jit3A_1300 : f32 to vector<1x128xf32>
      %select_n3A_1302 = arith.select %eq3A_1299, %broadcast_in_dim3A_1301, %neg3A_1296 : vector<1x128xi1>, vector<1x128xf32>
      %bitcast_convert_type3A_1303 = tpu.bitcast %select_n3A_1302 : vector<1x128xf32> -> vector<1x128xi32>
      %ge3A_1304 = arith.constant 0 : i32
      %ge3A_1305 = vector.broadcast %ge3A_1304 : i32 to vector<1x128xi32>
      %ge3A_1306 = arith.cmpi sge, %bitcast_convert_type3A_1303, %ge3A_1305 : vector<1x128xi32>
      %not3A_1307 = arith.constant dense<-1> : vector<1x128xi32>
      %not3A_1308 = arith.xori %bitcast_convert_type3A_1303, %not3A_1307 : vector<1x128xi32>
      %xor3A_1309 = arith.constant -2147483648 : i32
      %xor3A_1310 = vector.broadcast %xor3A_1309 : i32 to vector<1x128xi32>
      %xor3A_1311 = arith.xori %not3A_1308, %xor3A_1310 : vector<1x128xi32>
      %select_n3A_1312 = arith.select %ge3A_1306, %bitcast_convert_type3A_1303, %xor3A_1311 : vector<1x128xi1>, vector<1x128xi32>
      %le3A_1313 = vector.broadcast %select_n3A_1312 : vector<1x128xi32> to vector<2048x128xi32>
      %le3A_1314 = arith.cmpi sle, %le3A_1313, %broadcast_in_dim3A_13 : vector<2048x128xi32>
      %jit3A_1315 = arith.constant 1.000000e+00 : f32
      %jit3A_1316 = arith.constant 0.000000e+00 : f32
      %broadcast_in_dim3A_1317 = vector.broadcast %jit3A_1315 : f32 to vector<2048x128xf32>
      %broadcast_in_dim3A_1318 = vector.broadcast %jit3A_1316 : f32 to vector<2048x128xf32>
      %select_n3A_1319 = arith.select %le3A_1314, %broadcast_in_dim3A_1317, %broadcast_in_dim3A_1318 : vector<2048x128xi1>, vector<2048x128xf32>
      %add3A_1320 = arith.addf %add3A_1284, %select_n3A_1319 : vector<2048x128xf32>
      %mul3A_1321 = arith.constant 16 : i32
      %mul3A_1322 = arith.muli %while3A_814, %mul3A_1321 : i32
      %add3A_1323 = arith.constant 14 : i32
      %add3A_1324 = arith.addi %mul3A_1322, %add3A_1323 : i32
      %get3A_1325 = arith.index_cast %add3A_1324 : i32 to index
      %get3A_1326 = arith.constant 0 : index
      %get3A_1327 = arith.constant 0 : index
      %get3A_1328 = vector.load %arg2[%get3A_1325, %get3A_1326, %get3A_1327] : memref<80x1x128xf32, #tpu.memory_space<vmem>>, vector<1x1x128xf32>
      %get3A_1329 = vector.shape_cast %get3A_1328 : vector<1x1x128xf32> to vector<1x128xf32>
      %neg3A_1330 = arith.constant 0.000000e+00 : f32
      %neg3A_1331 = vector.broadcast %neg3A_1330 : f32 to vector<1x128xf32>
      %neg3A_1332 = arith.subf %neg3A_1331, %get3A_1329 : vector<1x128xf32>
      %eq3A_1333 = arith.constant 0.000000e+00 : f32
      %eq3A_1334 = vector.broadcast %eq3A_1333 : f32 to vector<1x128xf32>
      %eq3A_1335 = arith.cmpf oeq, %neg3A_1332, %eq3A_1334 : vector<1x128xf32>
      %jit3A_1336 = arith.constant 0.000000e+00 : f32
      %broadcast_in_dim3A_1337 = vector.broadcast %jit3A_1336 : f32 to vector<1x128xf32>
      %select_n3A_1338 = arith.select %eq3A_1335, %broadcast_in_dim3A_1337, %neg3A_1332 : vector<1x128xi1>, vector<1x128xf32>
      %bitcast_convert_type3A_1339 = tpu.bitcast %select_n3A_1338 : vector<1x128xf32> -> vector<1x128xi32>
      %ge3A_1340 = arith.constant 0 : i32
      %ge3A_1341 = vector.broadcast %ge3A_1340 : i32 to vector<1x128xi32>
      %ge3A_1342 = arith.cmpi sge, %bitcast_convert_type3A_1339, %ge3A_1341 : vector<1x128xi32>
      %not3A_1343 = arith.constant dense<-1> : vector<1x128xi32>
      %not3A_1344 = arith.xori %bitcast_convert_type3A_1339, %not3A_1343 : vector<1x128xi32>
      %xor3A_1345 = arith.constant -2147483648 : i32
      %xor3A_1346 = vector.broadcast %xor3A_1345 : i32 to vector<1x128xi32>
      %xor3A_1347 = arith.xori %not3A_1344, %xor3A_1346 : vector<1x128xi32>
      %select_n3A_1348 = arith.select %ge3A_1342, %bitcast_convert_type3A_1339, %xor3A_1347 : vector<1x128xi1>, vector<1x128xi32>
      %le3A_1349 = vector.broadcast %select_n3A_1348 : vector<1x128xi32> to vector<2048x128xi32>
      %le3A_1350 = arith.cmpi sle, %le3A_1349, %broadcast_in_dim3A_13 : vector<2048x128xi32>
      %jit3A_1351 = arith.constant 1.000000e+00 : f32
      %jit3A_1352 = arith.constant 0.000000e+00 : f32
      %broadcast_in_dim3A_1353 = vector.broadcast %jit3A_1351 : f32 to vector<2048x128xf32>
      %broadcast_in_dim3A_1354 = vector.broadcast %jit3A_1352 : f32 to vector<2048x128xf32>
      %select_n3A_1355 = arith.select %le3A_1350, %broadcast_in_dim3A_1353, %broadcast_in_dim3A_1354 : vector<2048x128xi1>, vector<2048x128xf32>
      %add3A_1356 = arith.addf %add3A_1320, %select_n3A_1355 : vector<2048x128xf32>
      %mul3A_1357 = arith.constant 16 : i32
      %mul3A_1358 = arith.muli %while3A_814, %mul3A_1357 : i32
      %add3A_1359 = arith.constant 15 : i32
      %add3A_1360 = arith.addi %mul3A_1358, %add3A_1359 : i32
      %get3A_1361 = arith.index_cast %add3A_1360 : i32 to index
      %get3A_1362 = arith.constant 0 : index
      %get3A_1363 = arith.constant 0 : index
      %get3A_1364 = vector.load %arg2[%get3A_1361, %get3A_1362, %get3A_1363] : memref<80x1x128xf32, #tpu.memory_space<vmem>>, vector<1x1x128xf32>
      %get3A_1365 = vector.shape_cast %get3A_1364 : vector<1x1x128xf32> to vector<1x128xf32>
      %neg3A_1366 = arith.constant 0.000000e+00 : f32
      %neg3A_1367 = vector.broadcast %neg3A_1366 : f32 to vector<1x128xf32>
      %neg3A_1368 = arith.subf %neg3A_1367, %get3A_1365 : vector<1x128xf32>
      %eq3A_1369 = arith.constant 0.000000e+00 : f32
      %eq3A_1370 = vector.broadcast %eq3A_1369 : f32 to vector<1x128xf32>
      %eq3A_1371 = arith.cmpf oeq, %neg3A_1368, %eq3A_1370 : vector<1x128xf32>
      %jit3A_1372 = arith.constant 0.000000e+00 : f32
      %broadcast_in_dim3A_1373 = vector.broadcast %jit3A_1372 : f32 to vector<1x128xf32>
      %select_n3A_1374 = arith.select %eq3A_1371, %broadcast_in_dim3A_1373, %neg3A_1368 : vector<1x128xi1>, vector<1x128xf32>
      %bitcast_convert_type3A_1375 = tpu.bitcast %select_n3A_1374 : vector<1x128xf32> -> vector<1x128xi32>
      %ge3A_1376 = arith.constant 0 : i32
      %ge3A_1377 = vector.broadcast %ge3A_1376 : i32 to vector<1x128xi32>
      %ge3A_1378 = arith.cmpi sge, %bitcast_convert_type3A_1375, %ge3A_1377 : vector<1x128xi32>
      %not3A_1379 = arith.constant dense<-1> : vector<1x128xi32>
      %not3A_1380 = arith.xori %bitcast_convert_type3A_1375, %not3A_1379 : vector<1x128xi32>
      %xor3A_1381 = arith.constant -2147483648 : i32
      %xor3A_1382 = vector.broadcast %xor3A_1381 : i32 to vector<1x128xi32>
      %xor3A_1383 = arith.xori %not3A_1380, %xor3A_1382 : vector<1x128xi32>
      %select_n3A_1384 = arith.select %ge3A_1378, %bitcast_convert_type3A_1375, %xor3A_1383 : vector<1x128xi1>, vector<1x128xi32>
      %le3A_1385 = vector.broadcast %select_n3A_1384 : vector<1x128xi32> to vector<2048x128xi32>
      %le3A_1386 = arith.cmpi sle, %le3A_1385, %broadcast_in_dim3A_13 : vector<2048x128xi32>
      %jit3A_1387 = arith.constant 1.000000e+00 : f32
      %jit3A_1388 = arith.constant 0.000000e+00 : f32
      %broadcast_in_dim3A_1389 = vector.broadcast %jit3A_1387 : f32 to vector<2048x128xf32>
      %broadcast_in_dim3A_1390 = vector.broadcast %jit3A_1388 : f32 to vector<2048x128xf32>
      %select_n3A_1391 = arith.select %le3A_1386, %broadcast_in_dim3A_1389, %broadcast_in_dim3A_1390 : vector<2048x128xi1>, vector<2048x128xf32>
      %add3A_1392 = arith.addf %add3A_1356, %select_n3A_1391 : vector<2048x128xf32>
      %dot_general3A_1393 = arith.constant dense<0.000000e+00> : vector<2048x1xf32>
      %dot_general3A_1394 = tpu.matmul %add3A_1392, %broadcast_in_dim3A_17, %dot_general3A_1393 {dimension_numbers = #tpu.dot_dimension_numbers<[1], [0], [0], [1], [0, 0, 1, 1], [], []>, transpose_lhs_hint = false} : vector<2048x128xf32>, vector<128x1xf32>, vector<2048x1xf32> -> vector<2048x1xf32>
      %add3A_1395 = arith.addf %while3A_815, %dot_general3A_1394 : vector<2048x1xf32>
      scf.yield %add3A_1395 : vector<2048x1xf32>
    }
    %while3A_28 = arith.constant 1 : i32
    %while3A_29 = scf.for %while3A_814 = %while3A_25 to %while3A_21 step %while3A_28 iter_args(%while3A_815 = %while3A_27) -> (vector<2048x1xf32>)  : i32 {
      %broadcast_in_dim3A_816 = arith.constant 0.000000e+00 : f32
      %broadcast_in_dim3A_817 = vector.broadcast %broadcast_in_dim3A_816 : f32 to vector<2048x128xf32>
      %mul3A_818 = arith.constant 16 : i32
      %mul3A_819 = arith.muli %while3A_814, %mul3A_818 : i32
      %add3A_820 = arith.constant 0 : i32
      %add3A_821 = arith.addi %mul3A_819, %add3A_820 : i32
      %get3A_822 = arith.index_cast %add3A_821 : i32 to index
      %get3A_823 = arith.constant 0 : index
      %get3A_824 = arith.constant 0 : index
      %get3A_825 = vector.load %arg2[%get3A_822, %get3A_823, %get3A_824] : memref<80x1x128xf32, #tpu.memory_space<vmem>>, vector<1x1x128xf32>
      %get3A_826 = vector.shape_cast %get3A_825 : vector<1x1x128xf32> to vector<1x128xf32>
      %neg3A_827 = arith.constant 0.000000e+00 : f32
      %neg3A_828 = vector.broadcast %neg3A_827 : f32 to vector<1x128xf32>
      %neg3A_829 = arith.subf %neg3A_828, %get3A_826 : vector<1x128xf32>
      %eq3A_830 = arith.constant 0.000000e+00 : f32
      %eq3A_831 = vector.broadcast %eq3A_830 : f32 to vector<1x128xf32>
      %eq3A_832 = arith.cmpf oeq, %neg3A_829, %eq3A_831 : vector<1x128xf32>
      %jit3A_833 = arith.constant 0.000000e+00 : f32
      %broadcast_in_dim3A_834 = vector.broadcast %jit3A_833 : f32 to vector<1x128xf32>
      %select_n3A_835 = arith.select %eq3A_832, %broadcast_in_dim3A_834, %neg3A_829 : vector<1x128xi1>, vector<1x128xf32>
      %bitcast_convert_type3A_836 = tpu.bitcast %select_n3A_835 : vector<1x128xf32> -> vector<1x128xi32>
      %ge3A_837 = arith.constant 0 : i32
      %ge3A_838 = vector.broadcast %ge3A_837 : i32 to vector<1x128xi32>
      %ge3A_839 = arith.cmpi sge, %bitcast_convert_type3A_836, %ge3A_838 : vector<1x128xi32>
      %not3A_840 = arith.constant dense<-1> : vector<1x128xi32>
      %not3A_841 = arith.xori %bitcast_convert_type3A_836, %not3A_840 : vector<1x128xi32>
      %xor3A_842 = arith.constant -2147483648 : i32
      %xor3A_843 = vector.broadcast %xor3A_842 : i32 to vector<1x128xi32>
      %xor3A_844 = arith.xori %not3A_841, %xor3A_843 : vector<1x128xi32>
      %select_n3A_845 = arith.select %ge3A_839, %bitcast_convert_type3A_836, %xor3A_844 : vector<1x128xi1>, vector<1x128xi32>
      %le3A = vector.broadcast %select_n3A_845 : vector<1x128xi32> to vector<2048x128xi32>
      %le3A_846 = arith.cmpi sle, %le3A, %broadcast_in_dim3A_13 : vector<2048x128xi32>
      %jit3A_847 = arith.constant 1.000000e+00 : f32
      %jit3A_848 = arith.constant 0.000000e+00 : f32
      %broadcast_in_dim3A_849 = vector.broadcast %jit3A_847 : f32 to vector<2048x128xf32>
      %broadcast_in_dim3A_850 = vector.broadcast %jit3A_848 : f32 to vector<2048x128xf32>
      %select_n3A_851 = arith.select %le3A_846, %broadcast_in_dim3A_849, %broadcast_in_dim3A_850 : vector<2048x128xi1>, vector<2048x128xf32>
      %add3A_852 = arith.addf %broadcast_in_dim3A_817, %select_n3A_851 : vector<2048x128xf32>
      %mul3A_853 = arith.constant 16 : i32
      %mul3A_854 = arith.muli %while3A_814, %mul3A_853 : i32
      %add3A_855 = arith.constant 1 : i32
      %add3A_856 = arith.addi %mul3A_854, %add3A_855 : i32
      %get3A_857 = arith.index_cast %add3A_856 : i32 to index
      %get3A_858 = arith.constant 0 : index
      %get3A_859 = arith.constant 0 : index
      %get3A_860 = vector.load %arg2[%get3A_857, %get3A_858, %get3A_859] : memref<80x1x128xf32, #tpu.memory_space<vmem>>, vector<1x1x128xf32>
      %get3A_861 = vector.shape_cast %get3A_860 : vector<1x1x128xf32> to vector<1x128xf32>
      %neg3A_862 = arith.constant 0.000000e+00 : f32
      %neg3A_863 = vector.broadcast %neg3A_862 : f32 to vector<1x128xf32>
      %neg3A_864 = arith.subf %neg3A_863, %get3A_861 : vector<1x128xf32>
      %eq3A_865 = arith.constant 0.000000e+00 : f32
      %eq3A_866 = vector.broadcast %eq3A_865 : f32 to vector<1x128xf32>
      %eq3A_867 = arith.cmpf oeq, %neg3A_864, %eq3A_866 : vector<1x128xf32>
      %jit3A_868 = arith.constant 0.000000e+00 : f32
      %broadcast_in_dim3A_869 = vector.broadcast %jit3A_868 : f32 to vector<1x128xf32>
      %select_n3A_870 = arith.select %eq3A_867, %broadcast_in_dim3A_869, %neg3A_864 : vector<1x128xi1>, vector<1x128xf32>
      %bitcast_convert_type3A_871 = tpu.bitcast %select_n3A_870 : vector<1x128xf32> -> vector<1x128xi32>
      %ge3A_872 = arith.constant 0 : i32
      %ge3A_873 = vector.broadcast %ge3A_872 : i32 to vector<1x128xi32>
      %ge3A_874 = arith.cmpi sge, %bitcast_convert_type3A_871, %ge3A_873 : vector<1x128xi32>
      %not3A_875 = arith.constant dense<-1> : vector<1x128xi32>
      %not3A_876 = arith.xori %bitcast_convert_type3A_871, %not3A_875 : vector<1x128xi32>
      %xor3A_877 = arith.constant -2147483648 : i32
      %xor3A_878 = vector.broadcast %xor3A_877 : i32 to vector<1x128xi32>
      %xor3A_879 = arith.xori %not3A_876, %xor3A_878 : vector<1x128xi32>
      %select_n3A_880 = arith.select %ge3A_874, %bitcast_convert_type3A_871, %xor3A_879 : vector<1x128xi1>, vector<1x128xi32>
      %le3A_881 = vector.broadcast %select_n3A_880 : vector<1x128xi32> to vector<2048x128xi32>
      %le3A_882 = arith.cmpi sle, %le3A_881, %broadcast_in_dim3A_13 : vector<2048x128xi32>
      %jit3A_883 = arith.constant 1.000000e+00 : f32
      %jit3A_884 = arith.constant 0.000000e+00 : f32
      %broadcast_in_dim3A_885 = vector.broadcast %jit3A_883 : f32 to vector<2048x128xf32>
      %broadcast_in_dim3A_886 = vector.broadcast %jit3A_884 : f32 to vector<2048x128xf32>
      %select_n3A_887 = arith.select %le3A_882, %broadcast_in_dim3A_885, %broadcast_in_dim3A_886 : vector<2048x128xi1>, vector<2048x128xf32>
      %add3A_888 = arith.addf %add3A_852, %select_n3A_887 : vector<2048x128xf32>
      %mul3A_889 = arith.constant 16 : i32
      %mul3A_890 = arith.muli %while3A_814, %mul3A_889 : i32
      %add3A_891 = arith.constant 2 : i32
      %add3A_892 = arith.addi %mul3A_890, %add3A_891 : i32
      %get3A_893 = arith.index_cast %add3A_892 : i32 to index
      %get3A_894 = arith.constant 0 : index
      %get3A_895 = arith.constant 0 : index
      %get3A_896 = vector.load %arg2[%get3A_893, %get3A_894, %get3A_895] : memref<80x1x128xf32, #tpu.memory_space<vmem>>, vector<1x1x128xf32>
      %get3A_897 = vector.shape_cast %get3A_896 : vector<1x1x128xf32> to vector<1x128xf32>
      %neg3A_898 = arith.constant 0.000000e+00 : f32
      %neg3A_899 = vector.broadcast %neg3A_898 : f32 to vector<1x128xf32>
      %neg3A_900 = arith.subf %neg3A_899, %get3A_897 : vector<1x128xf32>
      %eq3A_901 = arith.constant 0.000000e+00 : f32
      %eq3A_902 = vector.broadcast %eq3A_901 : f32 to vector<1x128xf32>
      %eq3A_903 = arith.cmpf oeq, %neg3A_900, %eq3A_902 : vector<1x128xf32>
      %jit3A_904 = arith.constant 0.000000e+00 : f32
      %broadcast_in_dim3A_905 = vector.broadcast %jit3A_904 : f32 to vector<1x128xf32>
      %select_n3A_906 = arith.select %eq3A_903, %broadcast_in_dim3A_905, %neg3A_900 : vector<1x128xi1>, vector<1x128xf32>
      %bitcast_convert_type3A_907 = tpu.bitcast %select_n3A_906 : vector<1x128xf32> -> vector<1x128xi32>
      %ge3A_908 = arith.constant 0 : i32
      %ge3A_909 = vector.broadcast %ge3A_908 : i32 to vector<1x128xi32>
      %ge3A_910 = arith.cmpi sge, %bitcast_convert_type3A_907, %ge3A_909 : vector<1x128xi32>
      %not3A_911 = arith.constant dense<-1> : vector<1x128xi32>
      %not3A_912 = arith.xori %bitcast_convert_type3A_907, %not3A_911 : vector<1x128xi32>
      %xor3A_913 = arith.constant -2147483648 : i32
      %xor3A_914 = vector.broadcast %xor3A_913 : i32 to vector<1x128xi32>
      %xor3A_915 = arith.xori %not3A_912, %xor3A_914 : vector<1x128xi32>
      %select_n3A_916 = arith.select %ge3A_910, %bitcast_convert_type3A_907, %xor3A_915 : vector<1x128xi1>, vector<1x128xi32>
      %le3A_917 = vector.broadcast %select_n3A_916 : vector<1x128xi32> to vector<2048x128xi32>
      %le3A_918 = arith.cmpi sle, %le3A_917, %broadcast_in_dim3A_13 : vector<2048x128xi32>
      %jit3A_919 = arith.constant 1.000000e+00 : f32
      %jit3A_920 = arith.constant 0.000000e+00 : f32
      %broadcast_in_dim3A_921 = vector.broadcast %jit3A_919 : f32 to vector<2048x128xf32>
      %broadcast_in_dim3A_922 = vector.broadcast %jit3A_920 : f32 to vector<2048x128xf32>
      %select_n3A_923 = arith.select %le3A_918, %broadcast_in_dim3A_921, %broadcast_in_dim3A_922 : vector<2048x128xi1>, vector<2048x128xf32>
      %add3A_924 = arith.addf %add3A_888, %select_n3A_923 : vector<2048x128xf32>
      %mul3A_925 = arith.constant 16 : i32
      %mul3A_926 = arith.muli %while3A_814, %mul3A_925 : i32
      %add3A_927 = arith.constant 3 : i32
      %add3A_928 = arith.addi %mul3A_926, %add3A_927 : i32
      %get3A_929 = arith.index_cast %add3A_928 : i32 to index
      %get3A_930 = arith.constant 0 : index
      %get3A_931 = arith.constant 0 : index
      %get3A_932 = vector.load %arg2[%get3A_929, %get3A_930, %get3A_931] : memref<80x1x128xf32, #tpu.memory_space<vmem>>, vector<1x1x128xf32>
      %get3A_933 = vector.shape_cast %get3A_932 : vector<1x1x128xf32> to vector<1x128xf32>
      %neg3A_934 = arith.constant 0.000000e+00 : f32
      %neg3A_935 = vector.broadcast %neg3A_934 : f32 to vector<1x128xf32>
      %neg3A_936 = arith.subf %neg3A_935, %get3A_933 : vector<1x128xf32>
      %eq3A_937 = arith.constant 0.000000e+00 : f32
      %eq3A_938 = vector.broadcast %eq3A_937 : f32 to vector<1x128xf32>
      %eq3A_939 = arith.cmpf oeq, %neg3A_936, %eq3A_938 : vector<1x128xf32>
      %jit3A_940 = arith.constant 0.000000e+00 : f32
      %broadcast_in_dim3A_941 = vector.broadcast %jit3A_940 : f32 to vector<1x128xf32>
      %select_n3A_942 = arith.select %eq3A_939, %broadcast_in_dim3A_941, %neg3A_936 : vector<1x128xi1>, vector<1x128xf32>
      %bitcast_convert_type3A_943 = tpu.bitcast %select_n3A_942 : vector<1x128xf32> -> vector<1x128xi32>
      %ge3A_944 = arith.constant 0 : i32
      %ge3A_945 = vector.broadcast %ge3A_944 : i32 to vector<1x128xi32>
      %ge3A_946 = arith.cmpi sge, %bitcast_convert_type3A_943, %ge3A_945 : vector<1x128xi32>
      %not3A_947 = arith.constant dense<-1> : vector<1x128xi32>
      %not3A_948 = arith.xori %bitcast_convert_type3A_943, %not3A_947 : vector<1x128xi32>
      %xor3A_949 = arith.constant -2147483648 : i32
      %xor3A_950 = vector.broadcast %xor3A_949 : i32 to vector<1x128xi32>
      %xor3A_951 = arith.xori %not3A_948, %xor3A_950 : vector<1x128xi32>
      %select_n3A_952 = arith.select %ge3A_946, %bitcast_convert_type3A_943, %xor3A_951 : vector<1x128xi1>, vector<1x128xi32>
      %le3A_953 = vector.broadcast %select_n3A_952 : vector<1x128xi32> to vector<2048x128xi32>
      %le3A_954 = arith.cmpi sle, %le3A_953, %broadcast_in_dim3A_13 : vector<2048x128xi32>
      %jit3A_955 = arith.constant 1.000000e+00 : f32
      %jit3A_956 = arith.constant 0.000000e+00 : f32
      %broadcast_in_dim3A_957 = vector.broadcast %jit3A_955 : f32 to vector<2048x128xf32>
      %broadcast_in_dim3A_958 = vector.broadcast %jit3A_956 : f32 to vector<2048x128xf32>
      %select_n3A_959 = arith.select %le3A_954, %broadcast_in_dim3A_957, %broadcast_in_dim3A_958 : vector<2048x128xi1>, vector<2048x128xf32>
      %add3A_960 = arith.addf %add3A_924, %select_n3A_959 : vector<2048x128xf32>
      %mul3A_961 = arith.constant 16 : i32
      %mul3A_962 = arith.muli %while3A_814, %mul3A_961 : i32
      %add3A_963 = arith.constant 4 : i32
      %add3A_964 = arith.addi %mul3A_962, %add3A_963 : i32
      %get3A_965 = arith.index_cast %add3A_964 : i32 to index
      %get3A_966 = arith.constant 0 : index
      %get3A_967 = arith.constant 0 : index
      %get3A_968 = vector.load %arg2[%get3A_965, %get3A_966, %get3A_967] : memref<80x1x128xf32, #tpu.memory_space<vmem>>, vector<1x1x128xf32>
      %get3A_969 = vector.shape_cast %get3A_968 : vector<1x1x128xf32> to vector<1x128xf32>
      %neg3A_970 = arith.constant 0.000000e+00 : f32
      %neg3A_971 = vector.broadcast %neg3A_970 : f32 to vector<1x128xf32>
      %neg3A_972 = arith.subf %neg3A_971, %get3A_969 : vector<1x128xf32>
      %eq3A_973 = arith.constant 0.000000e+00 : f32
      %eq3A_974 = vector.broadcast %eq3A_973 : f32 to vector<1x128xf32>
      %eq3A_975 = arith.cmpf oeq, %neg3A_972, %eq3A_974 : vector<1x128xf32>
      %jit3A_976 = arith.constant 0.000000e+00 : f32
      %broadcast_in_dim3A_977 = vector.broadcast %jit3A_976 : f32 to vector<1x128xf32>
      %select_n3A_978 = arith.select %eq3A_975, %broadcast_in_dim3A_977, %neg3A_972 : vector<1x128xi1>, vector<1x128xf32>
      %bitcast_convert_type3A_979 = tpu.bitcast %select_n3A_978 : vector<1x128xf32> -> vector<1x128xi32>
      %ge3A_980 = arith.constant 0 : i32
      %ge3A_981 = vector.broadcast %ge3A_980 : i32 to vector<1x128xi32>
      %ge3A_982 = arith.cmpi sge, %bitcast_convert_type3A_979, %ge3A_981 : vector<1x128xi32>
      %not3A_983 = arith.constant dense<-1> : vector<1x128xi32>
      %not3A_984 = arith.xori %bitcast_convert_type3A_979, %not3A_983 : vector<1x128xi32>
      %xor3A_985 = arith.constant -2147483648 : i32
      %xor3A_986 = vector.broadcast %xor3A_985 : i32 to vector<1x128xi32>
      %xor3A_987 = arith.xori %not3A_984, %xor3A_986 : vector<1x128xi32>
      %select_n3A_988 = arith.select %ge3A_982, %bitcast_convert_type3A_979, %xor3A_987 : vector<1x128xi1>, vector<1x128xi32>
      %le3A_989 = vector.broadcast %select_n3A_988 : vector<1x128xi32> to vector<2048x128xi32>
      %le3A_990 = arith.cmpi sle, %le3A_989, %broadcast_in_dim3A_13 : vector<2048x128xi32>
      %jit3A_991 = arith.constant 1.000000e+00 : f32
      %jit3A_992 = arith.constant 0.000000e+00 : f32
      %broadcast_in_dim3A_993 = vector.broadcast %jit3A_991 : f32 to vector<2048x128xf32>
      %broadcast_in_dim3A_994 = vector.broadcast %jit3A_992 : f32 to vector<2048x128xf32>
      %select_n3A_995 = arith.select %le3A_990, %broadcast_in_dim3A_993, %broadcast_in_dim3A_994 : vector<2048x128xi1>, vector<2048x128xf32>
      %add3A_996 = arith.addf %add3A_960, %select_n3A_995 : vector<2048x128xf32>
      %mul3A_997 = arith.constant 16 : i32
      %mul3A_998 = arith.muli %while3A_814, %mul3A_997 : i32
      %add3A_999 = arith.constant 5 : i32
      %add3A_1000 = arith.addi %mul3A_998, %add3A_999 : i32
      %get3A_1001 = arith.index_cast %add3A_1000 : i32 to index
      %get3A_1002 = arith.constant 0 : index
      %get3A_1003 = arith.constant 0 : index
      %get3A_1004 = vector.load %arg2[%get3A_1001, %get3A_1002, %get3A_1003] : memref<80x1x128xf32, #tpu.memory_space<vmem>>, vector<1x1x128xf32>
      %get3A_1005 = vector.shape_cast %get3A_1004 : vector<1x1x128xf32> to vector<1x128xf32>
      %neg3A_1006 = arith.constant 0.000000e+00 : f32
      %neg3A_1007 = vector.broadcast %neg3A_1006 : f32 to vector<1x128xf32>
      %neg3A_1008 = arith.subf %neg3A_1007, %get3A_1005 : vector<1x128xf32>
      %eq3A_1009 = arith.constant 0.000000e+00 : f32
      %eq3A_1010 = vector.broadcast %eq3A_1009 : f32 to vector<1x128xf32>
      %eq3A_1011 = arith.cmpf oeq, %neg3A_1008, %eq3A_1010 : vector<1x128xf32>
      %jit3A_1012 = arith.constant 0.000000e+00 : f32
      %broadcast_in_dim3A_1013 = vector.broadcast %jit3A_1012 : f32 to vector<1x128xf32>
      %select_n3A_1014 = arith.select %eq3A_1011, %broadcast_in_dim3A_1013, %neg3A_1008 : vector<1x128xi1>, vector<1x128xf32>
      %bitcast_convert_type3A_1015 = tpu.bitcast %select_n3A_1014 : vector<1x128xf32> -> vector<1x128xi32>
      %ge3A_1016 = arith.constant 0 : i32
      %ge3A_1017 = vector.broadcast %ge3A_1016 : i32 to vector<1x128xi32>
      %ge3A_1018 = arith.cmpi sge, %bitcast_convert_type3A_1015, %ge3A_1017 : vector<1x128xi32>
      %not3A_1019 = arith.constant dense<-1> : vector<1x128xi32>
      %not3A_1020 = arith.xori %bitcast_convert_type3A_1015, %not3A_1019 : vector<1x128xi32>
      %xor3A_1021 = arith.constant -2147483648 : i32
      %xor3A_1022 = vector.broadcast %xor3A_1021 : i32 to vector<1x128xi32>
      %xor3A_1023 = arith.xori %not3A_1020, %xor3A_1022 : vector<1x128xi32>
      %select_n3A_1024 = arith.select %ge3A_1018, %bitcast_convert_type3A_1015, %xor3A_1023 : vector<1x128xi1>, vector<1x128xi32>
      %le3A_1025 = vector.broadcast %select_n3A_1024 : vector<1x128xi32> to vector<2048x128xi32>
      %le3A_1026 = arith.cmpi sle, %le3A_1025, %broadcast_in_dim3A_13 : vector<2048x128xi32>
      %jit3A_1027 = arith.constant 1.000000e+00 : f32
      %jit3A_1028 = arith.constant 0.000000e+00 : f32
      %broadcast_in_dim3A_1029 = vector.broadcast %jit3A_1027 : f32 to vector<2048x128xf32>
      %broadcast_in_dim3A_1030 = vector.broadcast %jit3A_1028 : f32 to vector<2048x128xf32>
      %select_n3A_1031 = arith.select %le3A_1026, %broadcast_in_dim3A_1029, %broadcast_in_dim3A_1030 : vector<2048x128xi1>, vector<2048x128xf32>
      %add3A_1032 = arith.addf %add3A_996, %select_n3A_1031 : vector<2048x128xf32>
      %mul3A_1033 = arith.constant 16 : i32
      %mul3A_1034 = arith.muli %while3A_814, %mul3A_1033 : i32
      %add3A_1035 = arith.constant 6 : i32
      %add3A_1036 = arith.addi %mul3A_1034, %add3A_1035 : i32
      %get3A_1037 = arith.index_cast %add3A_1036 : i32 to index
      %get3A_1038 = arith.constant 0 : index
      %get3A_1039 = arith.constant 0 : index
      %get3A_1040 = vector.load %arg2[%get3A_1037, %get3A_1038, %get3A_1039] : memref<80x1x128xf32, #tpu.memory_space<vmem>>, vector<1x1x128xf32>
      %get3A_1041 = vector.shape_cast %get3A_1040 : vector<1x1x128xf32> to vector<1x128xf32>
      %neg3A_1042 = arith.constant 0.000000e+00 : f32
      %neg3A_1043 = vector.broadcast %neg3A_1042 : f32 to vector<1x128xf32>
      %neg3A_1044 = arith.subf %neg3A_1043, %get3A_1041 : vector<1x128xf32>
      %eq3A_1045 = arith.constant 0.000000e+00 : f32
      %eq3A_1046 = vector.broadcast %eq3A_1045 : f32 to vector<1x128xf32>
      %eq3A_1047 = arith.cmpf oeq, %neg3A_1044, %eq3A_1046 : vector<1x128xf32>
      %jit3A_1048 = arith.constant 0.000000e+00 : f32
      %broadcast_in_dim3A_1049 = vector.broadcast %jit3A_1048 : f32 to vector<1x128xf32>
      %select_n3A_1050 = arith.select %eq3A_1047, %broadcast_in_dim3A_1049, %neg3A_1044 : vector<1x128xi1>, vector<1x128xf32>
      %bitcast_convert_type3A_1051 = tpu.bitcast %select_n3A_1050 : vector<1x128xf32> -> vector<1x128xi32>
      %ge3A_1052 = arith.constant 0 : i32
      %ge3A_1053 = vector.broadcast %ge3A_1052 : i32 to vector<1x128xi32>
      %ge3A_1054 = arith.cmpi sge, %bitcast_convert_type3A_1051, %ge3A_1053 : vector<1x128xi32>
      %not3A_1055 = arith.constant dense<-1> : vector<1x128xi32>
      %not3A_1056 = arith.xori %bitcast_convert_type3A_1051, %not3A_1055 : vector<1x128xi32>
      %xor3A_1057 = arith.constant -2147483648 : i32
      %xor3A_1058 = vector.broadcast %xor3A_1057 : i32 to vector<1x128xi32>
      %xor3A_1059 = arith.xori %not3A_1056, %xor3A_1058 : vector<1x128xi32>
      %select_n3A_1060 = arith.select %ge3A_1054, %bitcast_convert_type3A_1051, %xor3A_1059 : vector<1x128xi1>, vector<1x128xi32>
      %le3A_1061 = vector.broadcast %select_n3A_1060 : vector<1x128xi32> to vector<2048x128xi32>
      %le3A_1062 = arith.cmpi sle, %le3A_1061, %broadcast_in_dim3A_13 : vector<2048x128xi32>
      %jit3A_1063 = arith.constant 1.000000e+00 : f32
      %jit3A_1064 = arith.constant 0.000000e+00 : f32
      %broadcast_in_dim3A_1065 = vector.broadcast %jit3A_1063 : f32 to vector<2048x128xf32>
      %broadcast_in_dim3A_1066 = vector.broadcast %jit3A_1064 : f32 to vector<2048x128xf32>
      %select_n3A_1067 = arith.select %le3A_1062, %broadcast_in_dim3A_1065, %broadcast_in_dim3A_1066 : vector<2048x128xi1>, vector<2048x128xf32>
      %add3A_1068 = arith.addf %add3A_1032, %select_n3A_1067 : vector<2048x128xf32>
      %mul3A_1069 = arith.constant 16 : i32
      %mul3A_1070 = arith.muli %while3A_814, %mul3A_1069 : i32
      %add3A_1071 = arith.constant 7 : i32
      %add3A_1072 = arith.addi %mul3A_1070, %add3A_1071 : i32
      %get3A_1073 = arith.index_cast %add3A_1072 : i32 to index
      %get3A_1074 = arith.constant 0 : index
      %get3A_1075 = arith.constant 0 : index
      %get3A_1076 = vector.load %arg2[%get3A_1073, %get3A_1074, %get3A_1075] : memref<80x1x128xf32, #tpu.memory_space<vmem>>, vector<1x1x128xf32>
      %get3A_1077 = vector.shape_cast %get3A_1076 : vector<1x1x128xf32> to vector<1x128xf32>
      %neg3A_1078 = arith.constant 0.000000e+00 : f32
      %neg3A_1079 = vector.broadcast %neg3A_1078 : f32 to vector<1x128xf32>
      %neg3A_1080 = arith.subf %neg3A_1079, %get3A_1077 : vector<1x128xf32>
      %eq3A_1081 = arith.constant 0.000000e+00 : f32
      %eq3A_1082 = vector.broadcast %eq3A_1081 : f32 to vector<1x128xf32>
      %eq3A_1083 = arith.cmpf oeq, %neg3A_1080, %eq3A_1082 : vector<1x128xf32>
      %jit3A_1084 = arith.constant 0.000000e+00 : f32
      %broadcast_in_dim3A_1085 = vector.broadcast %jit3A_1084 : f32 to vector<1x128xf32>
      %select_n3A_1086 = arith.select %eq3A_1083, %broadcast_in_dim3A_1085, %neg3A_1080 : vector<1x128xi1>, vector<1x128xf32>
      %bitcast_convert_type3A_1087 = tpu.bitcast %select_n3A_1086 : vector<1x128xf32> -> vector<1x128xi32>
      %ge3A_1088 = arith.constant 0 : i32
      %ge3A_1089 = vector.broadcast %ge3A_1088 : i32 to vector<1x128xi32>
      %ge3A_1090 = arith.cmpi sge, %bitcast_convert_type3A_1087, %ge3A_1089 : vector<1x128xi32>
      %not3A_1091 = arith.constant dense<-1> : vector<1x128xi32>
      %not3A_1092 = arith.xori %bitcast_convert_type3A_1087, %not3A_1091 : vector<1x128xi32>
      %xor3A_1093 = arith.constant -2147483648 : i32
      %xor3A_1094 = vector.broadcast %xor3A_1093 : i32 to vector<1x128xi32>
      %xor3A_1095 = arith.xori %not3A_1092, %xor3A_1094 : vector<1x128xi32>
      %select_n3A_1096 = arith.select %ge3A_1090, %bitcast_convert_type3A_1087, %xor3A_1095 : vector<1x128xi1>, vector<1x128xi32>
      %le3A_1097 = vector.broadcast %select_n3A_1096 : vector<1x128xi32> to vector<2048x128xi32>
      %le3A_1098 = arith.cmpi sle, %le3A_1097, %broadcast_in_dim3A_13 : vector<2048x128xi32>
      %jit3A_1099 = arith.constant 1.000000e+00 : f32
      %jit3A_1100 = arith.constant 0.000000e+00 : f32
      %broadcast_in_dim3A_1101 = vector.broadcast %jit3A_1099 : f32 to vector<2048x128xf32>
      %broadcast_in_dim3A_1102 = vector.broadcast %jit3A_1100 : f32 to vector<2048x128xf32>
      %select_n3A_1103 = arith.select %le3A_1098, %broadcast_in_dim3A_1101, %broadcast_in_dim3A_1102 : vector<2048x128xi1>, vector<2048x128xf32>
      %add3A_1104 = arith.addf %add3A_1068, %select_n3A_1103 : vector<2048x128xf32>
      %mul3A_1105 = arith.constant 16 : i32
      %mul3A_1106 = arith.muli %while3A_814, %mul3A_1105 : i32
      %add3A_1107 = arith.constant 8 : i32
      %add3A_1108 = arith.addi %mul3A_1106, %add3A_1107 : i32
      %get3A_1109 = arith.index_cast %add3A_1108 : i32 to index
      %get3A_1110 = arith.constant 0 : index
      %get3A_1111 = arith.constant 0 : index
      %get3A_1112 = vector.load %arg2[%get3A_1109, %get3A_1110, %get3A_1111] : memref<80x1x128xf32, #tpu.memory_space<vmem>>, vector<1x1x128xf32>
      %get3A_1113 = vector.shape_cast %get3A_1112 : vector<1x1x128xf32> to vector<1x128xf32>
      %neg3A_1114 = arith.constant 0.000000e+00 : f32
      %neg3A_1115 = vector.broadcast %neg3A_1114 : f32 to vector<1x128xf32>
      %neg3A_1116 = arith.subf %neg3A_1115, %get3A_1113 : vector<1x128xf32>
      %eq3A_1117 = arith.constant 0.000000e+00 : f32
      %eq3A_1118 = vector.broadcast %eq3A_1117 : f32 to vector<1x128xf32>
      %eq3A_1119 = arith.cmpf oeq, %neg3A_1116, %eq3A_1118 : vector<1x128xf32>
      %jit3A_1120 = arith.constant 0.000000e+00 : f32
      %broadcast_in_dim3A_1121 = vector.broadcast %jit3A_1120 : f32 to vector<1x128xf32>
      %select_n3A_1122 = arith.select %eq3A_1119, %broadcast_in_dim3A_1121, %neg3A_1116 : vector<1x128xi1>, vector<1x128xf32>
      %bitcast_convert_type3A_1123 = tpu.bitcast %select_n3A_1122 : vector<1x128xf32> -> vector<1x128xi32>
      %ge3A_1124 = arith.constant 0 : i32
      %ge3A_1125 = vector.broadcast %ge3A_1124 : i32 to vector<1x128xi32>
      %ge3A_1126 = arith.cmpi sge, %bitcast_convert_type3A_1123, %ge3A_1125 : vector<1x128xi32>
      %not3A_1127 = arith.constant dense<-1> : vector<1x128xi32>
      %not3A_1128 = arith.xori %bitcast_convert_type3A_1123, %not3A_1127 : vector<1x128xi32>
      %xor3A_1129 = arith.constant -2147483648 : i32
      %xor3A_1130 = vector.broadcast %xor3A_1129 : i32 to vector<1x128xi32>
      %xor3A_1131 = arith.xori %not3A_1128, %xor3A_1130 : vector<1x128xi32>
      %select_n3A_1132 = arith.select %ge3A_1126, %bitcast_convert_type3A_1123, %xor3A_1131 : vector<1x128xi1>, vector<1x128xi32>
      %le3A_1133 = vector.broadcast %select_n3A_1132 : vector<1x128xi32> to vector<2048x128xi32>
      %le3A_1134 = arith.cmpi sle, %le3A_1133, %broadcast_in_dim3A_13 : vector<2048x128xi32>
      %jit3A_1135 = arith.constant 1.000000e+00 : f32
      %jit3A_1136 = arith.constant 0.000000e+00 : f32
      %broadcast_in_dim3A_1137 = vector.broadcast %jit3A_1135 : f32 to vector<2048x128xf32>
      %broadcast_in_dim3A_1138 = vector.broadcast %jit3A_1136 : f32 to vector<2048x128xf32>
      %select_n3A_1139 = arith.select %le3A_1134, %broadcast_in_dim3A_1137, %broadcast_in_dim3A_1138 : vector<2048x128xi1>, vector<2048x128xf32>
      %add3A_1140 = arith.addf %add3A_1104, %select_n3A_1139 : vector<2048x128xf32>
      %mul3A_1141 = arith.constant 16 : i32
      %mul3A_1142 = arith.muli %while3A_814, %mul3A_1141 : i32
      %add3A_1143 = arith.constant 9 : i32
      %add3A_1144 = arith.addi %mul3A_1142, %add3A_1143 : i32
      %get3A_1145 = arith.index_cast %add3A_1144 : i32 to index
      %get3A_1146 = arith.constant 0 : index
      %get3A_1147 = arith.constant 0 : index
      %get3A_1148 = vector.load %arg2[%get3A_1145, %get3A_1146, %get3A_1147] : memref<80x1x128xf32, #tpu.memory_space<vmem>>, vector<1x1x128xf32>
      %get3A_1149 = vector.shape_cast %get3A_1148 : vector<1x1x128xf32> to vector<1x128xf32>
      %neg3A_1150 = arith.constant 0.000000e+00 : f32
      %neg3A_1151 = vector.broadcast %neg3A_1150 : f32 to vector<1x128xf32>
      %neg3A_1152 = arith.subf %neg3A_1151, %get3A_1149 : vector<1x128xf32>
      %eq3A_1153 = arith.constant 0.000000e+00 : f32
      %eq3A_1154 = vector.broadcast %eq3A_1153 : f32 to vector<1x128xf32>
      %eq3A_1155 = arith.cmpf oeq, %neg3A_1152, %eq3A_1154 : vector<1x128xf32>
      %jit3A_1156 = arith.constant 0.000000e+00 : f32
      %broadcast_in_dim3A_1157 = vector.broadcast %jit3A_1156 : f32 to vector<1x128xf32>
      %select_n3A_1158 = arith.select %eq3A_1155, %broadcast_in_dim3A_1157, %neg3A_1152 : vector<1x128xi1>, vector<1x128xf32>
      %bitcast_convert_type3A_1159 = tpu.bitcast %select_n3A_1158 : vector<1x128xf32> -> vector<1x128xi32>
      %ge3A_1160 = arith.constant 0 : i32
      %ge3A_1161 = vector.broadcast %ge3A_1160 : i32 to vector<1x128xi32>
      %ge3A_1162 = arith.cmpi sge, %bitcast_convert_type3A_1159, %ge3A_1161 : vector<1x128xi32>
      %not3A_1163 = arith.constant dense<-1> : vector<1x128xi32>
      %not3A_1164 = arith.xori %bitcast_convert_type3A_1159, %not3A_1163 : vector<1x128xi32>
      %xor3A_1165 = arith.constant -2147483648 : i32
      %xor3A_1166 = vector.broadcast %xor3A_1165 : i32 to vector<1x128xi32>
      %xor3A_1167 = arith.xori %not3A_1164, %xor3A_1166 : vector<1x128xi32>
      %select_n3A_1168 = arith.select %ge3A_1162, %bitcast_convert_type3A_1159, %xor3A_1167 : vector<1x128xi1>, vector<1x128xi32>
      %le3A_1169 = vector.broadcast %select_n3A_1168 : vector<1x128xi32> to vector<2048x128xi32>
      %le3A_1170 = arith.cmpi sle, %le3A_1169, %broadcast_in_dim3A_13 : vector<2048x128xi32>
      %jit3A_1171 = arith.constant 1.000000e+00 : f32
      %jit3A_1172 = arith.constant 0.000000e+00 : f32
      %broadcast_in_dim3A_1173 = vector.broadcast %jit3A_1171 : f32 to vector<2048x128xf32>
      %broadcast_in_dim3A_1174 = vector.broadcast %jit3A_1172 : f32 to vector<2048x128xf32>
      %select_n3A_1175 = arith.select %le3A_1170, %broadcast_in_dim3A_1173, %broadcast_in_dim3A_1174 : vector<2048x128xi1>, vector<2048x128xf32>
      %add3A_1176 = arith.addf %add3A_1140, %select_n3A_1175 : vector<2048x128xf32>
      %mul3A_1177 = arith.constant 16 : i32
      %mul3A_1178 = arith.muli %while3A_814, %mul3A_1177 : i32
      %add3A_1179 = arith.constant 10 : i32
      %add3A_1180 = arith.addi %mul3A_1178, %add3A_1179 : i32
      %get3A_1181 = arith.index_cast %add3A_1180 : i32 to index
      %get3A_1182 = arith.constant 0 : index
      %get3A_1183 = arith.constant 0 : index
      %get3A_1184 = vector.load %arg2[%get3A_1181, %get3A_1182, %get3A_1183] : memref<80x1x128xf32, #tpu.memory_space<vmem>>, vector<1x1x128xf32>
      %get3A_1185 = vector.shape_cast %get3A_1184 : vector<1x1x128xf32> to vector<1x128xf32>
      %neg3A_1186 = arith.constant 0.000000e+00 : f32
      %neg3A_1187 = vector.broadcast %neg3A_1186 : f32 to vector<1x128xf32>
      %neg3A_1188 = arith.subf %neg3A_1187, %get3A_1185 : vector<1x128xf32>
      %eq3A_1189 = arith.constant 0.000000e+00 : f32
      %eq3A_1190 = vector.broadcast %eq3A_1189 : f32 to vector<1x128xf32>
      %eq3A_1191 = arith.cmpf oeq, %neg3A_1188, %eq3A_1190 : vector<1x128xf32>
      %jit3A_1192 = arith.constant 0.000000e+00 : f32
      %broadcast_in_dim3A_1193 = vector.broadcast %jit3A_1192 : f32 to vector<1x128xf32>
      %select_n3A_1194 = arith.select %eq3A_1191, %broadcast_in_dim3A_1193, %neg3A_1188 : vector<1x128xi1>, vector<1x128xf32>
      %bitcast_convert_type3A_1195 = tpu.bitcast %select_n3A_1194 : vector<1x128xf32> -> vector<1x128xi32>
      %ge3A_1196 = arith.constant 0 : i32
      %ge3A_1197 = vector.broadcast %ge3A_1196 : i32 to vector<1x128xi32>
      %ge3A_1198 = arith.cmpi sge, %bitcast_convert_type3A_1195, %ge3A_1197 : vector<1x128xi32>
      %not3A_1199 = arith.constant dense<-1> : vector<1x128xi32>
      %not3A_1200 = arith.xori %bitcast_convert_type3A_1195, %not3A_1199 : vector<1x128xi32>
      %xor3A_1201 = arith.constant -2147483648 : i32
      %xor3A_1202 = vector.broadcast %xor3A_1201 : i32 to vector<1x128xi32>
      %xor3A_1203 = arith.xori %not3A_1200, %xor3A_1202 : vector<1x128xi32>
      %select_n3A_1204 = arith.select %ge3A_1198, %bitcast_convert_type3A_1195, %xor3A_1203 : vector<1x128xi1>, vector<1x128xi32>
      %le3A_1205 = vector.broadcast %select_n3A_1204 : vector<1x128xi32> to vector<2048x128xi32>
      %le3A_1206 = arith.cmpi sle, %le3A_1205, %broadcast_in_dim3A_13 : vector<2048x128xi32>
      %jit3A_1207 = arith.constant 1.000000e+00 : f32
      %jit3A_1208 = arith.constant 0.000000e+00 : f32
      %broadcast_in_dim3A_1209 = vector.broadcast %jit3A_1207 : f32 to vector<2048x128xf32>
      %broadcast_in_dim3A_1210 = vector.broadcast %jit3A_1208 : f32 to vector<2048x128xf32>
      %select_n3A_1211 = arith.select %le3A_1206, %broadcast_in_dim3A_1209, %broadcast_in_dim3A_1210 : vector<2048x128xi1>, vector<2048x128xf32>
      %add3A_1212 = arith.addf %add3A_1176, %select_n3A_1211 : vector<2048x128xf32>
      %mul3A_1213 = arith.constant 16 : i32
      %mul3A_1214 = arith.muli %while3A_814, %mul3A_1213 : i32
      %add3A_1215 = arith.constant 11 : i32
      %add3A_1216 = arith.addi %mul3A_1214, %add3A_1215 : i32
      %get3A_1217 = arith.index_cast %add3A_1216 : i32 to index
      %get3A_1218 = arith.constant 0 : index
      %get3A_1219 = arith.constant 0 : index
      %get3A_1220 = vector.load %arg2[%get3A_1217, %get3A_1218, %get3A_1219] : memref<80x1x128xf32, #tpu.memory_space<vmem>>, vector<1x1x128xf32>
      %get3A_1221 = vector.shape_cast %get3A_1220 : vector<1x1x128xf32> to vector<1x128xf32>
      %neg3A_1222 = arith.constant 0.000000e+00 : f32
      %neg3A_1223 = vector.broadcast %neg3A_1222 : f32 to vector<1x128xf32>
      %neg3A_1224 = arith.subf %neg3A_1223, %get3A_1221 : vector<1x128xf32>
      %eq3A_1225 = arith.constant 0.000000e+00 : f32
      %eq3A_1226 = vector.broadcast %eq3A_1225 : f32 to vector<1x128xf32>
      %eq3A_1227 = arith.cmpf oeq, %neg3A_1224, %eq3A_1226 : vector<1x128xf32>
      %jit3A_1228 = arith.constant 0.000000e+00 : f32
      %broadcast_in_dim3A_1229 = vector.broadcast %jit3A_1228 : f32 to vector<1x128xf32>
      %select_n3A_1230 = arith.select %eq3A_1227, %broadcast_in_dim3A_1229, %neg3A_1224 : vector<1x128xi1>, vector<1x128xf32>
      %bitcast_convert_type3A_1231 = tpu.bitcast %select_n3A_1230 : vector<1x128xf32> -> vector<1x128xi32>
      %ge3A_1232 = arith.constant 0 : i32
      %ge3A_1233 = vector.broadcast %ge3A_1232 : i32 to vector<1x128xi32>
      %ge3A_1234 = arith.cmpi sge, %bitcast_convert_type3A_1231, %ge3A_1233 : vector<1x128xi32>
      %not3A_1235 = arith.constant dense<-1> : vector<1x128xi32>
      %not3A_1236 = arith.xori %bitcast_convert_type3A_1231, %not3A_1235 : vector<1x128xi32>
      %xor3A_1237 = arith.constant -2147483648 : i32
      %xor3A_1238 = vector.broadcast %xor3A_1237 : i32 to vector<1x128xi32>
      %xor3A_1239 = arith.xori %not3A_1236, %xor3A_1238 : vector<1x128xi32>
      %select_n3A_1240 = arith.select %ge3A_1234, %bitcast_convert_type3A_1231, %xor3A_1239 : vector<1x128xi1>, vector<1x128xi32>
      %le3A_1241 = vector.broadcast %select_n3A_1240 : vector<1x128xi32> to vector<2048x128xi32>
      %le3A_1242 = arith.cmpi sle, %le3A_1241, %broadcast_in_dim3A_13 : vector<2048x128xi32>
      %jit3A_1243 = arith.constant 1.000000e+00 : f32
      %jit3A_1244 = arith.constant 0.000000e+00 : f32
      %broadcast_in_dim3A_1245 = vector.broadcast %jit3A_1243 : f32 to vector<2048x128xf32>
      %broadcast_in_dim3A_1246 = vector.broadcast %jit3A_1244 : f32 to vector<2048x128xf32>
      %select_n3A_1247 = arith.select %le3A_1242, %broadcast_in_dim3A_1245, %broadcast_in_dim3A_1246 : vector<2048x128xi1>, vector<2048x128xf32>
      %add3A_1248 = arith.addf %add3A_1212, %select_n3A_1247 : vector<2048x128xf32>
      %mul3A_1249 = arith.constant 16 : i32
      %mul3A_1250 = arith.muli %while3A_814, %mul3A_1249 : i32
      %add3A_1251 = arith.constant 12 : i32
      %add3A_1252 = arith.addi %mul3A_1250, %add3A_1251 : i32
      %get3A_1253 = arith.index_cast %add3A_1252 : i32 to index
      %get3A_1254 = arith.constant 0 : index
      %get3A_1255 = arith.constant 0 : index
      %get3A_1256 = vector.load %arg2[%get3A_1253, %get3A_1254, %get3A_1255] : memref<80x1x128xf32, #tpu.memory_space<vmem>>, vector<1x1x128xf32>
      %get3A_1257 = vector.shape_cast %get3A_1256 : vector<1x1x128xf32> to vector<1x128xf32>
      %neg3A_1258 = arith.constant 0.000000e+00 : f32
      %neg3A_1259 = vector.broadcast %neg3A_1258 : f32 to vector<1x128xf32>
      %neg3A_1260 = arith.subf %neg3A_1259, %get3A_1257 : vector<1x128xf32>
      %eq3A_1261 = arith.constant 0.000000e+00 : f32
      %eq3A_1262 = vector.broadcast %eq3A_1261 : f32 to vector<1x128xf32>
      %eq3A_1263 = arith.cmpf oeq, %neg3A_1260, %eq3A_1262 : vector<1x128xf32>
      %jit3A_1264 = arith.constant 0.000000e+00 : f32
      %broadcast_in_dim3A_1265 = vector.broadcast %jit3A_1264 : f32 to vector<1x128xf32>
      %select_n3A_1266 = arith.select %eq3A_1263, %broadcast_in_dim3A_1265, %neg3A_1260 : vector<1x128xi1>, vector<1x128xf32>
      %bitcast_convert_type3A_1267 = tpu.bitcast %select_n3A_1266 : vector<1x128xf32> -> vector<1x128xi32>
      %ge3A_1268 = arith.constant 0 : i32
      %ge3A_1269 = vector.broadcast %ge3A_1268 : i32 to vector<1x128xi32>
      %ge3A_1270 = arith.cmpi sge, %bitcast_convert_type3A_1267, %ge3A_1269 : vector<1x128xi32>
      %not3A_1271 = arith.constant dense<-1> : vector<1x128xi32>
      %not3A_1272 = arith.xori %bitcast_convert_type3A_1267, %not3A_1271 : vector<1x128xi32>
      %xor3A_1273 = arith.constant -2147483648 : i32
      %xor3A_1274 = vector.broadcast %xor3A_1273 : i32 to vector<1x128xi32>
      %xor3A_1275 = arith.xori %not3A_1272, %xor3A_1274 : vector<1x128xi32>
      %select_n3A_1276 = arith.select %ge3A_1270, %bitcast_convert_type3A_1267, %xor3A_1275 : vector<1x128xi1>, vector<1x128xi32>
      %le3A_1277 = vector.broadcast %select_n3A_1276 : vector<1x128xi32> to vector<2048x128xi32>
      %le3A_1278 = arith.cmpi sle, %le3A_1277, %broadcast_in_dim3A_13 : vector<2048x128xi32>
      %jit3A_1279 = arith.constant 1.000000e+00 : f32
      %jit3A_1280 = arith.constant 0.000000e+00 : f32
      %broadcast_in_dim3A_1281 = vector.broadcast %jit3A_1279 : f32 to vector<2048x128xf32>
      %broadcast_in_dim3A_1282 = vector.broadcast %jit3A_1280 : f32 to vector<2048x128xf32>
      %select_n3A_1283 = arith.select %le3A_1278, %broadcast_in_dim3A_1281, %broadcast_in_dim3A_1282 : vector<2048x128xi1>, vector<2048x128xf32>
      %add3A_1284 = arith.addf %add3A_1248, %select_n3A_1283 : vector<2048x128xf32>
      %mul3A_1285 = arith.constant 16 : i32
      %mul3A_1286 = arith.muli %while3A_814, %mul3A_1285 : i32
      %add3A_1287 = arith.constant 13 : i32
      %add3A_1288 = arith.addi %mul3A_1286, %add3A_1287 : i32
      %get3A_1289 = arith.index_cast %add3A_1288 : i32 to index
      %get3A_1290 = arith.constant 0 : index
      %get3A_1291 = arith.constant 0 : index
      %get3A_1292 = vector.load %arg2[%get3A_1289, %get3A_1290, %get3A_1291] : memref<80x1x128xf32, #tpu.memory_space<vmem>>, vector<1x1x128xf32>
      %get3A_1293 = vector.shape_cast %get3A_1292 : vector<1x1x128xf32> to vector<1x128xf32>
      %neg3A_1294 = arith.constant 0.000000e+00 : f32
      %neg3A_1295 = vector.broadcast %neg3A_1294 : f32 to vector<1x128xf32>
      %neg3A_1296 = arith.subf %neg3A_1295, %get3A_1293 : vector<1x128xf32>
      %eq3A_1297 = arith.constant 0.000000e+00 : f32
      %eq3A_1298 = vector.broadcast %eq3A_1297 : f32 to vector<1x128xf32>
      %eq3A_1299 = arith.cmpf oeq, %neg3A_1296, %eq3A_1298 : vector<1x128xf32>
      %jit3A_1300 = arith.constant 0.000000e+00 : f32
      %broadcast_in_dim3A_1301 = vector.broadcast %jit3A_1300 : f32 to vector<1x128xf32>
      %select_n3A_1302 = arith.select %eq3A_1299, %broadcast_in_dim3A_1301, %neg3A_1296 : vector<1x128xi1>, vector<1x128xf32>
      %bitcast_convert_type3A_1303 = tpu.bitcast %select_n3A_1302 : vector<1x128xf32> -> vector<1x128xi32>
      %ge3A_1304 = arith.constant 0 : i32
      %ge3A_1305 = vector.broadcast %ge3A_1304 : i32 to vector<1x128xi32>
      %ge3A_1306 = arith.cmpi sge, %bitcast_convert_type3A_1303, %ge3A_1305 : vector<1x128xi32>
      %not3A_1307 = arith.constant dense<-1> : vector<1x128xi32>
      %not3A_1308 = arith.xori %bitcast_convert_type3A_1303, %not3A_1307 : vector<1x128xi32>
      %xor3A_1309 = arith.constant -2147483648 : i32
      %xor3A_1310 = vector.broadcast %xor3A_1309 : i32 to vector<1x128xi32>
      %xor3A_1311 = arith.xori %not3A_1308, %xor3A_1310 : vector<1x128xi32>
      %select_n3A_1312 = arith.select %ge3A_1306, %bitcast_convert_type3A_1303, %xor3A_1311 : vector<1x128xi1>, vector<1x128xi32>
      %le3A_1313 = vector.broadcast %select_n3A_1312 : vector<1x128xi32> to vector<2048x128xi32>
      %le3A_1314 = arith.cmpi sle, %le3A_1313, %broadcast_in_dim3A_13 : vector<2048x128xi32>
      %jit3A_1315 = arith.constant 1.000000e+00 : f32
      %jit3A_1316 = arith.constant 0.000000e+00 : f32
      %broadcast_in_dim3A_1317 = vector.broadcast %jit3A_1315 : f32 to vector<2048x128xf32>
      %broadcast_in_dim3A_1318 = vector.broadcast %jit3A_1316 : f32 to vector<2048x128xf32>
      %select_n3A_1319 = arith.select %le3A_1314, %broadcast_in_dim3A_1317, %broadcast_in_dim3A_1318 : vector<2048x128xi1>, vector<2048x128xf32>
      %add3A_1320 = arith.addf %add3A_1284, %select_n3A_1319 : vector<2048x128xf32>
      %mul3A_1321 = arith.constant 16 : i32
      %mul3A_1322 = arith.muli %while3A_814, %mul3A_1321 : i32
      %add3A_1323 = arith.constant 14 : i32
      %add3A_1324 = arith.addi %mul3A_1322, %add3A_1323 : i32
      %get3A_1325 = arith.index_cast %add3A_1324 : i32 to index
      %get3A_1326 = arith.constant 0 : index
      %get3A_1327 = arith.constant 0 : index
      %get3A_1328 = vector.load %arg2[%get3A_1325, %get3A_1326, %get3A_1327] : memref<80x1x128xf32, #tpu.memory_space<vmem>>, vector<1x1x128xf32>
      %get3A_1329 = vector.shape_cast %get3A_1328 : vector<1x1x128xf32> to vector<1x128xf32>
      %neg3A_1330 = arith.constant 0.000000e+00 : f32
      %neg3A_1331 = vector.broadcast %neg3A_1330 : f32 to vector<1x128xf32>
      %neg3A_1332 = arith.subf %neg3A_1331, %get3A_1329 : vector<1x128xf32>
      %eq3A_1333 = arith.constant 0.000000e+00 : f32
      %eq3A_1334 = vector.broadcast %eq3A_1333 : f32 to vector<1x128xf32>
      %eq3A_1335 = arith.cmpf oeq, %neg3A_1332, %eq3A_1334 : vector<1x128xf32>
      %jit3A_1336 = arith.constant 0.000000e+00 : f32
      %broadcast_in_dim3A_1337 = vector.broadcast %jit3A_1336 : f32 to vector<1x128xf32>
      %select_n3A_1338 = arith.select %eq3A_1335, %broadcast_in_dim3A_1337, %neg3A_1332 : vector<1x128xi1>, vector<1x128xf32>
      %bitcast_convert_type3A_1339 = tpu.bitcast %select_n3A_1338 : vector<1x128xf32> -> vector<1x128xi32>
      %ge3A_1340 = arith.constant 0 : i32
      %ge3A_1341 = vector.broadcast %ge3A_1340 : i32 to vector<1x128xi32>
      %ge3A_1342 = arith.cmpi sge, %bitcast_convert_type3A_1339, %ge3A_1341 : vector<1x128xi32>
      %not3A_1343 = arith.constant dense<-1> : vector<1x128xi32>
      %not3A_1344 = arith.xori %bitcast_convert_type3A_1339, %not3A_1343 : vector<1x128xi32>
      %xor3A_1345 = arith.constant -2147483648 : i32
      %xor3A_1346 = vector.broadcast %xor3A_1345 : i32 to vector<1x128xi32>
      %xor3A_1347 = arith.xori %not3A_1344, %xor3A_1346 : vector<1x128xi32>
      %select_n3A_1348 = arith.select %ge3A_1342, %bitcast_convert_type3A_1339, %xor3A_1347 : vector<1x128xi1>, vector<1x128xi32>
      %le3A_1349 = vector.broadcast %select_n3A_1348 : vector<1x128xi32> to vector<2048x128xi32>
      %le3A_1350 = arith.cmpi sle, %le3A_1349, %broadcast_in_dim3A_13 : vector<2048x128xi32>
      %jit3A_1351 = arith.constant 1.000000e+00 : f32
      %jit3A_1352 = arith.constant 0.000000e+00 : f32
      %broadcast_in_dim3A_1353 = vector.broadcast %jit3A_1351 : f32 to vector<2048x128xf32>
      %broadcast_in_dim3A_1354 = vector.broadcast %jit3A_1352 : f32 to vector<2048x128xf32>
      %select_n3A_1355 = arith.select %le3A_1350, %broadcast_in_dim3A_1353, %broadcast_in_dim3A_1354 : vector<2048x128xi1>, vector<2048x128xf32>
      %add3A_1356 = arith.addf %add3A_1320, %select_n3A_1355 : vector<2048x128xf32>
      %mul3A_1357 = arith.constant 16 : i32
      %mul3A_1358 = arith.muli %while3A_814, %mul3A_1357 : i32
      %add3A_1359 = arith.constant 15 : i32
      %add3A_1360 = arith.addi %mul3A_1358, %add3A_1359 : i32
      %get3A_1361 = arith.index_cast %add3A_1360 : i32 to index
      %get3A_1362 = arith.constant 0 : index
      %get3A_1363 = arith.constant 0 : index
      %get3A_1364 = vector.load %arg2[%get3A_1361, %get3A_1362, %get3A_1363] : memref<80x1x128xf32, #tpu.memory_space<vmem>>, vector<1x1x128xf32>
      %get3A_1365 = vector.shape_cast %get3A_1364 : vector<1x1x128xf32> to vector<1x128xf32>
      %neg3A_1366 = arith.constant 0.000000e+00 : f32
      %neg3A_1367 = vector.broadcast %neg3A_1366 : f32 to vector<1x128xf32>
      %neg3A_1368 = arith.subf %neg3A_1367, %get3A_1365 : vector<1x128xf32>
      %eq3A_1369 = arith.constant 0.000000e+00 : f32
      %eq3A_1370 = vector.broadcast %eq3A_1369 : f32 to vector<1x128xf32>
      %eq3A_1371 = arith.cmpf oeq, %neg3A_1368, %eq3A_1370 : vector<1x128xf32>
      %jit3A_1372 = arith.constant 0.000000e+00 : f32
      %broadcast_in_dim3A_1373 = vector.broadcast %jit3A_1372 : f32 to vector<1x128xf32>
      %select_n3A_1374 = arith.select %eq3A_1371, %broadcast_in_dim3A_1373, %neg3A_1368 : vector<1x128xi1>, vector<1x128xf32>
      %bitcast_convert_type3A_1375 = tpu.bitcast %select_n3A_1374 : vector<1x128xf32> -> vector<1x128xi32>
      %ge3A_1376 = arith.constant 0 : i32
      %ge3A_1377 = vector.broadcast %ge3A_1376 : i32 to vector<1x128xi32>
      %ge3A_1378 = arith.cmpi sge, %bitcast_convert_type3A_1375, %ge3A_1377 : vector<1x128xi32>
      %not3A_1379 = arith.constant dense<-1> : vector<1x128xi32>
      %not3A_1380 = arith.xori %bitcast_convert_type3A_1375, %not3A_1379 : vector<1x128xi32>
      %xor3A_1381 = arith.constant -2147483648 : i32
      %xor3A_1382 = vector.broadcast %xor3A_1381 : i32 to vector<1x128xi32>
      %xor3A_1383 = arith.xori %not3A_1380, %xor3A_1382 : vector<1x128xi32>
      %select_n3A_1384 = arith.select %ge3A_1378, %bitcast_convert_type3A_1375, %xor3A_1383 : vector<1x128xi1>, vector<1x128xi32>
      %le3A_1385 = vector.broadcast %select_n3A_1384 : vector<1x128xi32> to vector<2048x128xi32>
      %le3A_1386 = arith.cmpi sle, %le3A_1385, %broadcast_in_dim3A_13 : vector<2048x128xi32>
      %jit3A_1387 = arith.constant 1.000000e+00 : f32
      %jit3A_1388 = arith.constant 0.000000e+00 : f32
      %broadcast_in_dim3A_1389 = vector.broadcast %jit3A_1387 : f32 to vector<2048x128xf32>
      %broadcast_in_dim3A_1390 = vector.broadcast %jit3A_1388 : f32 to vector<2048x128xf32>
      %select_n3A_1391 = arith.select %le3A_1386, %broadcast_in_dim3A_1389, %broadcast_in_dim3A_1390 : vector<2048x128xi1>, vector<2048x128xf32>
      %add3A_1392 = arith.addf %add3A_1356, %select_n3A_1391 : vector<2048x128xf32>
      %dot_general3A_1393 = arith.constant dense<0.000000e+00> : vector<2048x1xf32>
      %dot_general3A_1394 = tpu.matmul %add3A_1392, %broadcast_in_dim3A_17, %dot_general3A_1393 {dimension_numbers = #tpu.dot_dimension_numbers<[1], [0], [0], [1], [0, 0, 1, 1], [], []>, transpose_lhs_hint = false} : vector<2048x128xf32>, vector<128x1xf32>, vector<2048x1xf32> -> vector<2048x1xf32>
      %add3A_1395 = arith.addf %while3A_815, %dot_general3A_1394 : vector<2048x1xf32>
      scf.yield %add3A_1395 : vector<2048x1xf32>
    }
    %broadcast_in_dim3A_30 = arith.constant 0.000000e+00 : f32
    %broadcast_in_dim3A_31 = vector.broadcast %broadcast_in_dim3A_30 : f32 to vector<2048x128xf32>
    %mul3A_32 = arith.constant 16 : i32
    %mul3A_33 = arith.muli %arg0, %mul3A_32 : i32
    %add3A_34 = arith.constant 0 : i32
    %add3A_35 = arith.addi %mul3A_33, %add3A_34 : i32
    %get3A_36 = arith.index_cast %add3A_35 : i32 to index
    %get3A_37 = arith.constant 0 : index
    %get3A_38 = arith.constant 0 : index
    %get3A_39 = vector.load %arg2[%get3A_36, %get3A_37, %get3A_38] : memref<80x1x128xf32, #tpu.memory_space<vmem>>, vector<1x1x128xf32>
    %get3A_40 = vector.shape_cast %get3A_39 : vector<1x1x128xf32> to vector<1x128xf32>
    %neg3A_41 = arith.constant 0.000000e+00 : f32
    %neg3A_42 = vector.broadcast %neg3A_41 : f32 to vector<1x128xf32>
    %neg3A_43 = arith.subf %neg3A_42, %get3A_40 : vector<1x128xf32>
    %eq3A_44 = arith.constant 0.000000e+00 : f32
    %eq3A_45 = vector.broadcast %eq3A_44 : f32 to vector<1x128xf32>
    %eq3A_46 = arith.cmpf oeq, %neg3A_43, %eq3A_45 : vector<1x128xf32>
    %jit3A_47 = arith.constant 0.000000e+00 : f32
    %broadcast_in_dim3A_48 = vector.broadcast %jit3A_47 : f32 to vector<1x128xf32>
    %select_n3A_49 = arith.select %eq3A_46, %broadcast_in_dim3A_48, %neg3A_43 : vector<1x128xi1>, vector<1x128xf32>
    %bitcast_convert_type3A_50 = tpu.bitcast %select_n3A_49 : vector<1x128xf32> -> vector<1x128xi32>
    %ge3A_51 = arith.constant 0 : i32
    %ge3A_52 = vector.broadcast %ge3A_51 : i32 to vector<1x128xi32>
    %ge3A_53 = arith.cmpi sge, %bitcast_convert_type3A_50, %ge3A_52 : vector<1x128xi32>
    %not3A_54 = arith.constant dense<-1> : vector<1x128xi32>
    %not3A_55 = arith.xori %bitcast_convert_type3A_50, %not3A_54 : vector<1x128xi32>
    %xor3A_56 = arith.constant -2147483648 : i32
    %xor3A_57 = vector.broadcast %xor3A_56 : i32 to vector<1x128xi32>
    %xor3A_58 = arith.xori %not3A_55, %xor3A_57 : vector<1x128xi32>
    %select_n3A_59 = arith.select %ge3A_53, %bitcast_convert_type3A_50, %xor3A_58 : vector<1x128xi1>, vector<1x128xi32>
    %mul3A_60 = arith.constant 128 : i32
    %mul3A_61 = arith.muli %add3A_35, %mul3A_60 : i32
    %iota3A_62 = tpu.iota {dimensions = array<i32: 1>} : vector<1x128xi32>
    %add3A_63 = vector.broadcast %mul3A_61 : i32 to vector<1x128xi32>
    %add3A_64 = arith.addi %add3A_63, %iota3A_62 : vector<1x128xi32>
    %lt3A = vector.broadcast %select_n3A_59 : vector<1x128xi32> to vector<2048x128xi32>
    %lt3A_65 = arith.cmpi slt, %lt3A, %broadcast_in_dim3A_13 : vector<2048x128xi32>
    %eq3A_66 = vector.broadcast %select_n3A_59 : vector<1x128xi32> to vector<2048x128xi32>
    %eq3A_67 = arith.cmpi eq, %eq3A_66, %broadcast_in_dim3A_13 : vector<2048x128xi32>
    %lt3A_68 = vector.broadcast %add3A_64 : vector<1x128xi32> to vector<2048x128xi32>
    %lt3A_69 = vector.broadcast %add3A_15 : vector<2048x1xi32> to vector<2048x128xi32>
    %lt3A_70 = arith.cmpi slt, %lt3A_68, %lt3A_69 : vector<2048x128xi32>
    %and3A = arith.andi %eq3A_67, %lt3A_70 : vector<2048x128xi1>
    %or3A = arith.ori %lt3A_65, %and3A : vector<2048x128xi1>
    %jit3A_71 = arith.constant 1.000000e+00 : f32
    %jit3A_72 = arith.constant 0.000000e+00 : f32
    %broadcast_in_dim3A_73 = vector.broadcast %jit3A_71 : f32 to vector<2048x128xf32>
    %broadcast_in_dim3A_74 = vector.broadcast %jit3A_72 : f32 to vector<2048x128xf32>
    %select_n3A_75 = arith.select %or3A, %broadcast_in_dim3A_73, %broadcast_in_dim3A_74 : vector<2048x128xi1>, vector<2048x128xf32>
    %add3A_76 = arith.addf %broadcast_in_dim3A_31, %select_n3A_75 : vector<2048x128xf32>
    %mul3A_77 = arith.constant 16 : i32
    %mul3A_78 = arith.muli %arg0, %mul3A_77 : i32
    %add3A_79 = arith.constant 1 : i32
    %add3A_80 = arith.addi %mul3A_78, %add3A_79 : i32
    %get3A_81 = arith.index_cast %add3A_80 : i32 to index
    %get3A_82 = arith.constant 0 : index
    %get3A_83 = arith.constant 0 : index
    %get3A_84 = vector.load %arg2[%get3A_81, %get3A_82, %get3A_83] : memref<80x1x128xf32, #tpu.memory_space<vmem>>, vector<1x1x128xf32>
    %get3A_85 = vector.shape_cast %get3A_84 : vector<1x1x128xf32> to vector<1x128xf32>
    %neg3A_86 = arith.constant 0.000000e+00 : f32
    %neg3A_87 = vector.broadcast %neg3A_86 : f32 to vector<1x128xf32>
    %neg3A_88 = arith.subf %neg3A_87, %get3A_85 : vector<1x128xf32>
    %eq3A_89 = arith.constant 0.000000e+00 : f32
    %eq3A_90 = vector.broadcast %eq3A_89 : f32 to vector<1x128xf32>
    %eq3A_91 = arith.cmpf oeq, %neg3A_88, %eq3A_90 : vector<1x128xf32>
    %jit3A_92 = arith.constant 0.000000e+00 : f32
    %broadcast_in_dim3A_93 = vector.broadcast %jit3A_92 : f32 to vector<1x128xf32>
    %select_n3A_94 = arith.select %eq3A_91, %broadcast_in_dim3A_93, %neg3A_88 : vector<1x128xi1>, vector<1x128xf32>
    %bitcast_convert_type3A_95 = tpu.bitcast %select_n3A_94 : vector<1x128xf32> -> vector<1x128xi32>
    %ge3A_96 = arith.constant 0 : i32
    %ge3A_97 = vector.broadcast %ge3A_96 : i32 to vector<1x128xi32>
    %ge3A_98 = arith.cmpi sge, %bitcast_convert_type3A_95, %ge3A_97 : vector<1x128xi32>
    %not3A_99 = arith.constant dense<-1> : vector<1x128xi32>
    %not3A_100 = arith.xori %bitcast_convert_type3A_95, %not3A_99 : vector<1x128xi32>
    %xor3A_101 = arith.constant -2147483648 : i32
    %xor3A_102 = vector.broadcast %xor3A_101 : i32 to vector<1x128xi32>
    %xor3A_103 = arith.xori %not3A_100, %xor3A_102 : vector<1x128xi32>
    %select_n3A_104 = arith.select %ge3A_98, %bitcast_convert_type3A_95, %xor3A_103 : vector<1x128xi1>, vector<1x128xi32>
    %mul3A_105 = arith.constant 128 : i32
    %mul3A_106 = arith.muli %add3A_80, %mul3A_105 : i32
    %iota3A_107 = tpu.iota {dimensions = array<i32: 1>} : vector<1x128xi32>
    %add3A_108 = vector.broadcast %mul3A_106 : i32 to vector<1x128xi32>
    %add3A_109 = arith.addi %add3A_108, %iota3A_107 : vector<1x128xi32>
    %lt3A_110 = vector.broadcast %select_n3A_104 : vector<1x128xi32> to vector<2048x128xi32>
    %lt3A_111 = arith.cmpi slt, %lt3A_110, %broadcast_in_dim3A_13 : vector<2048x128xi32>
    %eq3A_112 = vector.broadcast %select_n3A_104 : vector<1x128xi32> to vector<2048x128xi32>
    %eq3A_113 = arith.cmpi eq, %eq3A_112, %broadcast_in_dim3A_13 : vector<2048x128xi32>
    %lt3A_114 = vector.broadcast %add3A_109 : vector<1x128xi32> to vector<2048x128xi32>
    %lt3A_115 = vector.broadcast %add3A_15 : vector<2048x1xi32> to vector<2048x128xi32>
    %lt3A_116 = arith.cmpi slt, %lt3A_114, %lt3A_115 : vector<2048x128xi32>
    %and3A_117 = arith.andi %eq3A_113, %lt3A_116 : vector<2048x128xi1>
    %or3A_118 = arith.ori %lt3A_111, %and3A_117 : vector<2048x128xi1>
    %jit3A_119 = arith.constant 1.000000e+00 : f32
    %jit3A_120 = arith.constant 0.000000e+00 : f32
    %broadcast_in_dim3A_121 = vector.broadcast %jit3A_119 : f32 to vector<2048x128xf32>
    %broadcast_in_dim3A_122 = vector.broadcast %jit3A_120 : f32 to vector<2048x128xf32>
    %select_n3A_123 = arith.select %or3A_118, %broadcast_in_dim3A_121, %broadcast_in_dim3A_122 : vector<2048x128xi1>, vector<2048x128xf32>
    %add3A_124 = arith.addf %add3A_76, %select_n3A_123 : vector<2048x128xf32>
    %mul3A_125 = arith.constant 16 : i32
    %mul3A_126 = arith.muli %arg0, %mul3A_125 : i32
    %add3A_127 = arith.constant 2 : i32
    %add3A_128 = arith.addi %mul3A_126, %add3A_127 : i32
    %get3A_129 = arith.index_cast %add3A_128 : i32 to index
    %get3A_130 = arith.constant 0 : index
    %get3A_131 = arith.constant 0 : index
    %get3A_132 = vector.load %arg2[%get3A_129, %get3A_130, %get3A_131] : memref<80x1x128xf32, #tpu.memory_space<vmem>>, vector<1x1x128xf32>
    %get3A_133 = vector.shape_cast %get3A_132 : vector<1x1x128xf32> to vector<1x128xf32>
    %neg3A_134 = arith.constant 0.000000e+00 : f32
    %neg3A_135 = vector.broadcast %neg3A_134 : f32 to vector<1x128xf32>
    %neg3A_136 = arith.subf %neg3A_135, %get3A_133 : vector<1x128xf32>
    %eq3A_137 = arith.constant 0.000000e+00 : f32
    %eq3A_138 = vector.broadcast %eq3A_137 : f32 to vector<1x128xf32>
    %eq3A_139 = arith.cmpf oeq, %neg3A_136, %eq3A_138 : vector<1x128xf32>
    %jit3A_140 = arith.constant 0.000000e+00 : f32
    %broadcast_in_dim3A_141 = vector.broadcast %jit3A_140 : f32 to vector<1x128xf32>
    %select_n3A_142 = arith.select %eq3A_139, %broadcast_in_dim3A_141, %neg3A_136 : vector<1x128xi1>, vector<1x128xf32>
    %bitcast_convert_type3A_143 = tpu.bitcast %select_n3A_142 : vector<1x128xf32> -> vector<1x128xi32>
    %ge3A_144 = arith.constant 0 : i32
    %ge3A_145 = vector.broadcast %ge3A_144 : i32 to vector<1x128xi32>
    %ge3A_146 = arith.cmpi sge, %bitcast_convert_type3A_143, %ge3A_145 : vector<1x128xi32>
    %not3A_147 = arith.constant dense<-1> : vector<1x128xi32>
    %not3A_148 = arith.xori %bitcast_convert_type3A_143, %not3A_147 : vector<1x128xi32>
    %xor3A_149 = arith.constant -2147483648 : i32
    %xor3A_150 = vector.broadcast %xor3A_149 : i32 to vector<1x128xi32>
    %xor3A_151 = arith.xori %not3A_148, %xor3A_150 : vector<1x128xi32>
    %select_n3A_152 = arith.select %ge3A_146, %bitcast_convert_type3A_143, %xor3A_151 : vector<1x128xi1>, vector<1x128xi32>
    %mul3A_153 = arith.constant 128 : i32
    %mul3A_154 = arith.muli %add3A_128, %mul3A_153 : i32
    %iota3A_155 = tpu.iota {dimensions = array<i32: 1>} : vector<1x128xi32>
    %add3A_156 = vector.broadcast %mul3A_154 : i32 to vector<1x128xi32>
    %add3A_157 = arith.addi %add3A_156, %iota3A_155 : vector<1x128xi32>
    %lt3A_158 = vector.broadcast %select_n3A_152 : vector<1x128xi32> to vector<2048x128xi32>
    %lt3A_159 = arith.cmpi slt, %lt3A_158, %broadcast_in_dim3A_13 : vector<2048x128xi32>
    %eq3A_160 = vector.broadcast %select_n3A_152 : vector<1x128xi32> to vector<2048x128xi32>
    %eq3A_161 = arith.cmpi eq, %eq3A_160, %broadcast_in_dim3A_13 : vector<2048x128xi32>
    %lt3A_162 = vector.broadcast %add3A_157 : vector<1x128xi32> to vector<2048x128xi32>
    %lt3A_163 = vector.broadcast %add3A_15 : vector<2048x1xi32> to vector<2048x128xi32>
    %lt3A_164 = arith.cmpi slt, %lt3A_162, %lt3A_163 : vector<2048x128xi32>
    %and3A_165 = arith.andi %eq3A_161, %lt3A_164 : vector<2048x128xi1>
    %or3A_166 = arith.ori %lt3A_159, %and3A_165 : vector<2048x128xi1>
    %jit3A_167 = arith.constant 1.000000e+00 : f32
    %jit3A_168 = arith.constant 0.000000e+00 : f32
    %broadcast_in_dim3A_169 = vector.broadcast %jit3A_167 : f32 to vector<2048x128xf32>
    %broadcast_in_dim3A_170 = vector.broadcast %jit3A_168 : f32 to vector<2048x128xf32>
    %select_n3A_171 = arith.select %or3A_166, %broadcast_in_dim3A_169, %broadcast_in_dim3A_170 : vector<2048x128xi1>, vector<2048x128xf32>
    %add3A_172 = arith.addf %add3A_124, %select_n3A_171 : vector<2048x128xf32>
    %mul3A_173 = arith.constant 16 : i32
    %mul3A_174 = arith.muli %arg0, %mul3A_173 : i32
    %add3A_175 = arith.constant 3 : i32
    %add3A_176 = arith.addi %mul3A_174, %add3A_175 : i32
    %get3A_177 = arith.index_cast %add3A_176 : i32 to index
    %get3A_178 = arith.constant 0 : index
    %get3A_179 = arith.constant 0 : index
    %get3A_180 = vector.load %arg2[%get3A_177, %get3A_178, %get3A_179] : memref<80x1x128xf32, #tpu.memory_space<vmem>>, vector<1x1x128xf32>
    %get3A_181 = vector.shape_cast %get3A_180 : vector<1x1x128xf32> to vector<1x128xf32>
    %neg3A_182 = arith.constant 0.000000e+00 : f32
    %neg3A_183 = vector.broadcast %neg3A_182 : f32 to vector<1x128xf32>
    %neg3A_184 = arith.subf %neg3A_183, %get3A_181 : vector<1x128xf32>
    %eq3A_185 = arith.constant 0.000000e+00 : f32
    %eq3A_186 = vector.broadcast %eq3A_185 : f32 to vector<1x128xf32>
    %eq3A_187 = arith.cmpf oeq, %neg3A_184, %eq3A_186 : vector<1x128xf32>
    %jit3A_188 = arith.constant 0.000000e+00 : f32
    %broadcast_in_dim3A_189 = vector.broadcast %jit3A_188 : f32 to vector<1x128xf32>
    %select_n3A_190 = arith.select %eq3A_187, %broadcast_in_dim3A_189, %neg3A_184 : vector<1x128xi1>, vector<1x128xf32>
    %bitcast_convert_type3A_191 = tpu.bitcast %select_n3A_190 : vector<1x128xf32> -> vector<1x128xi32>
    %ge3A_192 = arith.constant 0 : i32
    %ge3A_193 = vector.broadcast %ge3A_192 : i32 to vector<1x128xi32>
    %ge3A_194 = arith.cmpi sge, %bitcast_convert_type3A_191, %ge3A_193 : vector<1x128xi32>
    %not3A_195 = arith.constant dense<-1> : vector<1x128xi32>
    %not3A_196 = arith.xori %bitcast_convert_type3A_191, %not3A_195 : vector<1x128xi32>
    %xor3A_197 = arith.constant -2147483648 : i32
    %xor3A_198 = vector.broadcast %xor3A_197 : i32 to vector<1x128xi32>
    %xor3A_199 = arith.xori %not3A_196, %xor3A_198 : vector<1x128xi32>
    %select_n3A_200 = arith.select %ge3A_194, %bitcast_convert_type3A_191, %xor3A_199 : vector<1x128xi1>, vector<1x128xi32>
    %mul3A_201 = arith.constant 128 : i32
    %mul3A_202 = arith.muli %add3A_176, %mul3A_201 : i32
    %iota3A_203 = tpu.iota {dimensions = array<i32: 1>} : vector<1x128xi32>
    %add3A_204 = vector.broadcast %mul3A_202 : i32 to vector<1x128xi32>
    %add3A_205 = arith.addi %add3A_204, %iota3A_203 : vector<1x128xi32>
    %lt3A_206 = vector.broadcast %select_n3A_200 : vector<1x128xi32> to vector<2048x128xi32>
    %lt3A_207 = arith.cmpi slt, %lt3A_206, %broadcast_in_dim3A_13 : vector<2048x128xi32>
    %eq3A_208 = vector.broadcast %select_n3A_200 : vector<1x128xi32> to vector<2048x128xi32>
    %eq3A_209 = arith.cmpi eq, %eq3A_208, %broadcast_in_dim3A_13 : vector<2048x128xi32>
    %lt3A_210 = vector.broadcast %add3A_205 : vector<1x128xi32> to vector<2048x128xi32>
    %lt3A_211 = vector.broadcast %add3A_15 : vector<2048x1xi32> to vector<2048x128xi32>
    %lt3A_212 = arith.cmpi slt, %lt3A_210, %lt3A_211 : vector<2048x128xi32>
    %and3A_213 = arith.andi %eq3A_209, %lt3A_212 : vector<2048x128xi1>
    %or3A_214 = arith.ori %lt3A_207, %and3A_213 : vector<2048x128xi1>
    %jit3A_215 = arith.constant 1.000000e+00 : f32
    %jit3A_216 = arith.constant 0.000000e+00 : f32
    %broadcast_in_dim3A_217 = vector.broadcast %jit3A_215 : f32 to vector<2048x128xf32>
    %broadcast_in_dim3A_218 = vector.broadcast %jit3A_216 : f32 to vector<2048x128xf32>
    %select_n3A_219 = arith.select %or3A_214, %broadcast_in_dim3A_217, %broadcast_in_dim3A_218 : vector<2048x128xi1>, vector<2048x128xf32>
    %add3A_220 = arith.addf %add3A_172, %select_n3A_219 : vector<2048x128xf32>
    %mul3A_221 = arith.constant 16 : i32
    %mul3A_222 = arith.muli %arg0, %mul3A_221 : i32
    %add3A_223 = arith.constant 4 : i32
    %add3A_224 = arith.addi %mul3A_222, %add3A_223 : i32
    %get3A_225 = arith.index_cast %add3A_224 : i32 to index
    %get3A_226 = arith.constant 0 : index
    %get3A_227 = arith.constant 0 : index
    %get3A_228 = vector.load %arg2[%get3A_225, %get3A_226, %get3A_227] : memref<80x1x128xf32, #tpu.memory_space<vmem>>, vector<1x1x128xf32>
    %get3A_229 = vector.shape_cast %get3A_228 : vector<1x1x128xf32> to vector<1x128xf32>
    %neg3A_230 = arith.constant 0.000000e+00 : f32
    %neg3A_231 = vector.broadcast %neg3A_230 : f32 to vector<1x128xf32>
    %neg3A_232 = arith.subf %neg3A_231, %get3A_229 : vector<1x128xf32>
    %eq3A_233 = arith.constant 0.000000e+00 : f32
    %eq3A_234 = vector.broadcast %eq3A_233 : f32 to vector<1x128xf32>
    %eq3A_235 = arith.cmpf oeq, %neg3A_232, %eq3A_234 : vector<1x128xf32>
    %jit3A_236 = arith.constant 0.000000e+00 : f32
    %broadcast_in_dim3A_237 = vector.broadcast %jit3A_236 : f32 to vector<1x128xf32>
    %select_n3A_238 = arith.select %eq3A_235, %broadcast_in_dim3A_237, %neg3A_232 : vector<1x128xi1>, vector<1x128xf32>
    %bitcast_convert_type3A_239 = tpu.bitcast %select_n3A_238 : vector<1x128xf32> -> vector<1x128xi32>
    %ge3A_240 = arith.constant 0 : i32
    %ge3A_241 = vector.broadcast %ge3A_240 : i32 to vector<1x128xi32>
    %ge3A_242 = arith.cmpi sge, %bitcast_convert_type3A_239, %ge3A_241 : vector<1x128xi32>
    %not3A_243 = arith.constant dense<-1> : vector<1x128xi32>
    %not3A_244 = arith.xori %bitcast_convert_type3A_239, %not3A_243 : vector<1x128xi32>
    %xor3A_245 = arith.constant -2147483648 : i32
    %xor3A_246 = vector.broadcast %xor3A_245 : i32 to vector<1x128xi32>
    %xor3A_247 = arith.xori %not3A_244, %xor3A_246 : vector<1x128xi32>
    %select_n3A_248 = arith.select %ge3A_242, %bitcast_convert_type3A_239, %xor3A_247 : vector<1x128xi1>, vector<1x128xi32>
    %mul3A_249 = arith.constant 128 : i32
    %mul3A_250 = arith.muli %add3A_224, %mul3A_249 : i32
    %iota3A_251 = tpu.iota {dimensions = array<i32: 1>} : vector<1x128xi32>
    %add3A_252 = vector.broadcast %mul3A_250 : i32 to vector<1x128xi32>
    %add3A_253 = arith.addi %add3A_252, %iota3A_251 : vector<1x128xi32>
    %lt3A_254 = vector.broadcast %select_n3A_248 : vector<1x128xi32> to vector<2048x128xi32>
    %lt3A_255 = arith.cmpi slt, %lt3A_254, %broadcast_in_dim3A_13 : vector<2048x128xi32>
    %eq3A_256 = vector.broadcast %select_n3A_248 : vector<1x128xi32> to vector<2048x128xi32>
    %eq3A_257 = arith.cmpi eq, %eq3A_256, %broadcast_in_dim3A_13 : vector<2048x128xi32>
    %lt3A_258 = vector.broadcast %add3A_253 : vector<1x128xi32> to vector<2048x128xi32>
    %lt3A_259 = vector.broadcast %add3A_15 : vector<2048x1xi32> to vector<2048x128xi32>
    %lt3A_260 = arith.cmpi slt, %lt3A_258, %lt3A_259 : vector<2048x128xi32>
    %and3A_261 = arith.andi %eq3A_257, %lt3A_260 : vector<2048x128xi1>
    %or3A_262 = arith.ori %lt3A_255, %and3A_261 : vector<2048x128xi1>
    %jit3A_263 = arith.constant 1.000000e+00 : f32
    %jit3A_264 = arith.constant 0.000000e+00 : f32
    %broadcast_in_dim3A_265 = vector.broadcast %jit3A_263 : f32 to vector<2048x128xf32>
    %broadcast_in_dim3A_266 = vector.broadcast %jit3A_264 : f32 to vector<2048x128xf32>
    %select_n3A_267 = arith.select %or3A_262, %broadcast_in_dim3A_265, %broadcast_in_dim3A_266 : vector<2048x128xi1>, vector<2048x128xf32>
    %add3A_268 = arith.addf %add3A_220, %select_n3A_267 : vector<2048x128xf32>
    %mul3A_269 = arith.constant 16 : i32
    %mul3A_270 = arith.muli %arg0, %mul3A_269 : i32
    %add3A_271 = arith.constant 5 : i32
    %add3A_272 = arith.addi %mul3A_270, %add3A_271 : i32
    %get3A_273 = arith.index_cast %add3A_272 : i32 to index
    %get3A_274 = arith.constant 0 : index
    %get3A_275 = arith.constant 0 : index
    %get3A_276 = vector.load %arg2[%get3A_273, %get3A_274, %get3A_275] : memref<80x1x128xf32, #tpu.memory_space<vmem>>, vector<1x1x128xf32>
    %get3A_277 = vector.shape_cast %get3A_276 : vector<1x1x128xf32> to vector<1x128xf32>
    %neg3A_278 = arith.constant 0.000000e+00 : f32
    %neg3A_279 = vector.broadcast %neg3A_278 : f32 to vector<1x128xf32>
    %neg3A_280 = arith.subf %neg3A_279, %get3A_277 : vector<1x128xf32>
    %eq3A_281 = arith.constant 0.000000e+00 : f32
    %eq3A_282 = vector.broadcast %eq3A_281 : f32 to vector<1x128xf32>
    %eq3A_283 = arith.cmpf oeq, %neg3A_280, %eq3A_282 : vector<1x128xf32>
    %jit3A_284 = arith.constant 0.000000e+00 : f32
    %broadcast_in_dim3A_285 = vector.broadcast %jit3A_284 : f32 to vector<1x128xf32>
    %select_n3A_286 = arith.select %eq3A_283, %broadcast_in_dim3A_285, %neg3A_280 : vector<1x128xi1>, vector<1x128xf32>
    %bitcast_convert_type3A_287 = tpu.bitcast %select_n3A_286 : vector<1x128xf32> -> vector<1x128xi32>
    %ge3A_288 = arith.constant 0 : i32
    %ge3A_289 = vector.broadcast %ge3A_288 : i32 to vector<1x128xi32>
    %ge3A_290 = arith.cmpi sge, %bitcast_convert_type3A_287, %ge3A_289 : vector<1x128xi32>
    %not3A_291 = arith.constant dense<-1> : vector<1x128xi32>
    %not3A_292 = arith.xori %bitcast_convert_type3A_287, %not3A_291 : vector<1x128xi32>
    %xor3A_293 = arith.constant -2147483648 : i32
    %xor3A_294 = vector.broadcast %xor3A_293 : i32 to vector<1x128xi32>
    %xor3A_295 = arith.xori %not3A_292, %xor3A_294 : vector<1x128xi32>
    %select_n3A_296 = arith.select %ge3A_290, %bitcast_convert_type3A_287, %xor3A_295 : vector<1x128xi1>, vector<1x128xi32>
    %mul3A_297 = arith.constant 128 : i32
    %mul3A_298 = arith.muli %add3A_272, %mul3A_297 : i32
    %iota3A_299 = tpu.iota {dimensions = array<i32: 1>} : vector<1x128xi32>
    %add3A_300 = vector.broadcast %mul3A_298 : i32 to vector<1x128xi32>
    %add3A_301 = arith.addi %add3A_300, %iota3A_299 : vector<1x128xi32>
    %lt3A_302 = vector.broadcast %select_n3A_296 : vector<1x128xi32> to vector<2048x128xi32>
    %lt3A_303 = arith.cmpi slt, %lt3A_302, %broadcast_in_dim3A_13 : vector<2048x128xi32>
    %eq3A_304 = vector.broadcast %select_n3A_296 : vector<1x128xi32> to vector<2048x128xi32>
    %eq3A_305 = arith.cmpi eq, %eq3A_304, %broadcast_in_dim3A_13 : vector<2048x128xi32>
    %lt3A_306 = vector.broadcast %add3A_301 : vector<1x128xi32> to vector<2048x128xi32>
    %lt3A_307 = vector.broadcast %add3A_15 : vector<2048x1xi32> to vector<2048x128xi32>
    %lt3A_308 = arith.cmpi slt, %lt3A_306, %lt3A_307 : vector<2048x128xi32>
    %and3A_309 = arith.andi %eq3A_305, %lt3A_308 : vector<2048x128xi1>
    %or3A_310 = arith.ori %lt3A_303, %and3A_309 : vector<2048x128xi1>
    %jit3A_311 = arith.constant 1.000000e+00 : f32
    %jit3A_312 = arith.constant 0.000000e+00 : f32
    %broadcast_in_dim3A_313 = vector.broadcast %jit3A_311 : f32 to vector<2048x128xf32>
    %broadcast_in_dim3A_314 = vector.broadcast %jit3A_312 : f32 to vector<2048x128xf32>
    %select_n3A_315 = arith.select %or3A_310, %broadcast_in_dim3A_313, %broadcast_in_dim3A_314 : vector<2048x128xi1>, vector<2048x128xf32>
    %add3A_316 = arith.addf %add3A_268, %select_n3A_315 : vector<2048x128xf32>
    %mul3A_317 = arith.constant 16 : i32
    %mul3A_318 = arith.muli %arg0, %mul3A_317 : i32
    %add3A_319 = arith.constant 6 : i32
    %add3A_320 = arith.addi %mul3A_318, %add3A_319 : i32
    %get3A_321 = arith.index_cast %add3A_320 : i32 to index
    %get3A_322 = arith.constant 0 : index
    %get3A_323 = arith.constant 0 : index
    %get3A_324 = vector.load %arg2[%get3A_321, %get3A_322, %get3A_323] : memref<80x1x128xf32, #tpu.memory_space<vmem>>, vector<1x1x128xf32>
    %get3A_325 = vector.shape_cast %get3A_324 : vector<1x1x128xf32> to vector<1x128xf32>
    %neg3A_326 = arith.constant 0.000000e+00 : f32
    %neg3A_327 = vector.broadcast %neg3A_326 : f32 to vector<1x128xf32>
    %neg3A_328 = arith.subf %neg3A_327, %get3A_325 : vector<1x128xf32>
    %eq3A_329 = arith.constant 0.000000e+00 : f32
    %eq3A_330 = vector.broadcast %eq3A_329 : f32 to vector<1x128xf32>
    %eq3A_331 = arith.cmpf oeq, %neg3A_328, %eq3A_330 : vector<1x128xf32>
    %jit3A_332 = arith.constant 0.000000e+00 : f32
    %broadcast_in_dim3A_333 = vector.broadcast %jit3A_332 : f32 to vector<1x128xf32>
    %select_n3A_334 = arith.select %eq3A_331, %broadcast_in_dim3A_333, %neg3A_328 : vector<1x128xi1>, vector<1x128xf32>
    %bitcast_convert_type3A_335 = tpu.bitcast %select_n3A_334 : vector<1x128xf32> -> vector<1x128xi32>
    %ge3A_336 = arith.constant 0 : i32
    %ge3A_337 = vector.broadcast %ge3A_336 : i32 to vector<1x128xi32>
    %ge3A_338 = arith.cmpi sge, %bitcast_convert_type3A_335, %ge3A_337 : vector<1x128xi32>
    %not3A_339 = arith.constant dense<-1> : vector<1x128xi32>
    %not3A_340 = arith.xori %bitcast_convert_type3A_335, %not3A_339 : vector<1x128xi32>
    %xor3A_341 = arith.constant -2147483648 : i32
    %xor3A_342 = vector.broadcast %xor3A_341 : i32 to vector<1x128xi32>
    %xor3A_343 = arith.xori %not3A_340, %xor3A_342 : vector<1x128xi32>
    %select_n3A_344 = arith.select %ge3A_338, %bitcast_convert_type3A_335, %xor3A_343 : vector<1x128xi1>, vector<1x128xi32>
    %mul3A_345 = arith.constant 128 : i32
    %mul3A_346 = arith.muli %add3A_320, %mul3A_345 : i32
    %iota3A_347 = tpu.iota {dimensions = array<i32: 1>} : vector<1x128xi32>
    %add3A_348 = vector.broadcast %mul3A_346 : i32 to vector<1x128xi32>
    %add3A_349 = arith.addi %add3A_348, %iota3A_347 : vector<1x128xi32>
    %lt3A_350 = vector.broadcast %select_n3A_344 : vector<1x128xi32> to vector<2048x128xi32>
    %lt3A_351 = arith.cmpi slt, %lt3A_350, %broadcast_in_dim3A_13 : vector<2048x128xi32>
    %eq3A_352 = vector.broadcast %select_n3A_344 : vector<1x128xi32> to vector<2048x128xi32>
    %eq3A_353 = arith.cmpi eq, %eq3A_352, %broadcast_in_dim3A_13 : vector<2048x128xi32>
    %lt3A_354 = vector.broadcast %add3A_349 : vector<1x128xi32> to vector<2048x128xi32>
    %lt3A_355 = vector.broadcast %add3A_15 : vector<2048x1xi32> to vector<2048x128xi32>
    %lt3A_356 = arith.cmpi slt, %lt3A_354, %lt3A_355 : vector<2048x128xi32>
    %and3A_357 = arith.andi %eq3A_353, %lt3A_356 : vector<2048x128xi1>
    %or3A_358 = arith.ori %lt3A_351, %and3A_357 : vector<2048x128xi1>
    %jit3A_359 = arith.constant 1.000000e+00 : f32
    %jit3A_360 = arith.constant 0.000000e+00 : f32
    %broadcast_in_dim3A_361 = vector.broadcast %jit3A_359 : f32 to vector<2048x128xf32>
    %broadcast_in_dim3A_362 = vector.broadcast %jit3A_360 : f32 to vector<2048x128xf32>
    %select_n3A_363 = arith.select %or3A_358, %broadcast_in_dim3A_361, %broadcast_in_dim3A_362 : vector<2048x128xi1>, vector<2048x128xf32>
    %add3A_364 = arith.addf %add3A_316, %select_n3A_363 : vector<2048x128xf32>
    %mul3A_365 = arith.constant 16 : i32
    %mul3A_366 = arith.muli %arg0, %mul3A_365 : i32
    %add3A_367 = arith.constant 7 : i32
    %add3A_368 = arith.addi %mul3A_366, %add3A_367 : i32
    %get3A_369 = arith.index_cast %add3A_368 : i32 to index
    %get3A_370 = arith.constant 0 : index
    %get3A_371 = arith.constant 0 : index
    %get3A_372 = vector.load %arg2[%get3A_369, %get3A_370, %get3A_371] : memref<80x1x128xf32, #tpu.memory_space<vmem>>, vector<1x1x128xf32>
    %get3A_373 = vector.shape_cast %get3A_372 : vector<1x1x128xf32> to vector<1x128xf32>
    %neg3A_374 = arith.constant 0.000000e+00 : f32
    %neg3A_375 = vector.broadcast %neg3A_374 : f32 to vector<1x128xf32>
    %neg3A_376 = arith.subf %neg3A_375, %get3A_373 : vector<1x128xf32>
    %eq3A_377 = arith.constant 0.000000e+00 : f32
    %eq3A_378 = vector.broadcast %eq3A_377 : f32 to vector<1x128xf32>
    %eq3A_379 = arith.cmpf oeq, %neg3A_376, %eq3A_378 : vector<1x128xf32>
    %jit3A_380 = arith.constant 0.000000e+00 : f32
    %broadcast_in_dim3A_381 = vector.broadcast %jit3A_380 : f32 to vector<1x128xf32>
    %select_n3A_382 = arith.select %eq3A_379, %broadcast_in_dim3A_381, %neg3A_376 : vector<1x128xi1>, vector<1x128xf32>
    %bitcast_convert_type3A_383 = tpu.bitcast %select_n3A_382 : vector<1x128xf32> -> vector<1x128xi32>
    %ge3A_384 = arith.constant 0 : i32
    %ge3A_385 = vector.broadcast %ge3A_384 : i32 to vector<1x128xi32>
    %ge3A_386 = arith.cmpi sge, %bitcast_convert_type3A_383, %ge3A_385 : vector<1x128xi32>
    %not3A_387 = arith.constant dense<-1> : vector<1x128xi32>
    %not3A_388 = arith.xori %bitcast_convert_type3A_383, %not3A_387 : vector<1x128xi32>
    %xor3A_389 = arith.constant -2147483648 : i32
    %xor3A_390 = vector.broadcast %xor3A_389 : i32 to vector<1x128xi32>
    %xor3A_391 = arith.xori %not3A_388, %xor3A_390 : vector<1x128xi32>
    %select_n3A_392 = arith.select %ge3A_386, %bitcast_convert_type3A_383, %xor3A_391 : vector<1x128xi1>, vector<1x128xi32>
    %mul3A_393 = arith.constant 128 : i32
    %mul3A_394 = arith.muli %add3A_368, %mul3A_393 : i32
    %iota3A_395 = tpu.iota {dimensions = array<i32: 1>} : vector<1x128xi32>
    %add3A_396 = vector.broadcast %mul3A_394 : i32 to vector<1x128xi32>
    %add3A_397 = arith.addi %add3A_396, %iota3A_395 : vector<1x128xi32>
    %lt3A_398 = vector.broadcast %select_n3A_392 : vector<1x128xi32> to vector<2048x128xi32>
    %lt3A_399 = arith.cmpi slt, %lt3A_398, %broadcast_in_dim3A_13 : vector<2048x128xi32>
    %eq3A_400 = vector.broadcast %select_n3A_392 : vector<1x128xi32> to vector<2048x128xi32>
    %eq3A_401 = arith.cmpi eq, %eq3A_400, %broadcast_in_dim3A_13 : vector<2048x128xi32>
    %lt3A_402 = vector.broadcast %add3A_397 : vector<1x128xi32> to vector<2048x128xi32>
    %lt3A_403 = vector.broadcast %add3A_15 : vector<2048x1xi32> to vector<2048x128xi32>
    %lt3A_404 = arith.cmpi slt, %lt3A_402, %lt3A_403 : vector<2048x128xi32>
    %and3A_405 = arith.andi %eq3A_401, %lt3A_404 : vector<2048x128xi1>
    %or3A_406 = arith.ori %lt3A_399, %and3A_405 : vector<2048x128xi1>
    %jit3A_407 = arith.constant 1.000000e+00 : f32
    %jit3A_408 = arith.constant 0.000000e+00 : f32
    %broadcast_in_dim3A_409 = vector.broadcast %jit3A_407 : f32 to vector<2048x128xf32>
    %broadcast_in_dim3A_410 = vector.broadcast %jit3A_408 : f32 to vector<2048x128xf32>
    %select_n3A_411 = arith.select %or3A_406, %broadcast_in_dim3A_409, %broadcast_in_dim3A_410 : vector<2048x128xi1>, vector<2048x128xf32>
    %add3A_412 = arith.addf %add3A_364, %select_n3A_411 : vector<2048x128xf32>
    %mul3A_413 = arith.constant 16 : i32
    %mul3A_414 = arith.muli %arg0, %mul3A_413 : i32
    %add3A_415 = arith.constant 8 : i32
    %add3A_416 = arith.addi %mul3A_414, %add3A_415 : i32
    %get3A_417 = arith.index_cast %add3A_416 : i32 to index
    %get3A_418 = arith.constant 0 : index
    %get3A_419 = arith.constant 0 : index
    %get3A_420 = vector.load %arg2[%get3A_417, %get3A_418, %get3A_419] : memref<80x1x128xf32, #tpu.memory_space<vmem>>, vector<1x1x128xf32>
    %get3A_421 = vector.shape_cast %get3A_420 : vector<1x1x128xf32> to vector<1x128xf32>
    %neg3A_422 = arith.constant 0.000000e+00 : f32
    %neg3A_423 = vector.broadcast %neg3A_422 : f32 to vector<1x128xf32>
    %neg3A_424 = arith.subf %neg3A_423, %get3A_421 : vector<1x128xf32>
    %eq3A_425 = arith.constant 0.000000e+00 : f32
    %eq3A_426 = vector.broadcast %eq3A_425 : f32 to vector<1x128xf32>
    %eq3A_427 = arith.cmpf oeq, %neg3A_424, %eq3A_426 : vector<1x128xf32>
    %jit3A_428 = arith.constant 0.000000e+00 : f32
    %broadcast_in_dim3A_429 = vector.broadcast %jit3A_428 : f32 to vector<1x128xf32>
    %select_n3A_430 = arith.select %eq3A_427, %broadcast_in_dim3A_429, %neg3A_424 : vector<1x128xi1>, vector<1x128xf32>
    %bitcast_convert_type3A_431 = tpu.bitcast %select_n3A_430 : vector<1x128xf32> -> vector<1x128xi32>
    %ge3A_432 = arith.constant 0 : i32
    %ge3A_433 = vector.broadcast %ge3A_432 : i32 to vector<1x128xi32>
    %ge3A_434 = arith.cmpi sge, %bitcast_convert_type3A_431, %ge3A_433 : vector<1x128xi32>
    %not3A_435 = arith.constant dense<-1> : vector<1x128xi32>
    %not3A_436 = arith.xori %bitcast_convert_type3A_431, %not3A_435 : vector<1x128xi32>
    %xor3A_437 = arith.constant -2147483648 : i32
    %xor3A_438 = vector.broadcast %xor3A_437 : i32 to vector<1x128xi32>
    %xor3A_439 = arith.xori %not3A_436, %xor3A_438 : vector<1x128xi32>
    %select_n3A_440 = arith.select %ge3A_434, %bitcast_convert_type3A_431, %xor3A_439 : vector<1x128xi1>, vector<1x128xi32>
    %mul3A_441 = arith.constant 128 : i32
    %mul3A_442 = arith.muli %add3A_416, %mul3A_441 : i32
    %iota3A_443 = tpu.iota {dimensions = array<i32: 1>} : vector<1x128xi32>
    %add3A_444 = vector.broadcast %mul3A_442 : i32 to vector<1x128xi32>
    %add3A_445 = arith.addi %add3A_444, %iota3A_443 : vector<1x128xi32>
    %lt3A_446 = vector.broadcast %select_n3A_440 : vector<1x128xi32> to vector<2048x128xi32>
    %lt3A_447 = arith.cmpi slt, %lt3A_446, %broadcast_in_dim3A_13 : vector<2048x128xi32>
    %eq3A_448 = vector.broadcast %select_n3A_440 : vector<1x128xi32> to vector<2048x128xi32>
    %eq3A_449 = arith.cmpi eq, %eq3A_448, %broadcast_in_dim3A_13 : vector<2048x128xi32>
    %lt3A_450 = vector.broadcast %add3A_445 : vector<1x128xi32> to vector<2048x128xi32>
    %lt3A_451 = vector.broadcast %add3A_15 : vector<2048x1xi32> to vector<2048x128xi32>
    %lt3A_452 = arith.cmpi slt, %lt3A_450, %lt3A_451 : vector<2048x128xi32>
    %and3A_453 = arith.andi %eq3A_449, %lt3A_452 : vector<2048x128xi1>
    %or3A_454 = arith.ori %lt3A_447, %and3A_453 : vector<2048x128xi1>
    %jit3A_455 = arith.constant 1.000000e+00 : f32
    %jit3A_456 = arith.constant 0.000000e+00 : f32
    %broadcast_in_dim3A_457 = vector.broadcast %jit3A_455 : f32 to vector<2048x128xf32>
    %broadcast_in_dim3A_458 = vector.broadcast %jit3A_456 : f32 to vector<2048x128xf32>
    %select_n3A_459 = arith.select %or3A_454, %broadcast_in_dim3A_457, %broadcast_in_dim3A_458 : vector<2048x128xi1>, vector<2048x128xf32>
    %add3A_460 = arith.addf %add3A_412, %select_n3A_459 : vector<2048x128xf32>
    %mul3A_461 = arith.constant 16 : i32
    %mul3A_462 = arith.muli %arg0, %mul3A_461 : i32
    %add3A_463 = arith.constant 9 : i32
    %add3A_464 = arith.addi %mul3A_462, %add3A_463 : i32
    %get3A_465 = arith.index_cast %add3A_464 : i32 to index
    %get3A_466 = arith.constant 0 : index
    %get3A_467 = arith.constant 0 : index
    %get3A_468 = vector.load %arg2[%get3A_465, %get3A_466, %get3A_467] : memref<80x1x128xf32, #tpu.memory_space<vmem>>, vector<1x1x128xf32>
    %get3A_469 = vector.shape_cast %get3A_468 : vector<1x1x128xf32> to vector<1x128xf32>
    %neg3A_470 = arith.constant 0.000000e+00 : f32
    %neg3A_471 = vector.broadcast %neg3A_470 : f32 to vector<1x128xf32>
    %neg3A_472 = arith.subf %neg3A_471, %get3A_469 : vector<1x128xf32>
    %eq3A_473 = arith.constant 0.000000e+00 : f32
    %eq3A_474 = vector.broadcast %eq3A_473 : f32 to vector<1x128xf32>
    %eq3A_475 = arith.cmpf oeq, %neg3A_472, %eq3A_474 : vector<1x128xf32>
    %jit3A_476 = arith.constant 0.000000e+00 : f32
    %broadcast_in_dim3A_477 = vector.broadcast %jit3A_476 : f32 to vector<1x128xf32>
    %select_n3A_478 = arith.select %eq3A_475, %broadcast_in_dim3A_477, %neg3A_472 : vector<1x128xi1>, vector<1x128xf32>
    %bitcast_convert_type3A_479 = tpu.bitcast %select_n3A_478 : vector<1x128xf32> -> vector<1x128xi32>
    %ge3A_480 = arith.constant 0 : i32
    %ge3A_481 = vector.broadcast %ge3A_480 : i32 to vector<1x128xi32>
    %ge3A_482 = arith.cmpi sge, %bitcast_convert_type3A_479, %ge3A_481 : vector<1x128xi32>
    %not3A_483 = arith.constant dense<-1> : vector<1x128xi32>
    %not3A_484 = arith.xori %bitcast_convert_type3A_479, %not3A_483 : vector<1x128xi32>
    %xor3A_485 = arith.constant -2147483648 : i32
    %xor3A_486 = vector.broadcast %xor3A_485 : i32 to vector<1x128xi32>
    %xor3A_487 = arith.xori %not3A_484, %xor3A_486 : vector<1x128xi32>
    %select_n3A_488 = arith.select %ge3A_482, %bitcast_convert_type3A_479, %xor3A_487 : vector<1x128xi1>, vector<1x128xi32>
    %mul3A_489 = arith.constant 128 : i32
    %mul3A_490 = arith.muli %add3A_464, %mul3A_489 : i32
    %iota3A_491 = tpu.iota {dimensions = array<i32: 1>} : vector<1x128xi32>
    %add3A_492 = vector.broadcast %mul3A_490 : i32 to vector<1x128xi32>
    %add3A_493 = arith.addi %add3A_492, %iota3A_491 : vector<1x128xi32>
    %lt3A_494 = vector.broadcast %select_n3A_488 : vector<1x128xi32> to vector<2048x128xi32>
    %lt3A_495 = arith.cmpi slt, %lt3A_494, %broadcast_in_dim3A_13 : vector<2048x128xi32>
    %eq3A_496 = vector.broadcast %select_n3A_488 : vector<1x128xi32> to vector<2048x128xi32>
    %eq3A_497 = arith.cmpi eq, %eq3A_496, %broadcast_in_dim3A_13 : vector<2048x128xi32>
    %lt3A_498 = vector.broadcast %add3A_493 : vector<1x128xi32> to vector<2048x128xi32>
    %lt3A_499 = vector.broadcast %add3A_15 : vector<2048x1xi32> to vector<2048x128xi32>
    %lt3A_500 = arith.cmpi slt, %lt3A_498, %lt3A_499 : vector<2048x128xi32>
    %and3A_501 = arith.andi %eq3A_497, %lt3A_500 : vector<2048x128xi1>
    %or3A_502 = arith.ori %lt3A_495, %and3A_501 : vector<2048x128xi1>
    %jit3A_503 = arith.constant 1.000000e+00 : f32
    %jit3A_504 = arith.constant 0.000000e+00 : f32
    %broadcast_in_dim3A_505 = vector.broadcast %jit3A_503 : f32 to vector<2048x128xf32>
    %broadcast_in_dim3A_506 = vector.broadcast %jit3A_504 : f32 to vector<2048x128xf32>
    %select_n3A_507 = arith.select %or3A_502, %broadcast_in_dim3A_505, %broadcast_in_dim3A_506 : vector<2048x128xi1>, vector<2048x128xf32>
    %add3A_508 = arith.addf %add3A_460, %select_n3A_507 : vector<2048x128xf32>
    %mul3A_509 = arith.constant 16 : i32
    %mul3A_510 = arith.muli %arg0, %mul3A_509 : i32
    %add3A_511 = arith.constant 10 : i32
    %add3A_512 = arith.addi %mul3A_510, %add3A_511 : i32
    %get3A_513 = arith.index_cast %add3A_512 : i32 to index
    %get3A_514 = arith.constant 0 : index
    %get3A_515 = arith.constant 0 : index
    %get3A_516 = vector.load %arg2[%get3A_513, %get3A_514, %get3A_515] : memref<80x1x128xf32, #tpu.memory_space<vmem>>, vector<1x1x128xf32>
    %get3A_517 = vector.shape_cast %get3A_516 : vector<1x1x128xf32> to vector<1x128xf32>
    %neg3A_518 = arith.constant 0.000000e+00 : f32
    %neg3A_519 = vector.broadcast %neg3A_518 : f32 to vector<1x128xf32>
    %neg3A_520 = arith.subf %neg3A_519, %get3A_517 : vector<1x128xf32>
    %eq3A_521 = arith.constant 0.000000e+00 : f32
    %eq3A_522 = vector.broadcast %eq3A_521 : f32 to vector<1x128xf32>
    %eq3A_523 = arith.cmpf oeq, %neg3A_520, %eq3A_522 : vector<1x128xf32>
    %jit3A_524 = arith.constant 0.000000e+00 : f32
    %broadcast_in_dim3A_525 = vector.broadcast %jit3A_524 : f32 to vector<1x128xf32>
    %select_n3A_526 = arith.select %eq3A_523, %broadcast_in_dim3A_525, %neg3A_520 : vector<1x128xi1>, vector<1x128xf32>
    %bitcast_convert_type3A_527 = tpu.bitcast %select_n3A_526 : vector<1x128xf32> -> vector<1x128xi32>
    %ge3A_528 = arith.constant 0 : i32
    %ge3A_529 = vector.broadcast %ge3A_528 : i32 to vector<1x128xi32>
    %ge3A_530 = arith.cmpi sge, %bitcast_convert_type3A_527, %ge3A_529 : vector<1x128xi32>
    %not3A_531 = arith.constant dense<-1> : vector<1x128xi32>
    %not3A_532 = arith.xori %bitcast_convert_type3A_527, %not3A_531 : vector<1x128xi32>
    %xor3A_533 = arith.constant -2147483648 : i32
    %xor3A_534 = vector.broadcast %xor3A_533 : i32 to vector<1x128xi32>
    %xor3A_535 = arith.xori %not3A_532, %xor3A_534 : vector<1x128xi32>
    %select_n3A_536 = arith.select %ge3A_530, %bitcast_convert_type3A_527, %xor3A_535 : vector<1x128xi1>, vector<1x128xi32>
    %mul3A_537 = arith.constant 128 : i32
    %mul3A_538 = arith.muli %add3A_512, %mul3A_537 : i32
    %iota3A_539 = tpu.iota {dimensions = array<i32: 1>} : vector<1x128xi32>
    %add3A_540 = vector.broadcast %mul3A_538 : i32 to vector<1x128xi32>
    %add3A_541 = arith.addi %add3A_540, %iota3A_539 : vector<1x128xi32>
    %lt3A_542 = vector.broadcast %select_n3A_536 : vector<1x128xi32> to vector<2048x128xi32>
    %lt3A_543 = arith.cmpi slt, %lt3A_542, %broadcast_in_dim3A_13 : vector<2048x128xi32>
    %eq3A_544 = vector.broadcast %select_n3A_536 : vector<1x128xi32> to vector<2048x128xi32>
    %eq3A_545 = arith.cmpi eq, %eq3A_544, %broadcast_in_dim3A_13 : vector<2048x128xi32>
    %lt3A_546 = vector.broadcast %add3A_541 : vector<1x128xi32> to vector<2048x128xi32>
    %lt3A_547 = vector.broadcast %add3A_15 : vector<2048x1xi32> to vector<2048x128xi32>
    %lt3A_548 = arith.cmpi slt, %lt3A_546, %lt3A_547 : vector<2048x128xi32>
    %and3A_549 = arith.andi %eq3A_545, %lt3A_548 : vector<2048x128xi1>
    %or3A_550 = arith.ori %lt3A_543, %and3A_549 : vector<2048x128xi1>
    %jit3A_551 = arith.constant 1.000000e+00 : f32
    %jit3A_552 = arith.constant 0.000000e+00 : f32
    %broadcast_in_dim3A_553 = vector.broadcast %jit3A_551 : f32 to vector<2048x128xf32>
    %broadcast_in_dim3A_554 = vector.broadcast %jit3A_552 : f32 to vector<2048x128xf32>
    %select_n3A_555 = arith.select %or3A_550, %broadcast_in_dim3A_553, %broadcast_in_dim3A_554 : vector<2048x128xi1>, vector<2048x128xf32>
    %add3A_556 = arith.addf %add3A_508, %select_n3A_555 : vector<2048x128xf32>
    %mul3A_557 = arith.constant 16 : i32
    %mul3A_558 = arith.muli %arg0, %mul3A_557 : i32
    %add3A_559 = arith.constant 11 : i32
    %add3A_560 = arith.addi %mul3A_558, %add3A_559 : i32
    %get3A_561 = arith.index_cast %add3A_560 : i32 to index
    %get3A_562 = arith.constant 0 : index
    %get3A_563 = arith.constant 0 : index
    %get3A_564 = vector.load %arg2[%get3A_561, %get3A_562, %get3A_563] : memref<80x1x128xf32, #tpu.memory_space<vmem>>, vector<1x1x128xf32>
    %get3A_565 = vector.shape_cast %get3A_564 : vector<1x1x128xf32> to vector<1x128xf32>
    %neg3A_566 = arith.constant 0.000000e+00 : f32
    %neg3A_567 = vector.broadcast %neg3A_566 : f32 to vector<1x128xf32>
    %neg3A_568 = arith.subf %neg3A_567, %get3A_565 : vector<1x128xf32>
    %eq3A_569 = arith.constant 0.000000e+00 : f32
    %eq3A_570 = vector.broadcast %eq3A_569 : f32 to vector<1x128xf32>
    %eq3A_571 = arith.cmpf oeq, %neg3A_568, %eq3A_570 : vector<1x128xf32>
    %jit3A_572 = arith.constant 0.000000e+00 : f32
    %broadcast_in_dim3A_573 = vector.broadcast %jit3A_572 : f32 to vector<1x128xf32>
    %select_n3A_574 = arith.select %eq3A_571, %broadcast_in_dim3A_573, %neg3A_568 : vector<1x128xi1>, vector<1x128xf32>
    %bitcast_convert_type3A_575 = tpu.bitcast %select_n3A_574 : vector<1x128xf32> -> vector<1x128xi32>
    %ge3A_576 = arith.constant 0 : i32
    %ge3A_577 = vector.broadcast %ge3A_576 : i32 to vector<1x128xi32>
    %ge3A_578 = arith.cmpi sge, %bitcast_convert_type3A_575, %ge3A_577 : vector<1x128xi32>
    %not3A_579 = arith.constant dense<-1> : vector<1x128xi32>
    %not3A_580 = arith.xori %bitcast_convert_type3A_575, %not3A_579 : vector<1x128xi32>
    %xor3A_581 = arith.constant -2147483648 : i32
    %xor3A_582 = vector.broadcast %xor3A_581 : i32 to vector<1x128xi32>
    %xor3A_583 = arith.xori %not3A_580, %xor3A_582 : vector<1x128xi32>
    %select_n3A_584 = arith.select %ge3A_578, %bitcast_convert_type3A_575, %xor3A_583 : vector<1x128xi1>, vector<1x128xi32>
    %mul3A_585 = arith.constant 128 : i32
    %mul3A_586 = arith.muli %add3A_560, %mul3A_585 : i32
    %iota3A_587 = tpu.iota {dimensions = array<i32: 1>} : vector<1x128xi32>
    %add3A_588 = vector.broadcast %mul3A_586 : i32 to vector<1x128xi32>
    %add3A_589 = arith.addi %add3A_588, %iota3A_587 : vector<1x128xi32>
    %lt3A_590 = vector.broadcast %select_n3A_584 : vector<1x128xi32> to vector<2048x128xi32>
    %lt3A_591 = arith.cmpi slt, %lt3A_590, %broadcast_in_dim3A_13 : vector<2048x128xi32>
    %eq3A_592 = vector.broadcast %select_n3A_584 : vector<1x128xi32> to vector<2048x128xi32>
    %eq3A_593 = arith.cmpi eq, %eq3A_592, %broadcast_in_dim3A_13 : vector<2048x128xi32>
    %lt3A_594 = vector.broadcast %add3A_589 : vector<1x128xi32> to vector<2048x128xi32>
    %lt3A_595 = vector.broadcast %add3A_15 : vector<2048x1xi32> to vector<2048x128xi32>
    %lt3A_596 = arith.cmpi slt, %lt3A_594, %lt3A_595 : vector<2048x128xi32>
    %and3A_597 = arith.andi %eq3A_593, %lt3A_596 : vector<2048x128xi1>
    %or3A_598 = arith.ori %lt3A_591, %and3A_597 : vector<2048x128xi1>
    %jit3A_599 = arith.constant 1.000000e+00 : f32
    %jit3A_600 = arith.constant 0.000000e+00 : f32
    %broadcast_in_dim3A_601 = vector.broadcast %jit3A_599 : f32 to vector<2048x128xf32>
    %broadcast_in_dim3A_602 = vector.broadcast %jit3A_600 : f32 to vector<2048x128xf32>
    %select_n3A_603 = arith.select %or3A_598, %broadcast_in_dim3A_601, %broadcast_in_dim3A_602 : vector<2048x128xi1>, vector<2048x128xf32>
    %add3A_604 = arith.addf %add3A_556, %select_n3A_603 : vector<2048x128xf32>
    %mul3A_605 = arith.constant 16 : i32
    %mul3A_606 = arith.muli %arg0, %mul3A_605 : i32
    %add3A_607 = arith.constant 12 : i32
    %add3A_608 = arith.addi %mul3A_606, %add3A_607 : i32
    %get3A_609 = arith.index_cast %add3A_608 : i32 to index
    %get3A_610 = arith.constant 0 : index
    %get3A_611 = arith.constant 0 : index
    %get3A_612 = vector.load %arg2[%get3A_609, %get3A_610, %get3A_611] : memref<80x1x128xf32, #tpu.memory_space<vmem>>, vector<1x1x128xf32>
    %get3A_613 = vector.shape_cast %get3A_612 : vector<1x1x128xf32> to vector<1x128xf32>
    %neg3A_614 = arith.constant 0.000000e+00 : f32
    %neg3A_615 = vector.broadcast %neg3A_614 : f32 to vector<1x128xf32>
    %neg3A_616 = arith.subf %neg3A_615, %get3A_613 : vector<1x128xf32>
    %eq3A_617 = arith.constant 0.000000e+00 : f32
    %eq3A_618 = vector.broadcast %eq3A_617 : f32 to vector<1x128xf32>
    %eq3A_619 = arith.cmpf oeq, %neg3A_616, %eq3A_618 : vector<1x128xf32>
    %jit3A_620 = arith.constant 0.000000e+00 : f32
    %broadcast_in_dim3A_621 = vector.broadcast %jit3A_620 : f32 to vector<1x128xf32>
    %select_n3A_622 = arith.select %eq3A_619, %broadcast_in_dim3A_621, %neg3A_616 : vector<1x128xi1>, vector<1x128xf32>
    %bitcast_convert_type3A_623 = tpu.bitcast %select_n3A_622 : vector<1x128xf32> -> vector<1x128xi32>
    %ge3A_624 = arith.constant 0 : i32
    %ge3A_625 = vector.broadcast %ge3A_624 : i32 to vector<1x128xi32>
    %ge3A_626 = arith.cmpi sge, %bitcast_convert_type3A_623, %ge3A_625 : vector<1x128xi32>
    %not3A_627 = arith.constant dense<-1> : vector<1x128xi32>
    %not3A_628 = arith.xori %bitcast_convert_type3A_623, %not3A_627 : vector<1x128xi32>
    %xor3A_629 = arith.constant -2147483648 : i32
    %xor3A_630 = vector.broadcast %xor3A_629 : i32 to vector<1x128xi32>
    %xor3A_631 = arith.xori %not3A_628, %xor3A_630 : vector<1x128xi32>
    %select_n3A_632 = arith.select %ge3A_626, %bitcast_convert_type3A_623, %xor3A_631 : vector<1x128xi1>, vector<1x128xi32>
    %mul3A_633 = arith.constant 128 : i32
    %mul3A_634 = arith.muli %add3A_608, %mul3A_633 : i32
    %iota3A_635 = tpu.iota {dimensions = array<i32: 1>} : vector<1x128xi32>
    %add3A_636 = vector.broadcast %mul3A_634 : i32 to vector<1x128xi32>
    %add3A_637 = arith.addi %add3A_636, %iota3A_635 : vector<1x128xi32>
    %lt3A_638 = vector.broadcast %select_n3A_632 : vector<1x128xi32> to vector<2048x128xi32>
    %lt3A_639 = arith.cmpi slt, %lt3A_638, %broadcast_in_dim3A_13 : vector<2048x128xi32>
    %eq3A_640 = vector.broadcast %select_n3A_632 : vector<1x128xi32> to vector<2048x128xi32>
    %eq3A_641 = arith.cmpi eq, %eq3A_640, %broadcast_in_dim3A_13 : vector<2048x128xi32>
    %lt3A_642 = vector.broadcast %add3A_637 : vector<1x128xi32> to vector<2048x128xi32>
    %lt3A_643 = vector.broadcast %add3A_15 : vector<2048x1xi32> to vector<2048x128xi32>
    %lt3A_644 = arith.cmpi slt, %lt3A_642, %lt3A_643 : vector<2048x128xi32>
    %and3A_645 = arith.andi %eq3A_641, %lt3A_644 : vector<2048x128xi1>
    %or3A_646 = arith.ori %lt3A_639, %and3A_645 : vector<2048x128xi1>
    %jit3A_647 = arith.constant 1.000000e+00 : f32
    %jit3A_648 = arith.constant 0.000000e+00 : f32
    %broadcast_in_dim3A_649 = vector.broadcast %jit3A_647 : f32 to vector<2048x128xf32>
    %broadcast_in_dim3A_650 = vector.broadcast %jit3A_648 : f32 to vector<2048x128xf32>
    %select_n3A_651 = arith.select %or3A_646, %broadcast_in_dim3A_649, %broadcast_in_dim3A_650 : vector<2048x128xi1>, vector<2048x128xf32>
    %add3A_652 = arith.addf %add3A_604, %select_n3A_651 : vector<2048x128xf32>
    %mul3A_653 = arith.constant 16 : i32
    %mul3A_654 = arith.muli %arg0, %mul3A_653 : i32
    %add3A_655 = arith.constant 13 : i32
    %add3A_656 = arith.addi %mul3A_654, %add3A_655 : i32
    %get3A_657 = arith.index_cast %add3A_656 : i32 to index
    %get3A_658 = arith.constant 0 : index
    %get3A_659 = arith.constant 0 : index
    %get3A_660 = vector.load %arg2[%get3A_657, %get3A_658, %get3A_659] : memref<80x1x128xf32, #tpu.memory_space<vmem>>, vector<1x1x128xf32>
    %get3A_661 = vector.shape_cast %get3A_660 : vector<1x1x128xf32> to vector<1x128xf32>
    %neg3A_662 = arith.constant 0.000000e+00 : f32
    %neg3A_663 = vector.broadcast %neg3A_662 : f32 to vector<1x128xf32>
    %neg3A_664 = arith.subf %neg3A_663, %get3A_661 : vector<1x128xf32>
    %eq3A_665 = arith.constant 0.000000e+00 : f32
    %eq3A_666 = vector.broadcast %eq3A_665 : f32 to vector<1x128xf32>
    %eq3A_667 = arith.cmpf oeq, %neg3A_664, %eq3A_666 : vector<1x128xf32>
    %jit3A_668 = arith.constant 0.000000e+00 : f32
    %broadcast_in_dim3A_669 = vector.broadcast %jit3A_668 : f32 to vector<1x128xf32>
    %select_n3A_670 = arith.select %eq3A_667, %broadcast_in_dim3A_669, %neg3A_664 : vector<1x128xi1>, vector<1x128xf32>
    %bitcast_convert_type3A_671 = tpu.bitcast %select_n3A_670 : vector<1x128xf32> -> vector<1x128xi32>
    %ge3A_672 = arith.constant 0 : i32
    %ge3A_673 = vector.broadcast %ge3A_672 : i32 to vector<1x128xi32>
    %ge3A_674 = arith.cmpi sge, %bitcast_convert_type3A_671, %ge3A_673 : vector<1x128xi32>
    %not3A_675 = arith.constant dense<-1> : vector<1x128xi32>
    %not3A_676 = arith.xori %bitcast_convert_type3A_671, %not3A_675 : vector<1x128xi32>
    %xor3A_677 = arith.constant -2147483648 : i32
    %xor3A_678 = vector.broadcast %xor3A_677 : i32 to vector<1x128xi32>
    %xor3A_679 = arith.xori %not3A_676, %xor3A_678 : vector<1x128xi32>
    %select_n3A_680 = arith.select %ge3A_674, %bitcast_convert_type3A_671, %xor3A_679 : vector<1x128xi1>, vector<1x128xi32>
    %mul3A_681 = arith.constant 128 : i32
    %mul3A_682 = arith.muli %add3A_656, %mul3A_681 : i32
    %iota3A_683 = tpu.iota {dimensions = array<i32: 1>} : vector<1x128xi32>
    %add3A_684 = vector.broadcast %mul3A_682 : i32 to vector<1x128xi32>
    %add3A_685 = arith.addi %add3A_684, %iota3A_683 : vector<1x128xi32>
    %lt3A_686 = vector.broadcast %select_n3A_680 : vector<1x128xi32> to vector<2048x128xi32>
    %lt3A_687 = arith.cmpi slt, %lt3A_686, %broadcast_in_dim3A_13 : vector<2048x128xi32>
    %eq3A_688 = vector.broadcast %select_n3A_680 : vector<1x128xi32> to vector<2048x128xi32>
    %eq3A_689 = arith.cmpi eq, %eq3A_688, %broadcast_in_dim3A_13 : vector<2048x128xi32>
    %lt3A_690 = vector.broadcast %add3A_685 : vector<1x128xi32> to vector<2048x128xi32>
    %lt3A_691 = vector.broadcast %add3A_15 : vector<2048x1xi32> to vector<2048x128xi32>
    %lt3A_692 = arith.cmpi slt, %lt3A_690, %lt3A_691 : vector<2048x128xi32>
    %and3A_693 = arith.andi %eq3A_689, %lt3A_692 : vector<2048x128xi1>
    %or3A_694 = arith.ori %lt3A_687, %and3A_693 : vector<2048x128xi1>
    %jit3A_695 = arith.constant 1.000000e+00 : f32
    %jit3A_696 = arith.constant 0.000000e+00 : f32
    %broadcast_in_dim3A_697 = vector.broadcast %jit3A_695 : f32 to vector<2048x128xf32>
    %broadcast_in_dim3A_698 = vector.broadcast %jit3A_696 : f32 to vector<2048x128xf32>
    %select_n3A_699 = arith.select %or3A_694, %broadcast_in_dim3A_697, %broadcast_in_dim3A_698 : vector<2048x128xi1>, vector<2048x128xf32>
    %add3A_700 = arith.addf %add3A_652, %select_n3A_699 : vector<2048x128xf32>
    %mul3A_701 = arith.constant 16 : i32
    %mul3A_702 = arith.muli %arg0, %mul3A_701 : i32
    %add3A_703 = arith.constant 14 : i32
    %add3A_704 = arith.addi %mul3A_702, %add3A_703 : i32
    %get3A_705 = arith.index_cast %add3A_704 : i32 to index
    %get3A_706 = arith.constant 0 : index
    %get3A_707 = arith.constant 0 : index
    %get3A_708 = vector.load %arg2[%get3A_705, %get3A_706, %get3A_707] : memref<80x1x128xf32, #tpu.memory_space<vmem>>, vector<1x1x128xf32>
    %get3A_709 = vector.shape_cast %get3A_708 : vector<1x1x128xf32> to vector<1x128xf32>
    %neg3A_710 = arith.constant 0.000000e+00 : f32
    %neg3A_711 = vector.broadcast %neg3A_710 : f32 to vector<1x128xf32>
    %neg3A_712 = arith.subf %neg3A_711, %get3A_709 : vector<1x128xf32>
    %eq3A_713 = arith.constant 0.000000e+00 : f32
    %eq3A_714 = vector.broadcast %eq3A_713 : f32 to vector<1x128xf32>
    %eq3A_715 = arith.cmpf oeq, %neg3A_712, %eq3A_714 : vector<1x128xf32>
    %jit3A_716 = arith.constant 0.000000e+00 : f32
    %broadcast_in_dim3A_717 = vector.broadcast %jit3A_716 : f32 to vector<1x128xf32>
    %select_n3A_718 = arith.select %eq3A_715, %broadcast_in_dim3A_717, %neg3A_712 : vector<1x128xi1>, vector<1x128xf32>
    %bitcast_convert_type3A_719 = tpu.bitcast %select_n3A_718 : vector<1x128xf32> -> vector<1x128xi32>
    %ge3A_720 = arith.constant 0 : i32
    %ge3A_721 = vector.broadcast %ge3A_720 : i32 to vector<1x128xi32>
    %ge3A_722 = arith.cmpi sge, %bitcast_convert_type3A_719, %ge3A_721 : vector<1x128xi32>
    %not3A_723 = arith.constant dense<-1> : vector<1x128xi32>
    %not3A_724 = arith.xori %bitcast_convert_type3A_719, %not3A_723 : vector<1x128xi32>
    %xor3A_725 = arith.constant -2147483648 : i32
    %xor3A_726 = vector.broadcast %xor3A_725 : i32 to vector<1x128xi32>
    %xor3A_727 = arith.xori %not3A_724, %xor3A_726 : vector<1x128xi32>
    %select_n3A_728 = arith.select %ge3A_722, %bitcast_convert_type3A_719, %xor3A_727 : vector<1x128xi1>, vector<1x128xi32>
    %mul3A_729 = arith.constant 128 : i32
    %mul3A_730 = arith.muli %add3A_704, %mul3A_729 : i32
    %iota3A_731 = tpu.iota {dimensions = array<i32: 1>} : vector<1x128xi32>
    %add3A_732 = vector.broadcast %mul3A_730 : i32 to vector<1x128xi32>
    %add3A_733 = arith.addi %add3A_732, %iota3A_731 : vector<1x128xi32>
    %lt3A_734 = vector.broadcast %select_n3A_728 : vector<1x128xi32> to vector<2048x128xi32>
    %lt3A_735 = arith.cmpi slt, %lt3A_734, %broadcast_in_dim3A_13 : vector<2048x128xi32>
    %eq3A_736 = vector.broadcast %select_n3A_728 : vector<1x128xi32> to vector<2048x128xi32>
    %eq3A_737 = arith.cmpi eq, %eq3A_736, %broadcast_in_dim3A_13 : vector<2048x128xi32>
    %lt3A_738 = vector.broadcast %add3A_733 : vector<1x128xi32> to vector<2048x128xi32>
    %lt3A_739 = vector.broadcast %add3A_15 : vector<2048x1xi32> to vector<2048x128xi32>
    %lt3A_740 = arith.cmpi slt, %lt3A_738, %lt3A_739 : vector<2048x128xi32>
    %and3A_741 = arith.andi %eq3A_737, %lt3A_740 : vector<2048x128xi1>
    %or3A_742 = arith.ori %lt3A_735, %and3A_741 : vector<2048x128xi1>
    %jit3A_743 = arith.constant 1.000000e+00 : f32
    %jit3A_744 = arith.constant 0.000000e+00 : f32
    %broadcast_in_dim3A_745 = vector.broadcast %jit3A_743 : f32 to vector<2048x128xf32>
    %broadcast_in_dim3A_746 = vector.broadcast %jit3A_744 : f32 to vector<2048x128xf32>
    %select_n3A_747 = arith.select %or3A_742, %broadcast_in_dim3A_745, %broadcast_in_dim3A_746 : vector<2048x128xi1>, vector<2048x128xf32>
    %add3A_748 = arith.addf %add3A_700, %select_n3A_747 : vector<2048x128xf32>
    %mul3A_749 = arith.constant 16 : i32
    %mul3A_750 = arith.muli %arg0, %mul3A_749 : i32
    %add3A_751 = arith.constant 15 : i32
    %add3A_752 = arith.addi %mul3A_750, %add3A_751 : i32
    %get3A_753 = arith.index_cast %add3A_752 : i32 to index
    %get3A_754 = arith.constant 0 : index
    %get3A_755 = arith.constant 0 : index
    %get3A_756 = vector.load %arg2[%get3A_753, %get3A_754, %get3A_755] : memref<80x1x128xf32, #tpu.memory_space<vmem>>, vector<1x1x128xf32>
    %get3A_757 = vector.shape_cast %get3A_756 : vector<1x1x128xf32> to vector<1x128xf32>
    %neg3A_758 = arith.constant 0.000000e+00 : f32
    %neg3A_759 = vector.broadcast %neg3A_758 : f32 to vector<1x128xf32>
    %neg3A_760 = arith.subf %neg3A_759, %get3A_757 : vector<1x128xf32>
    %eq3A_761 = arith.constant 0.000000e+00 : f32
    %eq3A_762 = vector.broadcast %eq3A_761 : f32 to vector<1x128xf32>
    %eq3A_763 = arith.cmpf oeq, %neg3A_760, %eq3A_762 : vector<1x128xf32>
    %jit3A_764 = arith.constant 0.000000e+00 : f32
    %broadcast_in_dim3A_765 = vector.broadcast %jit3A_764 : f32 to vector<1x128xf32>
    %select_n3A_766 = arith.select %eq3A_763, %broadcast_in_dim3A_765, %neg3A_760 : vector<1x128xi1>, vector<1x128xf32>
    %bitcast_convert_type3A_767 = tpu.bitcast %select_n3A_766 : vector<1x128xf32> -> vector<1x128xi32>
    %ge3A_768 = arith.constant 0 : i32
    %ge3A_769 = vector.broadcast %ge3A_768 : i32 to vector<1x128xi32>
    %ge3A_770 = arith.cmpi sge, %bitcast_convert_type3A_767, %ge3A_769 : vector<1x128xi32>
    %not3A_771 = arith.constant dense<-1> : vector<1x128xi32>
    %not3A_772 = arith.xori %bitcast_convert_type3A_767, %not3A_771 : vector<1x128xi32>
    %xor3A_773 = arith.constant -2147483648 : i32
    %xor3A_774 = vector.broadcast %xor3A_773 : i32 to vector<1x128xi32>
    %xor3A_775 = arith.xori %not3A_772, %xor3A_774 : vector<1x128xi32>
    %select_n3A_776 = arith.select %ge3A_770, %bitcast_convert_type3A_767, %xor3A_775 : vector<1x128xi1>, vector<1x128xi32>
    %mul3A_777 = arith.constant 128 : i32
    %mul3A_778 = arith.muli %add3A_752, %mul3A_777 : i32
    %iota3A_779 = tpu.iota {dimensions = array<i32: 1>} : vector<1x128xi32>
    %add3A_780 = vector.broadcast %mul3A_778 : i32 to vector<1x128xi32>
    %add3A_781 = arith.addi %add3A_780, %iota3A_779 : vector<1x128xi32>
    %lt3A_782 = vector.broadcast %select_n3A_776 : vector<1x128xi32> to vector<2048x128xi32>
    %lt3A_783 = arith.cmpi slt, %lt3A_782, %broadcast_in_dim3A_13 : vector<2048x128xi32>
    %eq3A_784 = vector.broadcast %select_n3A_776 : vector<1x128xi32> to vector<2048x128xi32>
    %eq3A_785 = arith.cmpi eq, %eq3A_784, %broadcast_in_dim3A_13 : vector<2048x128xi32>
    %lt3A_786 = vector.broadcast %add3A_781 : vector<1x128xi32> to vector<2048x128xi32>
    %lt3A_787 = vector.broadcast %add3A_15 : vector<2048x1xi32> to vector<2048x128xi32>
    %lt3A_788 = arith.cmpi slt, %lt3A_786, %lt3A_787 : vector<2048x128xi32>
    %and3A_789 = arith.andi %eq3A_785, %lt3A_788 : vector<2048x128xi1>
    %or3A_790 = arith.ori %lt3A_783, %and3A_789 : vector<2048x128xi1>
    %jit3A_791 = arith.constant 1.000000e+00 : f32
    %jit3A_792 = arith.constant 0.000000e+00 : f32
    %broadcast_in_dim3A_793 = vector.broadcast %jit3A_791 : f32 to vector<2048x128xf32>
    %broadcast_in_dim3A_794 = vector.broadcast %jit3A_792 : f32 to vector<2048x128xf32>
    %select_n3A_795 = arith.select %or3A_790, %broadcast_in_dim3A_793, %broadcast_in_dim3A_794 : vector<2048x128xi1>, vector<2048x128xf32>
    %add3A_796 = arith.addf %add3A_748, %select_n3A_795 : vector<2048x128xf32>
    %dot_general3A = arith.constant dense<0.000000e+00> : vector<2048x1xf32>
    %dot_general3A_797 = tpu.matmul %add3A_796, %broadcast_in_dim3A_17, %dot_general3A {dimension_numbers = #tpu.dot_dimension_numbers<[1], [0], [0], [1], [0, 0, 1, 1], [], []>, transpose_lhs_hint = false} : vector<2048x128xf32>, vector<128x1xf32>, vector<2048x1xf32> -> vector<2048x1xf32>
    %add3A_798 = arith.addf %while3A_29, %dot_general3A_797 : vector<2048x1xf32>
    %add3A_799 = arith.constant 1 : i32
    %add3A_800 = arith.addi %arg0, %add3A_799 : i32
    %while3A_801 = arith.constant 5 : i32
    %while3A_802 = arith.subi %while3A_801, %add3A_800 : i32
    %while3A_803 = arith.addi %add3A_800, %while3A_802 : i32
    %while3A_804 = arith.constant 1 : i32
    %while3A_805 = arith.divsi %while3A_802, %while3A_804 : i32
    %while3A_806 = arith.muli %while3A_805, %while3A_804 : i32
    %while3A_807 = arith.addi %add3A_800, %while3A_806 : i32
    %while3A_808 = arith.constant 1 : i32
    %while3A_809 = scf.for %while3A_814 = %add3A_800 to %while3A_807 step %while3A_808 iter_args(%while3A_815 = %add3A_798) -> (vector<2048x1xf32>)  : i32 {
      %broadcast_in_dim3A_816 = arith.constant 0.000000e+00 : f32
      %broadcast_in_dim3A_817 = vector.broadcast %broadcast_in_dim3A_816 : f32 to vector<2048x128xf32>
      %mul3A_818 = arith.constant 16 : i32
      %mul3A_819 = arith.muli %while3A_814, %mul3A_818 : i32
      %add3A_820 = arith.constant 0 : i32
      %add3A_821 = arith.addi %mul3A_819, %add3A_820 : i32
      %get3A_822 = arith.index_cast %add3A_821 : i32 to index
      %get3A_823 = arith.constant 0 : index
      %get3A_824 = arith.constant 0 : index
      %get3A_825 = vector.load %arg2[%get3A_822, %get3A_823, %get3A_824] : memref<80x1x128xf32, #tpu.memory_space<vmem>>, vector<1x1x128xf32>
      %get3A_826 = vector.shape_cast %get3A_825 : vector<1x1x128xf32> to vector<1x128xf32>
      %neg3A_827 = arith.constant 0.000000e+00 : f32
      %neg3A_828 = vector.broadcast %neg3A_827 : f32 to vector<1x128xf32>
      %neg3A_829 = arith.subf %neg3A_828, %get3A_826 : vector<1x128xf32>
      %eq3A_830 = arith.constant 0.000000e+00 : f32
      %eq3A_831 = vector.broadcast %eq3A_830 : f32 to vector<1x128xf32>
      %eq3A_832 = arith.cmpf oeq, %neg3A_829, %eq3A_831 : vector<1x128xf32>
      %jit3A_833 = arith.constant 0.000000e+00 : f32
      %broadcast_in_dim3A_834 = vector.broadcast %jit3A_833 : f32 to vector<1x128xf32>
      %select_n3A_835 = arith.select %eq3A_832, %broadcast_in_dim3A_834, %neg3A_829 : vector<1x128xi1>, vector<1x128xf32>
      %bitcast_convert_type3A_836 = tpu.bitcast %select_n3A_835 : vector<1x128xf32> -> vector<1x128xi32>
      %ge3A_837 = arith.constant 0 : i32
      %ge3A_838 = vector.broadcast %ge3A_837 : i32 to vector<1x128xi32>
      %ge3A_839 = arith.cmpi sge, %bitcast_convert_type3A_836, %ge3A_838 : vector<1x128xi32>
      %not3A_840 = arith.constant dense<-1> : vector<1x128xi32>
      %not3A_841 = arith.xori %bitcast_convert_type3A_836, %not3A_840 : vector<1x128xi32>
      %xor3A_842 = arith.constant -2147483648 : i32
      %xor3A_843 = vector.broadcast %xor3A_842 : i32 to vector<1x128xi32>
      %xor3A_844 = arith.xori %not3A_841, %xor3A_843 : vector<1x128xi32>
      %select_n3A_845 = arith.select %ge3A_839, %bitcast_convert_type3A_836, %xor3A_844 : vector<1x128xi1>, vector<1x128xi32>
      %lt3A_846 = vector.broadcast %select_n3A_845 : vector<1x128xi32> to vector<2048x128xi32>
      %lt3A_847 = arith.cmpi slt, %lt3A_846, %broadcast_in_dim3A_13 : vector<2048x128xi32>
      %jit3A_848 = arith.constant 1.000000e+00 : f32
      %jit3A_849 = arith.constant 0.000000e+00 : f32
      %broadcast_in_dim3A_850 = vector.broadcast %jit3A_848 : f32 to vector<2048x128xf32>
      %broadcast_in_dim3A_851 = vector.broadcast %jit3A_849 : f32 to vector<2048x128xf32>
      %select_n3A_852 = arith.select %lt3A_847, %broadcast_in_dim3A_850, %broadcast_in_dim3A_851 : vector<2048x128xi1>, vector<2048x128xf32>
      %add3A_853 = arith.addf %broadcast_in_dim3A_817, %select_n3A_852 : vector<2048x128xf32>
      %mul3A_854 = arith.constant 16 : i32
      %mul3A_855 = arith.muli %while3A_814, %mul3A_854 : i32
      %add3A_856 = arith.constant 1 : i32
      %add3A_857 = arith.addi %mul3A_855, %add3A_856 : i32
      %get3A_858 = arith.index_cast %add3A_857 : i32 to index
      %get3A_859 = arith.constant 0 : index
      %get3A_860 = arith.constant 0 : index
      %get3A_861 = vector.load %arg2[%get3A_858, %get3A_859, %get3A_860] : memref<80x1x128xf32, #tpu.memory_space<vmem>>, vector<1x1x128xf32>
      %get3A_862 = vector.shape_cast %get3A_861 : vector<1x1x128xf32> to vector<1x128xf32>
      %neg3A_863 = arith.constant 0.000000e+00 : f32
      %neg3A_864 = vector.broadcast %neg3A_863 : f32 to vector<1x128xf32>
      %neg3A_865 = arith.subf %neg3A_864, %get3A_862 : vector<1x128xf32>
      %eq3A_866 = arith.constant 0.000000e+00 : f32
      %eq3A_867 = vector.broadcast %eq3A_866 : f32 to vector<1x128xf32>
      %eq3A_868 = arith.cmpf oeq, %neg3A_865, %eq3A_867 : vector<1x128xf32>
      %jit3A_869 = arith.constant 0.000000e+00 : f32
      %broadcast_in_dim3A_870 = vector.broadcast %jit3A_869 : f32 to vector<1x128xf32>
      %select_n3A_871 = arith.select %eq3A_868, %broadcast_in_dim3A_870, %neg3A_865 : vector<1x128xi1>, vector<1x128xf32>
      %bitcast_convert_type3A_872 = tpu.bitcast %select_n3A_871 : vector<1x128xf32> -> vector<1x128xi32>
      %ge3A_873 = arith.constant 0 : i32
      %ge3A_874 = vector.broadcast %ge3A_873 : i32 to vector<1x128xi32>
      %ge3A_875 = arith.cmpi sge, %bitcast_convert_type3A_872, %ge3A_874 : vector<1x128xi32>
      %not3A_876 = arith.constant dense<-1> : vector<1x128xi32>
      %not3A_877 = arith.xori %bitcast_convert_type3A_872, %not3A_876 : vector<1x128xi32>
      %xor3A_878 = arith.constant -2147483648 : i32
      %xor3A_879 = vector.broadcast %xor3A_878 : i32 to vector<1x128xi32>
      %xor3A_880 = arith.xori %not3A_877, %xor3A_879 : vector<1x128xi32>
      %select_n3A_881 = arith.select %ge3A_875, %bitcast_convert_type3A_872, %xor3A_880 : vector<1x128xi1>, vector<1x128xi32>
      %lt3A_882 = vector.broadcast %select_n3A_881 : vector<1x128xi32> to vector<2048x128xi32>
      %lt3A_883 = arith.cmpi slt, %lt3A_882, %broadcast_in_dim3A_13 : vector<2048x128xi32>
      %jit3A_884 = arith.constant 1.000000e+00 : f32
      %jit3A_885 = arith.constant 0.000000e+00 : f32
      %broadcast_in_dim3A_886 = vector.broadcast %jit3A_884 : f32 to vector<2048x128xf32>
      %broadcast_in_dim3A_887 = vector.broadcast %jit3A_885 : f32 to vector<2048x128xf32>
      %select_n3A_888 = arith.select %lt3A_883, %broadcast_in_dim3A_886, %broadcast_in_dim3A_887 : vector<2048x128xi1>, vector<2048x128xf32>
      %add3A_889 = arith.addf %add3A_853, %select_n3A_888 : vector<2048x128xf32>
      %mul3A_890 = arith.constant 16 : i32
      %mul3A_891 = arith.muli %while3A_814, %mul3A_890 : i32
      %add3A_892 = arith.constant 2 : i32
      %add3A_893 = arith.addi %mul3A_891, %add3A_892 : i32
      %get3A_894 = arith.index_cast %add3A_893 : i32 to index
      %get3A_895 = arith.constant 0 : index
      %get3A_896 = arith.constant 0 : index
      %get3A_897 = vector.load %arg2[%get3A_894, %get3A_895, %get3A_896] : memref<80x1x128xf32, #tpu.memory_space<vmem>>, vector<1x1x128xf32>
      %get3A_898 = vector.shape_cast %get3A_897 : vector<1x1x128xf32> to vector<1x128xf32>
      %neg3A_899 = arith.constant 0.000000e+00 : f32
      %neg3A_900 = vector.broadcast %neg3A_899 : f32 to vector<1x128xf32>
      %neg3A_901 = arith.subf %neg3A_900, %get3A_898 : vector<1x128xf32>
      %eq3A_902 = arith.constant 0.000000e+00 : f32
      %eq3A_903 = vector.broadcast %eq3A_902 : f32 to vector<1x128xf32>
      %eq3A_904 = arith.cmpf oeq, %neg3A_901, %eq3A_903 : vector<1x128xf32>
      %jit3A_905 = arith.constant 0.000000e+00 : f32
      %broadcast_in_dim3A_906 = vector.broadcast %jit3A_905 : f32 to vector<1x128xf32>
      %select_n3A_907 = arith.select %eq3A_904, %broadcast_in_dim3A_906, %neg3A_901 : vector<1x128xi1>, vector<1x128xf32>
      %bitcast_convert_type3A_908 = tpu.bitcast %select_n3A_907 : vector<1x128xf32> -> vector<1x128xi32>
      %ge3A_909 = arith.constant 0 : i32
      %ge3A_910 = vector.broadcast %ge3A_909 : i32 to vector<1x128xi32>
      %ge3A_911 = arith.cmpi sge, %bitcast_convert_type3A_908, %ge3A_910 : vector<1x128xi32>
      %not3A_912 = arith.constant dense<-1> : vector<1x128xi32>
      %not3A_913 = arith.xori %bitcast_convert_type3A_908, %not3A_912 : vector<1x128xi32>
      %xor3A_914 = arith.constant -2147483648 : i32
      %xor3A_915 = vector.broadcast %xor3A_914 : i32 to vector<1x128xi32>
      %xor3A_916 = arith.xori %not3A_913, %xor3A_915 : vector<1x128xi32>
      %select_n3A_917 = arith.select %ge3A_911, %bitcast_convert_type3A_908, %xor3A_916 : vector<1x128xi1>, vector<1x128xi32>
      %lt3A_918 = vector.broadcast %select_n3A_917 : vector<1x128xi32> to vector<2048x128xi32>
      %lt3A_919 = arith.cmpi slt, %lt3A_918, %broadcast_in_dim3A_13 : vector<2048x128xi32>
      %jit3A_920 = arith.constant 1.000000e+00 : f32
      %jit3A_921 = arith.constant 0.000000e+00 : f32
      %broadcast_in_dim3A_922 = vector.broadcast %jit3A_920 : f32 to vector<2048x128xf32>
      %broadcast_in_dim3A_923 = vector.broadcast %jit3A_921 : f32 to vector<2048x128xf32>
      %select_n3A_924 = arith.select %lt3A_919, %broadcast_in_dim3A_922, %broadcast_in_dim3A_923 : vector<2048x128xi1>, vector<2048x128xf32>
      %add3A_925 = arith.addf %add3A_889, %select_n3A_924 : vector<2048x128xf32>
      %mul3A_926 = arith.constant 16 : i32
      %mul3A_927 = arith.muli %while3A_814, %mul3A_926 : i32
      %add3A_928 = arith.constant 3 : i32
      %add3A_929 = arith.addi %mul3A_927, %add3A_928 : i32
      %get3A_930 = arith.index_cast %add3A_929 : i32 to index
      %get3A_931 = arith.constant 0 : index
      %get3A_932 = arith.constant 0 : index
      %get3A_933 = vector.load %arg2[%get3A_930, %get3A_931, %get3A_932] : memref<80x1x128xf32, #tpu.memory_space<vmem>>, vector<1x1x128xf32>
      %get3A_934 = vector.shape_cast %get3A_933 : vector<1x1x128xf32> to vector<1x128xf32>
      %neg3A_935 = arith.constant 0.000000e+00 : f32
      %neg3A_936 = vector.broadcast %neg3A_935 : f32 to vector<1x128xf32>
      %neg3A_937 = arith.subf %neg3A_936, %get3A_934 : vector<1x128xf32>
      %eq3A_938 = arith.constant 0.000000e+00 : f32
      %eq3A_939 = vector.broadcast %eq3A_938 : f32 to vector<1x128xf32>
      %eq3A_940 = arith.cmpf oeq, %neg3A_937, %eq3A_939 : vector<1x128xf32>
      %jit3A_941 = arith.constant 0.000000e+00 : f32
      %broadcast_in_dim3A_942 = vector.broadcast %jit3A_941 : f32 to vector<1x128xf32>
      %select_n3A_943 = arith.select %eq3A_940, %broadcast_in_dim3A_942, %neg3A_937 : vector<1x128xi1>, vector<1x128xf32>
      %bitcast_convert_type3A_944 = tpu.bitcast %select_n3A_943 : vector<1x128xf32> -> vector<1x128xi32>
      %ge3A_945 = arith.constant 0 : i32
      %ge3A_946 = vector.broadcast %ge3A_945 : i32 to vector<1x128xi32>
      %ge3A_947 = arith.cmpi sge, %bitcast_convert_type3A_944, %ge3A_946 : vector<1x128xi32>
      %not3A_948 = arith.constant dense<-1> : vector<1x128xi32>
      %not3A_949 = arith.xori %bitcast_convert_type3A_944, %not3A_948 : vector<1x128xi32>
      %xor3A_950 = arith.constant -2147483648 : i32
      %xor3A_951 = vector.broadcast %xor3A_950 : i32 to vector<1x128xi32>
      %xor3A_952 = arith.xori %not3A_949, %xor3A_951 : vector<1x128xi32>
      %select_n3A_953 = arith.select %ge3A_947, %bitcast_convert_type3A_944, %xor3A_952 : vector<1x128xi1>, vector<1x128xi32>
      %lt3A_954 = vector.broadcast %select_n3A_953 : vector<1x128xi32> to vector<2048x128xi32>
      %lt3A_955 = arith.cmpi slt, %lt3A_954, %broadcast_in_dim3A_13 : vector<2048x128xi32>
      %jit3A_956 = arith.constant 1.000000e+00 : f32
      %jit3A_957 = arith.constant 0.000000e+00 : f32
      %broadcast_in_dim3A_958 = vector.broadcast %jit3A_956 : f32 to vector<2048x128xf32>
      %broadcast_in_dim3A_959 = vector.broadcast %jit3A_957 : f32 to vector<2048x128xf32>
      %select_n3A_960 = arith.select %lt3A_955, %broadcast_in_dim3A_958, %broadcast_in_dim3A_959 : vector<2048x128xi1>, vector<2048x128xf32>
      %add3A_961 = arith.addf %add3A_925, %select_n3A_960 : vector<2048x128xf32>
      %mul3A_962 = arith.constant 16 : i32
      %mul3A_963 = arith.muli %while3A_814, %mul3A_962 : i32
      %add3A_964 = arith.constant 4 : i32
      %add3A_965 = arith.addi %mul3A_963, %add3A_964 : i32
      %get3A_966 = arith.index_cast %add3A_965 : i32 to index
      %get3A_967 = arith.constant 0 : index
      %get3A_968 = arith.constant 0 : index
      %get3A_969 = vector.load %arg2[%get3A_966, %get3A_967, %get3A_968] : memref<80x1x128xf32, #tpu.memory_space<vmem>>, vector<1x1x128xf32>
      %get3A_970 = vector.shape_cast %get3A_969 : vector<1x1x128xf32> to vector<1x128xf32>
      %neg3A_971 = arith.constant 0.000000e+00 : f32
      %neg3A_972 = vector.broadcast %neg3A_971 : f32 to vector<1x128xf32>
      %neg3A_973 = arith.subf %neg3A_972, %get3A_970 : vector<1x128xf32>
      %eq3A_974 = arith.constant 0.000000e+00 : f32
      %eq3A_975 = vector.broadcast %eq3A_974 : f32 to vector<1x128xf32>
      %eq3A_976 = arith.cmpf oeq, %neg3A_973, %eq3A_975 : vector<1x128xf32>
      %jit3A_977 = arith.constant 0.000000e+00 : f32
      %broadcast_in_dim3A_978 = vector.broadcast %jit3A_977 : f32 to vector<1x128xf32>
      %select_n3A_979 = arith.select %eq3A_976, %broadcast_in_dim3A_978, %neg3A_973 : vector<1x128xi1>, vector<1x128xf32>
      %bitcast_convert_type3A_980 = tpu.bitcast %select_n3A_979 : vector<1x128xf32> -> vector<1x128xi32>
      %ge3A_981 = arith.constant 0 : i32
      %ge3A_982 = vector.broadcast %ge3A_981 : i32 to vector<1x128xi32>
      %ge3A_983 = arith.cmpi sge, %bitcast_convert_type3A_980, %ge3A_982 : vector<1x128xi32>
      %not3A_984 = arith.constant dense<-1> : vector<1x128xi32>
      %not3A_985 = arith.xori %bitcast_convert_type3A_980, %not3A_984 : vector<1x128xi32>
      %xor3A_986 = arith.constant -2147483648 : i32
      %xor3A_987 = vector.broadcast %xor3A_986 : i32 to vector<1x128xi32>
      %xor3A_988 = arith.xori %not3A_985, %xor3A_987 : vector<1x128xi32>
      %select_n3A_989 = arith.select %ge3A_983, %bitcast_convert_type3A_980, %xor3A_988 : vector<1x128xi1>, vector<1x128xi32>
      %lt3A_990 = vector.broadcast %select_n3A_989 : vector<1x128xi32> to vector<2048x128xi32>
      %lt3A_991 = arith.cmpi slt, %lt3A_990, %broadcast_in_dim3A_13 : vector<2048x128xi32>
      %jit3A_992 = arith.constant 1.000000e+00 : f32
      %jit3A_993 = arith.constant 0.000000e+00 : f32
      %broadcast_in_dim3A_994 = vector.broadcast %jit3A_992 : f32 to vector<2048x128xf32>
      %broadcast_in_dim3A_995 = vector.broadcast %jit3A_993 : f32 to vector<2048x128xf32>
      %select_n3A_996 = arith.select %lt3A_991, %broadcast_in_dim3A_994, %broadcast_in_dim3A_995 : vector<2048x128xi1>, vector<2048x128xf32>
      %add3A_997 = arith.addf %add3A_961, %select_n3A_996 : vector<2048x128xf32>
      %mul3A_998 = arith.constant 16 : i32
      %mul3A_999 = arith.muli %while3A_814, %mul3A_998 : i32
      %add3A_1000 = arith.constant 5 : i32
      %add3A_1001 = arith.addi %mul3A_999, %add3A_1000 : i32
      %get3A_1002 = arith.index_cast %add3A_1001 : i32 to index
      %get3A_1003 = arith.constant 0 : index
      %get3A_1004 = arith.constant 0 : index
      %get3A_1005 = vector.load %arg2[%get3A_1002, %get3A_1003, %get3A_1004] : memref<80x1x128xf32, #tpu.memory_space<vmem>>, vector<1x1x128xf32>
      %get3A_1006 = vector.shape_cast %get3A_1005 : vector<1x1x128xf32> to vector<1x128xf32>
      %neg3A_1007 = arith.constant 0.000000e+00 : f32
      %neg3A_1008 = vector.broadcast %neg3A_1007 : f32 to vector<1x128xf32>
      %neg3A_1009 = arith.subf %neg3A_1008, %get3A_1006 : vector<1x128xf32>
      %eq3A_1010 = arith.constant 0.000000e+00 : f32
      %eq3A_1011 = vector.broadcast %eq3A_1010 : f32 to vector<1x128xf32>
      %eq3A_1012 = arith.cmpf oeq, %neg3A_1009, %eq3A_1011 : vector<1x128xf32>
      %jit3A_1013 = arith.constant 0.000000e+00 : f32
      %broadcast_in_dim3A_1014 = vector.broadcast %jit3A_1013 : f32 to vector<1x128xf32>
      %select_n3A_1015 = arith.select %eq3A_1012, %broadcast_in_dim3A_1014, %neg3A_1009 : vector<1x128xi1>, vector<1x128xf32>
      %bitcast_convert_type3A_1016 = tpu.bitcast %select_n3A_1015 : vector<1x128xf32> -> vector<1x128xi32>
      %ge3A_1017 = arith.constant 0 : i32
      %ge3A_1018 = vector.broadcast %ge3A_1017 : i32 to vector<1x128xi32>
      %ge3A_1019 = arith.cmpi sge, %bitcast_convert_type3A_1016, %ge3A_1018 : vector<1x128xi32>
      %not3A_1020 = arith.constant dense<-1> : vector<1x128xi32>
      %not3A_1021 = arith.xori %bitcast_convert_type3A_1016, %not3A_1020 : vector<1x128xi32>
      %xor3A_1022 = arith.constant -2147483648 : i32
      %xor3A_1023 = vector.broadcast %xor3A_1022 : i32 to vector<1x128xi32>
      %xor3A_1024 = arith.xori %not3A_1021, %xor3A_1023 : vector<1x128xi32>
      %select_n3A_1025 = arith.select %ge3A_1019, %bitcast_convert_type3A_1016, %xor3A_1024 : vector<1x128xi1>, vector<1x128xi32>
      %lt3A_1026 = vector.broadcast %select_n3A_1025 : vector<1x128xi32> to vector<2048x128xi32>
      %lt3A_1027 = arith.cmpi slt, %lt3A_1026, %broadcast_in_dim3A_13 : vector<2048x128xi32>
      %jit3A_1028 = arith.constant 1.000000e+00 : f32
      %jit3A_1029 = arith.constant 0.000000e+00 : f32
      %broadcast_in_dim3A_1030 = vector.broadcast %jit3A_1028 : f32 to vector<2048x128xf32>
      %broadcast_in_dim3A_1031 = vector.broadcast %jit3A_1029 : f32 to vector<2048x128xf32>
      %select_n3A_1032 = arith.select %lt3A_1027, %broadcast_in_dim3A_1030, %broadcast_in_dim3A_1031 : vector<2048x128xi1>, vector<2048x128xf32>
      %add3A_1033 = arith.addf %add3A_997, %select_n3A_1032 : vector<2048x128xf32>
      %mul3A_1034 = arith.constant 16 : i32
      %mul3A_1035 = arith.muli %while3A_814, %mul3A_1034 : i32
      %add3A_1036 = arith.constant 6 : i32
      %add3A_1037 = arith.addi %mul3A_1035, %add3A_1036 : i32
      %get3A_1038 = arith.index_cast %add3A_1037 : i32 to index
      %get3A_1039 = arith.constant 0 : index
      %get3A_1040 = arith.constant 0 : index
      %get3A_1041 = vector.load %arg2[%get3A_1038, %get3A_1039, %get3A_1040] : memref<80x1x128xf32, #tpu.memory_space<vmem>>, vector<1x1x128xf32>
      %get3A_1042 = vector.shape_cast %get3A_1041 : vector<1x1x128xf32> to vector<1x128xf32>
      %neg3A_1043 = arith.constant 0.000000e+00 : f32
      %neg3A_1044 = vector.broadcast %neg3A_1043 : f32 to vector<1x128xf32>
      %neg3A_1045 = arith.subf %neg3A_1044, %get3A_1042 : vector<1x128xf32>
      %eq3A_1046 = arith.constant 0.000000e+00 : f32
      %eq3A_1047 = vector.broadcast %eq3A_1046 : f32 to vector<1x128xf32>
      %eq3A_1048 = arith.cmpf oeq, %neg3A_1045, %eq3A_1047 : vector<1x128xf32>
      %jit3A_1049 = arith.constant 0.000000e+00 : f32
      %broadcast_in_dim3A_1050 = vector.broadcast %jit3A_1049 : f32 to vector<1x128xf32>
      %select_n3A_1051 = arith.select %eq3A_1048, %broadcast_in_dim3A_1050, %neg3A_1045 : vector<1x128xi1>, vector<1x128xf32>
      %bitcast_convert_type3A_1052 = tpu.bitcast %select_n3A_1051 : vector<1x128xf32> -> vector<1x128xi32>
      %ge3A_1053 = arith.constant 0 : i32
      %ge3A_1054 = vector.broadcast %ge3A_1053 : i32 to vector<1x128xi32>
      %ge3A_1055 = arith.cmpi sge, %bitcast_convert_type3A_1052, %ge3A_1054 : vector<1x128xi32>
      %not3A_1056 = arith.constant dense<-1> : vector<1x128xi32>
      %not3A_1057 = arith.xori %bitcast_convert_type3A_1052, %not3A_1056 : vector<1x128xi32>
      %xor3A_1058 = arith.constant -2147483648 : i32
      %xor3A_1059 = vector.broadcast %xor3A_1058 : i32 to vector<1x128xi32>
      %xor3A_1060 = arith.xori %not3A_1057, %xor3A_1059 : vector<1x128xi32>
      %select_n3A_1061 = arith.select %ge3A_1055, %bitcast_convert_type3A_1052, %xor3A_1060 : vector<1x128xi1>, vector<1x128xi32>
      %lt3A_1062 = vector.broadcast %select_n3A_1061 : vector<1x128xi32> to vector<2048x128xi32>
      %lt3A_1063 = arith.cmpi slt, %lt3A_1062, %broadcast_in_dim3A_13 : vector<2048x128xi32>
      %jit3A_1064 = arith.constant 1.000000e+00 : f32
      %jit3A_1065 = arith.constant 0.000000e+00 : f32
      %broadcast_in_dim3A_1066 = vector.broadcast %jit3A_1064 : f32 to vector<2048x128xf32>
      %broadcast_in_dim3A_1067 = vector.broadcast %jit3A_1065 : f32 to vector<2048x128xf32>
      %select_n3A_1068 = arith.select %lt3A_1063, %broadcast_in_dim3A_1066, %broadcast_in_dim3A_1067 : vector<2048x128xi1>, vector<2048x128xf32>
      %add3A_1069 = arith.addf %add3A_1033, %select_n3A_1068 : vector<2048x128xf32>
      %mul3A_1070 = arith.constant 16 : i32
      %mul3A_1071 = arith.muli %while3A_814, %mul3A_1070 : i32
      %add3A_1072 = arith.constant 7 : i32
      %add3A_1073 = arith.addi %mul3A_1071, %add3A_1072 : i32
      %get3A_1074 = arith.index_cast %add3A_1073 : i32 to index
      %get3A_1075 = arith.constant 0 : index
      %get3A_1076 = arith.constant 0 : index
      %get3A_1077 = vector.load %arg2[%get3A_1074, %get3A_1075, %get3A_1076] : memref<80x1x128xf32, #tpu.memory_space<vmem>>, vector<1x1x128xf32>
      %get3A_1078 = vector.shape_cast %get3A_1077 : vector<1x1x128xf32> to vector<1x128xf32>
      %neg3A_1079 = arith.constant 0.000000e+00 : f32
      %neg3A_1080 = vector.broadcast %neg3A_1079 : f32 to vector<1x128xf32>
      %neg3A_1081 = arith.subf %neg3A_1080, %get3A_1078 : vector<1x128xf32>
      %eq3A_1082 = arith.constant 0.000000e+00 : f32
      %eq3A_1083 = vector.broadcast %eq3A_1082 : f32 to vector<1x128xf32>
      %eq3A_1084 = arith.cmpf oeq, %neg3A_1081, %eq3A_1083 : vector<1x128xf32>
      %jit3A_1085 = arith.constant 0.000000e+00 : f32
      %broadcast_in_dim3A_1086 = vector.broadcast %jit3A_1085 : f32 to vector<1x128xf32>
      %select_n3A_1087 = arith.select %eq3A_1084, %broadcast_in_dim3A_1086, %neg3A_1081 : vector<1x128xi1>, vector<1x128xf32>
      %bitcast_convert_type3A_1088 = tpu.bitcast %select_n3A_1087 : vector<1x128xf32> -> vector<1x128xi32>
      %ge3A_1089 = arith.constant 0 : i32
      %ge3A_1090 = vector.broadcast %ge3A_1089 : i32 to vector<1x128xi32>
      %ge3A_1091 = arith.cmpi sge, %bitcast_convert_type3A_1088, %ge3A_1090 : vector<1x128xi32>
      %not3A_1092 = arith.constant dense<-1> : vector<1x128xi32>
      %not3A_1093 = arith.xori %bitcast_convert_type3A_1088, %not3A_1092 : vector<1x128xi32>
      %xor3A_1094 = arith.constant -2147483648 : i32
      %xor3A_1095 = vector.broadcast %xor3A_1094 : i32 to vector<1x128xi32>
      %xor3A_1096 = arith.xori %not3A_1093, %xor3A_1095 : vector<1x128xi32>
      %select_n3A_1097 = arith.select %ge3A_1091, %bitcast_convert_type3A_1088, %xor3A_1096 : vector<1x128xi1>, vector<1x128xi32>
      %lt3A_1098 = vector.broadcast %select_n3A_1097 : vector<1x128xi32> to vector<2048x128xi32>
      %lt3A_1099 = arith.cmpi slt, %lt3A_1098, %broadcast_in_dim3A_13 : vector<2048x128xi32>
      %jit3A_1100 = arith.constant 1.000000e+00 : f32
      %jit3A_1101 = arith.constant 0.000000e+00 : f32
      %broadcast_in_dim3A_1102 = vector.broadcast %jit3A_1100 : f32 to vector<2048x128xf32>
      %broadcast_in_dim3A_1103 = vector.broadcast %jit3A_1101 : f32 to vector<2048x128xf32>
      %select_n3A_1104 = arith.select %lt3A_1099, %broadcast_in_dim3A_1102, %broadcast_in_dim3A_1103 : vector<2048x128xi1>, vector<2048x128xf32>
      %add3A_1105 = arith.addf %add3A_1069, %select_n3A_1104 : vector<2048x128xf32>
      %mul3A_1106 = arith.constant 16 : i32
      %mul3A_1107 = arith.muli %while3A_814, %mul3A_1106 : i32
      %add3A_1108 = arith.constant 8 : i32
      %add3A_1109 = arith.addi %mul3A_1107, %add3A_1108 : i32
      %get3A_1110 = arith.index_cast %add3A_1109 : i32 to index
      %get3A_1111 = arith.constant 0 : index
      %get3A_1112 = arith.constant 0 : index
      %get3A_1113 = vector.load %arg2[%get3A_1110, %get3A_1111, %get3A_1112] : memref<80x1x128xf32, #tpu.memory_space<vmem>>, vector<1x1x128xf32>
      %get3A_1114 = vector.shape_cast %get3A_1113 : vector<1x1x128xf32> to vector<1x128xf32>
      %neg3A_1115 = arith.constant 0.000000e+00 : f32
      %neg3A_1116 = vector.broadcast %neg3A_1115 : f32 to vector<1x128xf32>
      %neg3A_1117 = arith.subf %neg3A_1116, %get3A_1114 : vector<1x128xf32>
      %eq3A_1118 = arith.constant 0.000000e+00 : f32
      %eq3A_1119 = vector.broadcast %eq3A_1118 : f32 to vector<1x128xf32>
      %eq3A_1120 = arith.cmpf oeq, %neg3A_1117, %eq3A_1119 : vector<1x128xf32>
      %jit3A_1121 = arith.constant 0.000000e+00 : f32
      %broadcast_in_dim3A_1122 = vector.broadcast %jit3A_1121 : f32 to vector<1x128xf32>
      %select_n3A_1123 = arith.select %eq3A_1120, %broadcast_in_dim3A_1122, %neg3A_1117 : vector<1x128xi1>, vector<1x128xf32>
      %bitcast_convert_type3A_1124 = tpu.bitcast %select_n3A_1123 : vector<1x128xf32> -> vector<1x128xi32>
      %ge3A_1125 = arith.constant 0 : i32
      %ge3A_1126 = vector.broadcast %ge3A_1125 : i32 to vector<1x128xi32>
      %ge3A_1127 = arith.cmpi sge, %bitcast_convert_type3A_1124, %ge3A_1126 : vector<1x128xi32>
      %not3A_1128 = arith.constant dense<-1> : vector<1x128xi32>
      %not3A_1129 = arith.xori %bitcast_convert_type3A_1124, %not3A_1128 : vector<1x128xi32>
      %xor3A_1130 = arith.constant -2147483648 : i32
      %xor3A_1131 = vector.broadcast %xor3A_1130 : i32 to vector<1x128xi32>
      %xor3A_1132 = arith.xori %not3A_1129, %xor3A_1131 : vector<1x128xi32>
      %select_n3A_1133 = arith.select %ge3A_1127, %bitcast_convert_type3A_1124, %xor3A_1132 : vector<1x128xi1>, vector<1x128xi32>
      %lt3A_1134 = vector.broadcast %select_n3A_1133 : vector<1x128xi32> to vector<2048x128xi32>
      %lt3A_1135 = arith.cmpi slt, %lt3A_1134, %broadcast_in_dim3A_13 : vector<2048x128xi32>
      %jit3A_1136 = arith.constant 1.000000e+00 : f32
      %jit3A_1137 = arith.constant 0.000000e+00 : f32
      %broadcast_in_dim3A_1138 = vector.broadcast %jit3A_1136 : f32 to vector<2048x128xf32>
      %broadcast_in_dim3A_1139 = vector.broadcast %jit3A_1137 : f32 to vector<2048x128xf32>
      %select_n3A_1140 = arith.select %lt3A_1135, %broadcast_in_dim3A_1138, %broadcast_in_dim3A_1139 : vector<2048x128xi1>, vector<2048x128xf32>
      %add3A_1141 = arith.addf %add3A_1105, %select_n3A_1140 : vector<2048x128xf32>
      %mul3A_1142 = arith.constant 16 : i32
      %mul3A_1143 = arith.muli %while3A_814, %mul3A_1142 : i32
      %add3A_1144 = arith.constant 9 : i32
      %add3A_1145 = arith.addi %mul3A_1143, %add3A_1144 : i32
      %get3A_1146 = arith.index_cast %add3A_1145 : i32 to index
      %get3A_1147 = arith.constant 0 : index
      %get3A_1148 = arith.constant 0 : index
      %get3A_1149 = vector.load %arg2[%get3A_1146, %get3A_1147, %get3A_1148] : memref<80x1x128xf32, #tpu.memory_space<vmem>>, vector<1x1x128xf32>
      %get3A_1150 = vector.shape_cast %get3A_1149 : vector<1x1x128xf32> to vector<1x128xf32>
      %neg3A_1151 = arith.constant 0.000000e+00 : f32
      %neg3A_1152 = vector.broadcast %neg3A_1151 : f32 to vector<1x128xf32>
      %neg3A_1153 = arith.subf %neg3A_1152, %get3A_1150 : vector<1x128xf32>
      %eq3A_1154 = arith.constant 0.000000e+00 : f32
      %eq3A_1155 = vector.broadcast %eq3A_1154 : f32 to vector<1x128xf32>
      %eq3A_1156 = arith.cmpf oeq, %neg3A_1153, %eq3A_1155 : vector<1x128xf32>
      %jit3A_1157 = arith.constant 0.000000e+00 : f32
      %broadcast_in_dim3A_1158 = vector.broadcast %jit3A_1157 : f32 to vector<1x128xf32>
      %select_n3A_1159 = arith.select %eq3A_1156, %broadcast_in_dim3A_1158, %neg3A_1153 : vector<1x128xi1>, vector<1x128xf32>
      %bitcast_convert_type3A_1160 = tpu.bitcast %select_n3A_1159 : vector<1x128xf32> -> vector<1x128xi32>
      %ge3A_1161 = arith.constant 0 : i32
      %ge3A_1162 = vector.broadcast %ge3A_1161 : i32 to vector<1x128xi32>
      %ge3A_1163 = arith.cmpi sge, %bitcast_convert_type3A_1160, %ge3A_1162 : vector<1x128xi32>
      %not3A_1164 = arith.constant dense<-1> : vector<1x128xi32>
      %not3A_1165 = arith.xori %bitcast_convert_type3A_1160, %not3A_1164 : vector<1x128xi32>
      %xor3A_1166 = arith.constant -2147483648 : i32
      %xor3A_1167 = vector.broadcast %xor3A_1166 : i32 to vector<1x128xi32>
      %xor3A_1168 = arith.xori %not3A_1165, %xor3A_1167 : vector<1x128xi32>
      %select_n3A_1169 = arith.select %ge3A_1163, %bitcast_convert_type3A_1160, %xor3A_1168 : vector<1x128xi1>, vector<1x128xi32>
      %lt3A_1170 = vector.broadcast %select_n3A_1169 : vector<1x128xi32> to vector<2048x128xi32>
      %lt3A_1171 = arith.cmpi slt, %lt3A_1170, %broadcast_in_dim3A_13 : vector<2048x128xi32>
      %jit3A_1172 = arith.constant 1.000000e+00 : f32
      %jit3A_1173 = arith.constant 0.000000e+00 : f32
      %broadcast_in_dim3A_1174 = vector.broadcast %jit3A_1172 : f32 to vector<2048x128xf32>
      %broadcast_in_dim3A_1175 = vector.broadcast %jit3A_1173 : f32 to vector<2048x128xf32>
      %select_n3A_1176 = arith.select %lt3A_1171, %broadcast_in_dim3A_1174, %broadcast_in_dim3A_1175 : vector<2048x128xi1>, vector<2048x128xf32>
      %add3A_1177 = arith.addf %add3A_1141, %select_n3A_1176 : vector<2048x128xf32>
      %mul3A_1178 = arith.constant 16 : i32
      %mul3A_1179 = arith.muli %while3A_814, %mul3A_1178 : i32
      %add3A_1180 = arith.constant 10 : i32
      %add3A_1181 = arith.addi %mul3A_1179, %add3A_1180 : i32
      %get3A_1182 = arith.index_cast %add3A_1181 : i32 to index
      %get3A_1183 = arith.constant 0 : index
      %get3A_1184 = arith.constant 0 : index
      %get3A_1185 = vector.load %arg2[%get3A_1182, %get3A_1183, %get3A_1184] : memref<80x1x128xf32, #tpu.memory_space<vmem>>, vector<1x1x128xf32>
      %get3A_1186 = vector.shape_cast %get3A_1185 : vector<1x1x128xf32> to vector<1x128xf32>
      %neg3A_1187 = arith.constant 0.000000e+00 : f32
      %neg3A_1188 = vector.broadcast %neg3A_1187 : f32 to vector<1x128xf32>
      %neg3A_1189 = arith.subf %neg3A_1188, %get3A_1186 : vector<1x128xf32>
      %eq3A_1190 = arith.constant 0.000000e+00 : f32
      %eq3A_1191 = vector.broadcast %eq3A_1190 : f32 to vector<1x128xf32>
      %eq3A_1192 = arith.cmpf oeq, %neg3A_1189, %eq3A_1191 : vector<1x128xf32>
      %jit3A_1193 = arith.constant 0.000000e+00 : f32
      %broadcast_in_dim3A_1194 = vector.broadcast %jit3A_1193 : f32 to vector<1x128xf32>
      %select_n3A_1195 = arith.select %eq3A_1192, %broadcast_in_dim3A_1194, %neg3A_1189 : vector<1x128xi1>, vector<1x128xf32>
      %bitcast_convert_type3A_1196 = tpu.bitcast %select_n3A_1195 : vector<1x128xf32> -> vector<1x128xi32>
      %ge3A_1197 = arith.constant 0 : i32
      %ge3A_1198 = vector.broadcast %ge3A_1197 : i32 to vector<1x128xi32>
      %ge3A_1199 = arith.cmpi sge, %bitcast_convert_type3A_1196, %ge3A_1198 : vector<1x128xi32>
      %not3A_1200 = arith.constant dense<-1> : vector<1x128xi32>
      %not3A_1201 = arith.xori %bitcast_convert_type3A_1196, %not3A_1200 : vector<1x128xi32>
      %xor3A_1202 = arith.constant -2147483648 : i32
      %xor3A_1203 = vector.broadcast %xor3A_1202 : i32 to vector<1x128xi32>
      %xor3A_1204 = arith.xori %not3A_1201, %xor3A_1203 : vector<1x128xi32>
      %select_n3A_1205 = arith.select %ge3A_1199, %bitcast_convert_type3A_1196, %xor3A_1204 : vector<1x128xi1>, vector<1x128xi32>
      %lt3A_1206 = vector.broadcast %select_n3A_1205 : vector<1x128xi32> to vector<2048x128xi32>
      %lt3A_1207 = arith.cmpi slt, %lt3A_1206, %broadcast_in_dim3A_13 : vector<2048x128xi32>
      %jit3A_1208 = arith.constant 1.000000e+00 : f32
      %jit3A_1209 = arith.constant 0.000000e+00 : f32
      %broadcast_in_dim3A_1210 = vector.broadcast %jit3A_1208 : f32 to vector<2048x128xf32>
      %broadcast_in_dim3A_1211 = vector.broadcast %jit3A_1209 : f32 to vector<2048x128xf32>
      %select_n3A_1212 = arith.select %lt3A_1207, %broadcast_in_dim3A_1210, %broadcast_in_dim3A_1211 : vector<2048x128xi1>, vector<2048x128xf32>
      %add3A_1213 = arith.addf %add3A_1177, %select_n3A_1212 : vector<2048x128xf32>
      %mul3A_1214 = arith.constant 16 : i32
      %mul3A_1215 = arith.muli %while3A_814, %mul3A_1214 : i32
      %add3A_1216 = arith.constant 11 : i32
      %add3A_1217 = arith.addi %mul3A_1215, %add3A_1216 : i32
      %get3A_1218 = arith.index_cast %add3A_1217 : i32 to index
      %get3A_1219 = arith.constant 0 : index
      %get3A_1220 = arith.constant 0 : index
      %get3A_1221 = vector.load %arg2[%get3A_1218, %get3A_1219, %get3A_1220] : memref<80x1x128xf32, #tpu.memory_space<vmem>>, vector<1x1x128xf32>
      %get3A_1222 = vector.shape_cast %get3A_1221 : vector<1x1x128xf32> to vector<1x128xf32>
      %neg3A_1223 = arith.constant 0.000000e+00 : f32
      %neg3A_1224 = vector.broadcast %neg3A_1223 : f32 to vector<1x128xf32>
      %neg3A_1225 = arith.subf %neg3A_1224, %get3A_1222 : vector<1x128xf32>
      %eq3A_1226 = arith.constant 0.000000e+00 : f32
      %eq3A_1227 = vector.broadcast %eq3A_1226 : f32 to vector<1x128xf32>
      %eq3A_1228 = arith.cmpf oeq, %neg3A_1225, %eq3A_1227 : vector<1x128xf32>
      %jit3A_1229 = arith.constant 0.000000e+00 : f32
      %broadcast_in_dim3A_1230 = vector.broadcast %jit3A_1229 : f32 to vector<1x128xf32>
      %select_n3A_1231 = arith.select %eq3A_1228, %broadcast_in_dim3A_1230, %neg3A_1225 : vector<1x128xi1>, vector<1x128xf32>
      %bitcast_convert_type3A_1232 = tpu.bitcast %select_n3A_1231 : vector<1x128xf32> -> vector<1x128xi32>
      %ge3A_1233 = arith.constant 0 : i32
      %ge3A_1234 = vector.broadcast %ge3A_1233 : i32 to vector<1x128xi32>
      %ge3A_1235 = arith.cmpi sge, %bitcast_convert_type3A_1232, %ge3A_1234 : vector<1x128xi32>
      %not3A_1236 = arith.constant dense<-1> : vector<1x128xi32>
      %not3A_1237 = arith.xori %bitcast_convert_type3A_1232, %not3A_1236 : vector<1x128xi32>
      %xor3A_1238 = arith.constant -2147483648 : i32
      %xor3A_1239 = vector.broadcast %xor3A_1238 : i32 to vector<1x128xi32>
      %xor3A_1240 = arith.xori %not3A_1237, %xor3A_1239 : vector<1x128xi32>
      %select_n3A_1241 = arith.select %ge3A_1235, %bitcast_convert_type3A_1232, %xor3A_1240 : vector<1x128xi1>, vector<1x128xi32>
      %lt3A_1242 = vector.broadcast %select_n3A_1241 : vector<1x128xi32> to vector<2048x128xi32>
      %lt3A_1243 = arith.cmpi slt, %lt3A_1242, %broadcast_in_dim3A_13 : vector<2048x128xi32>
      %jit3A_1244 = arith.constant 1.000000e+00 : f32
      %jit3A_1245 = arith.constant 0.000000e+00 : f32
      %broadcast_in_dim3A_1246 = vector.broadcast %jit3A_1244 : f32 to vector<2048x128xf32>
      %broadcast_in_dim3A_1247 = vector.broadcast %jit3A_1245 : f32 to vector<2048x128xf32>
      %select_n3A_1248 = arith.select %lt3A_1243, %broadcast_in_dim3A_1246, %broadcast_in_dim3A_1247 : vector<2048x128xi1>, vector<2048x128xf32>
      %add3A_1249 = arith.addf %add3A_1213, %select_n3A_1248 : vector<2048x128xf32>
      %mul3A_1250 = arith.constant 16 : i32
      %mul3A_1251 = arith.muli %while3A_814, %mul3A_1250 : i32
      %add3A_1252 = arith.constant 12 : i32
      %add3A_1253 = arith.addi %mul3A_1251, %add3A_1252 : i32
      %get3A_1254 = arith.index_cast %add3A_1253 : i32 to index
      %get3A_1255 = arith.constant 0 : index
      %get3A_1256 = arith.constant 0 : index
      %get3A_1257 = vector.load %arg2[%get3A_1254, %get3A_1255, %get3A_1256] : memref<80x1x128xf32, #tpu.memory_space<vmem>>, vector<1x1x128xf32>
      %get3A_1258 = vector.shape_cast %get3A_1257 : vector<1x1x128xf32> to vector<1x128xf32>
      %neg3A_1259 = arith.constant 0.000000e+00 : f32
      %neg3A_1260 = vector.broadcast %neg3A_1259 : f32 to vector<1x128xf32>
      %neg3A_1261 = arith.subf %neg3A_1260, %get3A_1258 : vector<1x128xf32>
      %eq3A_1262 = arith.constant 0.000000e+00 : f32
      %eq3A_1263 = vector.broadcast %eq3A_1262 : f32 to vector<1x128xf32>
      %eq3A_1264 = arith.cmpf oeq, %neg3A_1261, %eq3A_1263 : vector<1x128xf32>
      %jit3A_1265 = arith.constant 0.000000e+00 : f32
      %broadcast_in_dim3A_1266 = vector.broadcast %jit3A_1265 : f32 to vector<1x128xf32>
      %select_n3A_1267 = arith.select %eq3A_1264, %broadcast_in_dim3A_1266, %neg3A_1261 : vector<1x128xi1>, vector<1x128xf32>
      %bitcast_convert_type3A_1268 = tpu.bitcast %select_n3A_1267 : vector<1x128xf32> -> vector<1x128xi32>
      %ge3A_1269 = arith.constant 0 : i32
      %ge3A_1270 = vector.broadcast %ge3A_1269 : i32 to vector<1x128xi32>
      %ge3A_1271 = arith.cmpi sge, %bitcast_convert_type3A_1268, %ge3A_1270 : vector<1x128xi32>
      %not3A_1272 = arith.constant dense<-1> : vector<1x128xi32>
      %not3A_1273 = arith.xori %bitcast_convert_type3A_1268, %not3A_1272 : vector<1x128xi32>
      %xor3A_1274 = arith.constant -2147483648 : i32
      %xor3A_1275 = vector.broadcast %xor3A_1274 : i32 to vector<1x128xi32>
      %xor3A_1276 = arith.xori %not3A_1273, %xor3A_1275 : vector<1x128xi32>
      %select_n3A_1277 = arith.select %ge3A_1271, %bitcast_convert_type3A_1268, %xor3A_1276 : vector<1x128xi1>, vector<1x128xi32>
      %lt3A_1278 = vector.broadcast %select_n3A_1277 : vector<1x128xi32> to vector<2048x128xi32>
      %lt3A_1279 = arith.cmpi slt, %lt3A_1278, %broadcast_in_dim3A_13 : vector<2048x128xi32>
      %jit3A_1280 = arith.constant 1.000000e+00 : f32
      %jit3A_1281 = arith.constant 0.000000e+00 : f32
      %broadcast_in_dim3A_1282 = vector.broadcast %jit3A_1280 : f32 to vector<2048x128xf32>
      %broadcast_in_dim3A_1283 = vector.broadcast %jit3A_1281 : f32 to vector<2048x128xf32>
      %select_n3A_1284 = arith.select %lt3A_1279, %broadcast_in_dim3A_1282, %broadcast_in_dim3A_1283 : vector<2048x128xi1>, vector<2048x128xf32>
      %add3A_1285 = arith.addf %add3A_1249, %select_n3A_1284 : vector<2048x128xf32>
      %mul3A_1286 = arith.constant 16 : i32
      %mul3A_1287 = arith.muli %while3A_814, %mul3A_1286 : i32
      %add3A_1288 = arith.constant 13 : i32
      %add3A_1289 = arith.addi %mul3A_1287, %add3A_1288 : i32
      %get3A_1290 = arith.index_cast %add3A_1289 : i32 to index
      %get3A_1291 = arith.constant 0 : index
      %get3A_1292 = arith.constant 0 : index
      %get3A_1293 = vector.load %arg2[%get3A_1290, %get3A_1291, %get3A_1292] : memref<80x1x128xf32, #tpu.memory_space<vmem>>, vector<1x1x128xf32>
      %get3A_1294 = vector.shape_cast %get3A_1293 : vector<1x1x128xf32> to vector<1x128xf32>
      %neg3A_1295 = arith.constant 0.000000e+00 : f32
      %neg3A_1296 = vector.broadcast %neg3A_1295 : f32 to vector<1x128xf32>
      %neg3A_1297 = arith.subf %neg3A_1296, %get3A_1294 : vector<1x128xf32>
      %eq3A_1298 = arith.constant 0.000000e+00 : f32
      %eq3A_1299 = vector.broadcast %eq3A_1298 : f32 to vector<1x128xf32>
      %eq3A_1300 = arith.cmpf oeq, %neg3A_1297, %eq3A_1299 : vector<1x128xf32>
      %jit3A_1301 = arith.constant 0.000000e+00 : f32
      %broadcast_in_dim3A_1302 = vector.broadcast %jit3A_1301 : f32 to vector<1x128xf32>
      %select_n3A_1303 = arith.select %eq3A_1300, %broadcast_in_dim3A_1302, %neg3A_1297 : vector<1x128xi1>, vector<1x128xf32>
      %bitcast_convert_type3A_1304 = tpu.bitcast %select_n3A_1303 : vector<1x128xf32> -> vector<1x128xi32>
      %ge3A_1305 = arith.constant 0 : i32
      %ge3A_1306 = vector.broadcast %ge3A_1305 : i32 to vector<1x128xi32>
      %ge3A_1307 = arith.cmpi sge, %bitcast_convert_type3A_1304, %ge3A_1306 : vector<1x128xi32>
      %not3A_1308 = arith.constant dense<-1> : vector<1x128xi32>
      %not3A_1309 = arith.xori %bitcast_convert_type3A_1304, %not3A_1308 : vector<1x128xi32>
      %xor3A_1310 = arith.constant -2147483648 : i32
      %xor3A_1311 = vector.broadcast %xor3A_1310 : i32 to vector<1x128xi32>
      %xor3A_1312 = arith.xori %not3A_1309, %xor3A_1311 : vector<1x128xi32>
      %select_n3A_1313 = arith.select %ge3A_1307, %bitcast_convert_type3A_1304, %xor3A_1312 : vector<1x128xi1>, vector<1x128xi32>
      %lt3A_1314 = vector.broadcast %select_n3A_1313 : vector<1x128xi32> to vector<2048x128xi32>
      %lt3A_1315 = arith.cmpi slt, %lt3A_1314, %broadcast_in_dim3A_13 : vector<2048x128xi32>
      %jit3A_1316 = arith.constant 1.000000e+00 : f32
      %jit3A_1317 = arith.constant 0.000000e+00 : f32
      %broadcast_in_dim3A_1318 = vector.broadcast %jit3A_1316 : f32 to vector<2048x128xf32>
      %broadcast_in_dim3A_1319 = vector.broadcast %jit3A_1317 : f32 to vector<2048x128xf32>
      %select_n3A_1320 = arith.select %lt3A_1315, %broadcast_in_dim3A_1318, %broadcast_in_dim3A_1319 : vector<2048x128xi1>, vector<2048x128xf32>
      %add3A_1321 = arith.addf %add3A_1285, %select_n3A_1320 : vector<2048x128xf32>
      %mul3A_1322 = arith.constant 16 : i32
      %mul3A_1323 = arith.muli %while3A_814, %mul3A_1322 : i32
      %add3A_1324 = arith.constant 14 : i32
      %add3A_1325 = arith.addi %mul3A_1323, %add3A_1324 : i32
      %get3A_1326 = arith.index_cast %add3A_1325 : i32 to index
      %get3A_1327 = arith.constant 0 : index
      %get3A_1328 = arith.constant 0 : index
      %get3A_1329 = vector.load %arg2[%get3A_1326, %get3A_1327, %get3A_1328] : memref<80x1x128xf32, #tpu.memory_space<vmem>>, vector<1x1x128xf32>
      %get3A_1330 = vector.shape_cast %get3A_1329 : vector<1x1x128xf32> to vector<1x128xf32>
      %neg3A_1331 = arith.constant 0.000000e+00 : f32
      %neg3A_1332 = vector.broadcast %neg3A_1331 : f32 to vector<1x128xf32>
      %neg3A_1333 = arith.subf %neg3A_1332, %get3A_1330 : vector<1x128xf32>
      %eq3A_1334 = arith.constant 0.000000e+00 : f32
      %eq3A_1335 = vector.broadcast %eq3A_1334 : f32 to vector<1x128xf32>
      %eq3A_1336 = arith.cmpf oeq, %neg3A_1333, %eq3A_1335 : vector<1x128xf32>
      %jit3A_1337 = arith.constant 0.000000e+00 : f32
      %broadcast_in_dim3A_1338 = vector.broadcast %jit3A_1337 : f32 to vector<1x128xf32>
      %select_n3A_1339 = arith.select %eq3A_1336, %broadcast_in_dim3A_1338, %neg3A_1333 : vector<1x128xi1>, vector<1x128xf32>
      %bitcast_convert_type3A_1340 = tpu.bitcast %select_n3A_1339 : vector<1x128xf32> -> vector<1x128xi32>
      %ge3A_1341 = arith.constant 0 : i32
      %ge3A_1342 = vector.broadcast %ge3A_1341 : i32 to vector<1x128xi32>
      %ge3A_1343 = arith.cmpi sge, %bitcast_convert_type3A_1340, %ge3A_1342 : vector<1x128xi32>
      %not3A_1344 = arith.constant dense<-1> : vector<1x128xi32>
      %not3A_1345 = arith.xori %bitcast_convert_type3A_1340, %not3A_1344 : vector<1x128xi32>
      %xor3A_1346 = arith.constant -2147483648 : i32
      %xor3A_1347 = vector.broadcast %xor3A_1346 : i32 to vector<1x128xi32>
      %xor3A_1348 = arith.xori %not3A_1345, %xor3A_1347 : vector<1x128xi32>
      %select_n3A_1349 = arith.select %ge3A_1343, %bitcast_convert_type3A_1340, %xor3A_1348 : vector<1x128xi1>, vector<1x128xi32>
      %lt3A_1350 = vector.broadcast %select_n3A_1349 : vector<1x128xi32> to vector<2048x128xi32>
      %lt3A_1351 = arith.cmpi slt, %lt3A_1350, %broadcast_in_dim3A_13 : vector<2048x128xi32>
      %jit3A_1352 = arith.constant 1.000000e+00 : f32
      %jit3A_1353 = arith.constant 0.000000e+00 : f32
      %broadcast_in_dim3A_1354 = vector.broadcast %jit3A_1352 : f32 to vector<2048x128xf32>
      %broadcast_in_dim3A_1355 = vector.broadcast %jit3A_1353 : f32 to vector<2048x128xf32>
      %select_n3A_1356 = arith.select %lt3A_1351, %broadcast_in_dim3A_1354, %broadcast_in_dim3A_1355 : vector<2048x128xi1>, vector<2048x128xf32>
      %add3A_1357 = arith.addf %add3A_1321, %select_n3A_1356 : vector<2048x128xf32>
      %mul3A_1358 = arith.constant 16 : i32
      %mul3A_1359 = arith.muli %while3A_814, %mul3A_1358 : i32
      %add3A_1360 = arith.constant 15 : i32
      %add3A_1361 = arith.addi %mul3A_1359, %add3A_1360 : i32
      %get3A_1362 = arith.index_cast %add3A_1361 : i32 to index
      %get3A_1363 = arith.constant 0 : index
      %get3A_1364 = arith.constant 0 : index
      %get3A_1365 = vector.load %arg2[%get3A_1362, %get3A_1363, %get3A_1364] : memref<80x1x128xf32, #tpu.memory_space<vmem>>, vector<1x1x128xf32>
      %get3A_1366 = vector.shape_cast %get3A_1365 : vector<1x1x128xf32> to vector<1x128xf32>
      %neg3A_1367 = arith.constant 0.000000e+00 : f32
      %neg3A_1368 = vector.broadcast %neg3A_1367 : f32 to vector<1x128xf32>
      %neg3A_1369 = arith.subf %neg3A_1368, %get3A_1366 : vector<1x128xf32>
      %eq3A_1370 = arith.constant 0.000000e+00 : f32
      %eq3A_1371 = vector.broadcast %eq3A_1370 : f32 to vector<1x128xf32>
      %eq3A_1372 = arith.cmpf oeq, %neg3A_1369, %eq3A_1371 : vector<1x128xf32>
      %jit3A_1373 = arith.constant 0.000000e+00 : f32
      %broadcast_in_dim3A_1374 = vector.broadcast %jit3A_1373 : f32 to vector<1x128xf32>
      %select_n3A_1375 = arith.select %eq3A_1372, %broadcast_in_dim3A_1374, %neg3A_1369 : vector<1x128xi1>, vector<1x128xf32>
      %bitcast_convert_type3A_1376 = tpu.bitcast %select_n3A_1375 : vector<1x128xf32> -> vector<1x128xi32>
      %ge3A_1377 = arith.constant 0 : i32
      %ge3A_1378 = vector.broadcast %ge3A_1377 : i32 to vector<1x128xi32>
      %ge3A_1379 = arith.cmpi sge, %bitcast_convert_type3A_1376, %ge3A_1378 : vector<1x128xi32>
      %not3A_1380 = arith.constant dense<-1> : vector<1x128xi32>
      %not3A_1381 = arith.xori %bitcast_convert_type3A_1376, %not3A_1380 : vector<1x128xi32>
      %xor3A_1382 = arith.constant -2147483648 : i32
      %xor3A_1383 = vector.broadcast %xor3A_1382 : i32 to vector<1x128xi32>
      %xor3A_1384 = arith.xori %not3A_1381, %xor3A_1383 : vector<1x128xi32>
      %select_n3A_1385 = arith.select %ge3A_1379, %bitcast_convert_type3A_1376, %xor3A_1384 : vector<1x128xi1>, vector<1x128xi32>
      %lt3A_1386 = vector.broadcast %select_n3A_1385 : vector<1x128xi32> to vector<2048x128xi32>
      %lt3A_1387 = arith.cmpi slt, %lt3A_1386, %broadcast_in_dim3A_13 : vector<2048x128xi32>
      %jit3A_1388 = arith.constant 1.000000e+00 : f32
      %jit3A_1389 = arith.constant 0.000000e+00 : f32
      %broadcast_in_dim3A_1390 = vector.broadcast %jit3A_1388 : f32 to vector<2048x128xf32>
      %broadcast_in_dim3A_1391 = vector.broadcast %jit3A_1389 : f32 to vector<2048x128xf32>
      %select_n3A_1392 = arith.select %lt3A_1387, %broadcast_in_dim3A_1390, %broadcast_in_dim3A_1391 : vector<2048x128xi1>, vector<2048x128xf32>
      %add3A_1393 = arith.addf %add3A_1357, %select_n3A_1392 : vector<2048x128xf32>
      %dot_general3A_1394 = arith.constant dense<0.000000e+00> : vector<2048x1xf32>
      %dot_general3A_1395 = tpu.matmul %add3A_1393, %broadcast_in_dim3A_17, %dot_general3A_1394 {dimension_numbers = #tpu.dot_dimension_numbers<[1], [0], [0], [1], [0, 0, 1, 1], [], []>, transpose_lhs_hint = false} : vector<2048x128xf32>, vector<128x1xf32>, vector<2048x1xf32> -> vector<2048x1xf32>
      %add3A_1396 = arith.addf %while3A_815, %dot_general3A_1395 : vector<2048x1xf32>
      scf.yield %add3A_1396 : vector<2048x1xf32>
    }
    %while3A_810 = arith.constant 1 : i32
    %while3A_811 = scf.for %while3A_814 = %while3A_807 to %while3A_803 step %while3A_810 iter_args(%while3A_815 = %while3A_809) -> (vector<2048x1xf32>)  : i32 {
      %broadcast_in_dim3A_816 = arith.constant 0.000000e+00 : f32
      %broadcast_in_dim3A_817 = vector.broadcast %broadcast_in_dim3A_816 : f32 to vector<2048x128xf32>
      %mul3A_818 = arith.constant 16 : i32
      %mul3A_819 = arith.muli %while3A_814, %mul3A_818 : i32
      %add3A_820 = arith.constant 0 : i32
      %add3A_821 = arith.addi %mul3A_819, %add3A_820 : i32
      %get3A_822 = arith.index_cast %add3A_821 : i32 to index
      %get3A_823 = arith.constant 0 : index
      %get3A_824 = arith.constant 0 : index
      %get3A_825 = vector.load %arg2[%get3A_822, %get3A_823, %get3A_824] : memref<80x1x128xf32, #tpu.memory_space<vmem>>, vector<1x1x128xf32>
      %get3A_826 = vector.shape_cast %get3A_825 : vector<1x1x128xf32> to vector<1x128xf32>
      %neg3A_827 = arith.constant 0.000000e+00 : f32
      %neg3A_828 = vector.broadcast %neg3A_827 : f32 to vector<1x128xf32>
      %neg3A_829 = arith.subf %neg3A_828, %get3A_826 : vector<1x128xf32>
      %eq3A_830 = arith.constant 0.000000e+00 : f32
      %eq3A_831 = vector.broadcast %eq3A_830 : f32 to vector<1x128xf32>
      %eq3A_832 = arith.cmpf oeq, %neg3A_829, %eq3A_831 : vector<1x128xf32>
      %jit3A_833 = arith.constant 0.000000e+00 : f32
      %broadcast_in_dim3A_834 = vector.broadcast %jit3A_833 : f32 to vector<1x128xf32>
      %select_n3A_835 = arith.select %eq3A_832, %broadcast_in_dim3A_834, %neg3A_829 : vector<1x128xi1>, vector<1x128xf32>
      %bitcast_convert_type3A_836 = tpu.bitcast %select_n3A_835 : vector<1x128xf32> -> vector<1x128xi32>
      %ge3A_837 = arith.constant 0 : i32
      %ge3A_838 = vector.broadcast %ge3A_837 : i32 to vector<1x128xi32>
      %ge3A_839 = arith.cmpi sge, %bitcast_convert_type3A_836, %ge3A_838 : vector<1x128xi32>
      %not3A_840 = arith.constant dense<-1> : vector<1x128xi32>
      %not3A_841 = arith.xori %bitcast_convert_type3A_836, %not3A_840 : vector<1x128xi32>
      %xor3A_842 = arith.constant -2147483648 : i32
      %xor3A_843 = vector.broadcast %xor3A_842 : i32 to vector<1x128xi32>
      %xor3A_844 = arith.xori %not3A_841, %xor3A_843 : vector<1x128xi32>
      %select_n3A_845 = arith.select %ge3A_839, %bitcast_convert_type3A_836, %xor3A_844 : vector<1x128xi1>, vector<1x128xi32>
      %lt3A_846 = vector.broadcast %select_n3A_845 : vector<1x128xi32> to vector<2048x128xi32>
      %lt3A_847 = arith.cmpi slt, %lt3A_846, %broadcast_in_dim3A_13 : vector<2048x128xi32>
      %jit3A_848 = arith.constant 1.000000e+00 : f32
      %jit3A_849 = arith.constant 0.000000e+00 : f32
      %broadcast_in_dim3A_850 = vector.broadcast %jit3A_848 : f32 to vector<2048x128xf32>
      %broadcast_in_dim3A_851 = vector.broadcast %jit3A_849 : f32 to vector<2048x128xf32>
      %select_n3A_852 = arith.select %lt3A_847, %broadcast_in_dim3A_850, %broadcast_in_dim3A_851 : vector<2048x128xi1>, vector<2048x128xf32>
      %add3A_853 = arith.addf %broadcast_in_dim3A_817, %select_n3A_852 : vector<2048x128xf32>
      %mul3A_854 = arith.constant 16 : i32
      %mul3A_855 = arith.muli %while3A_814, %mul3A_854 : i32
      %add3A_856 = arith.constant 1 : i32
      %add3A_857 = arith.addi %mul3A_855, %add3A_856 : i32
      %get3A_858 = arith.index_cast %add3A_857 : i32 to index
      %get3A_859 = arith.constant 0 : index
      %get3A_860 = arith.constant 0 : index
      %get3A_861 = vector.load %arg2[%get3A_858, %get3A_859, %get3A_860] : memref<80x1x128xf32, #tpu.memory_space<vmem>>, vector<1x1x128xf32>
      %get3A_862 = vector.shape_cast %get3A_861 : vector<1x1x128xf32> to vector<1x128xf32>
      %neg3A_863 = arith.constant 0.000000e+00 : f32
      %neg3A_864 = vector.broadcast %neg3A_863 : f32 to vector<1x128xf32>
      %neg3A_865 = arith.subf %neg3A_864, %get3A_862 : vector<1x128xf32>
      %eq3A_866 = arith.constant 0.000000e+00 : f32
      %eq3A_867 = vector.broadcast %eq3A_866 : f32 to vector<1x128xf32>
      %eq3A_868 = arith.cmpf oeq, %neg3A_865, %eq3A_867 : vector<1x128xf32>
      %jit3A_869 = arith.constant 0.000000e+00 : f32
      %broadcast_in_dim3A_870 = vector.broadcast %jit3A_869 : f32 to vector<1x128xf32>
      %select_n3A_871 = arith.select %eq3A_868, %broadcast_in_dim3A_870, %neg3A_865 : vector<1x128xi1>, vector<1x128xf32>
      %bitcast_convert_type3A_872 = tpu.bitcast %select_n3A_871 : vector<1x128xf32> -> vector<1x128xi32>
      %ge3A_873 = arith.constant 0 : i32
      %ge3A_874 = vector.broadcast %ge3A_873 : i32 to vector<1x128xi32>
      %ge3A_875 = arith.cmpi sge, %bitcast_convert_type3A_872, %ge3A_874 : vector<1x128xi32>
      %not3A_876 = arith.constant dense<-1> : vector<1x128xi32>
      %not3A_877 = arith.xori %bitcast_convert_type3A_872, %not3A_876 : vector<1x128xi32>
      %xor3A_878 = arith.constant -2147483648 : i32
      %xor3A_879 = vector.broadcast %xor3A_878 : i32 to vector<1x128xi32>
      %xor3A_880 = arith.xori %not3A_877, %xor3A_879 : vector<1x128xi32>
      %select_n3A_881 = arith.select %ge3A_875, %bitcast_convert_type3A_872, %xor3A_880 : vector<1x128xi1>, vector<1x128xi32>
      %lt3A_882 = vector.broadcast %select_n3A_881 : vector<1x128xi32> to vector<2048x128xi32>
      %lt3A_883 = arith.cmpi slt, %lt3A_882, %broadcast_in_dim3A_13 : vector<2048x128xi32>
      %jit3A_884 = arith.constant 1.000000e+00 : f32
      %jit3A_885 = arith.constant 0.000000e+00 : f32
      %broadcast_in_dim3A_886 = vector.broadcast %jit3A_884 : f32 to vector<2048x128xf32>
      %broadcast_in_dim3A_887 = vector.broadcast %jit3A_885 : f32 to vector<2048x128xf32>
      %select_n3A_888 = arith.select %lt3A_883, %broadcast_in_dim3A_886, %broadcast_in_dim3A_887 : vector<2048x128xi1>, vector<2048x128xf32>
      %add3A_889 = arith.addf %add3A_853, %select_n3A_888 : vector<2048x128xf32>
      %mul3A_890 = arith.constant 16 : i32
      %mul3A_891 = arith.muli %while3A_814, %mul3A_890 : i32
      %add3A_892 = arith.constant 2 : i32
      %add3A_893 = arith.addi %mul3A_891, %add3A_892 : i32
      %get3A_894 = arith.index_cast %add3A_893 : i32 to index
      %get3A_895 = arith.constant 0 : index
      %get3A_896 = arith.constant 0 : index
      %get3A_897 = vector.load %arg2[%get3A_894, %get3A_895, %get3A_896] : memref<80x1x128xf32, #tpu.memory_space<vmem>>, vector<1x1x128xf32>
      %get3A_898 = vector.shape_cast %get3A_897 : vector<1x1x128xf32> to vector<1x128xf32>
      %neg3A_899 = arith.constant 0.000000e+00 : f32
      %neg3A_900 = vector.broadcast %neg3A_899 : f32 to vector<1x128xf32>
      %neg3A_901 = arith.subf %neg3A_900, %get3A_898 : vector<1x128xf32>
      %eq3A_902 = arith.constant 0.000000e+00 : f32
      %eq3A_903 = vector.broadcast %eq3A_902 : f32 to vector<1x128xf32>
      %eq3A_904 = arith.cmpf oeq, %neg3A_901, %eq3A_903 : vector<1x128xf32>
      %jit3A_905 = arith.constant 0.000000e+00 : f32
      %broadcast_in_dim3A_906 = vector.broadcast %jit3A_905 : f32 to vector<1x128xf32>
      %select_n3A_907 = arith.select %eq3A_904, %broadcast_in_dim3A_906, %neg3A_901 : vector<1x128xi1>, vector<1x128xf32>
      %bitcast_convert_type3A_908 = tpu.bitcast %select_n3A_907 : vector<1x128xf32> -> vector<1x128xi32>
      %ge3A_909 = arith.constant 0 : i32
      %ge3A_910 = vector.broadcast %ge3A_909 : i32 to vector<1x128xi32>
      %ge3A_911 = arith.cmpi sge, %bitcast_convert_type3A_908, %ge3A_910 : vector<1x128xi32>
      %not3A_912 = arith.constant dense<-1> : vector<1x128xi32>
      %not3A_913 = arith.xori %bitcast_convert_type3A_908, %not3A_912 : vector<1x128xi32>
      %xor3A_914 = arith.constant -2147483648 : i32
      %xor3A_915 = vector.broadcast %xor3A_914 : i32 to vector<1x128xi32>
      %xor3A_916 = arith.xori %not3A_913, %xor3A_915 : vector<1x128xi32>
      %select_n3A_917 = arith.select %ge3A_911, %bitcast_convert_type3A_908, %xor3A_916 : vector<1x128xi1>, vector<1x128xi32>
      %lt3A_918 = vector.broadcast %select_n3A_917 : vector<1x128xi32> to vector<2048x128xi32>
      %lt3A_919 = arith.cmpi slt, %lt3A_918, %broadcast_in_dim3A_13 : vector<2048x128xi32>
      %jit3A_920 = arith.constant 1.000000e+00 : f32
      %jit3A_921 = arith.constant 0.000000e+00 : f32
      %broadcast_in_dim3A_922 = vector.broadcast %jit3A_920 : f32 to vector<2048x128xf32>
      %broadcast_in_dim3A_923 = vector.broadcast %jit3A_921 : f32 to vector<2048x128xf32>
      %select_n3A_924 = arith.select %lt3A_919, %broadcast_in_dim3A_922, %broadcast_in_dim3A_923 : vector<2048x128xi1>, vector<2048x128xf32>
      %add3A_925 = arith.addf %add3A_889, %select_n3A_924 : vector<2048x128xf32>
      %mul3A_926 = arith.constant 16 : i32
      %mul3A_927 = arith.muli %while3A_814, %mul3A_926 : i32
      %add3A_928 = arith.constant 3 : i32
      %add3A_929 = arith.addi %mul3A_927, %add3A_928 : i32
      %get3A_930 = arith.index_cast %add3A_929 : i32 to index
      %get3A_931 = arith.constant 0 : index
      %get3A_932 = arith.constant 0 : index
      %get3A_933 = vector.load %arg2[%get3A_930, %get3A_931, %get3A_932] : memref<80x1x128xf32, #tpu.memory_space<vmem>>, vector<1x1x128xf32>
      %get3A_934 = vector.shape_cast %get3A_933 : vector<1x1x128xf32> to vector<1x128xf32>
      %neg3A_935 = arith.constant 0.000000e+00 : f32
      %neg3A_936 = vector.broadcast %neg3A_935 : f32 to vector<1x128xf32>
      %neg3A_937 = arith.subf %neg3A_936, %get3A_934 : vector<1x128xf32>
      %eq3A_938 = arith.constant 0.000000e+00 : f32
      %eq3A_939 = vector.broadcast %eq3A_938 : f32 to vector<1x128xf32>
      %eq3A_940 = arith.cmpf oeq, %neg3A_937, %eq3A_939 : vector<1x128xf32>
      %jit3A_941 = arith.constant 0.000000e+00 : f32
      %broadcast_in_dim3A_942 = vector.broadcast %jit3A_941 : f32 to vector<1x128xf32>
      %select_n3A_943 = arith.select %eq3A_940, %broadcast_in_dim3A_942, %neg3A_937 : vector<1x128xi1>, vector<1x128xf32>
      %bitcast_convert_type3A_944 = tpu.bitcast %select_n3A_943 : vector<1x128xf32> -> vector<1x128xi32>
      %ge3A_945 = arith.constant 0 : i32
      %ge3A_946 = vector.broadcast %ge3A_945 : i32 to vector<1x128xi32>
      %ge3A_947 = arith.cmpi sge, %bitcast_convert_type3A_944, %ge3A_946 : vector<1x128xi32>
      %not3A_948 = arith.constant dense<-1> : vector<1x128xi32>
      %not3A_949 = arith.xori %bitcast_convert_type3A_944, %not3A_948 : vector<1x128xi32>
      %xor3A_950 = arith.constant -2147483648 : i32
      %xor3A_951 = vector.broadcast %xor3A_950 : i32 to vector<1x128xi32>
      %xor3A_952 = arith.xori %not3A_949, %xor3A_951 : vector<1x128xi32>
      %select_n3A_953 = arith.select %ge3A_947, %bitcast_convert_type3A_944, %xor3A_952 : vector<1x128xi1>, vector<1x128xi32>
      %lt3A_954 = vector.broadcast %select_n3A_953 : vector<1x128xi32> to vector<2048x128xi32>
      %lt3A_955 = arith.cmpi slt, %lt3A_954, %broadcast_in_dim3A_13 : vector<2048x128xi32>
      %jit3A_956 = arith.constant 1.000000e+00 : f32
      %jit3A_957 = arith.constant 0.000000e+00 : f32
      %broadcast_in_dim3A_958 = vector.broadcast %jit3A_956 : f32 to vector<2048x128xf32>
      %broadcast_in_dim3A_959 = vector.broadcast %jit3A_957 : f32 to vector<2048x128xf32>
      %select_n3A_960 = arith.select %lt3A_955, %broadcast_in_dim3A_958, %broadcast_in_dim3A_959 : vector<2048x128xi1>, vector<2048x128xf32>
      %add3A_961 = arith.addf %add3A_925, %select_n3A_960 : vector<2048x128xf32>
      %mul3A_962 = arith.constant 16 : i32
      %mul3A_963 = arith.muli %while3A_814, %mul3A_962 : i32
      %add3A_964 = arith.constant 4 : i32
      %add3A_965 = arith.addi %mul3A_963, %add3A_964 : i32
      %get3A_966 = arith.index_cast %add3A_965 : i32 to index
      %get3A_967 = arith.constant 0 : index
      %get3A_968 = arith.constant 0 : index
      %get3A_969 = vector.load %arg2[%get3A_966, %get3A_967, %get3A_968] : memref<80x1x128xf32, #tpu.memory_space<vmem>>, vector<1x1x128xf32>
      %get3A_970 = vector.shape_cast %get3A_969 : vector<1x1x128xf32> to vector<1x128xf32>
      %neg3A_971 = arith.constant 0.000000e+00 : f32
      %neg3A_972 = vector.broadcast %neg3A_971 : f32 to vector<1x128xf32>
      %neg3A_973 = arith.subf %neg3A_972, %get3A_970 : vector<1x128xf32>
      %eq3A_974 = arith.constant 0.000000e+00 : f32
      %eq3A_975 = vector.broadcast %eq3A_974 : f32 to vector<1x128xf32>
      %eq3A_976 = arith.cmpf oeq, %neg3A_973, %eq3A_975 : vector<1x128xf32>
      %jit3A_977 = arith.constant 0.000000e+00 : f32
      %broadcast_in_dim3A_978 = vector.broadcast %jit3A_977 : f32 to vector<1x128xf32>
      %select_n3A_979 = arith.select %eq3A_976, %broadcast_in_dim3A_978, %neg3A_973 : vector<1x128xi1>, vector<1x128xf32>
      %bitcast_convert_type3A_980 = tpu.bitcast %select_n3A_979 : vector<1x128xf32> -> vector<1x128xi32>
      %ge3A_981 = arith.constant 0 : i32
      %ge3A_982 = vector.broadcast %ge3A_981 : i32 to vector<1x128xi32>
      %ge3A_983 = arith.cmpi sge, %bitcast_convert_type3A_980, %ge3A_982 : vector<1x128xi32>
      %not3A_984 = arith.constant dense<-1> : vector<1x128xi32>
      %not3A_985 = arith.xori %bitcast_convert_type3A_980, %not3A_984 : vector<1x128xi32>
      %xor3A_986 = arith.constant -2147483648 : i32
      %xor3A_987 = vector.broadcast %xor3A_986 : i32 to vector<1x128xi32>
      %xor3A_988 = arith.xori %not3A_985, %xor3A_987 : vector<1x128xi32>
      %select_n3A_989 = arith.select %ge3A_983, %bitcast_convert_type3A_980, %xor3A_988 : vector<1x128xi1>, vector<1x128xi32>
      %lt3A_990 = vector.broadcast %select_n3A_989 : vector<1x128xi32> to vector<2048x128xi32>
      %lt3A_991 = arith.cmpi slt, %lt3A_990, %broadcast_in_dim3A_13 : vector<2048x128xi32>
      %jit3A_992 = arith.constant 1.000000e+00 : f32
      %jit3A_993 = arith.constant 0.000000e+00 : f32
      %broadcast_in_dim3A_994 = vector.broadcast %jit3A_992 : f32 to vector<2048x128xf32>
      %broadcast_in_dim3A_995 = vector.broadcast %jit3A_993 : f32 to vector<2048x128xf32>
      %select_n3A_996 = arith.select %lt3A_991, %broadcast_in_dim3A_994, %broadcast_in_dim3A_995 : vector<2048x128xi1>, vector<2048x128xf32>
      %add3A_997 = arith.addf %add3A_961, %select_n3A_996 : vector<2048x128xf32>
      %mul3A_998 = arith.constant 16 : i32
      %mul3A_999 = arith.muli %while3A_814, %mul3A_998 : i32
      %add3A_1000 = arith.constant 5 : i32
      %add3A_1001 = arith.addi %mul3A_999, %add3A_1000 : i32
      %get3A_1002 = arith.index_cast %add3A_1001 : i32 to index
      %get3A_1003 = arith.constant 0 : index
      %get3A_1004 = arith.constant 0 : index
      %get3A_1005 = vector.load %arg2[%get3A_1002, %get3A_1003, %get3A_1004] : memref<80x1x128xf32, #tpu.memory_space<vmem>>, vector<1x1x128xf32>
      %get3A_1006 = vector.shape_cast %get3A_1005 : vector<1x1x128xf32> to vector<1x128xf32>
      %neg3A_1007 = arith.constant 0.000000e+00 : f32
      %neg3A_1008 = vector.broadcast %neg3A_1007 : f32 to vector<1x128xf32>
      %neg3A_1009 = arith.subf %neg3A_1008, %get3A_1006 : vector<1x128xf32>
      %eq3A_1010 = arith.constant 0.000000e+00 : f32
      %eq3A_1011 = vector.broadcast %eq3A_1010 : f32 to vector<1x128xf32>
      %eq3A_1012 = arith.cmpf oeq, %neg3A_1009, %eq3A_1011 : vector<1x128xf32>
      %jit3A_1013 = arith.constant 0.000000e+00 : f32
      %broadcast_in_dim3A_1014 = vector.broadcast %jit3A_1013 : f32 to vector<1x128xf32>
      %select_n3A_1015 = arith.select %eq3A_1012, %broadcast_in_dim3A_1014, %neg3A_1009 : vector<1x128xi1>, vector<1x128xf32>
      %bitcast_convert_type3A_1016 = tpu.bitcast %select_n3A_1015 : vector<1x128xf32> -> vector<1x128xi32>
      %ge3A_1017 = arith.constant 0 : i32
      %ge3A_1018 = vector.broadcast %ge3A_1017 : i32 to vector<1x128xi32>
      %ge3A_1019 = arith.cmpi sge, %bitcast_convert_type3A_1016, %ge3A_1018 : vector<1x128xi32>
      %not3A_1020 = arith.constant dense<-1> : vector<1x128xi32>
      %not3A_1021 = arith.xori %bitcast_convert_type3A_1016, %not3A_1020 : vector<1x128xi32>
      %xor3A_1022 = arith.constant -2147483648 : i32
      %xor3A_1023 = vector.broadcast %xor3A_1022 : i32 to vector<1x128xi32>
      %xor3A_1024 = arith.xori %not3A_1021, %xor3A_1023 : vector<1x128xi32>
      %select_n3A_1025 = arith.select %ge3A_1019, %bitcast_convert_type3A_1016, %xor3A_1024 : vector<1x128xi1>, vector<1x128xi32>
      %lt3A_1026 = vector.broadcast %select_n3A_1025 : vector<1x128xi32> to vector<2048x128xi32>
      %lt3A_1027 = arith.cmpi slt, %lt3A_1026, %broadcast_in_dim3A_13 : vector<2048x128xi32>
      %jit3A_1028 = arith.constant 1.000000e+00 : f32
      %jit3A_1029 = arith.constant 0.000000e+00 : f32
      %broadcast_in_dim3A_1030 = vector.broadcast %jit3A_1028 : f32 to vector<2048x128xf32>
      %broadcast_in_dim3A_1031 = vector.broadcast %jit3A_1029 : f32 to vector<2048x128xf32>
      %select_n3A_1032 = arith.select %lt3A_1027, %broadcast_in_dim3A_1030, %broadcast_in_dim3A_1031 : vector<2048x128xi1>, vector<2048x128xf32>
      %add3A_1033 = arith.addf %add3A_997, %select_n3A_1032 : vector<2048x128xf32>
      %mul3A_1034 = arith.constant 16 : i32
      %mul3A_1035 = arith.muli %while3A_814, %mul3A_1034 : i32
      %add3A_1036 = arith.constant 6 : i32
      %add3A_1037 = arith.addi %mul3A_1035, %add3A_1036 : i32
      %get3A_1038 = arith.index_cast %add3A_1037 : i32 to index
      %get3A_1039 = arith.constant 0 : index
      %get3A_1040 = arith.constant 0 : index
      %get3A_1041 = vector.load %arg2[%get3A_1038, %get3A_1039, %get3A_1040] : memref<80x1x128xf32, #tpu.memory_space<vmem>>, vector<1x1x128xf32>
      %get3A_1042 = vector.shape_cast %get3A_1041 : vector<1x1x128xf32> to vector<1x128xf32>
      %neg3A_1043 = arith.constant 0.000000e+00 : f32
      %neg3A_1044 = vector.broadcast %neg3A_1043 : f32 to vector<1x128xf32>
      %neg3A_1045 = arith.subf %neg3A_1044, %get3A_1042 : vector<1x128xf32>
      %eq3A_1046 = arith.constant 0.000000e+00 : f32
      %eq3A_1047 = vector.broadcast %eq3A_1046 : f32 to vector<1x128xf32>
      %eq3A_1048 = arith.cmpf oeq, %neg3A_1045, %eq3A_1047 : vector<1x128xf32>
      %jit3A_1049 = arith.constant 0.000000e+00 : f32
      %broadcast_in_dim3A_1050 = vector.broadcast %jit3A_1049 : f32 to vector<1x128xf32>
      %select_n3A_1051 = arith.select %eq3A_1048, %broadcast_in_dim3A_1050, %neg3A_1045 : vector<1x128xi1>, vector<1x128xf32>
      %bitcast_convert_type3A_1052 = tpu.bitcast %select_n3A_1051 : vector<1x128xf32> -> vector<1x128xi32>
      %ge3A_1053 = arith.constant 0 : i32
      %ge3A_1054 = vector.broadcast %ge3A_1053 : i32 to vector<1x128xi32>
      %ge3A_1055 = arith.cmpi sge, %bitcast_convert_type3A_1052, %ge3A_1054 : vector<1x128xi32>
      %not3A_1056 = arith.constant dense<-1> : vector<1x128xi32>
      %not3A_1057 = arith.xori %bitcast_convert_type3A_1052, %not3A_1056 : vector<1x128xi32>
      %xor3A_1058 = arith.constant -2147483648 : i32
      %xor3A_1059 = vector.broadcast %xor3A_1058 : i32 to vector<1x128xi32>
      %xor3A_1060 = arith.xori %not3A_1057, %xor3A_1059 : vector<1x128xi32>
      %select_n3A_1061 = arith.select %ge3A_1055, %bitcast_convert_type3A_1052, %xor3A_1060 : vector<1x128xi1>, vector<1x128xi32>
      %lt3A_1062 = vector.broadcast %select_n3A_1061 : vector<1x128xi32> to vector<2048x128xi32>
      %lt3A_1063 = arith.cmpi slt, %lt3A_1062, %broadcast_in_dim3A_13 : vector<2048x128xi32>
      %jit3A_1064 = arith.constant 1.000000e+00 : f32
      %jit3A_1065 = arith.constant 0.000000e+00 : f32
      %broadcast_in_dim3A_1066 = vector.broadcast %jit3A_1064 : f32 to vector<2048x128xf32>
      %broadcast_in_dim3A_1067 = vector.broadcast %jit3A_1065 : f32 to vector<2048x128xf32>
      %select_n3A_1068 = arith.select %lt3A_1063, %broadcast_in_dim3A_1066, %broadcast_in_dim3A_1067 : vector<2048x128xi1>, vector<2048x128xf32>
      %add3A_1069 = arith.addf %add3A_1033, %select_n3A_1068 : vector<2048x128xf32>
      %mul3A_1070 = arith.constant 16 : i32
      %mul3A_1071 = arith.muli %while3A_814, %mul3A_1070 : i32
      %add3A_1072 = arith.constant 7 : i32
      %add3A_1073 = arith.addi %mul3A_1071, %add3A_1072 : i32
      %get3A_1074 = arith.index_cast %add3A_1073 : i32 to index
      %get3A_1075 = arith.constant 0 : index
      %get3A_1076 = arith.constant 0 : index
      %get3A_1077 = vector.load %arg2[%get3A_1074, %get3A_1075, %get3A_1076] : memref<80x1x128xf32, #tpu.memory_space<vmem>>, vector<1x1x128xf32>
      %get3A_1078 = vector.shape_cast %get3A_1077 : vector<1x1x128xf32> to vector<1x128xf32>
      %neg3A_1079 = arith.constant 0.000000e+00 : f32
      %neg3A_1080 = vector.broadcast %neg3A_1079 : f32 to vector<1x128xf32>
      %neg3A_1081 = arith.subf %neg3A_1080, %get3A_1078 : vector<1x128xf32>
      %eq3A_1082 = arith.constant 0.000000e+00 : f32
      %eq3A_1083 = vector.broadcast %eq3A_1082 : f32 to vector<1x128xf32>
      %eq3A_1084 = arith.cmpf oeq, %neg3A_1081, %eq3A_1083 : vector<1x128xf32>
      %jit3A_1085 = arith.constant 0.000000e+00 : f32
      %broadcast_in_dim3A_1086 = vector.broadcast %jit3A_1085 : f32 to vector<1x128xf32>
      %select_n3A_1087 = arith.select %eq3A_1084, %broadcast_in_dim3A_1086, %neg3A_1081 : vector<1x128xi1>, vector<1x128xf32>
      %bitcast_convert_type3A_1088 = tpu.bitcast %select_n3A_1087 : vector<1x128xf32> -> vector<1x128xi32>
      %ge3A_1089 = arith.constant 0 : i32
      %ge3A_1090 = vector.broadcast %ge3A_1089 : i32 to vector<1x128xi32>
      %ge3A_1091 = arith.cmpi sge, %bitcast_convert_type3A_1088, %ge3A_1090 : vector<1x128xi32>
      %not3A_1092 = arith.constant dense<-1> : vector<1x128xi32>
      %not3A_1093 = arith.xori %bitcast_convert_type3A_1088, %not3A_1092 : vector<1x128xi32>
      %xor3A_1094 = arith.constant -2147483648 : i32
      %xor3A_1095 = vector.broadcast %xor3A_1094 : i32 to vector<1x128xi32>
      %xor3A_1096 = arith.xori %not3A_1093, %xor3A_1095 : vector<1x128xi32>
      %select_n3A_1097 = arith.select %ge3A_1091, %bitcast_convert_type3A_1088, %xor3A_1096 : vector<1x128xi1>, vector<1x128xi32>
      %lt3A_1098 = vector.broadcast %select_n3A_1097 : vector<1x128xi32> to vector<2048x128xi32>
      %lt3A_1099 = arith.cmpi slt, %lt3A_1098, %broadcast_in_dim3A_13 : vector<2048x128xi32>
      %jit3A_1100 = arith.constant 1.000000e+00 : f32
      %jit3A_1101 = arith.constant 0.000000e+00 : f32
      %broadcast_in_dim3A_1102 = vector.broadcast %jit3A_1100 : f32 to vector<2048x128xf32>
      %broadcast_in_dim3A_1103 = vector.broadcast %jit3A_1101 : f32 to vector<2048x128xf32>
      %select_n3A_1104 = arith.select %lt3A_1099, %broadcast_in_dim3A_1102, %broadcast_in_dim3A_1103 : vector<2048x128xi1>, vector<2048x128xf32>
      %add3A_1105 = arith.addf %add3A_1069, %select_n3A_1104 : vector<2048x128xf32>
      %mul3A_1106 = arith.constant 16 : i32
      %mul3A_1107 = arith.muli %while3A_814, %mul3A_1106 : i32
      %add3A_1108 = arith.constant 8 : i32
      %add3A_1109 = arith.addi %mul3A_1107, %add3A_1108 : i32
      %get3A_1110 = arith.index_cast %add3A_1109 : i32 to index
      %get3A_1111 = arith.constant 0 : index
      %get3A_1112 = arith.constant 0 : index
      %get3A_1113 = vector.load %arg2[%get3A_1110, %get3A_1111, %get3A_1112] : memref<80x1x128xf32, #tpu.memory_space<vmem>>, vector<1x1x128xf32>
      %get3A_1114 = vector.shape_cast %get3A_1113 : vector<1x1x128xf32> to vector<1x128xf32>
      %neg3A_1115 = arith.constant 0.000000e+00 : f32
      %neg3A_1116 = vector.broadcast %neg3A_1115 : f32 to vector<1x128xf32>
      %neg3A_1117 = arith.subf %neg3A_1116, %get3A_1114 : vector<1x128xf32>
      %eq3A_1118 = arith.constant 0.000000e+00 : f32
      %eq3A_1119 = vector.broadcast %eq3A_1118 : f32 to vector<1x128xf32>
      %eq3A_1120 = arith.cmpf oeq, %neg3A_1117, %eq3A_1119 : vector<1x128xf32>
      %jit3A_1121 = arith.constant 0.000000e+00 : f32
      %broadcast_in_dim3A_1122 = vector.broadcast %jit3A_1121 : f32 to vector<1x128xf32>
      %select_n3A_1123 = arith.select %eq3A_1120, %broadcast_in_dim3A_1122, %neg3A_1117 : vector<1x128xi1>, vector<1x128xf32>
      %bitcast_convert_type3A_1124 = tpu.bitcast %select_n3A_1123 : vector<1x128xf32> -> vector<1x128xi32>
      %ge3A_1125 = arith.constant 0 : i32
      %ge3A_1126 = vector.broadcast %ge3A_1125 : i32 to vector<1x128xi32>
      %ge3A_1127 = arith.cmpi sge, %bitcast_convert_type3A_1124, %ge3A_1126 : vector<1x128xi32>
      %not3A_1128 = arith.constant dense<-1> : vector<1x128xi32>
      %not3A_1129 = arith.xori %bitcast_convert_type3A_1124, %not3A_1128 : vector<1x128xi32>
      %xor3A_1130 = arith.constant -2147483648 : i32
      %xor3A_1131 = vector.broadcast %xor3A_1130 : i32 to vector<1x128xi32>
      %xor3A_1132 = arith.xori %not3A_1129, %xor3A_1131 : vector<1x128xi32>
      %select_n3A_1133 = arith.select %ge3A_1127, %bitcast_convert_type3A_1124, %xor3A_1132 : vector<1x128xi1>, vector<1x128xi32>
      %lt3A_1134 = vector.broadcast %select_n3A_1133 : vector<1x128xi32> to vector<2048x128xi32>
      %lt3A_1135 = arith.cmpi slt, %lt3A_1134, %broadcast_in_dim3A_13 : vector<2048x128xi32>
      %jit3A_1136 = arith.constant 1.000000e+00 : f32
      %jit3A_1137 = arith.constant 0.000000e+00 : f32
      %broadcast_in_dim3A_1138 = vector.broadcast %jit3A_1136 : f32 to vector<2048x128xf32>
      %broadcast_in_dim3A_1139 = vector.broadcast %jit3A_1137 : f32 to vector<2048x128xf32>
      %select_n3A_1140 = arith.select %lt3A_1135, %broadcast_in_dim3A_1138, %broadcast_in_dim3A_1139 : vector<2048x128xi1>, vector<2048x128xf32>
      %add3A_1141 = arith.addf %add3A_1105, %select_n3A_1140 : vector<2048x128xf32>
      %mul3A_1142 = arith.constant 16 : i32
      %mul3A_1143 = arith.muli %while3A_814, %mul3A_1142 : i32
      %add3A_1144 = arith.constant 9 : i32
      %add3A_1145 = arith.addi %mul3A_1143, %add3A_1144 : i32
      %get3A_1146 = arith.index_cast %add3A_1145 : i32 to index
      %get3A_1147 = arith.constant 0 : index
      %get3A_1148 = arith.constant 0 : index
      %get3A_1149 = vector.load %arg2[%get3A_1146, %get3A_1147, %get3A_1148] : memref<80x1x128xf32, #tpu.memory_space<vmem>>, vector<1x1x128xf32>
      %get3A_1150 = vector.shape_cast %get3A_1149 : vector<1x1x128xf32> to vector<1x128xf32>
      %neg3A_1151 = arith.constant 0.000000e+00 : f32
      %neg3A_1152 = vector.broadcast %neg3A_1151 : f32 to vector<1x128xf32>
      %neg3A_1153 = arith.subf %neg3A_1152, %get3A_1150 : vector<1x128xf32>
      %eq3A_1154 = arith.constant 0.000000e+00 : f32
      %eq3A_1155 = vector.broadcast %eq3A_1154 : f32 to vector<1x128xf32>
      %eq3A_1156 = arith.cmpf oeq, %neg3A_1153, %eq3A_1155 : vector<1x128xf32>
      %jit3A_1157 = arith.constant 0.000000e+00 : f32
      %broadcast_in_dim3A_1158 = vector.broadcast %jit3A_1157 : f32 to vector<1x128xf32>
      %select_n3A_1159 = arith.select %eq3A_1156, %broadcast_in_dim3A_1158, %neg3A_1153 : vector<1x128xi1>, vector<1x128xf32>
      %bitcast_convert_type3A_1160 = tpu.bitcast %select_n3A_1159 : vector<1x128xf32> -> vector<1x128xi32>
      %ge3A_1161 = arith.constant 0 : i32
      %ge3A_1162 = vector.broadcast %ge3A_1161 : i32 to vector<1x128xi32>
      %ge3A_1163 = arith.cmpi sge, %bitcast_convert_type3A_1160, %ge3A_1162 : vector<1x128xi32>
      %not3A_1164 = arith.constant dense<-1> : vector<1x128xi32>
      %not3A_1165 = arith.xori %bitcast_convert_type3A_1160, %not3A_1164 : vector<1x128xi32>
      %xor3A_1166 = arith.constant -2147483648 : i32
      %xor3A_1167 = vector.broadcast %xor3A_1166 : i32 to vector<1x128xi32>
      %xor3A_1168 = arith.xori %not3A_1165, %xor3A_1167 : vector<1x128xi32>
      %select_n3A_1169 = arith.select %ge3A_1163, %bitcast_convert_type3A_1160, %xor3A_1168 : vector<1x128xi1>, vector<1x128xi32>
      %lt3A_1170 = vector.broadcast %select_n3A_1169 : vector<1x128xi32> to vector<2048x128xi32>
      %lt3A_1171 = arith.cmpi slt, %lt3A_1170, %broadcast_in_dim3A_13 : vector<2048x128xi32>
      %jit3A_1172 = arith.constant 1.000000e+00 : f32
      %jit3A_1173 = arith.constant 0.000000e+00 : f32
      %broadcast_in_dim3A_1174 = vector.broadcast %jit3A_1172 : f32 to vector<2048x128xf32>
      %broadcast_in_dim3A_1175 = vector.broadcast %jit3A_1173 : f32 to vector<2048x128xf32>
      %select_n3A_1176 = arith.select %lt3A_1171, %broadcast_in_dim3A_1174, %broadcast_in_dim3A_1175 : vector<2048x128xi1>, vector<2048x128xf32>
      %add3A_1177 = arith.addf %add3A_1141, %select_n3A_1176 : vector<2048x128xf32>
      %mul3A_1178 = arith.constant 16 : i32
      %mul3A_1179 = arith.muli %while3A_814, %mul3A_1178 : i32
      %add3A_1180 = arith.constant 10 : i32
      %add3A_1181 = arith.addi %mul3A_1179, %add3A_1180 : i32
      %get3A_1182 = arith.index_cast %add3A_1181 : i32 to index
      %get3A_1183 = arith.constant 0 : index
      %get3A_1184 = arith.constant 0 : index
      %get3A_1185 = vector.load %arg2[%get3A_1182, %get3A_1183, %get3A_1184] : memref<80x1x128xf32, #tpu.memory_space<vmem>>, vector<1x1x128xf32>
      %get3A_1186 = vector.shape_cast %get3A_1185 : vector<1x1x128xf32> to vector<1x128xf32>
      %neg3A_1187 = arith.constant 0.000000e+00 : f32
      %neg3A_1188 = vector.broadcast %neg3A_1187 : f32 to vector<1x128xf32>
      %neg3A_1189 = arith.subf %neg3A_1188, %get3A_1186 : vector<1x128xf32>
      %eq3A_1190 = arith.constant 0.000000e+00 : f32
      %eq3A_1191 = vector.broadcast %eq3A_1190 : f32 to vector<1x128xf32>
      %eq3A_1192 = arith.cmpf oeq, %neg3A_1189, %eq3A_1191 : vector<1x128xf32>
      %jit3A_1193 = arith.constant 0.000000e+00 : f32
      %broadcast_in_dim3A_1194 = vector.broadcast %jit3A_1193 : f32 to vector<1x128xf32>
      %select_n3A_1195 = arith.select %eq3A_1192, %broadcast_in_dim3A_1194, %neg3A_1189 : vector<1x128xi1>, vector<1x128xf32>
      %bitcast_convert_type3A_1196 = tpu.bitcast %select_n3A_1195 : vector<1x128xf32> -> vector<1x128xi32>
      %ge3A_1197 = arith.constant 0 : i32
      %ge3A_1198 = vector.broadcast %ge3A_1197 : i32 to vector<1x128xi32>
      %ge3A_1199 = arith.cmpi sge, %bitcast_convert_type3A_1196, %ge3A_1198 : vector<1x128xi32>
      %not3A_1200 = arith.constant dense<-1> : vector<1x128xi32>
      %not3A_1201 = arith.xori %bitcast_convert_type3A_1196, %not3A_1200 : vector<1x128xi32>
      %xor3A_1202 = arith.constant -2147483648 : i32
      %xor3A_1203 = vector.broadcast %xor3A_1202 : i32 to vector<1x128xi32>
      %xor3A_1204 = arith.xori %not3A_1201, %xor3A_1203 : vector<1x128xi32>
      %select_n3A_1205 = arith.select %ge3A_1199, %bitcast_convert_type3A_1196, %xor3A_1204 : vector<1x128xi1>, vector<1x128xi32>
      %lt3A_1206 = vector.broadcast %select_n3A_1205 : vector<1x128xi32> to vector<2048x128xi32>
      %lt3A_1207 = arith.cmpi slt, %lt3A_1206, %broadcast_in_dim3A_13 : vector<2048x128xi32>
      %jit3A_1208 = arith.constant 1.000000e+00 : f32
      %jit3A_1209 = arith.constant 0.000000e+00 : f32
      %broadcast_in_dim3A_1210 = vector.broadcast %jit3A_1208 : f32 to vector<2048x128xf32>
      %broadcast_in_dim3A_1211 = vector.broadcast %jit3A_1209 : f32 to vector<2048x128xf32>
      %select_n3A_1212 = arith.select %lt3A_1207, %broadcast_in_dim3A_1210, %broadcast_in_dim3A_1211 : vector<2048x128xi1>, vector<2048x128xf32>
      %add3A_1213 = arith.addf %add3A_1177, %select_n3A_1212 : vector<2048x128xf32>
      %mul3A_1214 = arith.constant 16 : i32
      %mul3A_1215 = arith.muli %while3A_814, %mul3A_1214 : i32
      %add3A_1216 = arith.constant 11 : i32
      %add3A_1217 = arith.addi %mul3A_1215, %add3A_1216 : i32
      %get3A_1218 = arith.index_cast %add3A_1217 : i32 to index
      %get3A_1219 = arith.constant 0 : index
      %get3A_1220 = arith.constant 0 : index
      %get3A_1221 = vector.load %arg2[%get3A_1218, %get3A_1219, %get3A_1220] : memref<80x1x128xf32, #tpu.memory_space<vmem>>, vector<1x1x128xf32>
      %get3A_1222 = vector.shape_cast %get3A_1221 : vector<1x1x128xf32> to vector<1x128xf32>
      %neg3A_1223 = arith.constant 0.000000e+00 : f32
      %neg3A_1224 = vector.broadcast %neg3A_1223 : f32 to vector<1x128xf32>
      %neg3A_1225 = arith.subf %neg3A_1224, %get3A_1222 : vector<1x128xf32>
      %eq3A_1226 = arith.constant 0.000000e+00 : f32
      %eq3A_1227 = vector.broadcast %eq3A_1226 : f32 to vector<1x128xf32>
      %eq3A_1228 = arith.cmpf oeq, %neg3A_1225, %eq3A_1227 : vector<1x128xf32>
      %jit3A_1229 = arith.constant 0.000000e+00 : f32
      %broadcast_in_dim3A_1230 = vector.broadcast %jit3A_1229 : f32 to vector<1x128xf32>
      %select_n3A_1231 = arith.select %eq3A_1228, %broadcast_in_dim3A_1230, %neg3A_1225 : vector<1x128xi1>, vector<1x128xf32>
      %bitcast_convert_type3A_1232 = tpu.bitcast %select_n3A_1231 : vector<1x128xf32> -> vector<1x128xi32>
      %ge3A_1233 = arith.constant 0 : i32
      %ge3A_1234 = vector.broadcast %ge3A_1233 : i32 to vector<1x128xi32>
      %ge3A_1235 = arith.cmpi sge, %bitcast_convert_type3A_1232, %ge3A_1234 : vector<1x128xi32>
      %not3A_1236 = arith.constant dense<-1> : vector<1x128xi32>
      %not3A_1237 = arith.xori %bitcast_convert_type3A_1232, %not3A_1236 : vector<1x128xi32>
      %xor3A_1238 = arith.constant -2147483648 : i32
      %xor3A_1239 = vector.broadcast %xor3A_1238 : i32 to vector<1x128xi32>
      %xor3A_1240 = arith.xori %not3A_1237, %xor3A_1239 : vector<1x128xi32>
      %select_n3A_1241 = arith.select %ge3A_1235, %bitcast_convert_type3A_1232, %xor3A_1240 : vector<1x128xi1>, vector<1x128xi32>
      %lt3A_1242 = vector.broadcast %select_n3A_1241 : vector<1x128xi32> to vector<2048x128xi32>
      %lt3A_1243 = arith.cmpi slt, %lt3A_1242, %broadcast_in_dim3A_13 : vector<2048x128xi32>
      %jit3A_1244 = arith.constant 1.000000e+00 : f32
      %jit3A_1245 = arith.constant 0.000000e+00 : f32
      %broadcast_in_dim3A_1246 = vector.broadcast %jit3A_1244 : f32 to vector<2048x128xf32>
      %broadcast_in_dim3A_1247 = vector.broadcast %jit3A_1245 : f32 to vector<2048x128xf32>
      %select_n3A_1248 = arith.select %lt3A_1243, %broadcast_in_dim3A_1246, %broadcast_in_dim3A_1247 : vector<2048x128xi1>, vector<2048x128xf32>
      %add3A_1249 = arith.addf %add3A_1213, %select_n3A_1248 : vector<2048x128xf32>
      %mul3A_1250 = arith.constant 16 : i32
      %mul3A_1251 = arith.muli %while3A_814, %mul3A_1250 : i32
      %add3A_1252 = arith.constant 12 : i32
      %add3A_1253 = arith.addi %mul3A_1251, %add3A_1252 : i32
      %get3A_1254 = arith.index_cast %add3A_1253 : i32 to index
      %get3A_1255 = arith.constant 0 : index
      %get3A_1256 = arith.constant 0 : index
      %get3A_1257 = vector.load %arg2[%get3A_1254, %get3A_1255, %get3A_1256] : memref<80x1x128xf32, #tpu.memory_space<vmem>>, vector<1x1x128xf32>
      %get3A_1258 = vector.shape_cast %get3A_1257 : vector<1x1x128xf32> to vector<1x128xf32>
      %neg3A_1259 = arith.constant 0.000000e+00 : f32
      %neg3A_1260 = vector.broadcast %neg3A_1259 : f32 to vector<1x128xf32>
      %neg3A_1261 = arith.subf %neg3A_1260, %get3A_1258 : vector<1x128xf32>
      %eq3A_1262 = arith.constant 0.000000e+00 : f32
      %eq3A_1263 = vector.broadcast %eq3A_1262 : f32 to vector<1x128xf32>
      %eq3A_1264 = arith.cmpf oeq, %neg3A_1261, %eq3A_1263 : vector<1x128xf32>
      %jit3A_1265 = arith.constant 0.000000e+00 : f32
      %broadcast_in_dim3A_1266 = vector.broadcast %jit3A_1265 : f32 to vector<1x128xf32>
      %select_n3A_1267 = arith.select %eq3A_1264, %broadcast_in_dim3A_1266, %neg3A_1261 : vector<1x128xi1>, vector<1x128xf32>
      %bitcast_convert_type3A_1268 = tpu.bitcast %select_n3A_1267 : vector<1x128xf32> -> vector<1x128xi32>
      %ge3A_1269 = arith.constant 0 : i32
      %ge3A_1270 = vector.broadcast %ge3A_1269 : i32 to vector<1x128xi32>
      %ge3A_1271 = arith.cmpi sge, %bitcast_convert_type3A_1268, %ge3A_1270 : vector<1x128xi32>
      %not3A_1272 = arith.constant dense<-1> : vector<1x128xi32>
      %not3A_1273 = arith.xori %bitcast_convert_type3A_1268, %not3A_1272 : vector<1x128xi32>
      %xor3A_1274 = arith.constant -2147483648 : i32
      %xor3A_1275 = vector.broadcast %xor3A_1274 : i32 to vector<1x128xi32>
      %xor3A_1276 = arith.xori %not3A_1273, %xor3A_1275 : vector<1x128xi32>
      %select_n3A_1277 = arith.select %ge3A_1271, %bitcast_convert_type3A_1268, %xor3A_1276 : vector<1x128xi1>, vector<1x128xi32>
      %lt3A_1278 = vector.broadcast %select_n3A_1277 : vector<1x128xi32> to vector<2048x128xi32>
      %lt3A_1279 = arith.cmpi slt, %lt3A_1278, %broadcast_in_dim3A_13 : vector<2048x128xi32>
      %jit3A_1280 = arith.constant 1.000000e+00 : f32
      %jit3A_1281 = arith.constant 0.000000e+00 : f32
      %broadcast_in_dim3A_1282 = vector.broadcast %jit3A_1280 : f32 to vector<2048x128xf32>
      %broadcast_in_dim3A_1283 = vector.broadcast %jit3A_1281 : f32 to vector<2048x128xf32>
      %select_n3A_1284 = arith.select %lt3A_1279, %broadcast_in_dim3A_1282, %broadcast_in_dim3A_1283 : vector<2048x128xi1>, vector<2048x128xf32>
      %add3A_1285 = arith.addf %add3A_1249, %select_n3A_1284 : vector<2048x128xf32>
      %mul3A_1286 = arith.constant 16 : i32
      %mul3A_1287 = arith.muli %while3A_814, %mul3A_1286 : i32
      %add3A_1288 = arith.constant 13 : i32
      %add3A_1289 = arith.addi %mul3A_1287, %add3A_1288 : i32
      %get3A_1290 = arith.index_cast %add3A_1289 : i32 to index
      %get3A_1291 = arith.constant 0 : index
      %get3A_1292 = arith.constant 0 : index
      %get3A_1293 = vector.load %arg2[%get3A_1290, %get3A_1291, %get3A_1292] : memref<80x1x128xf32, #tpu.memory_space<vmem>>, vector<1x1x128xf32>
      %get3A_1294 = vector.shape_cast %get3A_1293 : vector<1x1x128xf32> to vector<1x128xf32>
      %neg3A_1295 = arith.constant 0.000000e+00 : f32
      %neg3A_1296 = vector.broadcast %neg3A_1295 : f32 to vector<1x128xf32>
      %neg3A_1297 = arith.subf %neg3A_1296, %get3A_1294 : vector<1x128xf32>
      %eq3A_1298 = arith.constant 0.000000e+00 : f32
      %eq3A_1299 = vector.broadcast %eq3A_1298 : f32 to vector<1x128xf32>
      %eq3A_1300 = arith.cmpf oeq, %neg3A_1297, %eq3A_1299 : vector<1x128xf32>
      %jit3A_1301 = arith.constant 0.000000e+00 : f32
      %broadcast_in_dim3A_1302 = vector.broadcast %jit3A_1301 : f32 to vector<1x128xf32>
      %select_n3A_1303 = arith.select %eq3A_1300, %broadcast_in_dim3A_1302, %neg3A_1297 : vector<1x128xi1>, vector<1x128xf32>
      %bitcast_convert_type3A_1304 = tpu.bitcast %select_n3A_1303 : vector<1x128xf32> -> vector<1x128xi32>
      %ge3A_1305 = arith.constant 0 : i32
      %ge3A_1306 = vector.broadcast %ge3A_1305 : i32 to vector<1x128xi32>
      %ge3A_1307 = arith.cmpi sge, %bitcast_convert_type3A_1304, %ge3A_1306 : vector<1x128xi32>
      %not3A_1308 = arith.constant dense<-1> : vector<1x128xi32>
      %not3A_1309 = arith.xori %bitcast_convert_type3A_1304, %not3A_1308 : vector<1x128xi32>
      %xor3A_1310 = arith.constant -2147483648 : i32
      %xor3A_1311 = vector.broadcast %xor3A_1310 : i32 to vector<1x128xi32>
      %xor3A_1312 = arith.xori %not3A_1309, %xor3A_1311 : vector<1x128xi32>
      %select_n3A_1313 = arith.select %ge3A_1307, %bitcast_convert_type3A_1304, %xor3A_1312 : vector<1x128xi1>, vector<1x128xi32>
      %lt3A_1314 = vector.broadcast %select_n3A_1313 : vector<1x128xi32> to vector<2048x128xi32>
      %lt3A_1315 = arith.cmpi slt, %lt3A_1314, %broadcast_in_dim3A_13 : vector<2048x128xi32>
      %jit3A_1316 = arith.constant 1.000000e+00 : f32
      %jit3A_1317 = arith.constant 0.000000e+00 : f32
      %broadcast_in_dim3A_1318 = vector.broadcast %jit3A_1316 : f32 to vector<2048x128xf32>
      %broadcast_in_dim3A_1319 = vector.broadcast %jit3A_1317 : f32 to vector<2048x128xf32>
      %select_n3A_1320 = arith.select %lt3A_1315, %broadcast_in_dim3A_1318, %broadcast_in_dim3A_1319 : vector<2048x128xi1>, vector<2048x128xf32>
      %add3A_1321 = arith.addf %add3A_1285, %select_n3A_1320 : vector<2048x128xf32>
      %mul3A_1322 = arith.constant 16 : i32
      %mul3A_1323 = arith.muli %while3A_814, %mul3A_1322 : i32
      %add3A_1324 = arith.constant 14 : i32
      %add3A_1325 = arith.addi %mul3A_1323, %add3A_1324 : i32
      %get3A_1326 = arith.index_cast %add3A_1325 : i32 to index
      %get3A_1327 = arith.constant 0 : index
      %get3A_1328 = arith.constant 0 : index
      %get3A_1329 = vector.load %arg2[%get3A_1326, %get3A_1327, %get3A_1328] : memref<80x1x128xf32, #tpu.memory_space<vmem>>, vector<1x1x128xf32>
      %get3A_1330 = vector.shape_cast %get3A_1329 : vector<1x1x128xf32> to vector<1x128xf32>
      %neg3A_1331 = arith.constant 0.000000e+00 : f32
      %neg3A_1332 = vector.broadcast %neg3A_1331 : f32 to vector<1x128xf32>
      %neg3A_1333 = arith.subf %neg3A_1332, %get3A_1330 : vector<1x128xf32>
      %eq3A_1334 = arith.constant 0.000000e+00 : f32
      %eq3A_1335 = vector.broadcast %eq3A_1334 : f32 to vector<1x128xf32>
      %eq3A_1336 = arith.cmpf oeq, %neg3A_1333, %eq3A_1335 : vector<1x128xf32>
      %jit3A_1337 = arith.constant 0.000000e+00 : f32
      %broadcast_in_dim3A_1338 = vector.broadcast %jit3A_1337 : f32 to vector<1x128xf32>
      %select_n3A_1339 = arith.select %eq3A_1336, %broadcast_in_dim3A_1338, %neg3A_1333 : vector<1x128xi1>, vector<1x128xf32>
      %bitcast_convert_type3A_1340 = tpu.bitcast %select_n3A_1339 : vector<1x128xf32> -> vector<1x128xi32>
      %ge3A_1341 = arith.constant 0 : i32
      %ge3A_1342 = vector.broadcast %ge3A_1341 : i32 to vector<1x128xi32>
      %ge3A_1343 = arith.cmpi sge, %bitcast_convert_type3A_1340, %ge3A_1342 : vector<1x128xi32>
      %not3A_1344 = arith.constant dense<-1> : vector<1x128xi32>
      %not3A_1345 = arith.xori %bitcast_convert_type3A_1340, %not3A_1344 : vector<1x128xi32>
      %xor3A_1346 = arith.constant -2147483648 : i32
      %xor3A_1347 = vector.broadcast %xor3A_1346 : i32 to vector<1x128xi32>
      %xor3A_1348 = arith.xori %not3A_1345, %xor3A_1347 : vector<1x128xi32>
      %select_n3A_1349 = arith.select %ge3A_1343, %bitcast_convert_type3A_1340, %xor3A_1348 : vector<1x128xi1>, vector<1x128xi32>
      %lt3A_1350 = vector.broadcast %select_n3A_1349 : vector<1x128xi32> to vector<2048x128xi32>
      %lt3A_1351 = arith.cmpi slt, %lt3A_1350, %broadcast_in_dim3A_13 : vector<2048x128xi32>
      %jit3A_1352 = arith.constant 1.000000e+00 : f32
      %jit3A_1353 = arith.constant 0.000000e+00 : f32
      %broadcast_in_dim3A_1354 = vector.broadcast %jit3A_1352 : f32 to vector<2048x128xf32>
      %broadcast_in_dim3A_1355 = vector.broadcast %jit3A_1353 : f32 to vector<2048x128xf32>
      %select_n3A_1356 = arith.select %lt3A_1351, %broadcast_in_dim3A_1354, %broadcast_in_dim3A_1355 : vector<2048x128xi1>, vector<2048x128xf32>
      %add3A_1357 = arith.addf %add3A_1321, %select_n3A_1356 : vector<2048x128xf32>
      %mul3A_1358 = arith.constant 16 : i32
      %mul3A_1359 = arith.muli %while3A_814, %mul3A_1358 : i32
      %add3A_1360 = arith.constant 15 : i32
      %add3A_1361 = arith.addi %mul3A_1359, %add3A_1360 : i32
      %get3A_1362 = arith.index_cast %add3A_1361 : i32 to index
      %get3A_1363 = arith.constant 0 : index
      %get3A_1364 = arith.constant 0 : index
      %get3A_1365 = vector.load %arg2[%get3A_1362, %get3A_1363, %get3A_1364] : memref<80x1x128xf32, #tpu.memory_space<vmem>>, vector<1x1x128xf32>
      %get3A_1366 = vector.shape_cast %get3A_1365 : vector<1x1x128xf32> to vector<1x128xf32>
      %neg3A_1367 = arith.constant 0.000000e+00 : f32
      %neg3A_1368 = vector.broadcast %neg3A_1367 : f32 to vector<1x128xf32>
      %neg3A_1369 = arith.subf %neg3A_1368, %get3A_1366 : vector<1x128xf32>
      %eq3A_1370 = arith.constant 0.000000e+00 : f32
      %eq3A_1371 = vector.broadcast %eq3A_1370 : f32 to vector<1x128xf32>
      %eq3A_1372 = arith.cmpf oeq, %neg3A_1369, %eq3A_1371 : vector<1x128xf32>
      %jit3A_1373 = arith.constant 0.000000e+00 : f32
      %broadcast_in_dim3A_1374 = vector.broadcast %jit3A_1373 : f32 to vector<1x128xf32>
      %select_n3A_1375 = arith.select %eq3A_1372, %broadcast_in_dim3A_1374, %neg3A_1369 : vector<1x128xi1>, vector<1x128xf32>
      %bitcast_convert_type3A_1376 = tpu.bitcast %select_n3A_1375 : vector<1x128xf32> -> vector<1x128xi32>
      %ge3A_1377 = arith.constant 0 : i32
      %ge3A_1378 = vector.broadcast %ge3A_1377 : i32 to vector<1x128xi32>
      %ge3A_1379 = arith.cmpi sge, %bitcast_convert_type3A_1376, %ge3A_1378 : vector<1x128xi32>
      %not3A_1380 = arith.constant dense<-1> : vector<1x128xi32>
      %not3A_1381 = arith.xori %bitcast_convert_type3A_1376, %not3A_1380 : vector<1x128xi32>
      %xor3A_1382 = arith.constant -2147483648 : i32
      %xor3A_1383 = vector.broadcast %xor3A_1382 : i32 to vector<1x128xi32>
      %xor3A_1384 = arith.xori %not3A_1381, %xor3A_1383 : vector<1x128xi32>
      %select_n3A_1385 = arith.select %ge3A_1379, %bitcast_convert_type3A_1376, %xor3A_1384 : vector<1x128xi1>, vector<1x128xi32>
      %lt3A_1386 = vector.broadcast %select_n3A_1385 : vector<1x128xi32> to vector<2048x128xi32>
      %lt3A_1387 = arith.cmpi slt, %lt3A_1386, %broadcast_in_dim3A_13 : vector<2048x128xi32>
      %jit3A_1388 = arith.constant 1.000000e+00 : f32
      %jit3A_1389 = arith.constant 0.000000e+00 : f32
      %broadcast_in_dim3A_1390 = vector.broadcast %jit3A_1388 : f32 to vector<2048x128xf32>
      %broadcast_in_dim3A_1391 = vector.broadcast %jit3A_1389 : f32 to vector<2048x128xf32>
      %select_n3A_1392 = arith.select %lt3A_1387, %broadcast_in_dim3A_1390, %broadcast_in_dim3A_1391 : vector<2048x128xi1>, vector<2048x128xf32>
      %add3A_1393 = arith.addf %add3A_1357, %select_n3A_1392 : vector<2048x128xf32>
      %dot_general3A_1394 = arith.constant dense<0.000000e+00> : vector<2048x1xf32>
      %dot_general3A_1395 = tpu.matmul %add3A_1393, %broadcast_in_dim3A_17, %dot_general3A_1394 {dimension_numbers = #tpu.dot_dimension_numbers<[1], [0], [0], [1], [0, 0, 1, 1], [], []>, transpose_lhs_hint = false} : vector<2048x128xf32>, vector<128x1xf32>, vector<2048x1xf32> -> vector<2048x1xf32>
      %add3A_1396 = arith.addf %while3A_815, %dot_general3A_1395 : vector<2048x1xf32>
      scf.yield %add3A_1396 : vector<2048x1xf32>
    }
    %convert_element_type3A = arith.fptosi %while3A_811 : vector<2048x1xf32> to vector<2048x1xi32>
    %swap3A = arith.constant 0 : index
    %swap3A_812 = arith.constant 0 : index
    %swap3A_813 = vector.load %arg3[%swap3A, %swap3A_812] : memref<2048x1xi32, #tpu.memory_space<vmem>>, vector<2048x1xi32>
    tpu.vector_store %arg3[%swap3A, %swap3A_812], %convert_element_type3A {strides = array<i32>} : memref<2048x1xi32, #tpu.memory_space<vmem>>, vector<2048x1xi32>,
    return
  }
  func.func @transform_0(%arg0: i32) -> (i32, i32) {
    %c0_i32 = arith.constant 0 : i32
    %c0_i32_0 = arith.constant 0 : i32
    return %arg0, %c0_i32 : i32, i32
  }
  func.func @transform_1(%arg0: i32) -> (i32, i32, i32) {
    %c0_i32 = arith.constant 0 : i32
    %c0_i32_0 = arith.constant 0 : i32
    %c0_i32_1 = arith.constant 0 : i32
    %c0_i32_2 = arith.constant 0 : i32
    return %c0_i32, %c0_i32_0, %c0_i32_1 : i32, i32, i32
  }
  func.func @transform_2(%arg0: i32) -> (i32, i32) {
    %c0_i32 = arith.constant 0 : i32
    %c0_i32_0 = arith.constant 0 : i32
    return %arg0, %c0_i32 : i32, i32
  }
}

module attributes {stable_mosaic.version = 14 : i64} {
  func.func @_dense_body(%arg0: memref<1x10240xf32, #tpu.memory_space<vmem>>, %arg1: memref<2x10368xf32, #tpu.memory_space<vmem>>, %arg2: memref<2x10368xf32, #tpu.memory_space<vmem>>, %arg3: memref<50x1xf32, #tpu.memory_space<vmem>>, %arg4: memref<50x1xf32, #tpu.memory_space<vmem>>, %arg5: memref<50x1xf32, #tpu.memory_space<vmem>>, %arg6: memref<20x50xf32, #tpu.memory_space<vmem>>, %arg7: memref<20x1xf32, #tpu.memory_space<vmem>>, %arg8: memref<6x20xf32, #tpu.memory_space<vmem>>, %arg9: memref<6x1xf32, #tpu.memory_space<vmem>>, %arg10: memref<6x10000xf32, #tpu.memory_space<vmem>>) attributes {dimension_semantics = [], scalar_prefetch = 0 : i64, scratch_operands = 0 : i64, tpu.core_type = #tpu.core_type<tc>} {
    %get3A = arith.constant 0 : index
    %get3A_0 = arith.constant 0 : index
    %get3A_1 = vector.load %arg0[%get3A, %get3A_0] : memref<1x10240xf32, #tpu.memory_space<vmem>>, vector<1x10240xf32>
    %get3A_2 = arith.constant 0 : index
    %get3A_3 = arith.constant 0 : index
    %get3A_4 = vector.load %arg1[%get3A_2, %get3A_3] : memref<2x10368xf32, #tpu.memory_space<vmem>>, vector<1x10240xf32>
    %get3A_5 = arith.constant 1 : index
    %get3A_6 = arith.constant 0 : index
    %get3A_7 = vector.load %arg1[%get3A_5, %get3A_6] : memref<2x10368xf32, #tpu.memory_space<vmem>>, vector<1x10240xf32>
    %add3A = arith.addf %get3A_4, %get3A_7 : vector<1x10240xf32>
    %get3A_8 = arith.constant 0 : index
    %get3A_9 = arith.constant 0 : index
    %get3A_10 = vector.load %arg2[%get3A_8, %get3A_9] : memref<2x10368xf32, #tpu.memory_space<vmem>>, vector<1x10240xf32>
    %get3A_11 = arith.constant 1 : index
    %get3A_12 = arith.constant 0 : index
    %get3A_13 = vector.load %arg2[%get3A_11, %get3A_12] : memref<2x10368xf32, #tpu.memory_space<vmem>>, vector<1x10240xf32>
    %add3A_14 = arith.addf %get3A_10, %get3A_13 : vector<1x10240xf32>
    %max3A = arith.constant 1.000000e+00 : f32
    %max3A_15 = vector.broadcast %max3A : f32 to vector<1x10240xf32>
    %max3A_16 = arith.maximumf %add3A_14, %max3A_15 : vector<1x10240xf32>
    %div3A = arith.divf %add3A, %max3A_16 : vector<1x10240xf32>
    %get3A_17 = arith.constant 0 : index
    %get3A_18 = arith.constant 0 : index
    %get3A_19 = vector.load %arg3[%get3A_17, %get3A_18] : memref<50x1xf32, #tpu.memory_space<vmem>>, vector<50x1xf32>
    %get3A_20 = arith.constant 0 : index
    %get3A_21 = arith.constant 0 : index
    %get3A_22 = vector.load %arg4[%get3A_20, %get3A_21] : memref<50x1xf32, #tpu.memory_space<vmem>>, vector<50x1xf32>
    %get3A_23 = arith.constant 0 : index
    %get3A_24 = arith.constant 0 : index
    %get3A_25 = vector.load %arg5[%get3A_23, %get3A_24] : memref<50x1xf32, #tpu.memory_space<vmem>>, vector<50x1xf32>
    %get3A_26 = arith.constant 0 : index
    %get3A_27 = arith.constant 0 : index
    %get3A_28 = vector.load %arg6[%get3A_26, %get3A_27] : memref<20x50xf32, #tpu.memory_space<vmem>>, vector<20x50xf32>
    %dot_general3A = arith.constant dense<0.000000e+00> : vector<20x1xf32>
    %dot_general3A_29 = tpu.matmul %get3A_28, %get3A_19, %dot_general3A {dimension_numbers = #tpu.dot_dimension_numbers<[1], [0], [0], [1], [0, 0, 1, 1], [], []>, transpose_lhs_hint = false} : vector<20x50xf32>, vector<50x1xf32>, vector<20x1xf32> -> vector<20x1xf32>
    %get3A_30 = arith.constant 0 : index
    %get3A_31 = arith.constant 0 : index
    %get3A_32 = vector.load %arg6[%get3A_30, %get3A_31] : memref<20x50xf32, #tpu.memory_space<vmem>>, vector<20x50xf32>
    %dot_general3A_33 = arith.constant dense<0.000000e+00> : vector<20x1xf32>
    %dot_general3A_34 = tpu.matmul %get3A_32, %get3A_25, %dot_general3A_33 {dimension_numbers = #tpu.dot_dimension_numbers<[1], [0], [0], [1], [0, 0, 1, 1], [], []>, transpose_lhs_hint = false} : vector<20x50xf32>, vector<50x1xf32>, vector<20x1xf32> -> vector<20x1xf32>
    %get3A_35 = arith.constant 0 : index
    %get3A_36 = arith.constant 0 : index
    %get3A_37 = vector.load %arg6[%get3A_35, %get3A_36] : memref<20x50xf32, #tpu.memory_space<vmem>>, vector<20x50xf32>
    %dot_general3A_38 = arith.constant dense<0.000000e+00> : vector<20x1xf32>
    %dot_general3A_39 = tpu.matmul %get3A_37, %get3A_22, %dot_general3A_38 {dimension_numbers = #tpu.dot_dimension_numbers<[1], [0], [0], [1], [0, 0, 1, 1], [], []>, transpose_lhs_hint = false} : vector<20x50xf32>, vector<50x1xf32>, vector<20x1xf32> -> vector<20x1xf32>
    %mul3A = arith.mulf %get3A_19, %get3A_19 : vector<50x1xf32>
    %reduce_sum3A = vector.shape_cast %mul3A : vector<50x1xf32> to vector<1x50x1xf32>
    %reduce_sum3A_40 = arith.constant dense<0.000000e+00> : vector<1xf32>
    %reduce_sum3A_41 = vector.multi_reduction <add>, %reduce_sum3A, %reduce_sum3A_40 [1, 2] : vector<1x50x1xf32> to vector<1xf32>
    %reduce_sum3A_42 = vector.shape_cast %reduce_sum3A_41 : vector<1xf32> to vector<1x1x1xf32>
    %reduce_sum3A_43 = vector.extract %reduce_sum3A_42[0, 0, 0] : f32 from vector<1x1x1xf32>
    %mul3A_44 = arith.mulf %get3A_19, %get3A_25 : vector<50x1xf32>
    %reduce_sum3A_45 = vector.shape_cast %mul3A_44 : vector<50x1xf32> to vector<1x50x1xf32>
    %reduce_sum3A_46 = arith.constant dense<0.000000e+00> : vector<1xf32>
    %reduce_sum3A_47 = vector.multi_reduction <add>, %reduce_sum3A_45, %reduce_sum3A_46 [1, 2] : vector<1x50x1xf32> to vector<1xf32>
    %reduce_sum3A_48 = vector.shape_cast %reduce_sum3A_47 : vector<1xf32> to vector<1x1x1xf32>
    %reduce_sum3A_49 = vector.extract %reduce_sum3A_48[0, 0, 0] : f32 from vector<1x1x1xf32>
    %mul3A_50 = arith.mulf %get3A_25, %get3A_25 : vector<50x1xf32>
    %reduce_sum3A_51 = vector.shape_cast %mul3A_50 : vector<50x1xf32> to vector<1x50x1xf32>
    %reduce_sum3A_52 = arith.constant dense<0.000000e+00> : vector<1xf32>
    %reduce_sum3A_53 = vector.multi_reduction <add>, %reduce_sum3A_51, %reduce_sum3A_52 [1, 2] : vector<1x50x1xf32> to vector<1xf32>
    %reduce_sum3A_54 = vector.shape_cast %reduce_sum3A_53 : vector<1xf32> to vector<1x1x1xf32>
    %reduce_sum3A_55 = vector.extract %reduce_sum3A_54[0, 0, 0] : f32 from vector<1x1x1xf32>
    %mul3A_56 = arith.mulf %get3A_19, %get3A_22 : vector<50x1xf32>
    %reduce_sum3A_57 = vector.shape_cast %mul3A_56 : vector<50x1xf32> to vector<1x50x1xf32>
    %reduce_sum3A_58 = arith.constant dense<0.000000e+00> : vector<1xf32>
    %reduce_sum3A_59 = vector.multi_reduction <add>, %reduce_sum3A_57, %reduce_sum3A_58 [1, 2] : vector<1x50x1xf32> to vector<1xf32>
    %reduce_sum3A_60 = vector.shape_cast %reduce_sum3A_59 : vector<1xf32> to vector<1x1x1xf32>
    %reduce_sum3A_61 = vector.extract %reduce_sum3A_60[0, 0, 0] : f32 from vector<1x1x1xf32>
    %mul3A_62 = arith.mulf %get3A_25, %get3A_22 : vector<50x1xf32>
    %reduce_sum3A_63 = vector.shape_cast %mul3A_62 : vector<50x1xf32> to vector<1x50x1xf32>
    %reduce_sum3A_64 = arith.constant dense<0.000000e+00> : vector<1xf32>
    %reduce_sum3A_65 = vector.multi_reduction <add>, %reduce_sum3A_63, %reduce_sum3A_64 [1, 2] : vector<1x50x1xf32> to vector<1xf32>
    %reduce_sum3A_66 = vector.shape_cast %reduce_sum3A_65 : vector<1xf32> to vector<1x1x1xf32>
    %reduce_sum3A_67 = vector.extract %reduce_sum3A_66[0, 0, 0] : f32 from vector<1x1x1xf32>
    %mul3A_68 = arith.mulf %get3A_22, %get3A_22 : vector<50x1xf32>
    %reduce_sum3A_69 = vector.shape_cast %mul3A_68 : vector<50x1xf32> to vector<1x50x1xf32>
    %reduce_sum3A_70 = arith.constant dense<0.000000e+00> : vector<1xf32>
    %reduce_sum3A_71 = vector.multi_reduction <add>, %reduce_sum3A_69, %reduce_sum3A_70 [1, 2] : vector<1x50x1xf32> to vector<1xf32>
    %reduce_sum3A_72 = vector.shape_cast %reduce_sum3A_71 : vector<1xf32> to vector<1x1x1xf32>
    %reduce_sum3A_73 = vector.extract %reduce_sum3A_72[0, 0, 0] : f32 from vector<1x1x1xf32>
    %mul3A_74 = vector.broadcast %reduce_sum3A_43 : f32 to vector<1x10240xf32>
    %mul3A_75 = arith.mulf %mul3A_74, %div3A : vector<1x10240xf32>
    %mul3A_76 = arith.mulf %mul3A_75, %div3A : vector<1x10240xf32>
    %mul3A_77 = vector.broadcast %reduce_sum3A_55 : f32 to vector<1x10240xf32>
    %mul3A_78 = arith.mulf %mul3A_77, %get3A_1 : vector<1x10240xf32>
    %mul3A_79 = arith.mulf %mul3A_78, %get3A_1 : vector<1x10240xf32>
    %add3A_80 = arith.addf %mul3A_76, %mul3A_79 : vector<1x10240xf32>
    %add3A_81 = vector.broadcast %reduce_sum3A_73 : f32 to vector<1x10240xf32>
    %add3A_82 = arith.addf %add3A_80, %add3A_81 : vector<1x10240xf32>
    %mul3A_83 = vector.broadcast %reduce_sum3A_49 : f32 to vector<1x10240xf32>
    %mul3A_84 = arith.mulf %mul3A_83, %div3A : vector<1x10240xf32>
    %mul3A_85 = arith.mulf %mul3A_84, %get3A_1 : vector<1x10240xf32>
    %mul3A_86 = vector.broadcast %reduce_sum3A_61 : f32 to vector<1x10240xf32>
    %mul3A_87 = arith.mulf %mul3A_86, %div3A : vector<1x10240xf32>
    %add3A_88 = arith.addf %mul3A_85, %mul3A_87 : vector<1x10240xf32>
    %mul3A_89 = vector.broadcast %reduce_sum3A_67 : f32 to vector<1x10240xf32>
    %mul3A_90 = arith.mulf %mul3A_89, %get3A_1 : vector<1x10240xf32>
    %add3A_91 = arith.addf %add3A_88, %mul3A_90 : vector<1x10240xf32>
    %mul3A_92 = arith.constant 2.000000e+00 : f32
    %mul3A_93 = vector.broadcast %mul3A_92 : f32 to vector<1x10240xf32>
    %mul3A_94 = arith.mulf %mul3A_93, %add3A_91 : vector<1x10240xf32>
    %add3A_95 = arith.addf %add3A_82, %mul3A_94 : vector<1x10240xf32>
    %max3A_96 = arith.constant 0.000000e+00 : f32
    %max3A_97 = vector.broadcast %max3A_96 : f32 to vector<1x10240xf32>
    %max3A_98 = arith.maximumf %add3A_95, %max3A_97 : vector<1x10240xf32>
    %sqrt3A = math.sqrt %max3A_98 : vector<1x10240xf32>
    %max3A_99 = arith.constant 9.99999996E-13 : f32
    %max3A_100 = vector.broadcast %max3A_99 : f32 to vector<1x10240xf32>
    %max3A_101 = arith.maximumf %sqrt3A, %max3A_100 : vector<1x10240xf32>
    %mul3A_102 = vector.broadcast %dot_general3A_29 : vector<20x1xf32> to vector<20x10240xf32>
    %mul3A_103 = vector.broadcast %div3A : vector<1x10240xf32> to vector<20x10240xf32>
    %mul3A_104 = arith.mulf %mul3A_102, %mul3A_103 : vector<20x10240xf32>
    %mul3A_105 = vector.broadcast %dot_general3A_34 : vector<20x1xf32> to vector<20x10240xf32>
    %mul3A_106 = vector.broadcast %get3A_1 : vector<1x10240xf32> to vector<20x10240xf32>
    %mul3A_107 = arith.mulf %mul3A_105, %mul3A_106 : vector<20x10240xf32>
    %add3A_108 = arith.addf %mul3A_104, %mul3A_107 : vector<20x10240xf32>
    %add3A_109 = vector.broadcast %dot_general3A_39 : vector<20x1xf32> to vector<20x10240xf32>
    %add3A_110 = arith.addf %add3A_108, %add3A_109 : vector<20x10240xf32>
    %div3A_111 = vector.broadcast %max3A_101 : vector<1x10240xf32> to vector<20x10240xf32>
    %div3A_112 = arith.divf %add3A_110, %div3A_111 : vector<20x10240xf32>
    %get3A_113 = arith.constant 0 : index
    %get3A_114 = arith.constant 0 : index
    %get3A_115 = vector.load %arg7[%get3A_113, %get3A_114] : memref<20x1xf32, #tpu.memory_space<vmem>>, vector<20x1xf32>
    %add3A_116 = vector.broadcast %get3A_115 : vector<20x1xf32> to vector<20x10240xf32>
    %add3A_117 = arith.addf %div3A_112, %add3A_116 : vector<20x10240xf32>
    %max3A_118 = arith.constant 0.000000e+00 : f32
    %max3A_119 = vector.broadcast %max3A_118 : f32 to vector<20x10240xf32>
    %max3A_120 = arith.maximumf %add3A_117, %max3A_119 : vector<20x10240xf32>
    %get3A_121 = arith.constant 0 : index
    %get3A_122 = arith.constant 0 : index
    %get3A_123 = vector.load %arg8[%get3A_121, %get3A_122] : memref<6x20xf32, #tpu.memory_space<vmem>>, vector<6x20xf32>
    %dot_general3A_124 = arith.constant dense<0.000000e+00> : vector<6x10240xf32>
    %dot_general3A_125 = tpu.matmul %get3A_123, %max3A_120, %dot_general3A_124 {dimension_numbers = #tpu.dot_dimension_numbers<[1], [0], [0], [1], [0, 0, 1, 1], [], []>, transpose_lhs_hint = false} : vector<6x20xf32>, vector<20x10240xf32>, vector<6x10240xf32> -> vector<6x10240xf32>
    %get3A_126 = arith.constant 0 : index
    %get3A_127 = arith.constant 0 : index
    %get3A_128 = vector.load %arg9[%get3A_126, %get3A_127] : memref<6x1xf32, #tpu.memory_space<vmem>>, vector<6x1xf32>
    %add3A_129 = vector.broadcast %get3A_128 : vector<6x1xf32> to vector<6x10240xf32>
    %add3A_130 = arith.addf %dot_general3A_125, %add3A_129 : vector<6x10240xf32>
    %slice3A = vector.extract_strided_slice %add3A_130 {offsets = [0, 0], sizes = [6, 10000], strides = [1, 1]} : vector<6x10240xf32> to vector<6x10000xf32>
    %reduce_max3A = arith.constant dense<0xFF800000> : vector<6xf32>
    %reduce_max3A_131 = vector.multi_reduction <maximumf>, %slice3A, %reduce_max3A [1] : vector<6x10000xf32> to vector<6xf32>
    %broadcast_in_dim3A = vector.shape_cast %reduce_max3A_131 : vector<6xf32> to vector<6x1xf32>
    %sub3A = vector.broadcast %broadcast_in_dim3A : vector<6x1xf32> to vector<6x10000xf32>
    %sub3A_132 = arith.subf %slice3A, %sub3A : vector<6x10000xf32>
    %exp3A = math.exp %sub3A_132 : vector<6x10000xf32>
    %reduce_sum3A_133 = arith.constant dense<0.000000e+00> : vector<6xf32>
    %reduce_sum3A_134 = vector.multi_reduction <add>, %exp3A, %reduce_sum3A_133 [1] : vector<6x10000xf32> to vector<6xf32>
    %broadcast_in_dim3A_135 = vector.shape_cast %reduce_sum3A_134 : vector<6xf32> to vector<6x1xf32>
    %log3A = math.log %broadcast_in_dim3A_135 : vector<6x1xf32>
    %add3A_136 = arith.addf %broadcast_in_dim3A, %log3A : vector<6x1xf32>
    %sub3A_137 = vector.broadcast %add3A_136 : vector<6x1xf32> to vector<6x10000xf32>
    %sub3A_138 = arith.subf %slice3A, %sub3A_137 : vector<6x10000xf32>
    %swap3A = arith.constant 0 : index
    %swap3A_139 = arith.constant 0 : index
    %swap3A_140 = vector.load %arg10[%swap3A, %swap3A_139] : memref<6x10000xf32, #tpu.memory_space<vmem>>, vector<6x10000xf32>
    tpu.vector_store %arg10[%swap3A, %swap3A_139], %sub3A_138 {strides = array<i32>} : memref<6x10000xf32, #tpu.memory_space<vmem>>, vector<6x10000xf32>,
    return
  }
}

</mosaic_0001>

<sc_bundles>
// kernel: kernel.5.cloned.1.call-start
scs
__scs_entry_jumppad:
0x0: {  	(pc) =	sbr.rel $0x88, $3  }
0x1: {  	(tag) =	ssettag $0x0;
	lr =	simm.s32 $0x1  }
0x2: {  	[smem:$0x3F98] =	sst lr;
	_ =	strace $0xD0000000  }
0x3: {  	_ = 	snop  }
0x4: {  	_ = 	snop  }
0x5: {  	_ = 	snop  }
0x6: {  	_ = 	snop  }
0x7: {  	_ = 	snop  }
__scs_overlays_trampoline_lowered:
0x8: {  	[smem:$0x3FA7] =	sst s0  }
0x9: {  	[smem:$0x3FA8] =	sst s1  }
0xa: {  	[smem:$0x3FA9] =	sst s2  }
0xb: {  	[smem:$0x3FAA] =	sst s3  }
0xc: {  	[smem:$0x3FAB] =	sst s4  }
0xd: {  	[smem:$0x3FAC] =	sst s5  }
0xe: {  	[smem:$0x3FAD] =	sst s6  }
0xf: {  	[smem:$0x3FAE] =	sst s7  }
0x10: {  	[smem:$0x3FAF] =	sst s8  }
0x11: {  	[smem:$0x3FB0] =	sst s9;
	s0 =	simm.s32 @!p0 $0x0  }
0x12: {  	s1 =	sld [smem:$0x3F96];
	s0 =	simm.s32 @p0 $0x1  }
0x13: {  	[smem:$0x3FB1] =	sst s0;
	s0 =	simm.s32 @!p1 $0x0  }
0x14: {  	s2 =	sld [smem:$0x3F95];
	s0 =	simm.s32 @p1 $0x1  }
0x15: {  	[smem:$0x3FB2] =	sst s0;
	s0 =	simm.s32 @!p2 $0x0  }
0x16: {  	s3 =	sld [smem:$0x3FDB];
	s0 =	simm.s32 @p2 $0x1  }
0x17: {  	s4 =	simm.s32 $0x1BF5;
	[smem:$0x3FB4] =	sst s0  }
0x18: {  	s0 =	sld [smem:$0x3F97];
	_ =	swait.ge [sflag:s4], $0x0  }
0x19: {  	s7 =	sld [smem:$0x3F98]  }
0x1a: {  	s8 =	sadd.s32 $0xFFFFE003, lr  }
0x1b: {  	s9 =	sadd.s32 $0xFFFFFEF7, lr;
	s5 =	simm.s32 $0xFFFFFFFF;
	p2 =	slt.u32 s8, $0xFFFFF086  }
0x1c: {  	p1 =	slt.u32 s9, $0xF7A;
	s5 =	simm.s32 @!p2 $0x0  }
0x1d: {  	s5 =	simm.s32 @p1 $0x1;
	p0 =	seq.s32 s7, s2  }
0x1e: {  	s7 =	smul.u32 @!p0 $0xF7A, s2;
	p2 =	seq.s32 @!p0 s5, $0x0  }
0x1f: {  	s9 =	smul.u32 $0xF7A, s1;
	s8 =	simm.s32 @!p0 $0x1BF5;
	p2 =	por !p2, p0  }
0x20: {  	[sflag:s8] =	ssyncset.s32 @!p0 $0xFFFFF086;
	s6 =	sadd.s32 @!p0 s3, s7;
	s7 =	simm.s32 @!p0 $0x108  }
0x21: {  	s3 =	sadd.s32 s3, s9;
	s6 =	sadd.s32 @!p0 $0x88, s6;
	s7 =	simm.s32 @p2 $0x1082  }
0x22: {  	[simem:s7], [sflag:s8] =	dma.local @!p0 [hbm:s6], $0xF7A  }
0x23: {  	s9 =	sor.u32 $0xD0000000, s2;
	s6 =	simm.s32 $0x108;
	_ =	swait.ge @!p0 [sflag:s8], $0x0  }
0x24: {  	s3 =	sadd.s32 $0x88, s3;
	s6 =	simm.s32 @!p1 $0x1082;
	[sflag:s4] =	ssyncset.s32 $0xFFFFF086  }
0x25: {  	[simem:s6], [sflag:s4] =	dma.local [hbm:s3], $0xF7A  }
0x26: {  	[smem:$0x3F98] =	sst s1;
	(tag) =	ssettag s2;
	_ =	strace s9  }
0x27: {  	s1 =	sld [smem:$0x3FA8]  }
0x28: {  	s2 =	sld [smem:$0x3FA9]  }
0x29: {  	s4 =	sld [smem:$0x3FAB]  }
0x2a: {  	p0 =	seq.s32 s5, $0x0;
	s5 =	sld [smem:$0x3FAC]  }
0x2b: {  	s6 =	sld [smem:$0x3FAD]  }
0x2c: {  	s7 =	sld [smem:$0x3FAE]  }
0x2d: {  	s3 =	simm.s32 $0x108;
	s8 =	sld [smem:$0x3FAF]  }
0x2e: {  	s3 =	simm.s32 @!p0 $0x1082;
	s9 =	sld [smem:$0x3FB0]  }
0x2f: {  	lr =	sadd.s32 s0, s3;
	s0 =	sld [smem:$0x3FA7]  }
0x30: {  	s3 =	sld [smem:$0x3FAA]  }
0x31: {  	[smem:$0x3FB3] =	sst s10  }
0x32: {  	s10 =	sld [smem:$0x3FB1];
	_ =	sdelay $0x3  }
0x33: {  	p0 =	seq.s32 s10, $0x1;
	s10 =	sld [smem:$0x3FB3];
	_ =	sdelay $0x3  }
0x34: {  	[smem:$0x3FB3] =	sst s10  }
0x35: {  	s10 =	sld [smem:$0x3FB2];
	_ =	sdelay $0x3  }
0x36: {  	p1 =	seq.s32 s10, $0x1;
	s10 =	sld [smem:$0x3FB3];
	_ =	sdelay $0x3  }
0x37: {  	[smem:$0x3FB3] =	sst s10  }
0x38: {  	s10 =	sld [smem:$0x3FB4]  }
0x39: {  	_ = 	snop;
	(pc) =	sbr.ind lr, $3  }
0x3a: {  	_ = 	snop  }
0x3b: {  	_ = 	snop  }
0x3c: {  	p2 =	seq.s32 s10, $0x1;
	s10 =	sld [smem:$0x3FB3]  }
0x3d: {  	_ =	shalt  }
0x3e: {  	_ =	shalt  }
0x3f: {  	_ =	shalt  }
0x40: {  	_ =	shalt  }
0x41: {  	_ =	shalt  }
0x42: {  	_ =	shalt  }
0x43: {  	_ =	shalt  }
0x44: {  	_ =	shalt  }
0x45: {  	_ =	shalt  }
0x46: {  	_ =	shalt  }
0x47: {  	_ =	shalt  }
0x48: {  	_ =	shalt  }
0x49: {  	_ =	shalt  }
0x4a: {  	_ =	shalt  }
0x4b: {  	_ =	shalt  }
0x4c: {  	_ =	shalt  }
0x4d: {  	_ =	shalt  }
0x4e: {  	_ =	shalt  }
0x4f: {  	_ =	shalt  }
0x50: {  	_ =	shalt  }
0x51: {  	_ =	shalt  }
0x52: {  	_ =	shalt  }
0x53: {  	_ =	shalt  }
0x54: {  	_ =	shalt  }
0x55: {  	_ =	shalt  }
0x56: {  	_ =	shalt  }
0x57: {  	_ =	shalt  }
0x58: {  	_ =	shalt  }
0x59: {  	_ =	shalt  }
0x5a: {  	_ =	shalt  }
0x5b: {  	_ =	shalt  }
0x5c: {  	_ =	shalt  }
0x5d: {  	_ =	shalt  }
0x5e: {  	_ =	shalt  }
0x5f: {  	_ =	shalt  }
0x60: {  	_ =	shalt  }
0x61: {  	_ =	shalt  }
0x62: {  	_ =	shalt  }
0x63: {  	_ =	shalt  }
0x64: {  	_ =	shalt  }
0x65: {  	_ =	shalt  }
0x66: {  	_ =	shalt  }
0x67: {  	_ =	shalt  }
0x68: {  	_ =	shalt  }
0x69: {  	_ =	shalt  }
0x6a: {  	_ =	shalt  }
0x6b: {  	_ =	shalt  }
0x6c: {  	_ =	shalt  }
0x6d: {  	_ =	shalt  }
0x6e: {  	_ =	shalt  }
0x6f: {  	_ =	shalt  }
0x70: {  	_ =	shalt  }
0x71: {  	_ =	shalt  }
0x72: {  	_ =	shalt  }
0x73: {  	_ =	shalt  }
0x74: {  	_ =	shalt  }
0x75: {  	_ =	shalt  }
0x76: {  	_ =	shalt  }
0x77: {  	_ =	shalt  }
0x78: {  	_ =	shalt  }
0x79: {  	_ =	shalt  }
0x7a: {  	_ =	shalt  }
0x7b: {  	_ =	shalt  }
0x7c: {  	_ =	shalt  }
0x7d: {  	_ =	shalt  }
0x7e: {  	_ =	shalt  }
0x7f: {  	_ =	shalt  }
0x80: {  	_ =	shalt  }
0x81: {  	_ =	shalt  }
0x82: {  	_ =	shalt  }
0x83: {  	_ =	shalt  }
0x84: {  	_ =	shalt  }
0x85: {  	_ =	shalt  }
0x86: {  	_ =	shalt  }
0x87: {  	_ =	shalt  }
.Lfunc_end0:
.L_simem_size_0:
called_computation_lowered:
.L_overlay_start_0:
0x88: {  	s2 =	sld [smem:$0x3FD9]  }
0x89: {  	s3 =	sld [smem:$0x3FFE];
	_ =	sdelay $0x1  }
0x8a: {  	s1 =	srdreg.scid  }
0x8b: {  	s0 =	sand.u32 $0x1, s1  }
0x8c: {  	s17 =	sshll.u32 s0, $0xA;
	s2 =	sadd.s32 s3, s2  }
0x8d: {  	s2 =	sadd.s32 s2, s17  }
0x8e: {  	[smem:$0x3FBF] =	sst s2  }
0x8f: {  	_ = 	snop  }
0x90: {  	s2 =	sld [smem:$0x3FD0];
	(tm) =	ssettm $0x1  }
0x91: {  	s18 =	sld [smem:$0x3FFB];
	_ =	sdelay $0x3  }
0x92: {  	_ =	strace s18  }
0x93: {  	s3 =	sld [smem:$0x3FFC];
	_ =	sdelay $0x3  }
0x94: {  	_ =	strace s3  }
0x95: {  	s3 =	sld [smem:$0x3FFD];
	_ =	sdelay $0x3  }
0x96: {  	_ =	strace s3  }
0x97: {  	_ =	strace $0x8FFFFFFF  }
0x98: {  	s19 =	sld [smem:$0x3FDB];
	_ =	sdelay $0x1  }
0x99: {  	s4 =	simm.s32 $_scs_section_size  }
0x9a: {  	s5 =	simm.s32 $_size__tile_overlayer_lowered;
	s6 =	simm.s32 $_tile_overlayer_lowered  }
0x9b: {  	s22 =	simm.s32 $0x1BFF;
	s21 =	sshll.u32 s6, $0x1;
	s3 =	sadd.s32 s4, s19  }
0x9c: {  	s7 =	simm.s32 $0x0;
	s20 =	sshll.u32 s5, $0x1;
	s5 =	sadd.s32 s21, s3  }
0x9d: {  	[timem:s7], [sflag:s22] =	dma.local [hbm:s5], s20  }
0x9e: {  	_ =	swait.ge [sflag:s22], s20  }
0x9f: {  	s4 =	ssub.s32 $0x0, s20;
	[sflag:s22] =	ssyncset.done $0x0  }
0xa0: {  	[sflag:s22] =	ssyncadd.s32 s4;
	_ =	sdelay $0x1  }
0xa1: {  	s23 =	simm.s32 $0x1B8B  }
0xa2: {  	_ =	swait.ge [sflag:s23], $0x1  }
0xa3: {  	[sflag:s23] =	ssyncset.done $0x0  }
0xa4: {  	s25 =	simm.s32 $0x1B8E;
	s24 =	sld [smem:$0x3FFE];
	[sflag:s23] =	ssyncadd.s32 $0xFFFFFFFF  }
0xa5: {  	s26 =	simm.s32 $execute0_lowered;
	[smem:$0x3FD2] =	sst s25  }
0xa6: {  	s5 =	sshll.u32 s26, $0x1;
	_ =	strace $0x80000046;
	[dreg:$0x1] =	wrdreg $0xFFFFFFFF  }
0xa7: {  	s28 =	simm.s32 $_size_execute0_lowered;
	s3 =	sadd.s32 s3, s5;
	[dreg:$0x0] =	wrdreg $0x0  }
0xa8: {  	s5 =	sshll.u32 s28, $0x1;
	[dreg:$0x2] =	wrdreg s3  }
0xa9: {  	[dreg:$0x3] =	wrdreg s5  }
0xaa: {  	[dreg:$0x4] =	wrdreg $0xC0  }
0xab: {  	_ =	task [dreg:s7], $0x5FFFF  }
0xac: {  	[dreg:$0x1] =	wrdreg $0xFFFFFFFF  }
0xad: {  	[dreg:$0x0] =	wrdreg $0x60  }
0xae: {  	[dreg:$0x2] =	wrdreg s24  }
0xaf: {  	[dreg:$0x3] =	wrdreg s2  }
0xb0: {  	[dreg:$0x4] =	wrdreg $0x80800  }
0xb1: {  	[dreg:$0x5] =	wrdreg $0x83000  }
0xb2: {  	[dreg:$0x6] =	wrdreg $0x85880  }
0xb3: {  	[dreg:$0x7] =	wrdreg $0x9  }
0xb4: {  	_ =	task.clear_ibuf [dreg:s7], $0x8FFFF;
	_ =	strace $0x90000046  }
0xb5: {  	s29 =	simm.s32 $0x9;
	_ =	strace $0x80000048  }
0xb6: {  	_ =	swait.ge [sflag:s29], $0x1  }
0xb7: {  	[sflag:s29] =	ssyncadd.s32 $0xFFFFFFFF  }
0xb8: {  	_ =	strace $0x90000048  }
0xb9: {  	_ =	sfence  }
0xba: {  	s30 =	sld [smem:$0x0];
	_ =	sdelay $0x2  }
0xbb: {  	s31 =	sshll.u32 s1, $0xD;
	s1 =	sshrl.u32 s1, $0x2  }
0xbc: {  	s3 =	sand.u32 $0x4000, s31;
	s1 =	sadd.s32 s1, s30  }
0xbd: {  	s0 =	sor.u32 s3, s0;
	s1 =	sshll.u32 s1, $0x11  }
0xbe: {  	s0 =	sor.u32 s1, s0  }
0xbf: {  	s0 =	sadd.s32 $0x8F2B, s0  }
0xc0: {  	[sflag:s0] =	ssyncadd.remote.s32 $0x1  }
0xc1: {  	_ =	sfence.sel $0xFFFF  }
0xc2: {  	[dreg:$0x0] =	wrdreg $0xFFFFFFFF;
	(pc) =	sbr.abs _section_cstart, $3  }
0xc3: {  	[dreg:$0x1] =	wrdreg $0xFFFFFFFF  }
0xc4: {  	_ =	task.clear_ibuf [dreg:s7], $0x2FFFF;
	_ =	strace $0x9FFFFFFF  }
0xc5: {  	(tm) =	ssettm $0x7FFFFFFF  }
tec
execute0_lowered:
.L_overlay_start_1:
0x0: {  	(tag) =	ssettag $0x1  }
0x1: {  	s1 =	rddreg [dreg:$0x0]  }
0x2: {  	s4 =	rddreg [dreg:$0x1]  }
0x3: {  	s0 =	rddreg [dreg:$0x2];
	s3 =	srdreg.scid  }
0x4: {  	s2 =	rddreg [dreg:$0x3];
	s16 =	stileid.u32  }
0x5: {  	s5 =	simm.s32 $0x0;
	s17 =	simm.s32 $0x2;
	s18 =	simm.s32 $0x400  }
0x6: {  	s19 =	simm.s32 $0x80;
	s21 =	simm.s32 $0x100;
	s22 =	simm.s32 $0x500  }
0x7: {  	s23 =	simm.s32 $0x180;
	s24 =	simm.s32 $0x580;
	s25 =	simm.s32 $0x200  }
0x8: {  	s26 =	simm.s32 $0x600;
	s28 =	simm.s32 $0x1;
	s29 =	simm.s32 $0x8000  }
0x9: {  	s30 =	simm.s32 $0x0;
	s14 =	sand.u32 $0x1, s3;
	s3 =	rddreg [dreg:$0x4]  }
0xa: {  	[smem:$0x7FF] =	sst s5;
	s7 =	sshll.u32 s16, $0x7;
	p0 =	sne.s32 s16, $0x0  }
0xb: {  	s12 =	sshll.u32 s14, $0x4;
	_ =	strace $0x80000047;
	s11 =	sadd.s32 s7, s1  }
0xc: {  	s8 =	ssub.s32 $0x2, s14;
	s7 =	sadd.s32 $0x16800, s1;
	s6 =	sor.u32 s16, s12  }
0xd: {  	s31 =	sor.u32 s14, s16;
	s10 =	sshrl.u32 s8, $0x1;
	s6 =	smul.u32 $0x500, s6  }
0xe: {  	p1 =	sne.s32 s31, $0x0;
	s15 =	ssub.s32 s8, s10;
	s10 =	sadd.s32 $0x600, s11  }
0xf: {  	s11 =	sadd.s32 $0x14E00, s11;
	s14 =	smax.u32 s15, $0x1;
	s9 =	sadd.s32 s6, s1  }
0x10: {  	s6 =	sadd.s32 $0x15600, s1;
	s1 =	sadd.s32 s12, s1;
	s12 =	sadd.s32 s4, s12  }
0x11: {  	v0 =	vimm.f32 $1.000000000e+00;
	s8 =	sadd.s32 $0xAE00, s9;
	s9 =	sadd.s32 $0xE00, s9;
	s13 =	sadd.s32 $0x15C00, s1  }
.LBB2_1:
0x12: {  	s1 =	simm.s32 $0x800  }
0x13: {  	[tilespmem:s1], [sflag:$0x1] =	stream.linear.gather [hbm4b:s8+s5], $0x2780, $0x38;
	[tilespmem:$0x8810] =	vst v63  }
0x14: {  	s4 =	simm.s32 $0x3000  }
0x15: {  	[tilespmem:s4], [sflag:$0x1] =	stream.linear.gather [hbm4b:s9+s5], $0x2780, $0x38;
	[tilespmem:$0x8810] =	vst v63  }
0x16: {  	_ = 	snop  }
0x17: {  	[tilespmem:s5], [sflag:$0x2] =	stream.linear.gather [hbm4b:s10+s5], $0x280, $0x38;
	[tilespmem:$0x8810] =	vst v63  }
0x18: {  	_ =	swait.ge [sflag:s17], $0x280  }
0x19: {  	[sflag:s17] =	ssyncset.done $0x0  }
0x1a: {  	[sflag:s17] =	ssyncadd.s32 $0xFFFFFD80  }
0x1b: {  	[tilespmem:s18], [sflag:$0x2] =	stream.linear.gather [hbm4b:s11+s5], $0x280, $0x38;
	[tilespmem:$0x8810] =	vst v63  }
0x1c: {  	_ =	swait.ge [sflag:s17], $0x280  }
0x1d: {  	[sflag:s17] =	ssyncset.done $0x0  }
0x1e: {  	[sflag:s17] =	ssyncadd.s32 $0xFFFFFD80  }
0x1f: {  	[spmem:s0] =	stream.indirect.scatter [tilespmem:s18], [sflag:$0x1], $0x1, s5, s19, $0xb8;
	[tilespmem:$0x8810] =	vst v63  }
0x20: {  	s15 =	simm.s32 $0x480  }
0x21: {  	[spmem:s0] =	stream.indirect.scatter [tilespmem:s15], [sflag:$0x1], $0x1, s19, s19, $0xb8;
	[tilespmem:$0x8810] =	vst v63  }
0x22: {  	_ = 	snop  }
0x23: {  	[spmem:s0] =	stream.indirect.scatter [tilespmem:s22], [sflag:$0x1], $0x1, s21, s19, $0xb8;
	[tilespmem:$0x8810] =	vst v63  }
0x24: {  	_ = 	snop  }
0x25: {  	[spmem:s0] =	stream.indirect.scatter [tilespmem:s24], [sflag:$0x1], $0x1, s23, s19, $0xb8;
	[tilespmem:$0x8810] =	vst v63  }
0x26: {  	s31 =	sshrl.u32 @!p0 s2, $0x3;
	s4 =	simm.s32 @!p0 $0x1C02;
	s15 =	simm.s32 @!p0 $0x2  }
0x27: {  	[spmem:s0] =	stream.indirect.scatter [tilespmem:s26], [sflag:$0x1], $0x1, s25, s19, $0xb8;
	[tilespmem:$0x8810] =	vst v63  }
0x28: {  	[spmem:s31], [sflag:s4] =	dma.local @!p0 [hbm:s6], $0x510  }
0x29: {  	_ =	swait.ge @!p0 [sflag:s15], $0x510  }
0x2a: {  	[sflag:s15] =	ssyncset.done @!p0 $0x0  }
0x2b: {  	s1 =	sshrl.u32 @!p0 s3, $0x3;
	[sflag:s15] =	ssyncadd.s32 @!p0 $0xFFFFFAF0  }
0x2c: {  	[spmem:s1], [sflag:s4] =	dma.local @!p0 [hbm:s6], $0x510  }
0x2d: {  	_ =	swait.ge @!p0 [sflag:s15], $0x510  }
0x2e: {  	[sflag:s15] =	ssyncset.done @!p0 $0x0  }
0x2f: {  	[sflag:s15] =	ssyncadd.s32 @!p0 $0xFFFFFAF0  }
0x30: {  	[tilespmem:$0x8000] =	vst v0  }
0x31: {  	[tilespmem:$0x8010] =	vst v0  }
0x32: {  	[tilespmem:$0x8020] =	vst v0  }
0x33: {  	[tilespmem:$0x8030] =	vst v0  }
0x34: {  	[tilespmem:$0x8040] =	vst v0  }
0x35: {  	[tilespmem:$0x8050] =	vst v0  }
0x36: {  	[tilespmem:$0x8060] =	vst v0  }
0x37: {  	[tilespmem:$0x8070] =	vst v0  }
0x38: {  	_ =	swait.ge [sflag:s28], $0x80  }
0x39: {  	[sflag:s28] =	ssyncset.done $0x0  }
0x3a: {  	[sflag:s28] =	ssyncadd.s32 $0xFFFFFF80  }
0x3b: {  	_ =	swait.ge [sflag:s28], $0x80  }
0x3c: {  	[sflag:s28] =	ssyncset.done $0x0  }
0x3d: {  	[sflag:s28] =	ssyncadd.s32 $0xFFFFFF80  }
0x3e: {  	_ =	swait.ge [sflag:s28], $0x80  }
0x3f: {  	[sflag:s28] =	ssyncset.done $0x0  }
0x40: {  	[sflag:s28] =	ssyncadd.s32 $0xFFFFFF80  }
0x41: {  	_ =	swait.ge [sflag:s28], $0x80  }
0x42: {  	[sflag:s28] =	ssyncset.done $0x0  }
0x43: {  	[sflag:s28] =	ssyncadd.s32 $0xFFFFFF80  }
0x44: {  	_ =	swait.ge [sflag:s28], $0x80  }
0x45: {  	[sflag:s28] =	ssyncset.done $0x0  }
0x46: {  	[sflag:s28] =	ssyncadd.s32 $0xFFFFFF80  }
0x47: {  	_ =	swait.ge [sflag:s28], $0x2780  }
0x48: {  	[sflag:s28] =	ssyncset.done $0x0  }
0x49: {  	[sflag:s28] =	ssyncadd.s32 $0xFFFFD880  }
0x4a: {  	_ =	swait.ge [sflag:s28], $0x2780  }
0x4b: {  	[sflag:s28] =	ssyncset.done $0x0  }
0x4c: {  	s16 =	simm.s32 $0x5800;
	s20 =	simm.s32 $0x800;
	[sflag:s28] =	ssyncadd.s32 $0xFFFFD880  }
0x4d: {  	s4 =	simm.s32 $0x200;
	s15 =	simm.s32 $0x3000;
	[bflag:$0x0] =	sbarrier.arrive $0xFFFF  }
0x4e: {  	[tilespmem:s16], [sflag:$0x1] =	stream.indirect.gather [spmem:s0], $0x1, s20, s19, $0xb8;
	[tilespmem:$0x8810] =	vst v63  }
.LBB2_2:
0x4f: {  	[spmem:s3] =	stream.indirect.scatter.add.f32 [tilespmem:s29], [sflag:$0x1], $0x1, s15, s19, $0xb8;
	[tilespmem:$0x8810] =	vst v63  }
0x50: {  	s15 =	smov.u32 s4;
	p2 =	sne.s32 s4, $0x9C00  }
.Ltmp0:
0x51: {  	s4 =	sadd.s32 $0x200, s4;
	(pc) =	sbr.rel @p2 .LBB2_2-.Ltmp0, $4  }
0x52: {  	s15 =	sshra.s32 s15, $0x2  }
0x53: {  	s16 =	sadd.s32 $0x5800, s15;
	s20 =	sadd.s32 $0x800, s15  }
0x54: {  	[tilespmem:s16], [sflag:$0x1] =	stream.indirect.gather [spmem:s0], $0x1, s20, s19, $0xb8;
	[tilespmem:$0x8810] =	vst v63  }
0x55: {  	s15 =	sadd.s32 $0x3000, s15  }
0x56: {  	[spmem:s3] =	stream.indirect.scatter.add.f32 [tilespmem:s29], [sflag:$0x1], $0x1, s15, s19, $0xb8;
	[tilespmem:$0x8810] =	vst v63  }
0x57: {  	_ =	swait.ge [sflag:s28], $0x80  }
0x58: {  	[sflag:s28] =	ssyncset.done $0x0  }
0x59: {  	[sflag:s28] =	ssyncadd.s32 $0xFFFFFF80  }
0x5a: {  	_ =	swait.ge [sflag:s28], $0x80  }
0x5b: {  	s4 =	simm.s32 $0x4E;
	[sflag:s28] =	ssyncset.done $0x0  }
.LBB2_4:
0x5c: {  	p2 =	sne.s32 s4, $0x1;
	s4 =	sadd.s32 $0xFFFFFFFF, s4;
	[sflag:s28] =	ssyncadd.s32 $0xFFFFFF80  }
.Ltmp1:
0x5d: {  	_ =	swait.ge [sflag:s28], $0x80;
	(pc) =	sbr.rel @p2 .LBB2_4-.Ltmp1, $4  }
0x5e: {  	[sflag:s28] =	ssyncset.done $0x0  }
0x5f: {  	[sflag:s28] =	ssyncadd.s32 $0xFFFFFF80  }
0x60: {  	_ =	swait.ge [sflag:s28], $0x80  }
0x61: {  	[sflag:s28] =	ssyncset.done $0x0  }
0x62: {  	[sflag:s28] =	ssyncadd.s32 $0xFFFFFF80;
	s4 =	simm.s32 $0x0  }
.LBB2_6:
0x63: {  	p2 =	sne.s32 s4, $0x9C00  }
.Ltmp2:
0x64: {  	_ = 	snop;
	(pc) =	sbr.rel @p2 .LBB2_6-.Ltmp2, $4  }
0x65: {  	_ = 	snop  }
0x66: {  	s15 =	sshra.s32 s4, $0x2  }
0x67: {  	s4 =	sadd.s32 $0x200, s4;
	s16 =	sadd.s32 $0x5800, s15;
	s15 =	sadd.s32 $0x3000, s15  }
0x68: {  	[spmem:s2] =	stream.indirect.scatter.add.f32 [tilespmem:s16], [sflag:$0x1], $0x1, s15, s19, $0xb8;
	[tilespmem:$0x8810] =	vst v63  }
0x69: {  	_ =	swait.ge [sflag:s28], $0x80  }
0x6a: {  	s4 =	simm.s32 $0x4E;
	[sflag:s28] =	ssyncset.done $0x0  }
.LBB2_8:
0x6b: {  	p2 =	sne.s32 s4, $0x1;
	s4 =	sadd.s32 $0xFFFFFFFF, s4;
	[sflag:s28] =	ssyncadd.s32 $0xFFFFFF80  }
.Ltmp3:
0x6c: {  	(pc) =	sbr.rel @p2 .LBB2_8-.Ltmp3, $3  }
0x6d: {  	_ =	sdelay $0x1  }
0x6e: {  	_ =	swait.ge [sflag:s28], $0x80  }
0x6f: {  	[sflag:s28] =	ssyncset.done $0x0  }
0x70: {  	[sflag:s28] =	ssyncadd.s32 $0xFFFFFF80;
	s4 =	simm.s32 @!p0 $0x1;
	s15 =	simm.s32 @!p0 $0x20  }
0x71: {  	s16 =	simm.s32 @!p0 $0x10;
	s20 =	simm.s32 @!p0 $0x1C02;
	[bflag:$0x0] =	sbarrier.arrive $0xFFFF  }
0x72: {  	[hbm:s12@s15], [sflag:s20] =	dma.strided @!p0 [spmem:s31@s16], $0x510, s4, $0x10   }
0x73: {  	s31 =	simm.s32 @!p0 $0x2  }
0x74: {  	_ =	swait.ge @!p0 [sflag:s31], $0x510  }
0x75: {  	[sflag:s31] =	ssyncset.done @!p0 $0x0  }
0x76: {  	[sflag:s31] =	ssyncadd.s32 @!p0 $0xFFFFFAF0  }
0x77: {  	[hbm:s13@s15], [sflag:s20] =	dma.strided @!p0 [spmem:s1@s16], $0x510, s4, $0x10   }
0x78: {  	s30 =	sadd.s32 $0x1, s30;
	s1 =	stileid.u32;
	_ =	swait.ge @!p0 [sflag:s31], $0x510  }
0x79: {  	p2 =	sne.s32 s30, s14;
	s1 =	sshll.u32 @!p1 s1, $0x6;
	[sflag:s31] =	ssyncset.done @!p0 $0x0  }
0x7a: {  	s4 =	sshrl.u32 @!p1 s0, $0x3;
	s1 =	sor.u32 @!p1 $0x1C02, s1;
	[sflag:s31] =	ssyncadd.s32 @!p0 $0xFFFFFAF0  }
0x7b: {  	[hbm:s7], [sflag:s1] =	dma.local @!p1 [spmem:s4], $0x500  }
.Ltmp4:
0x7c: {  	_ = 	snop;
	(pc) =	sbr.rel @p2 .LBB2_1-.Ltmp4, $4  }
0x7d: {  	s1 =	simm.s32 @!p1 $0x2  }
0x7e: {  	_ =	swait.ge @!p1 [sflag:s1], $0x500  }
0x7f: {  	[sflag:s1] =	ssyncset.done @!p1 $0x0  }
0x80: {  	[sflag:s1] =	ssyncadd.s32 @!p1 $0xFFFFFB00  }
0x81: {  	_ =	sfence.sel $0x180000  }
0x82: {  	[bflag:$0x0] =	sbarrier.arrive $0xFFFF  }
0x83: {  	_ =	strace $0x90000047  }
0x84: {  	[bflag:$0x2] =	sbarrier.arrive $0xFFFF  }
0x85: {  	s0 =	rddreg [dreg:$0x5]  }
0x86: {  	s0 =	sadd.s32 @!p0 $0x100000, s0  }
0x87: {  	[sflag:s0] =	ssyncadd.tile.s32 @!p0 $0x1;
	_ =	shalt  }
.Lfunc_end2:
_tile_overlayer_lowered:
.L_overlay_start_2:
0x88: {  	(tag) =	ssettag $0x2  }
0x89: {  	s0 =	rddreg [dreg:$0x0];
	s2 =	stileid.u32  }
0x8a: {  	s1 =	rddreg [dreg:$0x1];
	p0 =	sne.s32 s2, $0x0  }
0x8b: {  	s3 =	rddreg [dreg:$0x2];
	[bflag:$0x3] =	sbarrier.arrive $0xFFFF;
	s2 =	simm.s32 @!p0 $0x1C02  }
0x8c: {  	[timem:s3], [sflag:s2] =	dma.local @!p0 [hbm:s0], s1  }
0x8d: {  	s0 =	simm.s32 @!p0 $0x2  }
0x8e: {  	_ =	swait.ge @!p0 [sflag:s0], s1  }
0x8f: {  	s1 =	ssub.s32 @!p0 $0x0, s1;
	[sflag:s0] =	ssyncset.done @!p0 $0x0  }
0x90: {  	[sflag:s0] =	ssyncadd.s32 @!p0 s1  }
0x91: {  	[bflag:$0x3] =	sbarrier.arrive $0xFFFF  }
0x92: {  	_ =	shalt  }

</sc_bundles>
